<compile_context>
chip_gen: v7x
topology: tpu7x:2x2x1
jax: 0.10.2.dev20260603
libtpu: 0.0.44.dev20260713+nightly
codegen_flags: <defaults>
</compile_context>

<pallas_src>
import functools

import jax
import jax.numpy as jnp
from jax import lax
from jax.experimental import pallas as pl
from jax.experimental.pallas import tpu as pltpu
from jax.experimental.pallas import tpu_sc as plsc

N = 10000
NP = 10240
E = 320000
D = 128
NC = 2
NS = 16
ROWS_PER_TILE = NP // NS
EDGES_PER_TILE = E // NS
CHUNK = 80
NCHUNK = EDGES_PER_TILE // CHUNK
CPB = 50
IBLK = CHUNK * CPB
NBLK = EDGES_PER_TILE // IBLK
JE0 = CPB - 1 if (CPB - 1) % 2 == 0 else CPB - 2
JE1 = CPB - 1 if (CPB - 1) % 2 == 1 else CPB - 2
PAD_NODE = 10200
DEG_ROWS = 128

BN = 1000


def _sc_segment_sums(x, eidx_flat, zeros_rows, iota128):
    mesh = plsc.VectorSubcoreMesh(
        core_axis_name="c", subcore_axis_name="s", num_cores=NC, num_subcores=NS
    )

    @functools.partial(
        pl.kernel,
        out_type=(
            jax.ShapeDtypeStruct((NC, NP, D), jnp.float32),
            jax.ShapeDtypeStruct((NC, DEG_ROWS, 128), jnp.float32),
        ),
        mesh=mesh,
        scratch_types=[
            pltpu.VMEM((IBLK,), jnp.int32),
            pltpu.VMEM((IBLK,), jnp.int32),
            [pltpu.VMEM((CHUNK, D), jnp.float32)] * 2,
            pltpu.VMEM((DEG_ROWS, 128), jnp.float32),
            pltpu.VMEM((128,), jnp.int32),
            pltpu.VMEM_SHARED((NP, D), jnp.float32),
            pltpu.VMEM_SHARED((DEG_ROWS, 128), jnp.float32),
            [pltpu.SemaphoreType.DMA] * 2,
            [pltpu.SemaphoreType.DMA] * 2,
        ],
        compiler_params=pltpu.CompilerParams(needs_layout_passes=False),
    )
    def seg_kernel(x_hbm, eidx_hbm, zeros_hbm, iota_hbm,
                   s_out_hbm, deg_out_hbm,
                   gidx, sidx, rows, deg_v, iota_v, acc, acc_deg, gsem, ssem):
        cid = lax.axis_index("c")
        sid = lax.axis_index("s")
        r0 = sid * ROWS_PER_TILE
        d0 = sid * (DEG_ROWS // NS)
        gbase = (cid * NS + sid) * EDGES_PER_TILE
        sbase = ((1 - cid) * NS + sid) * EDGES_PER_TILE
        pltpu.sync_copy(zeros_hbm.at[pl.ds(0, DEG_ROWS)], deg_v)
        pltpu.sync_copy(zeros_hbm.at[pl.ds(0, DEG_ROWS // NS)],
                        acc_deg.at[pl.ds(d0, DEG_ROWS // NS)])
        pltpu.sync_copy(iota_hbm, iota_v)
        pltpu.sync_copy(zeros_hbm, acc.at[pl.ds(r0, ROWS_PER_TILE)])
        plsc.subcore_barrier()

        ones16 = jnp.ones((16,), jnp.float32)

        def blk(kb, carry):
            pltpu.sync_copy(eidx_hbm.at[pl.ds(gbase + kb * IBLK, IBLK)],
                            gidx)
            pltpu.sync_copy(eidx_hbm.at[pl.ds(sbase + kb * IBLK, IBLK)],
                            sidx)
            gs = [gidx.at[pl.ds(j * CHUNK, CHUNK)] for j in range(CPB)]
            ss = [sidx.at[pl.ds(j * CHUNK, CHUNK)] for j in range(CPB)]
            pltpu.async_copy(x_hbm.at[gs[0]], rows[0], gsem[0])
            for j in range(CPB):
                b = j & 1
                nb = 1 - b
                if j < CPB - 1:
                    if j > 0:
                        pltpu.make_async_copy(rows[nb], acc.at[ss[j - 1]],
                                              ssem[nb]).wait()
                    pltpu.async_copy(x_hbm.at[gs[j + 1]], rows[nb], gsem[nb])
                pltpu.make_async_copy(x_hbm.at[gs[j]], rows[b],
                                      gsem[b]).wait()
                pltpu.async_copy(rows[b], acc.at[ss[j]], ssem[b], add=True)
                for l in range(CHUNK // 16):
                    idx = sidx[pl.ds(j * CHUNK + l * 16, 16)]
                    plsc.addupdate_scatter(
                        deg_v,
                        [lax.shift_right_logical(idx, 7),
                         lax.bitwise_and(idx, 127)],
                        ones16)
            pltpu.make_async_copy(rows[0], acc.at[ss[JE0]],
                                  ssem[0]).wait()
            pltpu.make_async_copy(rows[1], acc.at[ss[JE1]],
                                  ssem[1]).wait()
            return carry

        lax.fori_loop(0, NBLK, blk, 0)

        pltpu.sync_copy(deg_v, acc_deg.at[iota_v], add=True)
        plsc.subcore_barrier()
        pltpu.sync_copy(acc.at[pl.ds(r0, ROWS_PER_TILE)],
                        s_out_hbm.at[cid, pl.ds(r0, ROWS_PER_TILE)])
        pltpu.sync_copy(
            acc_deg.at[pl.ds(d0, DEG_ROWS // NS)],
            deg_out_hbm.at[cid, pl.ds(d0, DEG_ROWS // NS)],
        )

    return seg_kernel(x, eidx_flat, zeros_rows, iota128)


def _combine_body(x_ref, sa_ref, so_ref, da_ref, do_ref,
                  wst_ref, wbt_ref, wdt_ref, wa1_ref, wa2_ref,
                  bs_ref, bd_ref, ba1_ref, out_ref):
    xb = x_ref[...]
    xs = jnp.dot(xb, wst_ref[...], preferred_element_type=jnp.float32) + bs_ref[...]
    xbB = jnp.dot(xb, wbt_ref[...], preferred_element_type=jnp.float32) + bd_ref[...]
    wdt = wdt_ref[...]
    inc = jnp.dot(sa_ref[0], wdt, preferred_element_type=jnp.float32) + da_ref[...] * xbB
    outg = jnp.dot(so_ref[0], wdt, preferred_element_type=jnp.float32) + do_ref[...] * xbB
    wa1 = wa1_ref[...]
    wa2 = wa2_ref[...]
    ba1 = ba1_ref[...]

    def logit(r):
        h = jnp.tanh(jnp.dot(r, wa1, preferred_element_type=jnp.float32) + ba1)
        return jnp.sum(h * wa2, axis=1, keepdims=True)

    l0, l1, l2 = logit(xs), logit(inc), logit(outg)
    m = jnp.maximum(jnp.maximum(l0, l1), l2)
    e0 = jnp.exp(l0 - m)
    e1 = jnp.exp(l1 - m)
    e2 = jnp.exp(l2 - m)
    out_ref[...] = (e0 * xs + e1 * inc + e2 * outg) / (e0 + e1 + e2)


def _tc_combine(x, S, din, dout, WsT, WbT, WdT, Wa1T, wa2, bs, bd, ba1):
    grid = (N // BN,)
    wspec = lambda shape: pl.BlockSpec(shape, lambda i: tuple(0 for _ in shape))
    return pl.pallas_call(
        _combine_body,
        grid=grid,
        in_specs=[
            pl.BlockSpec((BN, D), lambda i: (i, 0)),
            pl.BlockSpec((1, BN, D), lambda i: (0, i, 0)),
            pl.BlockSpec((1, BN, D), lambda i: (1, i, 0)),
            pl.BlockSpec((BN, 1), lambda i: (i, 0)),
            pl.BlockSpec((BN, 1), lambda i: (i, 0)),
            wspec((D, D)),
            wspec((D, D)),
            wspec((D, D)),
            wspec((D, 16)),
            wspec((1, 16)),
            wspec((1, D)),
            wspec((1, D)),
            wspec((1, 16)),
        ],
        out_specs=pl.BlockSpec((BN, D), lambda i: (i, 0)),
        out_shape=jax.ShapeDtypeStruct((N, D), jnp.float32),
    )(x, S, S, din, dout, WsT, WbT, WdT, Wa1T, wa2, bs, bd, ba1)


def kernel(x, edge_index, W_self, b_self, W_disc, b_disc, W_att1, b_att1, W_att2):
    x = x.astype(jnp.float32)
    xp = jnp.concatenate([x, jnp.zeros((NP - N, D), jnp.float32)], axis=0)
    eidx = edge_index.astype(jnp.int32).reshape(2 * NS * EDGES_PER_TILE)
    zeros_rows = jnp.zeros((ROWS_PER_TILE, D), jnp.float32)
    iota128 = jnp.arange(128, dtype=jnp.int32)
    S, degH = _sc_segment_sums(xp, eidx, zeros_rows, iota128)
    deg = degH.reshape(NC, DEG_ROWS * 128)[:, :N]
    din = deg[0].reshape(N, 1)
    dout = deg[1].reshape(N, 1)

    Wa = W_disc[:, :D]
    Wb = W_disc[:, D:]
    WsT = W_self.T
    WbT = Wb.T
    WdT = (Wa - Wb).T
    Wa1T = W_att1.T
    wa2 = W_att2.reshape(1, 16)
    bs = b_self.reshape(1, D)
    bd = b_disc.reshape(1, D)
    ba1 = b_att1.reshape(1, 16)
    return _tc_combine(x, S, din, dout, WsT, WbT, WdT, Wa1T, wa2, bs, bd, ba1)

# --- scband reference (transcript-rebuilt; emitter-appended) ---
"""Pipeline reference for scband-stream-diam-89361089560603 (READ-ONLY COPY).

The authoritative reference and input builder live on the scoring server;
editing this copy changes nothing except your own understanding.
"""

import jax, jax.numpy as jnp
import numpy as np

N = 10000
E = 320000
D_IN = 128
D_OUT = 128
ATT_H = 16

def setup_inputs(seed: int = 0) -> dict:
    key = jax.random.key(seed)
    ks = jax.random.split(key, 10)
    x = jax.random.normal(ks[0], (N, D_IN), dtype=jnp.float32)
    edge_index = jax.random.randint(ks[1], (2, E), 0, N, dtype=jnp.int64)
    # parameters (PyTorch Linear convention: W [out, in], y = x @ W.T + b)
    W_self = jax.random.normal(ks[2], (D_OUT, D_IN), dtype=jnp.float32) * (1.0 / np.sqrt(D_IN))
    b_self = jnp.zeros((D_OUT,), dtype=jnp.float32)
    W_disc = jax.random.normal(ks[3], (D_OUT, 2 * D_IN), dtype=jnp.float32) * (1.0 / np.sqrt(2 * D_IN))
    b_disc = jnp.zeros((D_OUT,), dtype=jnp.float32)
    W_att1 = jax.random.normal(ks[4], (ATT_H, D_OUT), dtype=jnp.float32) * (1.0 / np.sqrt(D_OUT))
    b_att1 = jnp.zeros((ATT_H,), dtype=jnp.float32)
    W_att2 = jax.random.normal(ks[5], (1, ATT_H), dtype=jnp.float32) * (1.0 / np.sqrt(ATT_H))
    return {"x": x, "edge_index": edge_index, "W_self": W_self, "b_self": b_self,
            "W_disc": W_disc, "b_disc": b_disc, "W_att1": W_att1, "b_att1": b_att1,
            "W_att2": W_att2}

def reference(x, edge_index, W_self, b_self, W_disc, b_disc, W_att1, b_att1, W_att2):
    num_nodes = x.shape[0]
    src = edge_index[0]
    dst = edge_index[1]

    # self transform
    x_self = x @ W_self.T + b_self

    def propagate(s_idx, d_idx):
        # MessagePassing flow source_to_target: x_j = source, x_i = target
        x_j = jnp.take(x, s_idx, axis=0)
        x_i = jnp.take(x, d_idx, axis=0)
        discrepancy = x_i - x_j
        message_input = jnp.concatenate([x_j, discrepancy], axis=-1)
        msg = message_input @ W_disc.T + b_disc
        return jax.ops.segment_sum(msg, d_idx, num_segments=num_nodes)

    x_incoming = propagate(src, dst)
    # edge_index_reverse = [dst, src]
    x_outgoing = propagate(dst, src)

    representations = jnp.stack([x_self, x_incoming, x_outgoing], axis=1)  # [N, 3, D_OUT]
    hidden = jnp.tanh(representations @ W_att1.T + b_att1)  # [N, 3, ATT_H]
    attention_logits = hidden @ W_att2.T  # [N, 3, 1]
    attention_weights = jax.nn.softmax(attention_logits, axis=1)
    output = (attention_weights * representations).sum(axis=1)  # [N, D_OUT]
    return output

if __name__ == "__main__":
    import jax
    _d = setup_inputs()
    print(jax.jit(kernel)(*tuple(_d.values())))

</pallas_src>

<mosaic_0001>
#map = affine_map<(d0, d1) -> (0, 0)>
#map1 = affine_map<(d0, d1) -> (0)>
#map2 = affine_map<(d0, d1) -> (0, 0, 0)>
module attributes {stable_mosaic.version = 14 : i64} {
  func.func @seg_kernel(%arg0: i32, %arg1: i32, %arg2: memref<10240x128xf32, #tpu.memory_space<hbm>>, %arg3: memref<640000xi32, #tpu.memory_space<hbm>>, %arg4: memref<640x128xf32, #tpu.memory_space<hbm>>, %arg5: memref<128xi32, #tpu.memory_space<hbm>>, %arg6: memref<2x10240x128xf32, #tpu.memory_space<hbm>>, %arg7: memref<2x128x128xf32, #tpu.memory_space<hbm>>, %arg8: memref<4000xi32, #tpu.memory_space<vmem>>, %arg9: memref<4000xi32, #tpu.memory_space<vmem>>, %arg10: memref<80x128xf32, #tpu.memory_space<vmem>>, %arg11: memref<80x128xf32, #tpu.memory_space<vmem>>, %arg12: memref<128x128xf32, #tpu.memory_space<vmem>>, %arg13: memref<128xi32, #tpu.memory_space<vmem>>, %arg14: memref<10240x128xf32, #tpu.memory_space<vmem_shared>>, %arg15: memref<128x128xf32, #tpu.memory_space<vmem_shared>>, %arg16: memref<!tpu.dma_semaphore, #tpu.memory_space<semaphore_mem>>, %arg17: memref<!tpu.dma_semaphore, #tpu.memory_space<semaphore_mem>>, %arg18: memref<!tpu.dma_semaphore, #tpu.memory_space<semaphore_mem>>, %arg19: memref<!tpu.dma_semaphore, #tpu.memory_space<semaphore_mem>>) attributes {dimension_semantics = [#tpu.dimension_semantics<core_parallel>, #tpu.dimension_semantics<subcore_parallel>], iteration_bounds = array<i64: 2, 16>, scalar_prefetch = 0 : i64, scratch_operands = 12 : i64, tpu.core_type = #tpu.core_type<sc_vector_subcore>, window_params = [{transform_indices = #map}, {transform_indices = #map1}, {transform_indices = #map}, {transform_indices = #map1}, {transform_indices = #map2}, {transform_indices = #map2}]} {
    %mul3A = arith.constant 640 : i32
    %mul3A_0 = arith.muli %arg1, %mul3A : i32
    %mul3A_1 = arith.constant 8 : i32
    %mul3A_2 = arith.muli %arg1, %mul3A_1 : i32
    %mul3A_3 = arith.constant 16 : i32
    %mul3A_4 = arith.muli %arg0, %mul3A_3 : i32
    %add3A = arith.addi %mul3A_4, %arg1 : i32
    %mul3A_5 = arith.constant 20000 : i32
    %mul3A_6 = arith.muli %add3A, %mul3A_5 : i32
    %sub3A = arith.constant 1 : i32
    %sub3A_7 = arith.subi %sub3A, %arg0 : i32
    %mul3A_8 = arith.constant 16 : i32
    %mul3A_9 = arith.muli %sub3A_7, %mul3A_8 : i32
    %add3A_10 = arith.addi %mul3A_9, %arg1 : i32
    %mul3A_11 = arith.constant 20000 : i32
    %mul3A_12 = arith.muli %add3A_10, %mul3A_11 : i32
    "tpu.region"() ({
      %run_scoped3A = tpu.sem_alloc : memref<!tpu.dma_semaphore, #tpu.memory_space<semaphore_mem>>
      %dma_start3A = arith.constant 0 : i32
      %dma_start3A_20 = arith.constant 0 : i32
      %dma_start3A_21 = tpu.memref_slice %arg4[%dma_start3A, %dma_start3A_20] : memref<640x128xf32, #tpu.memory_space<hbm>> -> memref<128x128xf32, #tpu.memory_space<hbm>>
      %dma_start3A_22 = arith.constant 0 : i32
      %dma_start3A_23 = arith.constant 0 : i32
      %dma_start3A_24 = tpu.memref_slice %arg4[%dma_start3A_22, %dma_start3A_23] : memref<640x128xf32, #tpu.memory_space<hbm>> -> memref<128x128xf32, #tpu.memory_space<hbm>>
      tpu.enqueue_dma source(%dma_start3A_24 : memref<128x128xf32, #tpu.memory_space<hbm>>) target(%arg12 : memref<128x128xf32, #tpu.memory_space<vmem>>) target_semaphore(%run_scoped3A : memref<!tpu.dma_semaphore, #tpu.memory_space<semaphore_mem>>)
      %dma_wait3A = arith.constant 0 : i32
      %dma_wait3A_25 = arith.constant 0 : i32
      %dma_wait3A_26 = tpu.memref_slice %arg4[%dma_wait3A, %dma_wait3A_25] : memref<640x128xf32, #tpu.memory_space<hbm>> -> memref<128x128xf32, #tpu.memory_space<hbm>>
      %dma_wait3A_27 = arith.constant 0 : i32
      %dma_wait3A_28 = arith.constant 0 : i32
      %dma_wait3A_29 = tpu.memref_slice %arg4[%dma_wait3A_27, %dma_wait3A_28] : memref<640x128xf32, #tpu.memory_space<hbm>> -> memref<128x128xf32, #tpu.memory_space<hbm>>
      tpu.wait_dma2 semaphore(%run_scoped3A : memref<!tpu.dma_semaphore, #tpu.memory_space<semaphore_mem>>) src(%dma_wait3A_29 : memref<128x128xf32, #tpu.memory_space<hbm>>) dst(%arg12 : memref<128x128xf32, #tpu.memory_space<vmem>>)
      tpu.yield
    }) : () -> ()
    "tpu.region"() ({
      %run_scoped3A = tpu.sem_alloc : memref<!tpu.dma_semaphore, #tpu.memory_space<semaphore_mem>>
      %dma_start3A = arith.constant 0 : i32
      %dma_start3A_20 = tpu.memref_slice %arg15[%mul3A_2, %dma_start3A] : memref<128x128xf32, #tpu.memory_space<vmem_shared>> -> memref<8x128xf32, #tpu.memory_space<vmem_shared>>
      %dma_start3A_21 = arith.constant 0 : i32
      %dma_start3A_22 = arith.constant 0 : i32
      %dma_start3A_23 = tpu.memref_slice %arg4[%dma_start3A_21, %dma_start3A_22] : memref<640x128xf32, #tpu.memory_space<hbm>> -> memref<8x128xf32, #tpu.memory_space<hbm>>
      tpu.enqueue_dma source(%dma_start3A_23 : memref<8x128xf32, #tpu.memory_space<hbm>>) target(%dma_start3A_20 : memref<8x128xf32, #tpu.memory_space<vmem_shared>>) target_semaphore(%run_scoped3A : memref<!tpu.dma_semaphore, #tpu.memory_space<semaphore_mem>>)
      %dma_wait3A = arith.constant 0 : i32
      %dma_wait3A_24 = tpu.memref_slice %arg15[%mul3A_2, %dma_wait3A] : memref<128x128xf32, #tpu.memory_space<vmem_shared>> -> memref<8x128xf32, #tpu.memory_space<vmem_shared>>
      %dma_wait3A_25 = arith.constant 0 : i32
      %dma_wait3A_26 = arith.constant 0 : i32
      %dma_wait3A_27 = tpu.memref_slice %arg4[%dma_wait3A_25, %dma_wait3A_26] : memref<640x128xf32, #tpu.memory_space<hbm>> -> memref<8x128xf32, #tpu.memory_space<hbm>>
      tpu.wait_dma2 semaphore(%run_scoped3A : memref<!tpu.dma_semaphore, #tpu.memory_space<semaphore_mem>>) src(%dma_wait3A_27 : memref<8x128xf32, #tpu.memory_space<hbm>>) dst(%dma_wait3A_24 : memref<8x128xf32, #tpu.memory_space<vmem_shared>>)
      tpu.yield
    }) : () -> ()
    "tpu.region"() ({
      %run_scoped3A = tpu.sem_alloc : memref<!tpu.dma_semaphore, #tpu.memory_space<semaphore_mem>>
      tpu.enqueue_dma source(%arg5 : memref<128xi32, #tpu.memory_space<hbm>>) target(%arg13 : memref<128xi32, #tpu.memory_space<vmem>>) target_semaphore(%run_scoped3A : memref<!tpu.dma_semaphore, #tpu.memory_space<semaphore_mem>>)
      tpu.wait_dma2 semaphore(%run_scoped3A : memref<!tpu.dma_semaphore, #tpu.memory_space<semaphore_mem>>) src(%arg5 : memref<128xi32, #tpu.memory_space<hbm>>) dst(%arg13 : memref<128xi32, #tpu.memory_space<vmem>>)
      tpu.yield
    }) : () -> ()
    "tpu.region"() ({
      %run_scoped3A = tpu.sem_alloc : memref<!tpu.dma_semaphore, #tpu.memory_space<semaphore_mem>>
      %dma_start3A = arith.constant 0 : i32
      %dma_start3A_20 = tpu.memref_slice %arg14[%mul3A_0, %dma_start3A] : memref<10240x128xf32, #tpu.memory_space<vmem_shared>> -> memref<640x128xf32, #tpu.memory_space<vmem_shared>>
      tpu.enqueue_dma source(%arg4 : memref<640x128xf32, #tpu.memory_space<hbm>>) target(%dma_start3A_20 : memref<640x128xf32, #tpu.memory_space<vmem_shared>>) target_semaphore(%run_scoped3A : memref<!tpu.dma_semaphore, #tpu.memory_space<semaphore_mem>>)
      %dma_wait3A = arith.constant 0 : i32
      %dma_wait3A_21 = tpu.memref_slice %arg14[%mul3A_0, %dma_wait3A] : memref<10240x128xf32, #tpu.memory_space<vmem_shared>> -> memref<640x128xf32, #tpu.memory_space<vmem_shared>>
      tpu.wait_dma2 semaphore(%run_scoped3A : memref<!tpu.dma_semaphore, #tpu.memory_space<semaphore_mem>>) src(%arg4 : memref<640x128xf32, #tpu.memory_space<hbm>>) dst(%dma_wait3A_21 : memref<640x128xf32, #tpu.memory_space<vmem_shared>>)
      tpu.yield
    }) : () -> ()
    %barrier3A = arith.constant 0 : index
    tpu.barrier barrier_id(%barrier3A)
    %broadcast_in_dim3A = arith.constant 1.000000e+00 : f32
    %broadcast_in_dim3A_13 = vector.broadcast %broadcast_in_dim3A : f32 to vector<16xf32>
    %scan3A = arith.constant 0 : i32
    %scan3A_14 = arith.constant 0 : i32
    %scan3A_15 = arith.constant 5 : i32
    %scan3A_16 = arith.addi %scan3A_14, %scan3A_15 : i32
    %scan3A_17 = arith.constant 1 : i32
    scf.for %scan3A_20 = %scan3A_14 to %scan3A_16 step %scan3A_17  : i32 {
      %mul3A_21 = arith.constant 4000 : i32
      %mul3A_22 = arith.muli %scan3A_20, %mul3A_21 : i32
      %add3A_23 = arith.addi %mul3A_6, %mul3A_22 : i32
      "tpu.region"() ({
        %run_scoped3A = tpu.sem_alloc : memref<!tpu.dma_semaphore, #tpu.memory_space<semaphore_mem>>
        %dma_start3A_3022 = tpu.memref_slice %arg3[%add3A_23] : memref<640000xi32, #tpu.memory_space<hbm>> -> memref<4000xi32, #tpu.memory_space<hbm>>
        %dma_start3A_3023 = tpu.memref_slice %arg3[%add3A_23] : memref<640000xi32, #tpu.memory_space<hbm>> -> memref<4000xi32, #tpu.memory_space<hbm>>
        tpu.enqueue_dma source(%dma_start3A_3023 : memref<4000xi32, #tpu.memory_space<hbm>>) target(%arg8 : memref<4000xi32, #tpu.memory_space<vmem>>) target_semaphore(%run_scoped3A : memref<!tpu.dma_semaphore, #tpu.memory_space<semaphore_mem>>)
        %dma_wait3A_3024 = tpu.memref_slice %arg3[%add3A_23] : memref<640000xi32, #tpu.memory_space<hbm>> -> memref<4000xi32, #tpu.memory_space<hbm>>
        %dma_wait3A_3025 = tpu.memref_slice %arg3[%add3A_23] : memref<640000xi32, #tpu.memory_space<hbm>> -> memref<4000xi32, #tpu.memory_space<hbm>>
        tpu.wait_dma2 semaphore(%run_scoped3A : memref<!tpu.dma_semaphore, #tpu.memory_space<semaphore_mem>>) src(%dma_wait3A_3025 : memref<4000xi32, #tpu.memory_space<hbm>>) dst(%arg8 : memref<4000xi32, #tpu.memory_space<vmem>>)
        tpu.yield
      }) : () -> ()
      %mul3A_24 = arith.constant 4000 : i32
      %mul3A_25 = arith.muli %scan3A_20, %mul3A_24 : i32
      %add3A_26 = arith.addi %mul3A_12, %mul3A_25 : i32
      "tpu.region"() ({
        %run_scoped3A = tpu.sem_alloc : memref<!tpu.dma_semaphore, #tpu.memory_space<semaphore_mem>>
        %dma_start3A_3022 = tpu.memref_slice %arg3[%add3A_26] : memref<640000xi32, #tpu.memory_space<hbm>> -> memref<4000xi32, #tpu.memory_space<hbm>>
        %dma_start3A_3023 = tpu.memref_slice %arg3[%add3A_26] : memref<640000xi32, #tpu.memory_space<hbm>> -> memref<4000xi32, #tpu.memory_space<hbm>>
        tpu.enqueue_dma source(%dma_start3A_3023 : memref<4000xi32, #tpu.memory_space<hbm>>) target(%arg9 : memref<4000xi32, #tpu.memory_space<vmem>>) target_semaphore(%run_scoped3A : memref<!tpu.dma_semaphore, #tpu.memory_space<semaphore_mem>>)
        %dma_wait3A_3024 = tpu.memref_slice %arg3[%add3A_26] : memref<640000xi32, #tpu.memory_space<hbm>> -> memref<4000xi32, #tpu.memory_space<hbm>>
        %dma_wait3A_3025 = tpu.memref_slice %arg3[%add3A_26] : memref<640000xi32, #tpu.memory_space<hbm>> -> memref<4000xi32, #tpu.memory_space<hbm>>
        tpu.wait_dma2 semaphore(%run_scoped3A : memref<!tpu.dma_semaphore, #tpu.memory_space<semaphore_mem>>) src(%dma_wait3A_3025 : memref<4000xi32, #tpu.memory_space<hbm>>) dst(%arg9 : memref<4000xi32, #tpu.memory_space<vmem>>)
        tpu.yield
      }) : () -> ()
      %dma_start3A = arith.constant 0 : i32
      %dma_start3A_27 = tpu.memref_slice %arg8[%dma_start3A] : memref<4000xi32, #tpu.memory_space<vmem>> -> memref<80xi32, #tpu.memory_space<vmem>>
      %dma_start3A_28 = arith.constant 0 : i32
      %dma_start3A_29 = arith.constant 0 : i32
      %dma_start3A_30 = tpu.memref_slice %arg2[%dma_start3A_28, %dma_start3A_29] : memref<10240x128xf32, #tpu.memory_space<hbm>> -> memref<10240x128xf32, #tpu.memory_space<hbm>>
      tpu.enqueue_indirect_dma source(%dma_start3A_30 : memref<10240x128xf32, #tpu.memory_space<hbm>>) target(%arg10 : memref<80x128xf32, #tpu.memory_space<vmem>>) offsets(%dma_start3A_27 : memref<80xi32, #tpu.memory_space<vmem>>) semaphore(%arg16 : memref<!tpu.dma_semaphore, #tpu.memory_space<semaphore_mem>>)
      %dma_start3A_31 = arith.constant 80 : i32
      %dma_start3A_32 = tpu.memref_slice %arg8[%dma_start3A_31] : memref<4000xi32, #tpu.memory_space<vmem>> -> memref<80xi32, #tpu.memory_space<vmem>>
      %dma_start3A_33 = arith.constant 0 : i32
      %dma_start3A_34 = arith.constant 0 : i32
      %dma_start3A_35 = tpu.memref_slice %arg2[%dma_start3A_33, %dma_start3A_34] : memref<10240x128xf32, #tpu.memory_space<hbm>> -> memref<10240x128xf32, #tpu.memory_space<hbm>>
      tpu.enqueue_indirect_dma source(%dma_start3A_35 : memref<10240x128xf32, #tpu.memory_space<hbm>>) target(%arg11 : memref<80x128xf32, #tpu.memory_space<vmem>>) offsets(%dma_start3A_32 : memref<80xi32, #tpu.memory_space<vmem>>) semaphore(%arg17 : memref<!tpu.dma_semaphore, #tpu.memory_space<semaphore_mem>>)
      %dma_wait3A = arith.constant 0 : i32
      %dma_wait3A_36 = tpu.memref_slice %arg8[%dma_wait3A] : memref<4000xi32, #tpu.memory_space<vmem>> -> memref<80xi32, #tpu.memory_space<vmem>>
      %dma_wait3A_37 = arith.constant 0 : i32
      %dma_wait3A_38 = arith.constant 0 : i32
      %dma_wait3A_39 = tpu.memref_slice %arg2[%dma_wait3A_37, %dma_wait3A_38] : memref<10240x128xf32, #tpu.memory_space<hbm>> -> memref<10240x128xf32, #tpu.memory_space<hbm>>
      tpu.wait_indirect_dma semaphore(%arg16 : memref<!tpu.dma_semaphore, #tpu.memory_space<semaphore_mem>>) src(%dma_wait3A_39 : memref<10240x128xf32, #tpu.memory_space<hbm>>) dst(%arg10 : memref<80x128xf32, #tpu.memory_space<vmem>>)
      %dma_start3A_40 = arith.constant 0 : i32
      %dma_start3A_41 = tpu.memref_slice %arg9[%dma_start3A_40] : memref<4000xi32, #tpu.memory_space<vmem>> -> memref<80xi32, #tpu.memory_space<vmem>>
      %dma_start3A_42 = arith.constant 0 : i32
      %dma_start3A_43 = arith.constant 0 : i32
      %dma_start3A_44 = tpu.memref_slice %arg14[%dma_start3A_42, %dma_start3A_43] : memref<10240x128xf32, #tpu.memory_space<vmem_shared>> -> memref<10240x128xf32, #tpu.memory_space<vmem_shared>>
      tpu.enqueue_indirect_dma source(%arg10 : memref<80x128xf32, #tpu.memory_space<vmem>>) target(%dma_start3A_44 : memref<10240x128xf32, #tpu.memory_space<vmem_shared>>) offsets(%dma_start3A_41 : memref<80xi32, #tpu.memory_space<vmem>>) semaphore(%arg18 : memref<!tpu.dma_semaphore, #tpu.memory_space<semaphore_mem>>) {add = true}
      %get3A = arith.constant 0 : index
      %get3A_45 = tpu.vector_load %arg9[%get3A] {strides = array<i32>} : memref<4000xi32, #tpu.memory_space<vmem>>, vector<16xi32>,
      %shift_right_logical3A = arith.constant 7 : i32
      %shift_right_logical3A_46 = vector.broadcast %shift_right_logical3A : i32 to vector<16xi32>
      %shift_right_logical3A_47 = arith.shrui %get3A_45, %shift_right_logical3A_46 : vector<16xi32>
      %and3A = arith.constant 127 : i32
      %and3A_48 = vector.broadcast %and3A : i32 to vector<16xi32>
      %and3A_49 = arith.andi %get3A_45, %and3A_48 : vector<16xi32>
      tpu.vector_store_idx %arg12[%shift_right_logical3A_47, %and3A_49], %broadcast_in_dim3A_13 {add = true} : memref<128x128xf32, #tpu.memory_space<vmem>>[vector<16xi32>, vector<16xi32>], vector<16xf32>,
      %get3A_50 = arith.constant 16 : index
      %get3A_51 = tpu.vector_load %arg9[%get3A_50] {strides = array<i32>} : memref<4000xi32, #tpu.memory_space<vmem>>, vector<16xi32>,
      %shift_right_logical3A_52 = arith.constant 7 : i32
      %shift_right_logical3A_53 = vector.broadcast %shift_right_logical3A_52 : i32 to vector<16xi32>
      %shift_right_logical3A_54 = arith.shrui %get3A_51, %shift_right_logical3A_53 : vector<16xi32>
      %and3A_55 = arith.constant 127 : i32
      %and3A_56 = vector.broadcast %and3A_55 : i32 to vector<16xi32>
      %and3A_57 = arith.andi %get3A_51, %and3A_56 : vector<16xi32>
      tpu.vector_store_idx %arg12[%shift_right_logical3A_54, %and3A_57], %broadcast_in_dim3A_13 {add = true} : memref<128x128xf32, #tpu.memory_space<vmem>>[vector<16xi32>, vector<16xi32>], vector<16xf32>,
      %get3A_58 = arith.constant 32 : index
      %get3A_59 = tpu.vector_load %arg9[%get3A_58] {strides = array<i32>} : memref<4000xi32, #tpu.memory_space<vmem>>, vector<16xi32>,
      %shift_right_logical3A_60 = arith.constant 7 : i32
      %shift_right_logical3A_61 = vector.broadcast %shift_right_logical3A_60 : i32 to vector<16xi32>
      %shift_right_logical3A_62 = arith.shrui %get3A_59, %shift_right_logical3A_61 : vector<16xi32>
      %and3A_63 = arith.constant 127 : i32
      %and3A_64 = vector.broadcast %and3A_63 : i32 to vector<16xi32>
      %and3A_65 = arith.andi %get3A_59, %and3A_64 : vector<16xi32>
      tpu.vector_store_idx %arg12[%shift_right_logical3A_62, %and3A_65], %broadcast_in_dim3A_13 {add = true} : memref<128x128xf32, #tpu.memory_space<vmem>>[vector<16xi32>, vector<16xi32>], vector<16xf32>,
      %get3A_66 = arith.constant 48 : index
      %get3A_67 = tpu.vector_load %arg9[%get3A_66] {strides = array<i32>} : memref<4000xi32, #tpu.memory_space<vmem>>, vector<16xi32>,
      %shift_right_logical3A_68 = arith.constant 7 : i32
      %shift_right_logical3A_69 = vector.broadcast %shift_right_logical3A_68 : i32 to vector<16xi32>
      %shift_right_logical3A_70 = arith.shrui %get3A_67, %shift_right_logical3A_69 : vector<16xi32>
      %and3A_71 = arith.constant 127 : i32
      %and3A_72 = vector.broadcast %and3A_71 : i32 to vector<16xi32>
      %and3A_73 = arith.andi %get3A_67, %and3A_72 : vector<16xi32>
      tpu.vector_store_idx %arg12[%shift_right_logical3A_70, %and3A_73], %broadcast_in_dim3A_13 {add = true} : memref<128x128xf32, #tpu.memory_space<vmem>>[vector<16xi32>, vector<16xi32>], vector<16xf32>,
      %get3A_74 = arith.constant 64 : index
      %get3A_75 = tpu.vector_load %arg9[%get3A_74] {strides = array<i32>} : memref<4000xi32, #tpu.memory_space<vmem>>, vector<16xi32>,
      %shift_right_logical3A_76 = arith.constant 7 : i32
      %shift_right_logical3A_77 = vector.broadcast %shift_right_logical3A_76 : i32 to vector<16xi32>
      %shift_right_logical3A_78 = arith.shrui %get3A_75, %shift_right_logical3A_77 : vector<16xi32>
      %and3A_79 = arith.constant 127 : i32
      %and3A_80 = vector.broadcast %and3A_79 : i32 to vector<16xi32>
      %and3A_81 = arith.andi %get3A_75, %and3A_80 : vector<16xi32>
      tpu.vector_store_idx %arg12[%shift_right_logical3A_78, %and3A_81], %broadcast_in_dim3A_13 {add = true} : memref<128x128xf32, #tpu.memory_space<vmem>>[vector<16xi32>, vector<16xi32>], vector<16xf32>,
      %dma_wait3A_82 = arith.constant 0 : i32
      %dma_wait3A_83 = tpu.memref_slice %arg9[%dma_wait3A_82] : memref<4000xi32, #tpu.memory_space<vmem>> -> memref<80xi32, #tpu.memory_space<vmem>>
      %dma_wait3A_84 = arith.constant 0 : i32
      %dma_wait3A_85 = arith.constant 0 : i32
      %dma_wait3A_86 = tpu.memref_slice %arg14[%dma_wait3A_84, %dma_wait3A_85] : memref<10240x128xf32, #tpu.memory_space<vmem_shared>> -> memref<10240x128xf32, #tpu.memory_space<vmem_shared>>
      tpu.wait_indirect_dma semaphore(%arg18 : memref<!tpu.dma_semaphore, #tpu.memory_space<semaphore_mem>>) src(%arg10 : memref<80x128xf32, #tpu.memory_space<vmem>>) dst(%dma_wait3A_86 : memref<10240x128xf32, #tpu.memory_space<vmem_shared>>)
      %dma_start3A_87 = arith.constant 160 : i32
      %dma_start3A_88 = tpu.memref_slice %arg8[%dma_start3A_87] : memref<4000xi32, #tpu.memory_space<vmem>> -> memref<80xi32, #tpu.memory_space<vmem>>
      %dma_start3A_89 = arith.constant 0 : i32
      %dma_start3A_90 = arith.constant 0 : i32
      %dma_start3A_91 = tpu.memref_slice %arg2[%dma_start3A_89, %dma_start3A_90] : memref<10240x128xf32, #tpu.memory_space<hbm>> -> memref<10240x128xf32, #tpu.memory_space<hbm>>
      tpu.enqueue_indirect_dma source(%dma_start3A_91 : memref<10240x128xf32, #tpu.memory_space<hbm>>) target(%arg10 : memref<80x128xf32, #tpu.memory_space<vmem>>) offsets(%dma_start3A_88 : memref<80xi32, #tpu.memory_space<vmem>>) semaphore(%arg16 : memref<!tpu.dma_semaphore, #tpu.memory_space<semaphore_mem>>)
      %dma_wait3A_92 = arith.constant 80 : i32
      %dma_wait3A_93 = tpu.memref_slice %arg8[%dma_wait3A_92] : memref<4000xi32, #tpu.memory_space<vmem>> -> memref<80xi32, #tpu.memory_space<vmem>>
      %dma_wait3A_94 = arith.constant 0 : i32
      %dma_wait3A_95 = arith.constant 0 : i32
      %dma_wait3A_96 = tpu.memref_slice %arg2[%dma_wait3A_94, %dma_wait3A_95] : memref<10240x128xf32, #tpu.memory_space<hbm>> -> memref<10240x128xf32, #tpu.memory_space<hbm>>
      tpu.wait_indirect_dma semaphore(%arg17 : memref<!tpu.dma_semaphore, #tpu.memory_space<semaphore_mem>>) src(%dma_wait3A_96 : memref<10240x128xf32, #tpu.memory_space<hbm>>) dst(%arg11 : memref<80x128xf32, #tpu.memory_space<vmem>>)
      %dma_start3A_97 = arith.constant 80 : i32
      %dma_start3A_98 = tpu.memref_slice %arg9[%dma_start3A_97] : memref<4000xi32, #tpu.memory_space<vmem>> -> memref<80xi32, #tpu.memory_space<vmem>>
      %dma_start3A_99 = arith.constant 0 : i32
      %dma_start3A_100 = arith.constant 0 : i32
      %dma_start3A_101 = tpu.memref_slice %arg14[%dma_start3A_99, %dma_start3A_100] : memref<10240x128xf32, #tpu.memory_space<vmem_shared>> -> memref<10240x128xf32, #tpu.memory_space<vmem_shared>>
      tpu.enqueue_indirect_dma source(%arg11 : memref<80x128xf32, #tpu.memory_space<vmem>>) target(%dma_start3A_101 : memref<10240x128xf32, #tpu.memory_space<vmem_shared>>) offsets(%dma_start3A_98 : memref<80xi32, #tpu.memory_space<vmem>>) semaphore(%arg19 : memref<!tpu.dma_semaphore, #tpu.memory_space<semaphore_mem>>) {add = true}
      %get3A_102 = arith.constant 80 : index
      %get3A_103 = tpu.vector_load %arg9[%get3A_102] {strides = array<i32>} : memref<4000xi32, #tpu.memory_space<vmem>>, vector<16xi32>,
      %shift_right_logical3A_104 = arith.constant 7 : i32
      %shift_right_logical3A_105 = vector.broadcast %shift_right_logical3A_104 : i32 to vector<16xi32>
      %shift_right_logical3A_106 = arith.shrui %get3A_103, %shift_right_logical3A_105 : vector<16xi32>
      %and3A_107 = arith.constant 127 : i32
      %and3A_108 = vector.broadcast %and3A_107 : i32 to vector<16xi32>
      %and3A_109 = arith.andi %get3A_103, %and3A_108 : vector<16xi32>
      tpu.vector_store_idx %arg12[%shift_right_logical3A_106, %and3A_109], %broadcast_in_dim3A_13 {add = true} : memref<128x128xf32, #tpu.memory_space<vmem>>[vector<16xi32>, vector<16xi32>], vector<16xf32>,
      %get3A_110 = arith.constant 96 : index
      %get3A_111 = tpu.vector_load %arg9[%get3A_110] {strides = array<i32>} : memref<4000xi32, #tpu.memory_space<vmem>>, vector<16xi32>,
      %shift_right_logical3A_112 = arith.constant 7 : i32
      %shift_right_logical3A_113 = vector.broadcast %shift_right_logical3A_112 : i32 to vector<16xi32>
      %shift_right_logical3A_114 = arith.shrui %get3A_111, %shift_right_logical3A_113 : vector<16xi32>
      %and3A_115 = arith.constant 127 : i32
      %and3A_116 = vector.broadcast %and3A_115 : i32 to vector<16xi32>
      %and3A_117 = arith.andi %get3A_111, %and3A_116 : vector<16xi32>
      tpu.vector_store_idx %arg12[%shift_right_logical3A_114, %and3A_117], %broadcast_in_dim3A_13 {add = true} : memref<128x128xf32, #tpu.memory_space<vmem>>[vector<16xi32>, vector<16xi32>], vector<16xf32>,
      %get3A_118 = arith.constant 112 : index
      %get3A_119 = tpu.vector_load %arg9[%get3A_118] {strides = array<i32>} : memref<4000xi32, #tpu.memory_space<vmem>>, vector<16xi32>,
      %shift_right_logical3A_120 = arith.constant 7 : i32
      %shift_right_logical3A_121 = vector.broadcast %shift_right_logical3A_120 : i32 to vector<16xi32>
      %shift_right_logical3A_122 = arith.shrui %get3A_119, %shift_right_logical3A_121 : vector<16xi32>
      %and3A_123 = arith.constant 127 : i32
      %and3A_124 = vector.broadcast %and3A_123 : i32 to vector<16xi32>
      %and3A_125 = arith.andi %get3A_119, %and3A_124 : vector<16xi32>
      tpu.vector_store_idx %arg12[%shift_right_logical3A_122, %and3A_125], %broadcast_in_dim3A_13 {add = true} : memref<128x128xf32, #tpu.memory_space<vmem>>[vector<16xi32>, vector<16xi32>], vector<16xf32>,
      %get3A_126 = arith.constant 128 : index
      %get3A_127 = tpu.vector_load %arg9[%get3A_126] {strides = array<i32>} : memref<4000xi32, #tpu.memory_space<vmem>>, vector<16xi32>,
      %shift_right_logical3A_128 = arith.constant 7 : i32
      %shift_right_logical3A_129 = vector.broadcast %shift_right_logical3A_128 : i32 to vector<16xi32>
      %shift_right_logical3A_130 = arith.shrui %get3A_127, %shift_right_logical3A_129 : vector<16xi32>
      %and3A_131 = arith.constant 127 : i32
      %and3A_132 = vector.broadcast %and3A_131 : i32 to vector<16xi32>
      %and3A_133 = arith.andi %get3A_127, %and3A_132 : vector<16xi32>
      tpu.vector_store_idx %arg12[%shift_right_logical3A_130, %and3A_133], %broadcast_in_dim3A_13 {add = true} : memref<128x128xf32, #tpu.memory_space<vmem>>[vector<16xi32>, vector<16xi32>], vector<16xf32>,
      %get3A_134 = arith.constant 144 : index
      %get3A_135 = tpu.vector_load %arg9[%get3A_134] {strides = array<i32>} : memref<4000xi32, #tpu.memory_space<vmem>>, vector<16xi32>,
      %shift_right_logical3A_136 = arith.constant 7 : i32
      %shift_right_logical3A_137 = vector.broadcast %shift_right_logical3A_136 : i32 to vector<16xi32>
      %shift_right_logical3A_138 = arith.shrui %get3A_135, %shift_right_logical3A_137 : vector<16xi32>
      %and3A_139 = arith.constant 127 : i32
      %and3A_140 = vector.broadcast %and3A_139 : i32 to vector<16xi32>
      %and3A_141 = arith.andi %get3A_135, %and3A_140 : vector<16xi32>
      tpu.vector_store_idx %arg12[%shift_right_logical3A_138, %and3A_141], %broadcast_in_dim3A_13 {add = true} : memref<128x128xf32, #tpu.memory_space<vmem>>[vector<16xi32>, vector<16xi32>], vector<16xf32>,
      %dma_wait3A_142 = arith.constant 80 : i32
      %dma_wait3A_143 = tpu.memref_slice %arg9[%dma_wait3A_142] : memref<4000xi32, #tpu.memory_space<vmem>> -> memref<80xi32, #tpu.memory_space<vmem>>
      %dma_wait3A_144 = arith.constant 0 : i32
      %dma_wait3A_145 = arith.constant 0 : i32
      %dma_wait3A_146 = tpu.memref_slice %arg14[%dma_wait3A_144, %dma_wait3A_145] : memref<10240x128xf32, #tpu.memory_space<vmem_shared>> -> memref<10240x128xf32, #tpu.memory_space<vmem_shared>>
      tpu.wait_indirect_dma semaphore(%arg19 : memref<!tpu.dma_semaphore, #tpu.memory_space<semaphore_mem>>) src(%arg11 : memref<80x128xf32, #tpu.memory_space<vmem>>) dst(%dma_wait3A_146 : memref<10240x128xf32, #tpu.memory_space<vmem_shared>>)
      %dma_start3A_147 = arith.constant 240 : i32
      %dma_start3A_148 = tpu.memref_slice %arg8[%dma_start3A_147] : memref<4000xi32, #tpu.memory_space<vmem>> -> memref<80xi32, #tpu.memory_space<vmem>>
      %dma_start3A_149 = arith.constant 0 : i32
      %dma_start3A_150 = arith.constant 0 : i32
      %dma_start3A_151 = tpu.memref_slice %arg2[%dma_start3A_149, %dma_start3A_150] : memref<10240x128xf32, #tpu.memory_space<hbm>> -> memref<10240x128xf32, #tpu.memory_space<hbm>>
      tpu.enqueue_indirect_dma source(%dma_start3A_151 : memref<10240x128xf32, #tpu.memory_space<hbm>>) target(%arg11 : memref<80x128xf32, #tpu.memory_space<vmem>>) offsets(%dma_start3A_148 : memref<80xi32, #tpu.memory_space<vmem>>) semaphore(%arg17 : memref<!tpu.dma_semaphore, #tpu.memory_space<semaphore_mem>>)
      %dma_wait3A_152 = arith.constant 160 : i32
      %dma_wait3A_153 = tpu.memref_slice %arg8[%dma_wait3A_152] : memref<4000xi32, #tpu.memory_space<vmem>> -> memref<80xi32, #tpu.memory_space<vmem>>
      %dma_wait3A_154 = arith.constant 0 : i32
      %dma_wait3A_155 = arith.constant 0 : i32
      %dma_wait3A_156 = tpu.memref_slice %arg2[%dma_wait3A_154, %dma_wait3A_155] : memref<10240x128xf32, #tpu.memory_space<hbm>> -> memref<10240x128xf32, #tpu.memory_space<hbm>>
      tpu.wait_indirect_dma semaphore(%arg16 : memref<!tpu.dma_semaphore, #tpu.memory_space<semaphore_mem>>) src(%dma_wait3A_156 : memref<10240x128xf32, #tpu.memory_space<hbm>>) dst(%arg10 : memref<80x128xf32, #tpu.memory_space<vmem>>)
      %dma_start3A_157 = arith.constant 160 : i32
      %dma_start3A_158 = tpu.memref_slice %arg9[%dma_start3A_157] : memref<4000xi32, #tpu.memory_space<vmem>> -> memref<80xi32, #tpu.memory_space<vmem>>
      %dma_start3A_159 = arith.constant 0 : i32
      %dma_start3A_160 = arith.constant 0 : i32
      %dma_start3A_161 = tpu.memref_slice %arg14[%dma_start3A_159, %dma_start3A_160] : memref<10240x128xf32, #tpu.memory_space<vmem_shared>> -> memref<10240x128xf32, #tpu.memory_space<vmem_shared>>
      tpu.enqueue_indirect_dma source(%arg10 : memref<80x128xf32, #tpu.memory_space<vmem>>) target(%dma_start3A_161 : memref<10240x128xf32, #tpu.memory_space<vmem_shared>>) offsets(%dma_start3A_158 : memref<80xi32, #tpu.memory_space<vmem>>) semaphore(%arg18 : memref<!tpu.dma_semaphore, #tpu.memory_space<semaphore_mem>>) {add = true}
      %get3A_162 = arith.constant 160 : index
      %get3A_163 = tpu.vector_load %arg9[%get3A_162] {strides = array<i32>} : memref<4000xi32, #tpu.memory_space<vmem>>, vector<16xi32>,
      %shift_right_logical3A_164 = arith.constant 7 : i32
      %shift_right_logical3A_165 = vector.broadcast %shift_right_logical3A_164 : i32 to vector<16xi32>
      %shift_right_logical3A_166 = arith.shrui %get3A_163, %shift_right_logical3A_165 : vector<16xi32>
      %and3A_167 = arith.constant 127 : i32
      %and3A_168 = vector.broadcast %and3A_167 : i32 to vector<16xi32>
      %and3A_169 = arith.andi %get3A_163, %and3A_168 : vector<16xi32>
      tpu.vector_store_idx %arg12[%shift_right_logical3A_166, %and3A_169], %broadcast_in_dim3A_13 {add = true} : memref<128x128xf32, #tpu.memory_space<vmem>>[vector<16xi32>, vector<16xi32>], vector<16xf32>,
      %get3A_170 = arith.constant 176 : index
      %get3A_171 = tpu.vector_load %arg9[%get3A_170] {strides = array<i32>} : memref<4000xi32, #tpu.memory_space<vmem>>, vector<16xi32>,
      %shift_right_logical3A_172 = arith.constant 7 : i32
      %shift_right_logical3A_173 = vector.broadcast %shift_right_logical3A_172 : i32 to vector<16xi32>
      %shift_right_logical3A_174 = arith.shrui %get3A_171, %shift_right_logical3A_173 : vector<16xi32>
      %and3A_175 = arith.constant 127 : i32
      %and3A_176 = vector.broadcast %and3A_175 : i32 to vector<16xi32>
      %and3A_177 = arith.andi %get3A_171, %and3A_176 : vector<16xi32>
      tpu.vector_store_idx %arg12[%shift_right_logical3A_174, %and3A_177], %broadcast_in_dim3A_13 {add = true} : memref<128x128xf32, #tpu.memory_space<vmem>>[vector<16xi32>, vector<16xi32>], vector<16xf32>,
      %get3A_178 = arith.constant 192 : index
      %get3A_179 = tpu.vector_load %arg9[%get3A_178] {strides = array<i32>} : memref<4000xi32, #tpu.memory_space<vmem>>, vector<16xi32>,
      %shift_right_logical3A_180 = arith.constant 7 : i32
      %shift_right_logical3A_181 = vector.broadcast %shift_right_logical3A_180 : i32 to vector<16xi32>
      %shift_right_logical3A_182 = arith.shrui %get3A_179, %shift_right_logical3A_181 : vector<16xi32>
      %and3A_183 = arith.constant 127 : i32
      %and3A_184 = vector.broadcast %and3A_183 : i32 to vector<16xi32>
      %and3A_185 = arith.andi %get3A_179, %and3A_184 : vector<16xi32>
      tpu.vector_store_idx %arg12[%shift_right_logical3A_182, %and3A_185], %broadcast_in_dim3A_13 {add = true} : memref<128x128xf32, #tpu.memory_space<vmem>>[vector<16xi32>, vector<16xi32>], vector<16xf32>,
      %get3A_186 = arith.constant 208 : index
      %get3A_187 = tpu.vector_load %arg9[%get3A_186] {strides = array<i32>} : memref<4000xi32, #tpu.memory_space<vmem>>, vector<16xi32>,
      %shift_right_logical3A_188 = arith.constant 7 : i32
      %shift_right_logical3A_189 = vector.broadcast %shift_right_logical3A_188 : i32 to vector<16xi32>
      %shift_right_logical3A_190 = arith.shrui %get3A_187, %shift_right_logical3A_189 : vector<16xi32>
      %and3A_191 = arith.constant 127 : i32
      %and3A_192 = vector.broadcast %and3A_191 : i32 to vector<16xi32>
      %and3A_193 = arith.andi %get3A_187, %and3A_192 : vector<16xi32>
      tpu.vector_store_idx %arg12[%shift_right_logical3A_190, %and3A_193], %broadcast_in_dim3A_13 {add = true} : memref<128x128xf32, #tpu.memory_space<vmem>>[vector<16xi32>, vector<16xi32>], vector<16xf32>,
      %get3A_194 = arith.constant 224 : index
      %get3A_195 = tpu.vector_load %arg9[%get3A_194] {strides = array<i32>} : memref<4000xi32, #tpu.memory_space<vmem>>, vector<16xi32>,
      %shift_right_logical3A_196 = arith.constant 7 : i32
      %shift_right_logical3A_197 = vector.broadcast %shift_right_logical3A_196 : i32 to vector<16xi32>
      %shift_right_logical3A_198 = arith.shrui %get3A_195, %shift_right_logical3A_197 : vector<16xi32>
      %and3A_199 = arith.constant 127 : i32
      %and3A_200 = vector.broadcast %and3A_199 : i32 to vector<16xi32>
      %and3A_201 = arith.andi %get3A_195, %and3A_200 : vector<16xi32>
      tpu.vector_store_idx %arg12[%shift_right_logical3A_198, %and3A_201], %broadcast_in_dim3A_13 {add = true} : memref<128x128xf32, #tpu.memory_space<vmem>>[vector<16xi32>, vector<16xi32>], vector<16xf32>,
      %dma_wait3A_202 = arith.constant 160 : i32
      %dma_wait3A_203 = tpu.memref_slice %arg9[%dma_wait3A_202] : memref<4000xi32, #tpu.memory_space<vmem>> -> memref<80xi32, #tpu.memory_space<vmem>>
      %dma_wait3A_204 = arith.constant 0 : i32
      %dma_wait3A_205 = arith.constant 0 : i32
      %dma_wait3A_206 = tpu.memref_slice %arg14[%dma_wait3A_204, %dma_wait3A_205] : memref<10240x128xf32, #tpu.memory_space<vmem_shared>> -> memref<10240x128xf32, #tpu.memory_space<vmem_shared>>
      tpu.wait_indirect_dma semaphore(%arg18 : memref<!tpu.dma_semaphore, #tpu.memory_space<semaphore_mem>>) src(%arg10 : memref<80x128xf32, #tpu.memory_space<vmem>>) dst(%dma_wait3A_206 : memref<10240x128xf32, #tpu.memory_space<vmem_shared>>)
      %dma_start3A_207 = arith.constant 320 : i32
      %dma_start3A_208 = tpu.memref_slice %arg8[%dma_start3A_207] : memref<4000xi32, #tpu.memory_space<vmem>> -> memref<80xi32, #tpu.memory_space<vmem>>
      %dma_start3A_209 = arith.constant 0 : i32
      %dma_start3A_210 = arith.constant 0 : i32
      %dma_start3A_211 = tpu.memref_slice %arg2[%dma_start3A_209, %dma_start3A_210] : memref<10240x128xf32, #tpu.memory_space<hbm>> -> memref<10240x128xf32, #tpu.memory_space<hbm>>
      tpu.enqueue_indirect_dma source(%dma_start3A_211 : memref<10240x128xf32, #tpu.memory_space<hbm>>) target(%arg10 : memref<80x128xf32, #tpu.memory_space<vmem>>) offsets(%dma_start3A_208 : memref<80xi32, #tpu.memory_space<vmem>>) semaphore(%arg16 : memref<!tpu.dma_semaphore, #tpu.memory_space<semaphore_mem>>)
      %dma_wait3A_212 = arith.constant 240 : i32
      %dma_wait3A_213 = tpu.memref_slice %arg8[%dma_wait3A_212] : memref<4000xi32, #tpu.memory_space<vmem>> -> memref<80xi32, #tpu.memory_space<vmem>>
      %dma_wait3A_214 = arith.constant 0 : i32
      %dma_wait3A_215 = arith.constant 0 : i32
      %dma_wait3A_216 = tpu.memref_slice %arg2[%dma_wait3A_214, %dma_wait3A_215] : memref<10240x128xf32, #tpu.memory_space<hbm>> -> memref<10240x128xf32, #tpu.memory_space<hbm>>
      tpu.wait_indirect_dma semaphore(%arg17 : memref<!tpu.dma_semaphore, #tpu.memory_space<semaphore_mem>>) src(%dma_wait3A_216 : memref<10240x128xf32, #tpu.memory_space<hbm>>) dst(%arg11 : memref<80x128xf32, #tpu.memory_space<vmem>>)
      %dma_start3A_217 = arith.constant 240 : i32
      %dma_start3A_218 = tpu.memref_slice %arg9[%dma_start3A_217] : memref<4000xi32, #tpu.memory_space<vmem>> -> memref<80xi32, #tpu.memory_space<vmem>>
      %dma_start3A_219 = arith.constant 0 : i32
      %dma_start3A_220 = arith.constant 0 : i32
      %dma_start3A_221 = tpu.memref_slice %arg14[%dma_start3A_219, %dma_start3A_220] : memref<10240x128xf32, #tpu.memory_space<vmem_shared>> -> memref<10240x128xf32, #tpu.memory_space<vmem_shared>>
      tpu.enqueue_indirect_dma source(%arg11 : memref<80x128xf32, #tpu.memory_space<vmem>>) target(%dma_start3A_221 : memref<10240x128xf32, #tpu.memory_space<vmem_shared>>) offsets(%dma_start3A_218 : memref<80xi32, #tpu.memory_space<vmem>>) semaphore(%arg19 : memref<!tpu.dma_semaphore, #tpu.memory_space<semaphore_mem>>) {add = true}
      %get3A_222 = arith.constant 240 : index
      %get3A_223 = tpu.vector_load %arg9[%get3A_222] {strides = array<i32>} : memref<4000xi32, #tpu.memory_space<vmem>>, vector<16xi32>,
      %shift_right_logical3A_224 = arith.constant 7 : i32
      %shift_right_logical3A_225 = vector.broadcast %shift_right_logical3A_224 : i32 to vector<16xi32>
      %shift_right_logical3A_226 = arith.shrui %get3A_223, %shift_right_logical3A_225 : vector<16xi32>
      %and3A_227 = arith.constant 127 : i32
      %and3A_228 = vector.broadcast %and3A_227 : i32 to vector<16xi32>
      %and3A_229 = arith.andi %get3A_223, %and3A_228 : vector<16xi32>
      tpu.vector_store_idx %arg12[%shift_right_logical3A_226, %and3A_229], %broadcast_in_dim3A_13 {add = true} : memref<128x128xf32, #tpu.memory_space<vmem>>[vector<16xi32>, vector<16xi32>], vector<16xf32>,
      %get3A_230 = arith.constant 256 : index
      %get3A_231 = tpu.vector_load %arg9[%get3A_230] {strides = array<i32>} : memref<4000xi32, #tpu.memory_space<vmem>>, vector<16xi32>,
      %shift_right_logical3A_232 = arith.constant 7 : i32
      %shift_right_logical3A_233 = vector.broadcast %shift_right_logical3A_232 : i32 to vector<16xi32>
      %shift_right_logical3A_234 = arith.shrui %get3A_231, %shift_right_logical3A_233 : vector<16xi32>
      %and3A_235 = arith.constant 127 : i32
      %and3A_236 = vector.broadcast %and3A_235 : i32 to vector<16xi32>
      %and3A_237 = arith.andi %get3A_231, %and3A_236 : vector<16xi32>
      tpu.vector_store_idx %arg12[%shift_right_logical3A_234, %and3A_237], %broadcast_in_dim3A_13 {add = true} : memref<128x128xf32, #tpu.memory_space<vmem>>[vector<16xi32>, vector<16xi32>], vector<16xf32>,
      %get3A_238 = arith.constant 272 : index
      %get3A_239 = tpu.vector_load %arg9[%get3A_238] {strides = array<i32>} : memref<4000xi32, #tpu.memory_space<vmem>>, vector<16xi32>,
      %shift_right_logical3A_240 = arith.constant 7 : i32
      %shift_right_logical3A_241 = vector.broadcast %shift_right_logical3A_240 : i32 to vector<16xi32>
      %shift_right_logical3A_242 = arith.shrui %get3A_239, %shift_right_logical3A_241 : vector<16xi32>
      %and3A_243 = arith.constant 127 : i32
      %and3A_244 = vector.broadcast %and3A_243 : i32 to vector<16xi32>
      %and3A_245 = arith.andi %get3A_239, %and3A_244 : vector<16xi32>
      tpu.vector_store_idx %arg12[%shift_right_logical3A_242, %and3A_245], %broadcast_in_dim3A_13 {add = true} : memref<128x128xf32, #tpu.memory_space<vmem>>[vector<16xi32>, vector<16xi32>], vector<16xf32>,
      %get3A_246 = arith.constant 288 : index
      %get3A_247 = tpu.vector_load %arg9[%get3A_246] {strides = array<i32>} : memref<4000xi32, #tpu.memory_space<vmem>>, vector<16xi32>,
      %shift_right_logical3A_248 = arith.constant 7 : i32
      %shift_right_logical3A_249 = vector.broadcast %shift_right_logical3A_248 : i32 to vector<16xi32>
      %shift_right_logical3A_250 = arith.shrui %get3A_247, %shift_right_logical3A_249 : vector<16xi32>
      %and3A_251 = arith.constant 127 : i32
      %and3A_252 = vector.broadcast %and3A_251 : i32 to vector<16xi32>
      %and3A_253 = arith.andi %get3A_247, %and3A_252 : vector<16xi32>
      tpu.vector_store_idx %arg12[%shift_right_logical3A_250, %and3A_253], %broadcast_in_dim3A_13 {add = true} : memref<128x128xf32, #tpu.memory_space<vmem>>[vector<16xi32>, vector<16xi32>], vector<16xf32>,
      %get3A_254 = arith.constant 304 : index
      %get3A_255 = tpu.vector_load %arg9[%get3A_254] {strides = array<i32>} : memref<4000xi32, #tpu.memory_space<vmem>>, vector<16xi32>,
      %shift_right_logical3A_256 = arith.constant 7 : i32
      %shift_right_logical3A_257 = vector.broadcast %shift_right_logical3A_256 : i32 to vector<16xi32>
      %shift_right_logical3A_258 = arith.shrui %get3A_255, %shift_right_logical3A_257 : vector<16xi32>
      %and3A_259 = arith.constant 127 : i32
      %and3A_260 = vector.broadcast %and3A_259 : i32 to vector<16xi32>
      %and3A_261 = arith.andi %get3A_255, %and3A_260 : vector<16xi32>
      tpu.vector_store_idx %arg12[%shift_right_logical3A_258, %and3A_261], %broadcast_in_dim3A_13 {add = true} : memref<128x128xf32, #tpu.memory_space<vmem>>[vector<16xi32>, vector<16xi32>], vector<16xf32>,
      %dma_wait3A_262 = arith.constant 240 : i32
      %dma_wait3A_263 = tpu.memref_slice %arg9[%dma_wait3A_262] : memref<4000xi32, #tpu.memory_space<vmem>> -> memref<80xi32, #tpu.memory_space<vmem>>
      %dma_wait3A_264 = arith.constant 0 : i32
      %dma_wait3A_265 = arith.constant 0 : i32
      %dma_wait3A_266 = tpu.memref_slice %arg14[%dma_wait3A_264, %dma_wait3A_265] : memref<10240x128xf32, #tpu.memory_space<vmem_shared>> -> memref<10240x128xf32, #tpu.memory_space<vmem_shared>>
      tpu.wait_indirect_dma semaphore(%arg19 : memref<!tpu.dma_semaphore, #tpu.memory_space<semaphore_mem>>) src(%arg11 : memref<80x128xf32, #tpu.memory_space<vmem>>) dst(%dma_wait3A_266 : memref<10240x128xf32, #tpu.memory_space<vmem_shared>>)
      %dma_start3A_267 = arith.constant 400 : i32
      %dma_start3A_268 = tpu.memref_slice %arg8[%dma_start3A_267] : memref<4000xi32, #tpu.memory_space<vmem>> -> memref<80xi32, #tpu.memory_space<vmem>>
      %dma_start3A_269 = arith.constant 0 : i32
      %dma_start3A_270 = arith.constant 0 : i32
      %dma_start3A_271 = tpu.memref_slice %arg2[%dma_start3A_269, %dma_start3A_270] : memref<10240x128xf32, #tpu.memory_space<hbm>> -> memref<10240x128xf32, #tpu.memory_space<hbm>>
      tpu.enqueue_indirect_dma source(%dma_start3A_271 : memref<10240x128xf32, #tpu.memory_space<hbm>>) target(%arg11 : memref<80x128xf32, #tpu.memory_space<vmem>>) offsets(%dma_start3A_268 : memref<80xi32, #tpu.memory_space<vmem>>) semaphore(%arg17 : memref<!tpu.dma_semaphore, #tpu.memory_space<semaphore_mem>>)
      %dma_wait3A_272 = arith.constant 320 : i32
      %dma_wait3A_273 = tpu.memref_slice %arg8[%dma_wait3A_272] : memref<4000xi32, #tpu.memory_space<vmem>> -> memref<80xi32, #tpu.memory_space<vmem>>
      %dma_wait3A_274 = arith.constant 0 : i32
      %dma_wait3A_275 = arith.constant 0 : i32
      %dma_wait3A_276 = tpu.memref_slice %arg2[%dma_wait3A_274, %dma_wait3A_275] : memref<10240x128xf32, #tpu.memory_space<hbm>> -> memref<10240x128xf32, #tpu.memory_space<hbm>>
      tpu.wait_indirect_dma semaphore(%arg16 : memref<!tpu.dma_semaphore, #tpu.memory_space<semaphore_mem>>) src(%dma_wait3A_276 : memref<10240x128xf32, #tpu.memory_space<hbm>>) dst(%arg10 : memref<80x128xf32, #tpu.memory_space<vmem>>)
      %dma_start3A_277 = arith.constant 320 : i32
      %dma_start3A_278 = tpu.memref_slice %arg9[%dma_start3A_277] : memref<4000xi32, #tpu.memory_space<vmem>> -> memref<80xi32, #tpu.memory_space<vmem>>
      %dma_start3A_279 = arith.constant 0 : i32
      %dma_start3A_280 = arith.constant 0 : i32
      %dma_start3A_281 = tpu.memref_slice %arg14[%dma_start3A_279, %dma_start3A_280] : memref<10240x128xf32, #tpu.memory_space<vmem_shared>> -> memref<10240x128xf32, #tpu.memory_space<vmem_shared>>
      tpu.enqueue_indirect_dma source(%arg10 : memref<80x128xf32, #tpu.memory_space<vmem>>) target(%dma_start3A_281 : memref<10240x128xf32, #tpu.memory_space<vmem_shared>>) offsets(%dma_start3A_278 : memref<80xi32, #tpu.memory_space<vmem>>) semaphore(%arg18 : memref<!tpu.dma_semaphore, #tpu.memory_space<semaphore_mem>>) {add = true}
      %get3A_282 = arith.constant 320 : index
      %get3A_283 = tpu.vector_load %arg9[%get3A_282] {strides = array<i32>} : memref<4000xi32, #tpu.memory_space<vmem>>, vector<16xi32>,
      %shift_right_logical3A_284 = arith.constant 7 : i32
      %shift_right_logical3A_285 = vector.broadcast %shift_right_logical3A_284 : i32 to vector<16xi32>
      %shift_right_logical3A_286 = arith.shrui %get3A_283, %shift_right_logical3A_285 : vector<16xi32>
      %and3A_287 = arith.constant 127 : i32
      %and3A_288 = vector.broadcast %and3A_287 : i32 to vector<16xi32>
      %and3A_289 = arith.andi %get3A_283, %and3A_288 : vector<16xi32>
      tpu.vector_store_idx %arg12[%shift_right_logical3A_286, %and3A_289], %broadcast_in_dim3A_13 {add = true} : memref<128x128xf32, #tpu.memory_space<vmem>>[vector<16xi32>, vector<16xi32>], vector<16xf32>,
      %get3A_290 = arith.constant 336 : index
      %get3A_291 = tpu.vector_load %arg9[%get3A_290] {strides = array<i32>} : memref<4000xi32, #tpu.memory_space<vmem>>, vector<16xi32>,
      %shift_right_logical3A_292 = arith.constant 7 : i32
      %shift_right_logical3A_293 = vector.broadcast %shift_right_logical3A_292 : i32 to vector<16xi32>
      %shift_right_logical3A_294 = arith.shrui %get3A_291, %shift_right_logical3A_293 : vector<16xi32>
      %and3A_295 = arith.constant 127 : i32
      %and3A_296 = vector.broadcast %and3A_295 : i32 to vector<16xi32>
      %and3A_297 = arith.andi %get3A_291, %and3A_296 : vector<16xi32>
      tpu.vector_store_idx %arg12[%shift_right_logical3A_294, %and3A_297], %broadcast_in_dim3A_13 {add = true} : memref<128x128xf32, #tpu.memory_space<vmem>>[vector<16xi32>, vector<16xi32>], vector<16xf32>,
      %get3A_298 = arith.constant 352 : index
      %get3A_299 = tpu.vector_load %arg9[%get3A_298] {strides = array<i32>} : memref<4000xi32, #tpu.memory_space<vmem>>, vector<16xi32>,
      %shift_right_logical3A_300 = arith.constant 7 : i32
      %shift_right_logical3A_301 = vector.broadcast %shift_right_logical3A_300 : i32 to vector<16xi32>
      %shift_right_logical3A_302 = arith.shrui %get3A_299, %shift_right_logical3A_301 : vector<16xi32>
      %and3A_303 = arith.constant 127 : i32
      %and3A_304 = vector.broadcast %and3A_303 : i32 to vector<16xi32>
      %and3A_305 = arith.andi %get3A_299, %and3A_304 : vector<16xi32>
      tpu.vector_store_idx %arg12[%shift_right_logical3A_302, %and3A_305], %broadcast_in_dim3A_13 {add = true} : memref<128x128xf32, #tpu.memory_space<vmem>>[vector<16xi32>, vector<16xi32>], vector<16xf32>,
      %get3A_306 = arith.constant 368 : index
      %get3A_307 = tpu.vector_load %arg9[%get3A_306] {strides = array<i32>} : memref<4000xi32, #tpu.memory_space<vmem>>, vector<16xi32>,
      %shift_right_logical3A_308 = arith.constant 7 : i32
      %shift_right_logical3A_309 = vector.broadcast %shift_right_logical3A_308 : i32 to vector<16xi32>
      %shift_right_logical3A_310 = arith.shrui %get3A_307, %shift_right_logical3A_309 : vector<16xi32>
      %and3A_311 = arith.constant 127 : i32
      %and3A_312 = vector.broadcast %and3A_311 : i32 to vector<16xi32>
      %and3A_313 = arith.andi %get3A_307, %and3A_312 : vector<16xi32>
      tpu.vector_store_idx %arg12[%shift_right_logical3A_310, %and3A_313], %broadcast_in_dim3A_13 {add = true} : memref<128x128xf32, #tpu.memory_space<vmem>>[vector<16xi32>, vector<16xi32>], vector<16xf32>,
      %get3A_314 = arith.constant 384 : index
      %get3A_315 = tpu.vector_load %arg9[%get3A_314] {strides = array<i32>} : memref<4000xi32, #tpu.memory_space<vmem>>, vector<16xi32>,
      %shift_right_logical3A_316 = arith.constant 7 : i32
      %shift_right_logical3A_317 = vector.broadcast %shift_right_logical3A_316 : i32 to vector<16xi32>
      %shift_right_logical3A_318 = arith.shrui %get3A_315, %shift_right_logical3A_317 : vector<16xi32>
      %and3A_319 = arith.constant 127 : i32
      %and3A_320 = vector.broadcast %and3A_319 : i32 to vector<16xi32>
      %and3A_321 = arith.andi %get3A_315, %and3A_320 : vector<16xi32>
      tpu.vector_store_idx %arg12[%shift_right_logical3A_318, %and3A_321], %broadcast_in_dim3A_13 {add = true} : memref<128x128xf32, #tpu.memory_space<vmem>>[vector<16xi32>, vector<16xi32>], vector<16xf32>,
      %dma_wait3A_322 = arith.constant 320 : i32
      %dma_wait3A_323 = tpu.memref_slice %arg9[%dma_wait3A_322] : memref<4000xi32, #tpu.memory_space<vmem>> -> memref<80xi32, #tpu.memory_space<vmem>>
      %dma_wait3A_324 = arith.constant 0 : i32
      %dma_wait3A_325 = arith.constant 0 : i32
      %dma_wait3A_326 = tpu.memref_slice %arg14[%dma_wait3A_324, %dma_wait3A_325] : memref<10240x128xf32, #tpu.memory_space<vmem_shared>> -> memref<10240x128xf32, #tpu.memory_space<vmem_shared>>
      tpu.wait_indirect_dma semaphore(%arg18 : memref<!tpu.dma_semaphore, #tpu.memory_space<semaphore_mem>>) src(%arg10 : memref<80x128xf32, #tpu.memory_space<vmem>>) dst(%dma_wait3A_326 : memref<10240x128xf32, #tpu.memory_space<vmem_shared>>)
      %dma_start3A_327 = arith.constant 480 : i32
      %dma_start3A_328 = tpu.memref_slice %arg8[%dma_start3A_327] : memref<4000xi32, #tpu.memory_space<vmem>> -> memref<80xi32, #tpu.memory_space<vmem>>
      %dma_start3A_329 = arith.constant 0 : i32
      %dma_start3A_330 = arith.constant 0 : i32
      %dma_start3A_331 = tpu.memref_slice %arg2[%dma_start3A_329, %dma_start3A_330] : memref<10240x128xf32, #tpu.memory_space<hbm>> -> memref<10240x128xf32, #tpu.memory_space<hbm>>
      tpu.enqueue_indirect_dma source(%dma_start3A_331 : memref<10240x128xf32, #tpu.memory_space<hbm>>) target(%arg10 : memref<80x128xf32, #tpu.memory_space<vmem>>) offsets(%dma_start3A_328 : memref<80xi32, #tpu.memory_space<vmem>>) semaphore(%arg16 : memref<!tpu.dma_semaphore, #tpu.memory_space<semaphore_mem>>)
      %dma_wait3A_332 = arith.constant 400 : i32
      %dma_wait3A_333 = tpu.memref_slice %arg8[%dma_wait3A_332] : memref<4000xi32, #tpu.memory_space<vmem>> -> memref<80xi32, #tpu.memory_space<vmem>>
      %dma_wait3A_334 = arith.constant 0 : i32
      %dma_wait3A_335 = arith.constant 0 : i32
      %dma_wait3A_336 = tpu.memref_slice %arg2[%dma_wait3A_334, %dma_wait3A_335] : memref<10240x128xf32, #tpu.memory_space<hbm>> -> memref<10240x128xf32, #tpu.memory_space<hbm>>
      tpu.wait_indirect_dma semaphore(%arg17 : memref<!tpu.dma_semaphore, #tpu.memory_space<semaphore_mem>>) src(%dma_wait3A_336 : memref<10240x128xf32, #tpu.memory_space<hbm>>) dst(%arg11 : memref<80x128xf32, #tpu.memory_space<vmem>>)
      %dma_start3A_337 = arith.constant 400 : i32
      %dma_start3A_338 = tpu.memref_slice %arg9[%dma_start3A_337] : memref<4000xi32, #tpu.memory_space<vmem>> -> memref<80xi32, #tpu.memory_space<vmem>>
      %dma_start3A_339 = arith.constant 0 : i32
      %dma_start3A_340 = arith.constant 0 : i32
      %dma_start3A_341 = tpu.memref_slice %arg14[%dma_start3A_339, %dma_start3A_340] : memref<10240x128xf32, #tpu.memory_space<vmem_shared>> -> memref<10240x128xf32, #tpu.memory_space<vmem_shared>>
      tpu.enqueue_indirect_dma source(%arg11 : memref<80x128xf32, #tpu.memory_space<vmem>>) target(%dma_start3A_341 : memref<10240x128xf32, #tpu.memory_space<vmem_shared>>) offsets(%dma_start3A_338 : memref<80xi32, #tpu.memory_space<vmem>>) semaphore(%arg19 : memref<!tpu.dma_semaphore, #tpu.memory_space<semaphore_mem>>) {add = true}
      %get3A_342 = arith.constant 400 : index
      %get3A_343 = tpu.vector_load %arg9[%get3A_342] {strides = array<i32>} : memref<4000xi32, #tpu.memory_space<vmem>>, vector<16xi32>,
      %shift_right_logical3A_344 = arith.constant 7 : i32
      %shift_right_logical3A_345 = vector.broadcast %shift_right_logical3A_344 : i32 to vector<16xi32>
      %shift_right_logical3A_346 = arith.shrui %get3A_343, %shift_right_logical3A_345 : vector<16xi32>
      %and3A_347 = arith.constant 127 : i32
      %and3A_348 = vector.broadcast %and3A_347 : i32 to vector<16xi32>
      %and3A_349 = arith.andi %get3A_343, %and3A_348 : vector<16xi32>
      tpu.vector_store_idx %arg12[%shift_right_logical3A_346, %and3A_349], %broadcast_in_dim3A_13 {add = true} : memref<128x128xf32, #tpu.memory_space<vmem>>[vector<16xi32>, vector<16xi32>], vector<16xf32>,
      %get3A_350 = arith.constant 416 : index
      %get3A_351 = tpu.vector_load %arg9[%get3A_350] {strides = array<i32>} : memref<4000xi32, #tpu.memory_space<vmem>>, vector<16xi32>,
      %shift_right_logical3A_352 = arith.constant 7 : i32
      %shift_right_logical3A_353 = vector.broadcast %shift_right_logical3A_352 : i32 to vector<16xi32>
      %shift_right_logical3A_354 = arith.shrui %get3A_351, %shift_right_logical3A_353 : vector<16xi32>
      %and3A_355 = arith.constant 127 : i32
      %and3A_356 = vector.broadcast %and3A_355 : i32 to vector<16xi32>
      %and3A_357 = arith.andi %get3A_351, %and3A_356 : vector<16xi32>
      tpu.vector_store_idx %arg12[%shift_right_logical3A_354, %and3A_357], %broadcast_in_dim3A_13 {add = true} : memref<128x128xf32, #tpu.memory_space<vmem>>[vector<16xi32>, vector<16xi32>], vector<16xf32>,
      %get3A_358 = arith.constant 432 : index
      %get3A_359 = tpu.vector_load %arg9[%get3A_358] {strides = array<i32>} : memref<4000xi32, #tpu.memory_space<vmem>>, vector<16xi32>,
      %shift_right_logical3A_360 = arith.constant 7 : i32
      %shift_right_logical3A_361 = vector.broadcast %shift_right_logical3A_360 : i32 to vector<16xi32>
      %shift_right_logical3A_362 = arith.shrui %get3A_359, %shift_right_logical3A_361 : vector<16xi32>
      %and3A_363 = arith.constant 127 : i32
      %and3A_364 = vector.broadcast %and3A_363 : i32 to vector<16xi32>
      %and3A_365 = arith.andi %get3A_359, %and3A_364 : vector<16xi32>
      tpu.vector_store_idx %arg12[%shift_right_logical3A_362, %and3A_365], %broadcast_in_dim3A_13 {add = true} : memref<128x128xf32, #tpu.memory_space<vmem>>[vector<16xi32>, vector<16xi32>], vector<16xf32>,
      %get3A_366 = arith.constant 448 : index
      %get3A_367 = tpu.vector_load %arg9[%get3A_366] {strides = array<i32>} : memref<4000xi32, #tpu.memory_space<vmem>>, vector<16xi32>,
      %shift_right_logical3A_368 = arith.constant 7 : i32
      %shift_right_logical3A_369 = vector.broadcast %shift_right_logical3A_368 : i32 to vector<16xi32>
      %shift_right_logical3A_370 = arith.shrui %get3A_367, %shift_right_logical3A_369 : vector<16xi32>
      %and3A_371 = arith.constant 127 : i32
      %and3A_372 = vector.broadcast %and3A_371 : i32 to vector<16xi32>
      %and3A_373 = arith.andi %get3A_367, %and3A_372 : vector<16xi32>
      tpu.vector_store_idx %arg12[%shift_right_logical3A_370, %and3A_373], %broadcast_in_dim3A_13 {add = true} : memref<128x128xf32, #tpu.memory_space<vmem>>[vector<16xi32>, vector<16xi32>], vector<16xf32>,
      %get3A_374 = arith.constant 464 : index
      %get3A_375 = tpu.vector_load %arg9[%get3A_374] {strides = array<i32>} : memref<4000xi32, #tpu.memory_space<vmem>>, vector<16xi32>,
      %shift_right_logical3A_376 = arith.constant 7 : i32
      %shift_right_logical3A_377 = vector.broadcast %shift_right_logical3A_376 : i32 to vector<16xi32>
      %shift_right_logical3A_378 = arith.shrui %get3A_375, %shift_right_logical3A_377 : vector<16xi32>
      %and3A_379 = arith.constant 127 : i32
      %and3A_380 = vector.broadcast %and3A_379 : i32 to vector<16xi32>
      %and3A_381 = arith.andi %get3A_375, %and3A_380 : vector<16xi32>
      tpu.vector_store_idx %arg12[%shift_right_logical3A_378, %and3A_381], %broadcast_in_dim3A_13 {add = true} : memref<128x128xf32, #tpu.memory_space<vmem>>[vector<16xi32>, vector<16xi32>], vector<16xf32>,
      %dma_wait3A_382 = arith.constant 400 : i32
      %dma_wait3A_383 = tpu.memref_slice %arg9[%dma_wait3A_382] : memref<4000xi32, #tpu.memory_space<vmem>> -> memref<80xi32, #tpu.memory_space<vmem>>
      %dma_wait3A_384 = arith.constant 0 : i32
      %dma_wait3A_385 = arith.constant 0 : i32
      %dma_wait3A_386 = tpu.memref_slice %arg14[%dma_wait3A_384, %dma_wait3A_385] : memref<10240x128xf32, #tpu.memory_space<vmem_shared>> -> memref<10240x128xf32, #tpu.memory_space<vmem_shared>>
      tpu.wait_indirect_dma semaphore(%arg19 : memref<!tpu.dma_semaphore, #tpu.memory_space<semaphore_mem>>) src(%arg11 : memref<80x128xf32, #tpu.memory_space<vmem>>) dst(%dma_wait3A_386 : memref<10240x128xf32, #tpu.memory_space<vmem_shared>>)
      %dma_start3A_387 = arith.constant 560 : i32
      %dma_start3A_388 = tpu.memref_slice %arg8[%dma_start3A_387] : memref<4000xi32, #tpu.memory_space<vmem>> -> memref<80xi32, #tpu.memory_space<vmem>>
      %dma_start3A_389 = arith.constant 0 : i32
      %dma_start3A_390 = arith.constant 0 : i32
      %dma_start3A_391 = tpu.memref_slice %arg2[%dma_start3A_389, %dma_start3A_390] : memref<10240x128xf32, #tpu.memory_space<hbm>> -> memref<10240x128xf32, #tpu.memory_space<hbm>>
      tpu.enqueue_indirect_dma source(%dma_start3A_391 : memref<10240x128xf32, #tpu.memory_space<hbm>>) target(%arg11 : memref<80x128xf32, #tpu.memory_space<vmem>>) offsets(%dma_start3A_388 : memref<80xi32, #tpu.memory_space<vmem>>) semaphore(%arg17 : memref<!tpu.dma_semaphore, #tpu.memory_space<semaphore_mem>>)
      %dma_wait3A_392 = arith.constant 480 : i32
      %dma_wait3A_393 = tpu.memref_slice %arg8[%dma_wait3A_392] : memref<4000xi32, #tpu.memory_space<vmem>> -> memref<80xi32, #tpu.memory_space<vmem>>
      %dma_wait3A_394 = arith.constant 0 : i32
      %dma_wait3A_395 = arith.constant 0 : i32
      %dma_wait3A_396 = tpu.memref_slice %arg2[%dma_wait3A_394, %dma_wait3A_395] : memref<10240x128xf32, #tpu.memory_space<hbm>> -> memref<10240x128xf32, #tpu.memory_space<hbm>>
      tpu.wait_indirect_dma semaphore(%arg16 : memref<!tpu.dma_semaphore, #tpu.memory_space<semaphore_mem>>) src(%dma_wait3A_396 : memref<10240x128xf32, #tpu.memory_space<hbm>>) dst(%arg10 : memref<80x128xf32, #tpu.memory_space<vmem>>)
      %dma_start3A_397 = arith.constant 480 : i32
      %dma_start3A_398 = tpu.memref_slice %arg9[%dma_start3A_397] : memref<4000xi32, #tpu.memory_space<vmem>> -> memref<80xi32, #tpu.memory_space<vmem>>
      %dma_start3A_399 = arith.constant 0 : i32
      %dma_start3A_400 = arith.constant 0 : i32
      %dma_start3A_401 = tpu.memref_slice %arg14[%dma_start3A_399, %dma_start3A_400] : memref<10240x128xf32, #tpu.memory_space<vmem_shared>> -> memref<10240x128xf32, #tpu.memory_space<vmem_shared>>
      tpu.enqueue_indirect_dma source(%arg10 : memref<80x128xf32, #tpu.memory_space<vmem>>) target(%dma_start3A_401 : memref<10240x128xf32, #tpu.memory_space<vmem_shared>>) offsets(%dma_start3A_398 : memref<80xi32, #tpu.memory_space<vmem>>) semaphore(%arg18 : memref<!tpu.dma_semaphore, #tpu.memory_space<semaphore_mem>>) {add = true}
      %get3A_402 = arith.constant 480 : index
      %get3A_403 = tpu.vector_load %arg9[%get3A_402] {strides = array<i32>} : memref<4000xi32, #tpu.memory_space<vmem>>, vector<16xi32>,
      %shift_right_logical3A_404 = arith.constant 7 : i32
      %shift_right_logical3A_405 = vector.broadcast %shift_right_logical3A_404 : i32 to vector<16xi32>
      %shift_right_logical3A_406 = arith.shrui %get3A_403, %shift_right_logical3A_405 : vector<16xi32>
      %and3A_407 = arith.constant 127 : i32
      %and3A_408 = vector.broadcast %and3A_407 : i32 to vector<16xi32>
      %and3A_409 = arith.andi %get3A_403, %and3A_408 : vector<16xi32>
      tpu.vector_store_idx %arg12[%shift_right_logical3A_406, %and3A_409], %broadcast_in_dim3A_13 {add = true} : memref<128x128xf32, #tpu.memory_space<vmem>>[vector<16xi32>, vector<16xi32>], vector<16xf32>,
      %get3A_410 = arith.constant 496 : index
      %get3A_411 = tpu.vector_load %arg9[%get3A_410] {strides = array<i32>} : memref<4000xi32, #tpu.memory_space<vmem>>, vector<16xi32>,
      %shift_right_logical3A_412 = arith.constant 7 : i32
      %shift_right_logical3A_413 = vector.broadcast %shift_right_logical3A_412 : i32 to vector<16xi32>
      %shift_right_logical3A_414 = arith.shrui %get3A_411, %shift_right_logical3A_413 : vector<16xi32>
      %and3A_415 = arith.constant 127 : i32
      %and3A_416 = vector.broadcast %and3A_415 : i32 to vector<16xi32>
      %and3A_417 = arith.andi %get3A_411, %and3A_416 : vector<16xi32>
      tpu.vector_store_idx %arg12[%shift_right_logical3A_414, %and3A_417], %broadcast_in_dim3A_13 {add = true} : memref<128x128xf32, #tpu.memory_space<vmem>>[vector<16xi32>, vector<16xi32>], vector<16xf32>,
      %get3A_418 = arith.constant 512 : index
      %get3A_419 = tpu.vector_load %arg9[%get3A_418] {strides = array<i32>} : memref<4000xi32, #tpu.memory_space<vmem>>, vector<16xi32>,
      %shift_right_logical3A_420 = arith.constant 7 : i32
      %shift_right_logical3A_421 = vector.broadcast %shift_right_logical3A_420 : i32 to vector<16xi32>
      %shift_right_logical3A_422 = arith.shrui %get3A_419, %shift_right_logical3A_421 : vector<16xi32>
      %and3A_423 = arith.constant 127 : i32
      %and3A_424 = vector.broadcast %and3A_423 : i32 to vector<16xi32>
      %and3A_425 = arith.andi %get3A_419, %and3A_424 : vector<16xi32>
      tpu.vector_store_idx %arg12[%shift_right_logical3A_422, %and3A_425], %broadcast_in_dim3A_13 {add = true} : memref<128x128xf32, #tpu.memory_space<vmem>>[vector<16xi32>, vector<16xi32>], vector<16xf32>,
      %get3A_426 = arith.constant 528 : index
      %get3A_427 = tpu.vector_load %arg9[%get3A_426] {strides = array<i32>} : memref<4000xi32, #tpu.memory_space<vmem>>, vector<16xi32>,
      %shift_right_logical3A_428 = arith.constant 7 : i32
      %shift_right_logical3A_429 = vector.broadcast %shift_right_logical3A_428 : i32 to vector<16xi32>
      %shift_right_logical3A_430 = arith.shrui %get3A_427, %shift_right_logical3A_429 : vector<16xi32>
      %and3A_431 = arith.constant 127 : i32
      %and3A_432 = vector.broadcast %and3A_431 : i32 to vector<16xi32>
      %and3A_433 = arith.andi %get3A_427, %and3A_432 : vector<16xi32>
      tpu.vector_store_idx %arg12[%shift_right_logical3A_430, %and3A_433], %broadcast_in_dim3A_13 {add = true} : memref<128x128xf32, #tpu.memory_space<vmem>>[vector<16xi32>, vector<16xi32>], vector<16xf32>,
      %get3A_434 = arith.constant 544 : index
      %get3A_435 = tpu.vector_load %arg9[%get3A_434] {strides = array<i32>} : memref<4000xi32, #tpu.memory_space<vmem>>, vector<16xi32>,
      %shift_right_logical3A_436 = arith.constant 7 : i32
      %shift_right_logical3A_437 = vector.broadcast %shift_right_logical3A_436 : i32 to vector<16xi32>
      %shift_right_logical3A_438 = arith.shrui %get3A_435, %shift_right_logical3A_437 : vector<16xi32>
      %and3A_439 = arith.constant 127 : i32
      %and3A_440 = vector.broadcast %and3A_439 : i32 to vector<16xi32>
      %and3A_441 = arith.andi %get3A_435, %and3A_440 : vector<16xi32>
      tpu.vector_store_idx %arg12[%shift_right_logical3A_438, %and3A_441], %broadcast_in_dim3A_13 {add = true} : memref<128x128xf32, #tpu.memory_space<vmem>>[vector<16xi32>, vector<16xi32>], vector<16xf32>,
      %dma_wait3A_442 = arith.constant 480 : i32
      %dma_wait3A_443 = tpu.memref_slice %arg9[%dma_wait3A_442] : memref<4000xi32, #tpu.memory_space<vmem>> -> memref<80xi32, #tpu.memory_space<vmem>>
      %dma_wait3A_444 = arith.constant 0 : i32
      %dma_wait3A_445 = arith.constant 0 : i32
      %dma_wait3A_446 = tpu.memref_slice %arg14[%dma_wait3A_444, %dma_wait3A_445] : memref<10240x128xf32, #tpu.memory_space<vmem_shared>> -> memref<10240x128xf32, #tpu.memory_space<vmem_shared>>
      tpu.wait_indirect_dma semaphore(%arg18 : memref<!tpu.dma_semaphore, #tpu.memory_space<semaphore_mem>>) src(%arg10 : memref<80x128xf32, #tpu.memory_space<vmem>>) dst(%dma_wait3A_446 : memref<10240x128xf32, #tpu.memory_space<vmem_shared>>)
      %dma_start3A_447 = arith.constant 640 : i32
      %dma_start3A_448 = tpu.memref_slice %arg8[%dma_start3A_447] : memref<4000xi32, #tpu.memory_space<vmem>> -> memref<80xi32, #tpu.memory_space<vmem>>
      %dma_start3A_449 = arith.constant 0 : i32
      %dma_start3A_450 = arith.constant 0 : i32
      %dma_start3A_451 = tpu.memref_slice %arg2[%dma_start3A_449, %dma_start3A_450] : memref<10240x128xf32, #tpu.memory_space<hbm>> -> memref<10240x128xf32, #tpu.memory_space<hbm>>
      tpu.enqueue_indirect_dma source(%dma_start3A_451 : memref<10240x128xf32, #tpu.memory_space<hbm>>) target(%arg10 : memref<80x128xf32, #tpu.memory_space<vmem>>) offsets(%dma_start3A_448 : memref<80xi32, #tpu.memory_space<vmem>>) semaphore(%arg16 : memref<!tpu.dma_semaphore, #tpu.memory_space<semaphore_mem>>)
      %dma_wait3A_452 = arith.constant 560 : i32
      %dma_wait3A_453 = tpu.memref_slice %arg8[%dma_wait3A_452] : memref<4000xi32, #tpu.memory_space<vmem>> -> memref<80xi32, #tpu.memory_space<vmem>>
      %dma_wait3A_454 = arith.constant 0 : i32
      %dma_wait3A_455 = arith.constant 0 : i32
      %dma_wait3A_456 = tpu.memref_slice %arg2[%dma_wait3A_454, %dma_wait3A_455] : memref<10240x128xf32, #tpu.memory_space<hbm>> -> memref<10240x128xf32, #tpu.memory_space<hbm>>
      tpu.wait_indirect_dma semaphore(%arg17 : memref<!tpu.dma_semaphore, #tpu.memory_space<semaphore_mem>>) src(%dma_wait3A_456 : memref<10240x128xf32, #tpu.memory_space<hbm>>) dst(%arg11 : memref<80x128xf32, #tpu.memory_space<vmem>>)
      %dma_start3A_457 = arith.constant 560 : i32
      %dma_start3A_458 = tpu.memref_slice %arg9[%dma_start3A_457] : memref<4000xi32, #tpu.memory_space<vmem>> -> memref<80xi32, #tpu.memory_space<vmem>>
      %dma_start3A_459 = arith.constant 0 : i32
      %dma_start3A_460 = arith.constant 0 : i32
      %dma_start3A_461 = tpu.memref_slice %arg14[%dma_start3A_459, %dma_start3A_460] : memref<10240x128xf32, #tpu.memory_space<vmem_shared>> -> memref<10240x128xf32, #tpu.memory_space<vmem_shared>>
      tpu.enqueue_indirect_dma source(%arg11 : memref<80x128xf32, #tpu.memory_space<vmem>>) target(%dma_start3A_461 : memref<10240x128xf32, #tpu.memory_space<vmem_shared>>) offsets(%dma_start3A_458 : memref<80xi32, #tpu.memory_space<vmem>>) semaphore(%arg19 : memref<!tpu.dma_semaphore, #tpu.memory_space<semaphore_mem>>) {add = true}
      %get3A_462 = arith.constant 560 : index
      %get3A_463 = tpu.vector_load %arg9[%get3A_462] {strides = array<i32>} : memref<4000xi32, #tpu.memory_space<vmem>>, vector<16xi32>,
      %shift_right_logical3A_464 = arith.constant 7 : i32
      %shift_right_logical3A_465 = vector.broadcast %shift_right_logical3A_464 : i32 to vector<16xi32>
      %shift_right_logical3A_466 = arith.shrui %get3A_463, %shift_right_logical3A_465 : vector<16xi32>
      %and3A_467 = arith.constant 127 : i32
      %and3A_468 = vector.broadcast %and3A_467 : i32 to vector<16xi32>
      %and3A_469 = arith.andi %get3A_463, %and3A_468 : vector<16xi32>
      tpu.vector_store_idx %arg12[%shift_right_logical3A_466, %and3A_469], %broadcast_in_dim3A_13 {add = true} : memref<128x128xf32, #tpu.memory_space<vmem>>[vector<16xi32>, vector<16xi32>], vector<16xf32>,
      %get3A_470 = arith.constant 576 : index
      %get3A_471 = tpu.vector_load %arg9[%get3A_470] {strides = array<i32>} : memref<4000xi32, #tpu.memory_space<vmem>>, vector<16xi32>,
      %shift_right_logical3A_472 = arith.constant 7 : i32
      %shift_right_logical3A_473 = vector.broadcast %shift_right_logical3A_472 : i32 to vector<16xi32>
      %shift_right_logical3A_474 = arith.shrui %get3A_471, %shift_right_logical3A_473 : vector<16xi32>
      %and3A_475 = arith.constant 127 : i32
      %and3A_476 = vector.broadcast %and3A_475 : i32 to vector<16xi32>
      %and3A_477 = arith.andi %get3A_471, %and3A_476 : vector<16xi32>
      tpu.vector_store_idx %arg12[%shift_right_logical3A_474, %and3A_477], %broadcast_in_dim3A_13 {add = true} : memref<128x128xf32, #tpu.memory_space<vmem>>[vector<16xi32>, vector<16xi32>], vector<16xf32>,
      %get3A_478 = arith.constant 592 : index
      %get3A_479 = tpu.vector_load %arg9[%get3A_478] {strides = array<i32>} : memref<4000xi32, #tpu.memory_space<vmem>>, vector<16xi32>,
      %shift_right_logical3A_480 = arith.constant 7 : i32
      %shift_right_logical3A_481 = vector.broadcast %shift_right_logical3A_480 : i32 to vector<16xi32>
      %shift_right_logical3A_482 = arith.shrui %get3A_479, %shift_right_logical3A_481 : vector<16xi32>
      %and3A_483 = arith.constant 127 : i32
      %and3A_484 = vector.broadcast %and3A_483 : i32 to vector<16xi32>
      %and3A_485 = arith.andi %get3A_479, %and3A_484 : vector<16xi32>
      tpu.vector_store_idx %arg12[%shift_right_logical3A_482, %and3A_485], %broadcast_in_dim3A_13 {add = true} : memref<128x128xf32, #tpu.memory_space<vmem>>[vector<16xi32>, vector<16xi32>], vector<16xf32>,
      %get3A_486 = arith.constant 608 : index
      %get3A_487 = tpu.vector_load %arg9[%get3A_486] {strides = array<i32>} : memref<4000xi32, #tpu.memory_space<vmem>>, vector<16xi32>,
      %shift_right_logical3A_488 = arith.constant 7 : i32
      %shift_right_logical3A_489 = vector.broadcast %shift_right_logical3A_488 : i32 to vector<16xi32>
      %shift_right_logical3A_490 = arith.shrui %get3A_487, %shift_right_logical3A_489 : vector<16xi32>
      %and3A_491 = arith.constant 127 : i32
      %and3A_492 = vector.broadcast %and3A_491 : i32 to vector<16xi32>
      %and3A_493 = arith.andi %get3A_487, %and3A_492 : vector<16xi32>
      tpu.vector_store_idx %arg12[%shift_right_logical3A_490, %and3A_493], %broadcast_in_dim3A_13 {add = true} : memref<128x128xf32, #tpu.memory_space<vmem>>[vector<16xi32>, vector<16xi32>], vector<16xf32>,
      %get3A_494 = arith.constant 624 : index
      %get3A_495 = tpu.vector_load %arg9[%get3A_494] {strides = array<i32>} : memref<4000xi32, #tpu.memory_space<vmem>>, vector<16xi32>,
      %shift_right_logical3A_496 = arith.constant 7 : i32
      %shift_right_logical3A_497 = vector.broadcast %shift_right_logical3A_496 : i32 to vector<16xi32>
      %shift_right_logical3A_498 = arith.shrui %get3A_495, %shift_right_logical3A_497 : vector<16xi32>
      %and3A_499 = arith.constant 127 : i32
      %and3A_500 = vector.broadcast %and3A_499 : i32 to vector<16xi32>
      %and3A_501 = arith.andi %get3A_495, %and3A_500 : vector<16xi32>
      tpu.vector_store_idx %arg12[%shift_right_logical3A_498, %and3A_501], %broadcast_in_dim3A_13 {add = true} : memref<128x128xf32, #tpu.memory_space<vmem>>[vector<16xi32>, vector<16xi32>], vector<16xf32>,
      %dma_wait3A_502 = arith.constant 560 : i32
      %dma_wait3A_503 = tpu.memref_slice %arg9[%dma_wait3A_502] : memref<4000xi32, #tpu.memory_space<vmem>> -> memref<80xi32, #tpu.memory_space<vmem>>
      %dma_wait3A_504 = arith.constant 0 : i32
      %dma_wait3A_505 = arith.constant 0 : i32
      %dma_wait3A_506 = tpu.memref_slice %arg14[%dma_wait3A_504, %dma_wait3A_505] : memref<10240x128xf32, #tpu.memory_space<vmem_shared>> -> memref<10240x128xf32, #tpu.memory_space<vmem_shared>>
      tpu.wait_indirect_dma semaphore(%arg19 : memref<!tpu.dma_semaphore, #tpu.memory_space<semaphore_mem>>) src(%arg11 : memref<80x128xf32, #tpu.memory_space<vmem>>) dst(%dma_wait3A_506 : memref<10240x128xf32, #tpu.memory_space<vmem_shared>>)
      %dma_start3A_507 = arith.constant 720 : i32
      %dma_start3A_508 = tpu.memref_slice %arg8[%dma_start3A_507] : memref<4000xi32, #tpu.memory_space<vmem>> -> memref<80xi32, #tpu.memory_space<vmem>>
      %dma_start3A_509 = arith.constant 0 : i32
      %dma_start3A_510 = arith.constant 0 : i32
      %dma_start3A_511 = tpu.memref_slice %arg2[%dma_start3A_509, %dma_start3A_510] : memref<10240x128xf32, #tpu.memory_space<hbm>> -> memref<10240x128xf32, #tpu.memory_space<hbm>>
      tpu.enqueue_indirect_dma source(%dma_start3A_511 : memref<10240x128xf32, #tpu.memory_space<hbm>>) target(%arg11 : memref<80x128xf32, #tpu.memory_space<vmem>>) offsets(%dma_start3A_508 : memref<80xi32, #tpu.memory_space<vmem>>) semaphore(%arg17 : memref<!tpu.dma_semaphore, #tpu.memory_space<semaphore_mem>>)
      %dma_wait3A_512 = arith.constant 640 : i32
      %dma_wait3A_513 = tpu.memref_slice %arg8[%dma_wait3A_512] : memref<4000xi32, #tpu.memory_space<vmem>> -> memref<80xi32, #tpu.memory_space<vmem>>
      %dma_wait3A_514 = arith.constant 0 : i32
      %dma_wait3A_515 = arith.constant 0 : i32
      %dma_wait3A_516 = tpu.memref_slice %arg2[%dma_wait3A_514, %dma_wait3A_515] : memref<10240x128xf32, #tpu.memory_space<hbm>> -> memref<10240x128xf32, #tpu.memory_space<hbm>>
      tpu.wait_indirect_dma semaphore(%arg16 : memref<!tpu.dma_semaphore, #tpu.memory_space<semaphore_mem>>) src(%dma_wait3A_516 : memref<10240x128xf32, #tpu.memory_space<hbm>>) dst(%arg10 : memref<80x128xf32, #tpu.memory_space<vmem>>)
      %dma_start3A_517 = arith.constant 640 : i32
      %dma_start3A_518 = tpu.memref_slice %arg9[%dma_start3A_517] : memref<4000xi32, #tpu.memory_space<vmem>> -> memref<80xi32, #tpu.memory_space<vmem>>
      %dma_start3A_519 = arith.constant 0 : i32
      %dma_start3A_520 = arith.constant 0 : i32
      %dma_start3A_521 = tpu.memref_slice %arg14[%dma_start3A_519, %dma_start3A_520] : memref<10240x128xf32, #tpu.memory_space<vmem_shared>> -> memref<10240x128xf32, #tpu.memory_space<vmem_shared>>
      tpu.enqueue_indirect_dma source(%arg10 : memref<80x128xf32, #tpu.memory_space<vmem>>) target(%dma_start3A_521 : memref<10240x128xf32, #tpu.memory_space<vmem_shared>>) offsets(%dma_start3A_518 : memref<80xi32, #tpu.memory_space<vmem>>) semaphore(%arg18 : memref<!tpu.dma_semaphore, #tpu.memory_space<semaphore_mem>>) {add = true}
      %get3A_522 = arith.constant 640 : index
      %get3A_523 = tpu.vector_load %arg9[%get3A_522] {strides = array<i32>} : memref<4000xi32, #tpu.memory_space<vmem>>, vector<16xi32>,
      %shift_right_logical3A_524 = arith.constant 7 : i32
      %shift_right_logical3A_525 = vector.broadcast %shift_right_logical3A_524 : i32 to vector<16xi32>
      %shift_right_logical3A_526 = arith.shrui %get3A_523, %shift_right_logical3A_525 : vector<16xi32>
      %and3A_527 = arith.constant 127 : i32
      %and3A_528 = vector.broadcast %and3A_527 : i32 to vector<16xi32>
      %and3A_529 = arith.andi %get3A_523, %and3A_528 : vector<16xi32>
      tpu.vector_store_idx %arg12[%shift_right_logical3A_526, %and3A_529], %broadcast_in_dim3A_13 {add = true} : memref<128x128xf32, #tpu.memory_space<vmem>>[vector<16xi32>, vector<16xi32>], vector<16xf32>,
      %get3A_530 = arith.constant 656 : index
      %get3A_531 = tpu.vector_load %arg9[%get3A_530] {strides = array<i32>} : memref<4000xi32, #tpu.memory_space<vmem>>, vector<16xi32>,
      %shift_right_logical3A_532 = arith.constant 7 : i32
      %shift_right_logical3A_533 = vector.broadcast %shift_right_logical3A_532 : i32 to vector<16xi32>
      %shift_right_logical3A_534 = arith.shrui %get3A_531, %shift_right_logical3A_533 : vector<16xi32>
      %and3A_535 = arith.constant 127 : i32
      %and3A_536 = vector.broadcast %and3A_535 : i32 to vector<16xi32>
      %and3A_537 = arith.andi %get3A_531, %and3A_536 : vector<16xi32>
      tpu.vector_store_idx %arg12[%shift_right_logical3A_534, %and3A_537], %broadcast_in_dim3A_13 {add = true} : memref<128x128xf32, #tpu.memory_space<vmem>>[vector<16xi32>, vector<16xi32>], vector<16xf32>,
      %get3A_538 = arith.constant 672 : index
      %get3A_539 = tpu.vector_load %arg9[%get3A_538] {strides = array<i32>} : memref<4000xi32, #tpu.memory_space<vmem>>, vector<16xi32>,
      %shift_right_logical3A_540 = arith.constant 7 : i32
      %shift_right_logical3A_541 = vector.broadcast %shift_right_logical3A_540 : i32 to vector<16xi32>
      %shift_right_logical3A_542 = arith.shrui %get3A_539, %shift_right_logical3A_541 : vector<16xi32>
      %and3A_543 = arith.constant 127 : i32
      %and3A_544 = vector.broadcast %and3A_543 : i32 to vector<16xi32>
      %and3A_545 = arith.andi %get3A_539, %and3A_544 : vector<16xi32>
      tpu.vector_store_idx %arg12[%shift_right_logical3A_542, %and3A_545], %broadcast_in_dim3A_13 {add = true} : memref<128x128xf32, #tpu.memory_space<vmem>>[vector<16xi32>, vector<16xi32>], vector<16xf32>,
      %get3A_546 = arith.constant 688 : index
      %get3A_547 = tpu.vector_load %arg9[%get3A_546] {strides = array<i32>} : memref<4000xi32, #tpu.memory_space<vmem>>, vector<16xi32>,
      %shift_right_logical3A_548 = arith.constant 7 : i32
      %shift_right_logical3A_549 = vector.broadcast %shift_right_logical3A_548 : i32 to vector<16xi32>
      %shift_right_logical3A_550 = arith.shrui %get3A_547, %shift_right_logical3A_549 : vector<16xi32>
      %and3A_551 = arith.constant 127 : i32
      %and3A_552 = vector.broadcast %and3A_551 : i32 to vector<16xi32>
      %and3A_553 = arith.andi %get3A_547, %and3A_552 : vector<16xi32>
      tpu.vector_store_idx %arg12[%shift_right_logical3A_550, %and3A_553], %broadcast_in_dim3A_13 {add = true} : memref<128x128xf32, #tpu.memory_space<vmem>>[vector<16xi32>, vector<16xi32>], vector<16xf32>,
      %get3A_554 = arith.constant 704 : index
      %get3A_555 = tpu.vector_load %arg9[%get3A_554] {strides = array<i32>} : memref<4000xi32, #tpu.memory_space<vmem>>, vector<16xi32>,
      %shift_right_logical3A_556 = arith.constant 7 : i32
      %shift_right_logical3A_557 = vector.broadcast %shift_right_logical3A_556 : i32 to vector<16xi32>
      %shift_right_logical3A_558 = arith.shrui %get3A_555, %shift_right_logical3A_557 : vector<16xi32>
      %and3A_559 = arith.constant 127 : i32
      %and3A_560 = vector.broadcast %and3A_559 : i32 to vector<16xi32>
      %and3A_561 = arith.andi %get3A_555, %and3A_560 : vector<16xi32>
      tpu.vector_store_idx %arg12[%shift_right_logical3A_558, %and3A_561], %broadcast_in_dim3A_13 {add = true} : memref<128x128xf32, #tpu.memory_space<vmem>>[vector<16xi32>, vector<16xi32>], vector<16xf32>,
      %dma_wait3A_562 = arith.constant 640 : i32
      %dma_wait3A_563 = tpu.memref_slice %arg9[%dma_wait3A_562] : memref<4000xi32, #tpu.memory_space<vmem>> -> memref<80xi32, #tpu.memory_space<vmem>>
      %dma_wait3A_564 = arith.constant 0 : i32
      %dma_wait3A_565 = arith.constant 0 : i32
      %dma_wait3A_566 = tpu.memref_slice %arg14[%dma_wait3A_564, %dma_wait3A_565] : memref<10240x128xf32, #tpu.memory_space<vmem_shared>> -> memref<10240x128xf32, #tpu.memory_space<vmem_shared>>
      tpu.wait_indirect_dma semaphore(%arg18 : memref<!tpu.dma_semaphore, #tpu.memory_space<semaphore_mem>>) src(%arg10 : memref<80x128xf32, #tpu.memory_space<vmem>>) dst(%dma_wait3A_566 : memref<10240x128xf32, #tpu.memory_space<vmem_shared>>)
      %dma_start3A_567 = arith.constant 800 : i32
      %dma_start3A_568 = tpu.memref_slice %arg8[%dma_start3A_567] : memref<4000xi32, #tpu.memory_space<vmem>> -> memref<80xi32, #tpu.memory_space<vmem>>
      %dma_start3A_569 = arith.constant 0 : i32
      %dma_start3A_570 = arith.constant 0 : i32
      %dma_start3A_571 = tpu.memref_slice %arg2[%dma_start3A_569, %dma_start3A_570] : memref<10240x128xf32, #tpu.memory_space<hbm>> -> memref<10240x128xf32, #tpu.memory_space<hbm>>
      tpu.enqueue_indirect_dma source(%dma_start3A_571 : memref<10240x128xf32, #tpu.memory_space<hbm>>) target(%arg10 : memref<80x128xf32, #tpu.memory_space<vmem>>) offsets(%dma_start3A_568 : memref<80xi32, #tpu.memory_space<vmem>>) semaphore(%arg16 : memref<!tpu.dma_semaphore, #tpu.memory_space<semaphore_mem>>)
      %dma_wait3A_572 = arith.constant 720 : i32
      %dma_wait3A_573 = tpu.memref_slice %arg8[%dma_wait3A_572] : memref<4000xi32, #tpu.memory_space<vmem>> -> memref<80xi32, #tpu.memory_space<vmem>>
      %dma_wait3A_574 = arith.constant 0 : i32
      %dma_wait3A_575 = arith.constant 0 : i32
      %dma_wait3A_576 = tpu.memref_slice %arg2[%dma_wait3A_574, %dma_wait3A_575] : memref<10240x128xf32, #tpu.memory_space<hbm>> -> memref<10240x128xf32, #tpu.memory_space<hbm>>
      tpu.wait_indirect_dma semaphore(%arg17 : memref<!tpu.dma_semaphore, #tpu.memory_space<semaphore_mem>>) src(%dma_wait3A_576 : memref<10240x128xf32, #tpu.memory_space<hbm>>) dst(%arg11 : memref<80x128xf32, #tpu.memory_space<vmem>>)
      %dma_start3A_577 = arith.constant 720 : i32
      %dma_start3A_578 = tpu.memref_slice %arg9[%dma_start3A_577] : memref<4000xi32, #tpu.memory_space<vmem>> -> memref<80xi32, #tpu.memory_space<vmem>>
      %dma_start3A_579 = arith.constant 0 : i32
      %dma_start3A_580 = arith.constant 0 : i32
      %dma_start3A_581 = tpu.memref_slice %arg14[%dma_start3A_579, %dma_start3A_580] : memref<10240x128xf32, #tpu.memory_space<vmem_shared>> -> memref<10240x128xf32, #tpu.memory_space<vmem_shared>>
      tpu.enqueue_indirect_dma source(%arg11 : memref<80x128xf32, #tpu.memory_space<vmem>>) target(%dma_start3A_581 : memref<10240x128xf32, #tpu.memory_space<vmem_shared>>) offsets(%dma_start3A_578 : memref<80xi32, #tpu.memory_space<vmem>>) semaphore(%arg19 : memref<!tpu.dma_semaphore, #tpu.memory_space<semaphore_mem>>) {add = true}
      %get3A_582 = arith.constant 720 : index
      %get3A_583 = tpu.vector_load %arg9[%get3A_582] {strides = array<i32>} : memref<4000xi32, #tpu.memory_space<vmem>>, vector<16xi32>,
      %shift_right_logical3A_584 = arith.constant 7 : i32
      %shift_right_logical3A_585 = vector.broadcast %shift_right_logical3A_584 : i32 to vector<16xi32>
      %shift_right_logical3A_586 = arith.shrui %get3A_583, %shift_right_logical3A_585 : vector<16xi32>
      %and3A_587 = arith.constant 127 : i32
      %and3A_588 = vector.broadcast %and3A_587 : i32 to vector<16xi32>
      %and3A_589 = arith.andi %get3A_583, %and3A_588 : vector<16xi32>
      tpu.vector_store_idx %arg12[%shift_right_logical3A_586, %and3A_589], %broadcast_in_dim3A_13 {add = true} : memref<128x128xf32, #tpu.memory_space<vmem>>[vector<16xi32>, vector<16xi32>], vector<16xf32>,
      %get3A_590 = arith.constant 736 : index
      %get3A_591 = tpu.vector_load %arg9[%get3A_590] {strides = array<i32>} : memref<4000xi32, #tpu.memory_space<vmem>>, vector<16xi32>,
      %shift_right_logical3A_592 = arith.constant 7 : i32
      %shift_right_logical3A_593 = vector.broadcast %shift_right_logical3A_592 : i32 to vector<16xi32>
      %shift_right_logical3A_594 = arith.shrui %get3A_591, %shift_right_logical3A_593 : vector<16xi32>
      %and3A_595 = arith.constant 127 : i32
      %and3A_596 = vector.broadcast %and3A_595 : i32 to vector<16xi32>
      %and3A_597 = arith.andi %get3A_591, %and3A_596 : vector<16xi32>
      tpu.vector_store_idx %arg12[%shift_right_logical3A_594, %and3A_597], %broadcast_in_dim3A_13 {add = true} : memref<128x128xf32, #tpu.memory_space<vmem>>[vector<16xi32>, vector<16xi32>], vector<16xf32>,
      %get3A_598 = arith.constant 752 : index
      %get3A_599 = tpu.vector_load %arg9[%get3A_598] {strides = array<i32>} : memref<4000xi32, #tpu.memory_space<vmem>>, vector<16xi32>,
      %shift_right_logical3A_600 = arith.constant 7 : i32
      %shift_right_logical3A_601 = vector.broadcast %shift_right_logical3A_600 : i32 to vector<16xi32>
      %shift_right_logical3A_602 = arith.shrui %get3A_599, %shift_right_logical3A_601 : vector<16xi32>
      %and3A_603 = arith.constant 127 : i32
      %and3A_604 = vector.broadcast %and3A_603 : i32 to vector<16xi32>
      %and3A_605 = arith.andi %get3A_599, %and3A_604 : vector<16xi32>
      tpu.vector_store_idx %arg12[%shift_right_logical3A_602, %and3A_605], %broadcast_in_dim3A_13 {add = true} : memref<128x128xf32, #tpu.memory_space<vmem>>[vector<16xi32>, vector<16xi32>], vector<16xf32>,
      %get3A_606 = arith.constant 768 : index
      %get3A_607 = tpu.vector_load %arg9[%get3A_606] {strides = array<i32>} : memref<4000xi32, #tpu.memory_space<vmem>>, vector<16xi32>,
      %shift_right_logical3A_608 = arith.constant 7 : i32
      %shift_right_logical3A_609 = vector.broadcast %shift_right_logical3A_608 : i32 to vector<16xi32>
      %shift_right_logical3A_610 = arith.shrui %get3A_607, %shift_right_logical3A_609 : vector<16xi32>
      %and3A_611 = arith.constant 127 : i32
      %and3A_612 = vector.broadcast %and3A_611 : i32 to vector<16xi32>
      %and3A_613 = arith.andi %get3A_607, %and3A_612 : vector<16xi32>
      tpu.vector_store_idx %arg12[%shift_right_logical3A_610, %and3A_613], %broadcast_in_dim3A_13 {add = true} : memref<128x128xf32, #tpu.memory_space<vmem>>[vector<16xi32>, vector<16xi32>], vector<16xf32>,
      %get3A_614 = arith.constant 784 : index
      %get3A_615 = tpu.vector_load %arg9[%get3A_614] {strides = array<i32>} : memref<4000xi32, #tpu.memory_space<vmem>>, vector<16xi32>,
      %shift_right_logical3A_616 = arith.constant 7 : i32
      %shift_right_logical3A_617 = vector.broadcast %shift_right_logical3A_616 : i32 to vector<16xi32>
      %shift_right_logical3A_618 = arith.shrui %get3A_615, %shift_right_logical3A_617 : vector<16xi32>
      %and3A_619 = arith.constant 127 : i32
      %and3A_620 = vector.broadcast %and3A_619 : i32 to vector<16xi32>
      %and3A_621 = arith.andi %get3A_615, %and3A_620 : vector<16xi32>
      tpu.vector_store_idx %arg12[%shift_right_logical3A_618, %and3A_621], %broadcast_in_dim3A_13 {add = true} : memref<128x128xf32, #tpu.memory_space<vmem>>[vector<16xi32>, vector<16xi32>], vector<16xf32>,
      %dma_wait3A_622 = arith.constant 720 : i32
      %dma_wait3A_623 = tpu.memref_slice %arg9[%dma_wait3A_622] : memref<4000xi32, #tpu.memory_space<vmem>> -> memref<80xi32, #tpu.memory_space<vmem>>
      %dma_wait3A_624 = arith.constant 0 : i32
      %dma_wait3A_625 = arith.constant 0 : i32
      %dma_wait3A_626 = tpu.memref_slice %arg14[%dma_wait3A_624, %dma_wait3A_625] : memref<10240x128xf32, #tpu.memory_space<vmem_shared>> -> memref<10240x128xf32, #tpu.memory_space<vmem_shared>>
      tpu.wait_indirect_dma semaphore(%arg19 : memref<!tpu.dma_semaphore, #tpu.memory_space<semaphore_mem>>) src(%arg11 : memref<80x128xf32, #tpu.memory_space<vmem>>) dst(%dma_wait3A_626 : memref<10240x128xf32, #tpu.memory_space<vmem_shared>>)
      %dma_start3A_627 = arith.constant 880 : i32
      %dma_start3A_628 = tpu.memref_slice %arg8[%dma_start3A_627] : memref<4000xi32, #tpu.memory_space<vmem>> -> memref<80xi32, #tpu.memory_space<vmem>>
      %dma_start3A_629 = arith.constant 0 : i32
      %dma_start3A_630 = arith.constant 0 : i32
      %dma_start3A_631 = tpu.memref_slice %arg2[%dma_start3A_629, %dma_start3A_630] : memref<10240x128xf32, #tpu.memory_space<hbm>> -> memref<10240x128xf32, #tpu.memory_space<hbm>>
      tpu.enqueue_indirect_dma source(%dma_start3A_631 : memref<10240x128xf32, #tpu.memory_space<hbm>>) target(%arg11 : memref<80x128xf32, #tpu.memory_space<vmem>>) offsets(%dma_start3A_628 : memref<80xi32, #tpu.memory_space<vmem>>) semaphore(%arg17 : memref<!tpu.dma_semaphore, #tpu.memory_space<semaphore_mem>>)
      %dma_wait3A_632 = arith.constant 800 : i32
      %dma_wait3A_633 = tpu.memref_slice %arg8[%dma_wait3A_632] : memref<4000xi32, #tpu.memory_space<vmem>> -> memref<80xi32, #tpu.memory_space<vmem>>
      %dma_wait3A_634 = arith.constant 0 : i32
      %dma_wait3A_635 = arith.constant 0 : i32
      %dma_wait3A_636 = tpu.memref_slice %arg2[%dma_wait3A_634, %dma_wait3A_635] : memref<10240x128xf32, #tpu.memory_space<hbm>> -> memref<10240x128xf32, #tpu.memory_space<hbm>>
      tpu.wait_indirect_dma semaphore(%arg16 : memref<!tpu.dma_semaphore, #tpu.memory_space<semaphore_mem>>) src(%dma_wait3A_636 : memref<10240x128xf32, #tpu.memory_space<hbm>>) dst(%arg10 : memref<80x128xf32, #tpu.memory_space<vmem>>)
      %dma_start3A_637 = arith.constant 800 : i32
      %dma_start3A_638 = tpu.memref_slice %arg9[%dma_start3A_637] : memref<4000xi32, #tpu.memory_space<vmem>> -> memref<80xi32, #tpu.memory_space<vmem>>
      %dma_start3A_639 = arith.constant 0 : i32
      %dma_start3A_640 = arith.constant 0 : i32
      %dma_start3A_641 = tpu.memref_slice %arg14[%dma_start3A_639, %dma_start3A_640] : memref<10240x128xf32, #tpu.memory_space<vmem_shared>> -> memref<10240x128xf32, #tpu.memory_space<vmem_shared>>
      tpu.enqueue_indirect_dma source(%arg10 : memref<80x128xf32, #tpu.memory_space<vmem>>) target(%dma_start3A_641 : memref<10240x128xf32, #tpu.memory_space<vmem_shared>>) offsets(%dma_start3A_638 : memref<80xi32, #tpu.memory_space<vmem>>) semaphore(%arg18 : memref<!tpu.dma_semaphore, #tpu.memory_space<semaphore_mem>>) {add = true}
      %get3A_642 = arith.constant 800 : index
      %get3A_643 = tpu.vector_load %arg9[%get3A_642] {strides = array<i32>} : memref<4000xi32, #tpu.memory_space<vmem>>, vector<16xi32>,
      %shift_right_logical3A_644 = arith.constant 7 : i32
      %shift_right_logical3A_645 = vector.broadcast %shift_right_logical3A_644 : i32 to vector<16xi32>
      %shift_right_logical3A_646 = arith.shrui %get3A_643, %shift_right_logical3A_645 : vector<16xi32>
      %and3A_647 = arith.constant 127 : i32
      %and3A_648 = vector.broadcast %and3A_647 : i32 to vector<16xi32>
      %and3A_649 = arith.andi %get3A_643, %and3A_648 : vector<16xi32>
      tpu.vector_store_idx %arg12[%shift_right_logical3A_646, %and3A_649], %broadcast_in_dim3A_13 {add = true} : memref<128x128xf32, #tpu.memory_space<vmem>>[vector<16xi32>, vector<16xi32>], vector<16xf32>,
      %get3A_650 = arith.constant 816 : index
      %get3A_651 = tpu.vector_load %arg9[%get3A_650] {strides = array<i32>} : memref<4000xi32, #tpu.memory_space<vmem>>, vector<16xi32>,
      %shift_right_logical3A_652 = arith.constant 7 : i32
      %shift_right_logical3A_653 = vector.broadcast %shift_right_logical3A_652 : i32 to vector<16xi32>
      %shift_right_logical3A_654 = arith.shrui %get3A_651, %shift_right_logical3A_653 : vector<16xi32>
      %and3A_655 = arith.constant 127 : i32
      %and3A_656 = vector.broadcast %and3A_655 : i32 to vector<16xi32>
      %and3A_657 = arith.andi %get3A_651, %and3A_656 : vector<16xi32>
      tpu.vector_store_idx %arg12[%shift_right_logical3A_654, %and3A_657], %broadcast_in_dim3A_13 {add = true} : memref<128x128xf32, #tpu.memory_space<vmem>>[vector<16xi32>, vector<16xi32>], vector<16xf32>,
      %get3A_658 = arith.constant 832 : index
      %get3A_659 = tpu.vector_load %arg9[%get3A_658] {strides = array<i32>} : memref<4000xi32, #tpu.memory_space<vmem>>, vector<16xi32>,
      %shift_right_logical3A_660 = arith.constant 7 : i32
      %shift_right_logical3A_661 = vector.broadcast %shift_right_logical3A_660 : i32 to vector<16xi32>
      %shift_right_logical3A_662 = arith.shrui %get3A_659, %shift_right_logical3A_661 : vector<16xi32>
      %and3A_663 = arith.constant 127 : i32
      %and3A_664 = vector.broadcast %and3A_663 : i32 to vector<16xi32>
      %and3A_665 = arith.andi %get3A_659, %and3A_664 : vector<16xi32>
      tpu.vector_store_idx %arg12[%shift_right_logical3A_662, %and3A_665], %broadcast_in_dim3A_13 {add = true} : memref<128x128xf32, #tpu.memory_space<vmem>>[vector<16xi32>, vector<16xi32>], vector<16xf32>,
      %get3A_666 = arith.constant 848 : index
      %get3A_667 = tpu.vector_load %arg9[%get3A_666] {strides = array<i32>} : memref<4000xi32, #tpu.memory_space<vmem>>, vector<16xi32>,
      %shift_right_logical3A_668 = arith.constant 7 : i32
      %shift_right_logical3A_669 = vector.broadcast %shift_right_logical3A_668 : i32 to vector<16xi32>
      %shift_right_logical3A_670 = arith.shrui %get3A_667, %shift_right_logical3A_669 : vector<16xi32>
      %and3A_671 = arith.constant 127 : i32
      %and3A_672 = vector.broadcast %and3A_671 : i32 to vector<16xi32>
      %and3A_673 = arith.andi %get3A_667, %and3A_672 : vector<16xi32>
      tpu.vector_store_idx %arg12[%shift_right_logical3A_670, %and3A_673], %broadcast_in_dim3A_13 {add = true} : memref<128x128xf32, #tpu.memory_space<vmem>>[vector<16xi32>, vector<16xi32>], vector<16xf32>,
      %get3A_674 = arith.constant 864 : index
      %get3A_675 = tpu.vector_load %arg9[%get3A_674] {strides = array<i32>} : memref<4000xi32, #tpu.memory_space<vmem>>, vector<16xi32>,
      %shift_right_logical3A_676 = arith.constant 7 : i32
      %shift_right_logical3A_677 = vector.broadcast %shift_right_logical3A_676 : i32 to vector<16xi32>
      %shift_right_logical3A_678 = arith.shrui %get3A_675, %shift_right_logical3A_677 : vector<16xi32>
      %and3A_679 = arith.constant 127 : i32
      %and3A_680 = vector.broadcast %and3A_679 : i32 to vector<16xi32>
      %and3A_681 = arith.andi %get3A_675, %and3A_680 : vector<16xi32>
      tpu.vector_store_idx %arg12[%shift_right_logical3A_678, %and3A_681], %broadcast_in_dim3A_13 {add = true} : memref<128x128xf32, #tpu.memory_space<vmem>>[vector<16xi32>, vector<16xi32>], vector<16xf32>,
      %dma_wait3A_682 = arith.constant 800 : i32
      %dma_wait3A_683 = tpu.memref_slice %arg9[%dma_wait3A_682] : memref<4000xi32, #tpu.memory_space<vmem>> -> memref<80xi32, #tpu.memory_space<vmem>>
      %dma_wait3A_684 = arith.constant 0 : i32
      %dma_wait3A_685 = arith.constant 0 : i32
      %dma_wait3A_686 = tpu.memref_slice %arg14[%dma_wait3A_684, %dma_wait3A_685] : memref<10240x128xf32, #tpu.memory_space<vmem_shared>> -> memref<10240x128xf32, #tpu.memory_space<vmem_shared>>
      tpu.wait_indirect_dma semaphore(%arg18 : memref<!tpu.dma_semaphore, #tpu.memory_space<semaphore_mem>>) src(%arg10 : memref<80x128xf32, #tpu.memory_space<vmem>>) dst(%dma_wait3A_686 : memref<10240x128xf32, #tpu.memory_space<vmem_shared>>)
      %dma_start3A_687 = arith.constant 960 : i32
      %dma_start3A_688 = tpu.memref_slice %arg8[%dma_start3A_687] : memref<4000xi32, #tpu.memory_space<vmem>> -> memref<80xi32, #tpu.memory_space<vmem>>
      %dma_start3A_689 = arith.constant 0 : i32
      %dma_start3A_690 = arith.constant 0 : i32
      %dma_start3A_691 = tpu.memref_slice %arg2[%dma_start3A_689, %dma_start3A_690] : memref<10240x128xf32, #tpu.memory_space<hbm>> -> memref<10240x128xf32, #tpu.memory_space<hbm>>
      tpu.enqueue_indirect_dma source(%dma_start3A_691 : memref<10240x128xf32, #tpu.memory_space<hbm>>) target(%arg10 : memref<80x128xf32, #tpu.memory_space<vmem>>) offsets(%dma_start3A_688 : memref<80xi32, #tpu.memory_space<vmem>>) semaphore(%arg16 : memref<!tpu.dma_semaphore, #tpu.memory_space<semaphore_mem>>)
      %dma_wait3A_692 = arith.constant 880 : i32
      %dma_wait3A_693 = tpu.memref_slice %arg8[%dma_wait3A_692] : memref<4000xi32, #tpu.memory_space<vmem>> -> memref<80xi32, #tpu.memory_space<vmem>>
      %dma_wait3A_694 = arith.constant 0 : i32
      %dma_wait3A_695 = arith.constant 0 : i32
      %dma_wait3A_696 = tpu.memref_slice %arg2[%dma_wait3A_694, %dma_wait3A_695] : memref<10240x128xf32, #tpu.memory_space<hbm>> -> memref<10240x128xf32, #tpu.memory_space<hbm>>
      tpu.wait_indirect_dma semaphore(%arg17 : memref<!tpu.dma_semaphore, #tpu.memory_space<semaphore_mem>>) src(%dma_wait3A_696 : memref<10240x128xf32, #tpu.memory_space<hbm>>) dst(%arg11 : memref<80x128xf32, #tpu.memory_space<vmem>>)
      %dma_start3A_697 = arith.constant 880 : i32
      %dma_start3A_698 = tpu.memref_slice %arg9[%dma_start3A_697] : memref<4000xi32, #tpu.memory_space<vmem>> -> memref<80xi32, #tpu.memory_space<vmem>>
      %dma_start3A_699 = arith.constant 0 : i32
      %dma_start3A_700 = arith.constant 0 : i32
      %dma_start3A_701 = tpu.memref_slice %arg14[%dma_start3A_699, %dma_start3A_700] : memref<10240x128xf32, #tpu.memory_space<vmem_shared>> -> memref<10240x128xf32, #tpu.memory_space<vmem_shared>>
      tpu.enqueue_indirect_dma source(%arg11 : memref<80x128xf32, #tpu.memory_space<vmem>>) target(%dma_start3A_701 : memref<10240x128xf32, #tpu.memory_space<vmem_shared>>) offsets(%dma_start3A_698 : memref<80xi32, #tpu.memory_space<vmem>>) semaphore(%arg19 : memref<!tpu.dma_semaphore, #tpu.memory_space<semaphore_mem>>) {add = true}
      %get3A_702 = arith.constant 880 : index
      %get3A_703 = tpu.vector_load %arg9[%get3A_702] {strides = array<i32>} : memref<4000xi32, #tpu.memory_space<vmem>>, vector<16xi32>,
      %shift_right_logical3A_704 = arith.constant 7 : i32
      %shift_right_logical3A_705 = vector.broadcast %shift_right_logical3A_704 : i32 to vector<16xi32>
      %shift_right_logical3A_706 = arith.shrui %get3A_703, %shift_right_logical3A_705 : vector<16xi32>
      %and3A_707 = arith.constant 127 : i32
      %and3A_708 = vector.broadcast %and3A_707 : i32 to vector<16xi32>
      %and3A_709 = arith.andi %get3A_703, %and3A_708 : vector<16xi32>
      tpu.vector_store_idx %arg12[%shift_right_logical3A_706, %and3A_709], %broadcast_in_dim3A_13 {add = true} : memref<128x128xf32, #tpu.memory_space<vmem>>[vector<16xi32>, vector<16xi32>], vector<16xf32>,
      %get3A_710 = arith.constant 896 : index
      %get3A_711 = tpu.vector_load %arg9[%get3A_710] {strides = array<i32>} : memref<4000xi32, #tpu.memory_space<vmem>>, vector<16xi32>,
      %shift_right_logical3A_712 = arith.constant 7 : i32
      %shift_right_logical3A_713 = vector.broadcast %shift_right_logical3A_712 : i32 to vector<16xi32>
      %shift_right_logical3A_714 = arith.shrui %get3A_711, %shift_right_logical3A_713 : vector<16xi32>
      %and3A_715 = arith.constant 127 : i32
      %and3A_716 = vector.broadcast %and3A_715 : i32 to vector<16xi32>
      %and3A_717 = arith.andi %get3A_711, %and3A_716 : vector<16xi32>
      tpu.vector_store_idx %arg12[%shift_right_logical3A_714, %and3A_717], %broadcast_in_dim3A_13 {add = true} : memref<128x128xf32, #tpu.memory_space<vmem>>[vector<16xi32>, vector<16xi32>], vector<16xf32>,
      %get3A_718 = arith.constant 912 : index
      %get3A_719 = tpu.vector_load %arg9[%get3A_718] {strides = array<i32>} : memref<4000xi32, #tpu.memory_space<vmem>>, vector<16xi32>,
      %shift_right_logical3A_720 = arith.constant 7 : i32
      %shift_right_logical3A_721 = vector.broadcast %shift_right_logical3A_720 : i32 to vector<16xi32>
      %shift_right_logical3A_722 = arith.shrui %get3A_719, %shift_right_logical3A_721 : vector<16xi32>
      %and3A_723 = arith.constant 127 : i32
      %and3A_724 = vector.broadcast %and3A_723 : i32 to vector<16xi32>
      %and3A_725 = arith.andi %get3A_719, %and3A_724 : vector<16xi32>
      tpu.vector_store_idx %arg12[%shift_right_logical3A_722, %and3A_725], %broadcast_in_dim3A_13 {add = true} : memref<128x128xf32, #tpu.memory_space<vmem>>[vector<16xi32>, vector<16xi32>], vector<16xf32>,
      %get3A_726 = arith.constant 928 : index
      %get3A_727 = tpu.vector_load %arg9[%get3A_726] {strides = array<i32>} : memref<4000xi32, #tpu.memory_space<vmem>>, vector<16xi32>,
      %shift_right_logical3A_728 = arith.constant 7 : i32
      %shift_right_logical3A_729 = vector.broadcast %shift_right_logical3A_728 : i32 to vector<16xi32>
      %shift_right_logical3A_730 = arith.shrui %get3A_727, %shift_right_logical3A_729 : vector<16xi32>
      %and3A_731 = arith.constant 127 : i32
      %and3A_732 = vector.broadcast %and3A_731 : i32 to vector<16xi32>
      %and3A_733 = arith.andi %get3A_727, %and3A_732 : vector<16xi32>
      tpu.vector_store_idx %arg12[%shift_right_logical3A_730, %and3A_733], %broadcast_in_dim3A_13 {add = true} : memref<128x128xf32, #tpu.memory_space<vmem>>[vector<16xi32>, vector<16xi32>], vector<16xf32>,
      %get3A_734 = arith.constant 944 : index
      %get3A_735 = tpu.vector_load %arg9[%get3A_734] {strides = array<i32>} : memref<4000xi32, #tpu.memory_space<vmem>>, vector<16xi32>,
      %shift_right_logical3A_736 = arith.constant 7 : i32
      %shift_right_logical3A_737 = vector.broadcast %shift_right_logical3A_736 : i32 to vector<16xi32>
      %shift_right_logical3A_738 = arith.shrui %get3A_735, %shift_right_logical3A_737 : vector<16xi32>
      %and3A_739 = arith.constant 127 : i32
      %and3A_740 = vector.broadcast %and3A_739 : i32 to vector<16xi32>
      %and3A_741 = arith.andi %get3A_735, %and3A_740 : vector<16xi32>
      tpu.vector_store_idx %arg12[%shift_right_logical3A_738, %and3A_741], %broadcast_in_dim3A_13 {add = true} : memref<128x128xf32, #tpu.memory_space<vmem>>[vector<16xi32>, vector<16xi32>], vector<16xf32>,
      %dma_wait3A_742 = arith.constant 880 : i32
      %dma_wait3A_743 = tpu.memref_slice %arg9[%dma_wait3A_742] : memref<4000xi32, #tpu.memory_space<vmem>> -> memref<80xi32, #tpu.memory_space<vmem>>
      %dma_wait3A_744 = arith.constant 0 : i32
      %dma_wait3A_745 = arith.constant 0 : i32
      %dma_wait3A_746 = tpu.memref_slice %arg14[%dma_wait3A_744, %dma_wait3A_745] : memref<10240x128xf32, #tpu.memory_space<vmem_shared>> -> memref<10240x128xf32, #tpu.memory_space<vmem_shared>>
      tpu.wait_indirect_dma semaphore(%arg19 : memref<!tpu.dma_semaphore, #tpu.memory_space<semaphore_mem>>) src(%arg11 : memref<80x128xf32, #tpu.memory_space<vmem>>) dst(%dma_wait3A_746 : memref<10240x128xf32, #tpu.memory_space<vmem_shared>>)
      %dma_start3A_747 = arith.constant 1040 : i32
      %dma_start3A_748 = tpu.memref_slice %arg8[%dma_start3A_747] : memref<4000xi32, #tpu.memory_space<vmem>> -> memref<80xi32, #tpu.memory_space<vmem>>
      %dma_start3A_749 = arith.constant 0 : i32
      %dma_start3A_750 = arith.constant 0 : i32
      %dma_start3A_751 = tpu.memref_slice %arg2[%dma_start3A_749, %dma_start3A_750] : memref<10240x128xf32, #tpu.memory_space<hbm>> -> memref<10240x128xf32, #tpu.memory_space<hbm>>
      tpu.enqueue_indirect_dma source(%dma_start3A_751 : memref<10240x128xf32, #tpu.memory_space<hbm>>) target(%arg11 : memref<80x128xf32, #tpu.memory_space<vmem>>) offsets(%dma_start3A_748 : memref<80xi32, #tpu.memory_space<vmem>>) semaphore(%arg17 : memref<!tpu.dma_semaphore, #tpu.memory_space<semaphore_mem>>)
      %dma_wait3A_752 = arith.constant 960 : i32
      %dma_wait3A_753 = tpu.memref_slice %arg8[%dma_wait3A_752] : memref<4000xi32, #tpu.memory_space<vmem>> -> memref<80xi32, #tpu.memory_space<vmem>>
      %dma_wait3A_754 = arith.constant 0 : i32
      %dma_wait3A_755 = arith.constant 0 : i32
      %dma_wait3A_756 = tpu.memref_slice %arg2[%dma_wait3A_754, %dma_wait3A_755] : memref<10240x128xf32, #tpu.memory_space<hbm>> -> memref<10240x128xf32, #tpu.memory_space<hbm>>
      tpu.wait_indirect_dma semaphore(%arg16 : memref<!tpu.dma_semaphore, #tpu.memory_space<semaphore_mem>>) src(%dma_wait3A_756 : memref<10240x128xf32, #tpu.memory_space<hbm>>) dst(%arg10 : memref<80x128xf32, #tpu.memory_space<vmem>>)
      %dma_start3A_757 = arith.constant 960 : i32
      %dma_start3A_758 = tpu.memref_slice %arg9[%dma_start3A_757] : memref<4000xi32, #tpu.memory_space<vmem>> -> memref<80xi32, #tpu.memory_space<vmem>>
      %dma_start3A_759 = arith.constant 0 : i32
      %dma_start3A_760 = arith.constant 0 : i32
      %dma_start3A_761 = tpu.memref_slice %arg14[%dma_start3A_759, %dma_start3A_760] : memref<10240x128xf32, #tpu.memory_space<vmem_shared>> -> memref<10240x128xf32, #tpu.memory_space<vmem_shared>>
      tpu.enqueue_indirect_dma source(%arg10 : memref<80x128xf32, #tpu.memory_space<vmem>>) target(%dma_start3A_761 : memref<10240x128xf32, #tpu.memory_space<vmem_shared>>) offsets(%dma_start3A_758 : memref<80xi32, #tpu.memory_space<vmem>>) semaphore(%arg18 : memref<!tpu.dma_semaphore, #tpu.memory_space<semaphore_mem>>) {add = true}
      %get3A_762 = arith.constant 960 : index
      %get3A_763 = tpu.vector_load %arg9[%get3A_762] {strides = array<i32>} : memref<4000xi32, #tpu.memory_space<vmem>>, vector<16xi32>,
      %shift_right_logical3A_764 = arith.constant 7 : i32
      %shift_right_logical3A_765 = vector.broadcast %shift_right_logical3A_764 : i32 to vector<16xi32>
      %shift_right_logical3A_766 = arith.shrui %get3A_763, %shift_right_logical3A_765 : vector<16xi32>
      %and3A_767 = arith.constant 127 : i32
      %and3A_768 = vector.broadcast %and3A_767 : i32 to vector<16xi32>
      %and3A_769 = arith.andi %get3A_763, %and3A_768 : vector<16xi32>
      tpu.vector_store_idx %arg12[%shift_right_logical3A_766, %and3A_769], %broadcast_in_dim3A_13 {add = true} : memref<128x128xf32, #tpu.memory_space<vmem>>[vector<16xi32>, vector<16xi32>], vector<16xf32>,
      %get3A_770 = arith.constant 976 : index
      %get3A_771 = tpu.vector_load %arg9[%get3A_770] {strides = array<i32>} : memref<4000xi32, #tpu.memory_space<vmem>>, vector<16xi32>,
      %shift_right_logical3A_772 = arith.constant 7 : i32
      %shift_right_logical3A_773 = vector.broadcast %shift_right_logical3A_772 : i32 to vector<16xi32>
      %shift_right_logical3A_774 = arith.shrui %get3A_771, %shift_right_logical3A_773 : vector<16xi32>
      %and3A_775 = arith.constant 127 : i32
      %and3A_776 = vector.broadcast %and3A_775 : i32 to vector<16xi32>
      %and3A_777 = arith.andi %get3A_771, %and3A_776 : vector<16xi32>
      tpu.vector_store_idx %arg12[%shift_right_logical3A_774, %and3A_777], %broadcast_in_dim3A_13 {add = true} : memref<128x128xf32, #tpu.memory_space<vmem>>[vector<16xi32>, vector<16xi32>], vector<16xf32>,
      %get3A_778 = arith.constant 992 : index
      %get3A_779 = tpu.vector_load %arg9[%get3A_778] {strides = array<i32>} : memref<4000xi32, #tpu.memory_space<vmem>>, vector<16xi32>,
      %shift_right_logical3A_780 = arith.constant 7 : i32
      %shift_right_logical3A_781 = vector.broadcast %shift_right_logical3A_780 : i32 to vector<16xi32>
      %shift_right_logical3A_782 = arith.shrui %get3A_779, %shift_right_logical3A_781 : vector<16xi32>
      %and3A_783 = arith.constant 127 : i32
      %and3A_784 = vector.broadcast %and3A_783 : i32 to vector<16xi32>
      %and3A_785 = arith.andi %get3A_779, %and3A_784 : vector<16xi32>
      tpu.vector_store_idx %arg12[%shift_right_logical3A_782, %and3A_785], %broadcast_in_dim3A_13 {add = true} : memref<128x128xf32, #tpu.memory_space<vmem>>[vector<16xi32>, vector<16xi32>], vector<16xf32>,
      %get3A_786 = arith.constant 1008 : index
      %get3A_787 = tpu.vector_load %arg9[%get3A_786] {strides = array<i32>} : memref<4000xi32, #tpu.memory_space<vmem>>, vector<16xi32>,
      %shift_right_logical3A_788 = arith.constant 7 : i32
      %shift_right_logical3A_789 = vector.broadcast %shift_right_logical3A_788 : i32 to vector<16xi32>
      %shift_right_logical3A_790 = arith.shrui %get3A_787, %shift_right_logical3A_789 : vector<16xi32>
      %and3A_791 = arith.constant 127 : i32
      %and3A_792 = vector.broadcast %and3A_791 : i32 to vector<16xi32>
      %and3A_793 = arith.andi %get3A_787, %and3A_792 : vector<16xi32>
      tpu.vector_store_idx %arg12[%shift_right_logical3A_790, %and3A_793], %broadcast_in_dim3A_13 {add = true} : memref<128x128xf32, #tpu.memory_space<vmem>>[vector<16xi32>, vector<16xi32>], vector<16xf32>,
      %get3A_794 = arith.constant 1024 : index
      %get3A_795 = tpu.vector_load %arg9[%get3A_794] {strides = array<i32>} : memref<4000xi32, #tpu.memory_space<vmem>>, vector<16xi32>,
      %shift_right_logical3A_796 = arith.constant 7 : i32
      %shift_right_logical3A_797 = vector.broadcast %shift_right_logical3A_796 : i32 to vector<16xi32>
      %shift_right_logical3A_798 = arith.shrui %get3A_795, %shift_right_logical3A_797 : vector<16xi32>
      %and3A_799 = arith.constant 127 : i32
      %and3A_800 = vector.broadcast %and3A_799 : i32 to vector<16xi32>
      %and3A_801 = arith.andi %get3A_795, %and3A_800 : vector<16xi32>
      tpu.vector_store_idx %arg12[%shift_right_logical3A_798, %and3A_801], %broadcast_in_dim3A_13 {add = true} : memref<128x128xf32, #tpu.memory_space<vmem>>[vector<16xi32>, vector<16xi32>], vector<16xf32>,
      %dma_wait3A_802 = arith.constant 960 : i32
      %dma_wait3A_803 = tpu.memref_slice %arg9[%dma_wait3A_802] : memref<4000xi32, #tpu.memory_space<vmem>> -> memref<80xi32, #tpu.memory_space<vmem>>
      %dma_wait3A_804 = arith.constant 0 : i32
      %dma_wait3A_805 = arith.constant 0 : i32
      %dma_wait3A_806 = tpu.memref_slice %arg14[%dma_wait3A_804, %dma_wait3A_805] : memref<10240x128xf32, #tpu.memory_space<vmem_shared>> -> memref<10240x128xf32, #tpu.memory_space<vmem_shared>>
      tpu.wait_indirect_dma semaphore(%arg18 : memref<!tpu.dma_semaphore, #tpu.memory_space<semaphore_mem>>) src(%arg10 : memref<80x128xf32, #tpu.memory_space<vmem>>) dst(%dma_wait3A_806 : memref<10240x128xf32, #tpu.memory_space<vmem_shared>>)
      %dma_start3A_807 = arith.constant 1120 : i32
      %dma_start3A_808 = tpu.memref_slice %arg8[%dma_start3A_807] : memref<4000xi32, #tpu.memory_space<vmem>> -> memref<80xi32, #tpu.memory_space<vmem>>
      %dma_start3A_809 = arith.constant 0 : i32
      %dma_start3A_810 = arith.constant 0 : i32
      %dma_start3A_811 = tpu.memref_slice %arg2[%dma_start3A_809, %dma_start3A_810] : memref<10240x128xf32, #tpu.memory_space<hbm>> -> memref<10240x128xf32, #tpu.memory_space<hbm>>
      tpu.enqueue_indirect_dma source(%dma_start3A_811 : memref<10240x128xf32, #tpu.memory_space<hbm>>) target(%arg10 : memref<80x128xf32, #tpu.memory_space<vmem>>) offsets(%dma_start3A_808 : memref<80xi32, #tpu.memory_space<vmem>>) semaphore(%arg16 : memref<!tpu.dma_semaphore, #tpu.memory_space<semaphore_mem>>)
      %dma_wait3A_812 = arith.constant 1040 : i32
      %dma_wait3A_813 = tpu.memref_slice %arg8[%dma_wait3A_812] : memref<4000xi32, #tpu.memory_space<vmem>> -> memref<80xi32, #tpu.memory_space<vmem>>
      %dma_wait3A_814 = arith.constant 0 : i32
      %dma_wait3A_815 = arith.constant 0 : i32
      %dma_wait3A_816 = tpu.memref_slice %arg2[%dma_wait3A_814, %dma_wait3A_815] : memref<10240x128xf32, #tpu.memory_space<hbm>> -> memref<10240x128xf32, #tpu.memory_space<hbm>>
      tpu.wait_indirect_dma semaphore(%arg17 : memref<!tpu.dma_semaphore, #tpu.memory_space<semaphore_mem>>) src(%dma_wait3A_816 : memref<10240x128xf32, #tpu.memory_space<hbm>>) dst(%arg11 : memref<80x128xf32, #tpu.memory_space<vmem>>)
      %dma_start3A_817 = arith.constant 1040 : i32
      %dma_start3A_818 = tpu.memref_slice %arg9[%dma_start3A_817] : memref<4000xi32, #tpu.memory_space<vmem>> -> memref<80xi32, #tpu.memory_space<vmem>>
      %dma_start3A_819 = arith.constant 0 : i32
      %dma_start3A_820 = arith.constant 0 : i32
      %dma_start3A_821 = tpu.memref_slice %arg14[%dma_start3A_819, %dma_start3A_820] : memref<10240x128xf32, #tpu.memory_space<vmem_shared>> -> memref<10240x128xf32, #tpu.memory_space<vmem_shared>>
      tpu.enqueue_indirect_dma source(%arg11 : memref<80x128xf32, #tpu.memory_space<vmem>>) target(%dma_start3A_821 : memref<10240x128xf32, #tpu.memory_space<vmem_shared>>) offsets(%dma_start3A_818 : memref<80xi32, #tpu.memory_space<vmem>>) semaphore(%arg19 : memref<!tpu.dma_semaphore, #tpu.memory_space<semaphore_mem>>) {add = true}
      %get3A_822 = arith.constant 1040 : index
      %get3A_823 = tpu.vector_load %arg9[%get3A_822] {strides = array<i32>} : memref<4000xi32, #tpu.memory_space<vmem>>, vector<16xi32>,
      %shift_right_logical3A_824 = arith.constant 7 : i32
      %shift_right_logical3A_825 = vector.broadcast %shift_right_logical3A_824 : i32 to vector<16xi32>
      %shift_right_logical3A_826 = arith.shrui %get3A_823, %shift_right_logical3A_825 : vector<16xi32>
      %and3A_827 = arith.constant 127 : i32
      %and3A_828 = vector.broadcast %and3A_827 : i32 to vector<16xi32>
      %and3A_829 = arith.andi %get3A_823, %and3A_828 : vector<16xi32>
      tpu.vector_store_idx %arg12[%shift_right_logical3A_826, %and3A_829], %broadcast_in_dim3A_13 {add = true} : memref<128x128xf32, #tpu.memory_space<vmem>>[vector<16xi32>, vector<16xi32>], vector<16xf32>,
      %get3A_830 = arith.constant 1056 : index
      %get3A_831 = tpu.vector_load %arg9[%get3A_830] {strides = array<i32>} : memref<4000xi32, #tpu.memory_space<vmem>>, vector<16xi32>,
      %shift_right_logical3A_832 = arith.constant 7 : i32
      %shift_right_logical3A_833 = vector.broadcast %shift_right_logical3A_832 : i32 to vector<16xi32>
      %shift_right_logical3A_834 = arith.shrui %get3A_831, %shift_right_logical3A_833 : vector<16xi32>
      %and3A_835 = arith.constant 127 : i32
      %and3A_836 = vector.broadcast %and3A_835 : i32 to vector<16xi32>
      %and3A_837 = arith.andi %get3A_831, %and3A_836 : vector<16xi32>
      tpu.vector_store_idx %arg12[%shift_right_logical3A_834, %and3A_837], %broadcast_in_dim3A_13 {add = true} : memref<128x128xf32, #tpu.memory_space<vmem>>[vector<16xi32>, vector<16xi32>], vector<16xf32>,
      %get3A_838 = arith.constant 1072 : index
      %get3A_839 = tpu.vector_load %arg9[%get3A_838] {strides = array<i32>} : memref<4000xi32, #tpu.memory_space<vmem>>, vector<16xi32>,
      %shift_right_logical3A_840 = arith.constant 7 : i32
      %shift_right_logical3A_841 = vector.broadcast %shift_right_logical3A_840 : i32 to vector<16xi32>
      %shift_right_logical3A_842 = arith.shrui %get3A_839, %shift_right_logical3A_841 : vector<16xi32>
      %and3A_843 = arith.constant 127 : i32
      %and3A_844 = vector.broadcast %and3A_843 : i32 to vector<16xi32>
      %and3A_845 = arith.andi %get3A_839, %and3A_844 : vector<16xi32>
      tpu.vector_store_idx %arg12[%shift_right_logical3A_842, %and3A_845], %broadcast_in_dim3A_13 {add = true} : memref<128x128xf32, #tpu.memory_space<vmem>>[vector<16xi32>, vector<16xi32>], vector<16xf32>,
      %get3A_846 = arith.constant 1088 : index
      %get3A_847 = tpu.vector_load %arg9[%get3A_846] {strides = array<i32>} : memref<4000xi32, #tpu.memory_space<vmem>>, vector<16xi32>,
      %shift_right_logical3A_848 = arith.constant 7 : i32
      %shift_right_logical3A_849 = vector.broadcast %shift_right_logical3A_848 : i32 to vector<16xi32>
      %shift_right_logical3A_850 = arith.shrui %get3A_847, %shift_right_logical3A_849 : vector<16xi32>
      %and3A_851 = arith.constant 127 : i32
      %and3A_852 = vector.broadcast %and3A_851 : i32 to vector<16xi32>
      %and3A_853 = arith.andi %get3A_847, %and3A_852 : vector<16xi32>
      tpu.vector_store_idx %arg12[%shift_right_logical3A_850, %and3A_853], %broadcast_in_dim3A_13 {add = true} : memref<128x128xf32, #tpu.memory_space<vmem>>[vector<16xi32>, vector<16xi32>], vector<16xf32>,
      %get3A_854 = arith.constant 1104 : index
      %get3A_855 = tpu.vector_load %arg9[%get3A_854] {strides = array<i32>} : memref<4000xi32, #tpu.memory_space<vmem>>, vector<16xi32>,
      %shift_right_logical3A_856 = arith.constant 7 : i32
      %shift_right_logical3A_857 = vector.broadcast %shift_right_logical3A_856 : i32 to vector<16xi32>
      %shift_right_logical3A_858 = arith.shrui %get3A_855, %shift_right_logical3A_857 : vector<16xi32>
      %and3A_859 = arith.constant 127 : i32
      %and3A_860 = vector.broadcast %and3A_859 : i32 to vector<16xi32>
      %and3A_861 = arith.andi %get3A_855, %and3A_860 : vector<16xi32>
      tpu.vector_store_idx %arg12[%shift_right_logical3A_858, %and3A_861], %broadcast_in_dim3A_13 {add = true} : memref<128x128xf32, #tpu.memory_space<vmem>>[vector<16xi32>, vector<16xi32>], vector<16xf32>,
      %dma_wait3A_862 = arith.constant 1040 : i32
      %dma_wait3A_863 = tpu.memref_slice %arg9[%dma_wait3A_862] : memref<4000xi32, #tpu.memory_space<vmem>> -> memref<80xi32, #tpu.memory_space<vmem>>
      %dma_wait3A_864 = arith.constant 0 : i32
      %dma_wait3A_865 = arith.constant 0 : i32
      %dma_wait3A_866 = tpu.memref_slice %arg14[%dma_wait3A_864, %dma_wait3A_865] : memref<10240x128xf32, #tpu.memory_space<vmem_shared>> -> memref<10240x128xf32, #tpu.memory_space<vmem_shared>>
      tpu.wait_indirect_dma semaphore(%arg19 : memref<!tpu.dma_semaphore, #tpu.memory_space<semaphore_mem>>) src(%arg11 : memref<80x128xf32, #tpu.memory_space<vmem>>) dst(%dma_wait3A_866 : memref<10240x128xf32, #tpu.memory_space<vmem_shared>>)
      %dma_start3A_867 = arith.constant 1200 : i32
      %dma_start3A_868 = tpu.memref_slice %arg8[%dma_start3A_867] : memref<4000xi32, #tpu.memory_space<vmem>> -> memref<80xi32, #tpu.memory_space<vmem>>
      %dma_start3A_869 = arith.constant 0 : i32
      %dma_start3A_870 = arith.constant 0 : i32
      %dma_start3A_871 = tpu.memref_slice %arg2[%dma_start3A_869, %dma_start3A_870] : memref<10240x128xf32, #tpu.memory_space<hbm>> -> memref<10240x128xf32, #tpu.memory_space<hbm>>
      tpu.enqueue_indirect_dma source(%dma_start3A_871 : memref<10240x128xf32, #tpu.memory_space<hbm>>) target(%arg11 : memref<80x128xf32, #tpu.memory_space<vmem>>) offsets(%dma_start3A_868 : memref<80xi32, #tpu.memory_space<vmem>>) semaphore(%arg17 : memref<!tpu.dma_semaphore, #tpu.memory_space<semaphore_mem>>)
      %dma_wait3A_872 = arith.constant 1120 : i32
      %dma_wait3A_873 = tpu.memref_slice %arg8[%dma_wait3A_872] : memref<4000xi32, #tpu.memory_space<vmem>> -> memref<80xi32, #tpu.memory_space<vmem>>
      %dma_wait3A_874 = arith.constant 0 : i32
      %dma_wait3A_875 = arith.constant 0 : i32
      %dma_wait3A_876 = tpu.memref_slice %arg2[%dma_wait3A_874, %dma_wait3A_875] : memref<10240x128xf32, #tpu.memory_space<hbm>> -> memref<10240x128xf32, #tpu.memory_space<hbm>>
      tpu.wait_indirect_dma semaphore(%arg16 : memref<!tpu.dma_semaphore, #tpu.memory_space<semaphore_mem>>) src(%dma_wait3A_876 : memref<10240x128xf32, #tpu.memory_space<hbm>>) dst(%arg10 : memref<80x128xf32, #tpu.memory_space<vmem>>)
      %dma_start3A_877 = arith.constant 1120 : i32
      %dma_start3A_878 = tpu.memref_slice %arg9[%dma_start3A_877] : memref<4000xi32, #tpu.memory_space<vmem>> -> memref<80xi32, #tpu.memory_space<vmem>>
      %dma_start3A_879 = arith.constant 0 : i32
      %dma_start3A_880 = arith.constant 0 : i32
      %dma_start3A_881 = tpu.memref_slice %arg14[%dma_start3A_879, %dma_start3A_880] : memref<10240x128xf32, #tpu.memory_space<vmem_shared>> -> memref<10240x128xf32, #tpu.memory_space<vmem_shared>>
      tpu.enqueue_indirect_dma source(%arg10 : memref<80x128xf32, #tpu.memory_space<vmem>>) target(%dma_start3A_881 : memref<10240x128xf32, #tpu.memory_space<vmem_shared>>) offsets(%dma_start3A_878 : memref<80xi32, #tpu.memory_space<vmem>>) semaphore(%arg18 : memref<!tpu.dma_semaphore, #tpu.memory_space<semaphore_mem>>) {add = true}
      %get3A_882 = arith.constant 1120 : index
      %get3A_883 = tpu.vector_load %arg9[%get3A_882] {strides = array<i32>} : memref<4000xi32, #tpu.memory_space<vmem>>, vector<16xi32>,
      %shift_right_logical3A_884 = arith.constant 7 : i32
      %shift_right_logical3A_885 = vector.broadcast %shift_right_logical3A_884 : i32 to vector<16xi32>
      %shift_right_logical3A_886 = arith.shrui %get3A_883, %shift_right_logical3A_885 : vector<16xi32>
      %and3A_887 = arith.constant 127 : i32
      %and3A_888 = vector.broadcast %and3A_887 : i32 to vector<16xi32>
      %and3A_889 = arith.andi %get3A_883, %and3A_888 : vector<16xi32>
      tpu.vector_store_idx %arg12[%shift_right_logical3A_886, %and3A_889], %broadcast_in_dim3A_13 {add = true} : memref<128x128xf32, #tpu.memory_space<vmem>>[vector<16xi32>, vector<16xi32>], vector<16xf32>,
      %get3A_890 = arith.constant 1136 : index
      %get3A_891 = tpu.vector_load %arg9[%get3A_890] {strides = array<i32>} : memref<4000xi32, #tpu.memory_space<vmem>>, vector<16xi32>,
      %shift_right_logical3A_892 = arith.constant 7 : i32
      %shift_right_logical3A_893 = vector.broadcast %shift_right_logical3A_892 : i32 to vector<16xi32>
      %shift_right_logical3A_894 = arith.shrui %get3A_891, %shift_right_logical3A_893 : vector<16xi32>
      %and3A_895 = arith.constant 127 : i32
      %and3A_896 = vector.broadcast %and3A_895 : i32 to vector<16xi32>
      %and3A_897 = arith.andi %get3A_891, %and3A_896 : vector<16xi32>
      tpu.vector_store_idx %arg12[%shift_right_logical3A_894, %and3A_897], %broadcast_in_dim3A_13 {add = true} : memref<128x128xf32, #tpu.memory_space<vmem>>[vector<16xi32>, vector<16xi32>], vector<16xf32>,
      %get3A_898 = arith.constant 1152 : index
      %get3A_899 = tpu.vector_load %arg9[%get3A_898] {strides = array<i32>} : memref<4000xi32, #tpu.memory_space<vmem>>, vector<16xi32>,
      %shift_right_logical3A_900 = arith.constant 7 : i32
      %shift_right_logical3A_901 = vector.broadcast %shift_right_logical3A_900 : i32 to vector<16xi32>
      %shift_right_logical3A_902 = arith.shrui %get3A_899, %shift_right_logical3A_901 : vector<16xi32>
      %and3A_903 = arith.constant 127 : i32
      %and3A_904 = vector.broadcast %and3A_903 : i32 to vector<16xi32>
      %and3A_905 = arith.andi %get3A_899, %and3A_904 : vector<16xi32>
      tpu.vector_store_idx %arg12[%shift_right_logical3A_902, %and3A_905], %broadcast_in_dim3A_13 {add = true} : memref<128x128xf32, #tpu.memory_space<vmem>>[vector<16xi32>, vector<16xi32>], vector<16xf32>,
      %get3A_906 = arith.constant 1168 : index
      %get3A_907 = tpu.vector_load %arg9[%get3A_906] {strides = array<i32>} : memref<4000xi32, #tpu.memory_space<vmem>>, vector<16xi32>,
      %shift_right_logical3A_908 = arith.constant 7 : i32
      %shift_right_logical3A_909 = vector.broadcast %shift_right_logical3A_908 : i32 to vector<16xi32>
      %shift_right_logical3A_910 = arith.shrui %get3A_907, %shift_right_logical3A_909 : vector<16xi32>
      %and3A_911 = arith.constant 127 : i32
      %and3A_912 = vector.broadcast %and3A_911 : i32 to vector<16xi32>
      %and3A_913 = arith.andi %get3A_907, %and3A_912 : vector<16xi32>
      tpu.vector_store_idx %arg12[%shift_right_logical3A_910, %and3A_913], %broadcast_in_dim3A_13 {add = true} : memref<128x128xf32, #tpu.memory_space<vmem>>[vector<16xi32>, vector<16xi32>], vector<16xf32>,
      %get3A_914 = arith.constant 1184 : index
      %get3A_915 = tpu.vector_load %arg9[%get3A_914] {strides = array<i32>} : memref<4000xi32, #tpu.memory_space<vmem>>, vector<16xi32>,
      %shift_right_logical3A_916 = arith.constant 7 : i32
      %shift_right_logical3A_917 = vector.broadcast %shift_right_logical3A_916 : i32 to vector<16xi32>
      %shift_right_logical3A_918 = arith.shrui %get3A_915, %shift_right_logical3A_917 : vector<16xi32>
      %and3A_919 = arith.constant 127 : i32
      %and3A_920 = vector.broadcast %and3A_919 : i32 to vector<16xi32>
      %and3A_921 = arith.andi %get3A_915, %and3A_920 : vector<16xi32>
      tpu.vector_store_idx %arg12[%shift_right_logical3A_918, %and3A_921], %broadcast_in_dim3A_13 {add = true} : memref<128x128xf32, #tpu.memory_space<vmem>>[vector<16xi32>, vector<16xi32>], vector<16xf32>,
      %dma_wait3A_922 = arith.constant 1120 : i32
      %dma_wait3A_923 = tpu.memref_slice %arg9[%dma_wait3A_922] : memref<4000xi32, #tpu.memory_space<vmem>> -> memref<80xi32, #tpu.memory_space<vmem>>
      %dma_wait3A_924 = arith.constant 0 : i32
      %dma_wait3A_925 = arith.constant 0 : i32
      %dma_wait3A_926 = tpu.memref_slice %arg14[%dma_wait3A_924, %dma_wait3A_925] : memref<10240x128xf32, #tpu.memory_space<vmem_shared>> -> memref<10240x128xf32, #tpu.memory_space<vmem_shared>>
      tpu.wait_indirect_dma semaphore(%arg18 : memref<!tpu.dma_semaphore, #tpu.memory_space<semaphore_mem>>) src(%arg10 : memref<80x128xf32, #tpu.memory_space<vmem>>) dst(%dma_wait3A_926 : memref<10240x128xf32, #tpu.memory_space<vmem_shared>>)
      %dma_start3A_927 = arith.constant 1280 : i32
      %dma_start3A_928 = tpu.memref_slice %arg8[%dma_start3A_927] : memref<4000xi32, #tpu.memory_space<vmem>> -> memref<80xi32, #tpu.memory_space<vmem>>
      %dma_start3A_929 = arith.constant 0 : i32
      %dma_start3A_930 = arith.constant 0 : i32
      %dma_start3A_931 = tpu.memref_slice %arg2[%dma_start3A_929, %dma_start3A_930] : memref<10240x128xf32, #tpu.memory_space<hbm>> -> memref<10240x128xf32, #tpu.memory_space<hbm>>
      tpu.enqueue_indirect_dma source(%dma_start3A_931 : memref<10240x128xf32, #tpu.memory_space<hbm>>) target(%arg10 : memref<80x128xf32, #tpu.memory_space<vmem>>) offsets(%dma_start3A_928 : memref<80xi32, #tpu.memory_space<vmem>>) semaphore(%arg16 : memref<!tpu.dma_semaphore, #tpu.memory_space<semaphore_mem>>)
      %dma_wait3A_932 = arith.constant 1200 : i32
      %dma_wait3A_933 = tpu.memref_slice %arg8[%dma_wait3A_932] : memref<4000xi32, #tpu.memory_space<vmem>> -> memref<80xi32, #tpu.memory_space<vmem>>
      %dma_wait3A_934 = arith.constant 0 : i32
      %dma_wait3A_935 = arith.constant 0 : i32
      %dma_wait3A_936 = tpu.memref_slice %arg2[%dma_wait3A_934, %dma_wait3A_935] : memref<10240x128xf32, #tpu.memory_space<hbm>> -> memref<10240x128xf32, #tpu.memory_space<hbm>>
      tpu.wait_indirect_dma semaphore(%arg17 : memref<!tpu.dma_semaphore, #tpu.memory_space<semaphore_mem>>) src(%dma_wait3A_936 : memref<10240x128xf32, #tpu.memory_space<hbm>>) dst(%arg11 : memref<80x128xf32, #tpu.memory_space<vmem>>)
      %dma_start3A_937 = arith.constant 1200 : i32
      %dma_start3A_938 = tpu.memref_slice %arg9[%dma_start3A_937] : memref<4000xi32, #tpu.memory_space<vmem>> -> memref<80xi32, #tpu.memory_space<vmem>>
      %dma_start3A_939 = arith.constant 0 : i32
      %dma_start3A_940 = arith.constant 0 : i32
      %dma_start3A_941 = tpu.memref_slice %arg14[%dma_start3A_939, %dma_start3A_940] : memref<10240x128xf32, #tpu.memory_space<vmem_shared>> -> memref<10240x128xf32, #tpu.memory_space<vmem_shared>>
      tpu.enqueue_indirect_dma source(%arg11 : memref<80x128xf32, #tpu.memory_space<vmem>>) target(%dma_start3A_941 : memref<10240x128xf32, #tpu.memory_space<vmem_shared>>) offsets(%dma_start3A_938 : memref<80xi32, #tpu.memory_space<vmem>>) semaphore(%arg19 : memref<!tpu.dma_semaphore, #tpu.memory_space<semaphore_mem>>) {add = true}
      %get3A_942 = arith.constant 1200 : index
      %get3A_943 = tpu.vector_load %arg9[%get3A_942] {strides = array<i32>} : memref<4000xi32, #tpu.memory_space<vmem>>, vector<16xi32>,
      %shift_right_logical3A_944 = arith.constant 7 : i32
      %shift_right_logical3A_945 = vector.broadcast %shift_right_logical3A_944 : i32 to vector<16xi32>
      %shift_right_logical3A_946 = arith.shrui %get3A_943, %shift_right_logical3A_945 : vector<16xi32>
      %and3A_947 = arith.constant 127 : i32
      %and3A_948 = vector.broadcast %and3A_947 : i32 to vector<16xi32>
      %and3A_949 = arith.andi %get3A_943, %and3A_948 : vector<16xi32>
      tpu.vector_store_idx %arg12[%shift_right_logical3A_946, %and3A_949], %broadcast_in_dim3A_13 {add = true} : memref<128x128xf32, #tpu.memory_space<vmem>>[vector<16xi32>, vector<16xi32>], vector<16xf32>,
      %get3A_950 = arith.constant 1216 : index
      %get3A_951 = tpu.vector_load %arg9[%get3A_950] {strides = array<i32>} : memref<4000xi32, #tpu.memory_space<vmem>>, vector<16xi32>,
      %shift_right_logical3A_952 = arith.constant 7 : i32
      %shift_right_logical3A_953 = vector.broadcast %shift_right_logical3A_952 : i32 to vector<16xi32>
      %shift_right_logical3A_954 = arith.shrui %get3A_951, %shift_right_logical3A_953 : vector<16xi32>
      %and3A_955 = arith.constant 127 : i32
      %and3A_956 = vector.broadcast %and3A_955 : i32 to vector<16xi32>
      %and3A_957 = arith.andi %get3A_951, %and3A_956 : vector<16xi32>
      tpu.vector_store_idx %arg12[%shift_right_logical3A_954, %and3A_957], %broadcast_in_dim3A_13 {add = true} : memref<128x128xf32, #tpu.memory_space<vmem>>[vector<16xi32>, vector<16xi32>], vector<16xf32>,
      %get3A_958 = arith.constant 1232 : index
      %get3A_959 = tpu.vector_load %arg9[%get3A_958] {strides = array<i32>} : memref<4000xi32, #tpu.memory_space<vmem>>, vector<16xi32>,
      %shift_right_logical3A_960 = arith.constant 7 : i32
      %shift_right_logical3A_961 = vector.broadcast %shift_right_logical3A_960 : i32 to vector<16xi32>
      %shift_right_logical3A_962 = arith.shrui %get3A_959, %shift_right_logical3A_961 : vector<16xi32>
      %and3A_963 = arith.constant 127 : i32
      %and3A_964 = vector.broadcast %and3A_963 : i32 to vector<16xi32>
      %and3A_965 = arith.andi %get3A_959, %and3A_964 : vector<16xi32>
      tpu.vector_store_idx %arg12[%shift_right_logical3A_962, %and3A_965], %broadcast_in_dim3A_13 {add = true} : memref<128x128xf32, #tpu.memory_space<vmem>>[vector<16xi32>, vector<16xi32>], vector<16xf32>,
      %get3A_966 = arith.constant 1248 : index
      %get3A_967 = tpu.vector_load %arg9[%get3A_966] {strides = array<i32>} : memref<4000xi32, #tpu.memory_space<vmem>>, vector<16xi32>,
      %shift_right_logical3A_968 = arith.constant 7 : i32
      %shift_right_logical3A_969 = vector.broadcast %shift_right_logical3A_968 : i32 to vector<16xi32>
      %shift_right_logical3A_970 = arith.shrui %get3A_967, %shift_right_logical3A_969 : vector<16xi32>
      %and3A_971 = arith.constant 127 : i32
      %and3A_972 = vector.broadcast %and3A_971 : i32 to vector<16xi32>
      %and3A_973 = arith.andi %get3A_967, %and3A_972 : vector<16xi32>
      tpu.vector_store_idx %arg12[%shift_right_logical3A_970, %and3A_973], %broadcast_in_dim3A_13 {add = true} : memref<128x128xf32, #tpu.memory_space<vmem>>[vector<16xi32>, vector<16xi32>], vector<16xf32>,
      %get3A_974 = arith.constant 1264 : index
      %get3A_975 = tpu.vector_load %arg9[%get3A_974] {strides = array<i32>} : memref<4000xi32, #tpu.memory_space<vmem>>, vector<16xi32>,
      %shift_right_logical3A_976 = arith.constant 7 : i32
      %shift_right_logical3A_977 = vector.broadcast %shift_right_logical3A_976 : i32 to vector<16xi32>
      %shift_right_logical3A_978 = arith.shrui %get3A_975, %shift_right_logical3A_977 : vector<16xi32>
      %and3A_979 = arith.constant 127 : i32
      %and3A_980 = vector.broadcast %and3A_979 : i32 to vector<16xi32>
      %and3A_981 = arith.andi %get3A_975, %and3A_980 : vector<16xi32>
      tpu.vector_store_idx %arg12[%shift_right_logical3A_978, %and3A_981], %broadcast_in_dim3A_13 {add = true} : memref<128x128xf32, #tpu.memory_space<vmem>>[vector<16xi32>, vector<16xi32>], vector<16xf32>,
      %dma_wait3A_982 = arith.constant 1200 : i32
      %dma_wait3A_983 = tpu.memref_slice %arg9[%dma_wait3A_982] : memref<4000xi32, #tpu.memory_space<vmem>> -> memref<80xi32, #tpu.memory_space<vmem>>
      %dma_wait3A_984 = arith.constant 0 : i32
      %dma_wait3A_985 = arith.constant 0 : i32
      %dma_wait3A_986 = tpu.memref_slice %arg14[%dma_wait3A_984, %dma_wait3A_985] : memref<10240x128xf32, #tpu.memory_space<vmem_shared>> -> memref<10240x128xf32, #tpu.memory_space<vmem_shared>>
      tpu.wait_indirect_dma semaphore(%arg19 : memref<!tpu.dma_semaphore, #tpu.memory_space<semaphore_mem>>) src(%arg11 : memref<80x128xf32, #tpu.memory_space<vmem>>) dst(%dma_wait3A_986 : memref<10240x128xf32, #tpu.memory_space<vmem_shared>>)
      %dma_start3A_987 = arith.constant 1360 : i32
      %dma_start3A_988 = tpu.memref_slice %arg8[%dma_start3A_987] : memref<4000xi32, #tpu.memory_space<vmem>> -> memref<80xi32, #tpu.memory_space<vmem>>
      %dma_start3A_989 = arith.constant 0 : i32
      %dma_start3A_990 = arith.constant 0 : i32
      %dma_start3A_991 = tpu.memref_slice %arg2[%dma_start3A_989, %dma_start3A_990] : memref<10240x128xf32, #tpu.memory_space<hbm>> -> memref<10240x128xf32, #tpu.memory_space<hbm>>
      tpu.enqueue_indirect_dma source(%dma_start3A_991 : memref<10240x128xf32, #tpu.memory_space<hbm>>) target(%arg11 : memref<80x128xf32, #tpu.memory_space<vmem>>) offsets(%dma_start3A_988 : memref<80xi32, #tpu.memory_space<vmem>>) semaphore(%arg17 : memref<!tpu.dma_semaphore, #tpu.memory_space<semaphore_mem>>)
      %dma_wait3A_992 = arith.constant 1280 : i32
      %dma_wait3A_993 = tpu.memref_slice %arg8[%dma_wait3A_992] : memref<4000xi32, #tpu.memory_space<vmem>> -> memref<80xi32, #tpu.memory_space<vmem>>
      %dma_wait3A_994 = arith.constant 0 : i32
      %dma_wait3A_995 = arith.constant 0 : i32
      %dma_wait3A_996 = tpu.memref_slice %arg2[%dma_wait3A_994, %dma_wait3A_995] : memref<10240x128xf32, #tpu.memory_space<hbm>> -> memref<10240x128xf32, #tpu.memory_space<hbm>>
      tpu.wait_indirect_dma semaphore(%arg16 : memref<!tpu.dma_semaphore, #tpu.memory_space<semaphore_mem>>) src(%dma_wait3A_996 : memref<10240x128xf32, #tpu.memory_space<hbm>>) dst(%arg10 : memref<80x128xf32, #tpu.memory_space<vmem>>)
      %dma_start3A_997 = arith.constant 1280 : i32
      %dma_start3A_998 = tpu.memref_slice %arg9[%dma_start3A_997] : memref<4000xi32, #tpu.memory_space<vmem>> -> memref<80xi32, #tpu.memory_space<vmem>>
      %dma_start3A_999 = arith.constant 0 : i32
      %dma_start3A_1000 = arith.constant 0 : i32
      %dma_start3A_1001 = tpu.memref_slice %arg14[%dma_start3A_999, %dma_start3A_1000] : memref<10240x128xf32, #tpu.memory_space<vmem_shared>> -> memref<10240x128xf32, #tpu.memory_space<vmem_shared>>
      tpu.enqueue_indirect_dma source(%arg10 : memref<80x128xf32, #tpu.memory_space<vmem>>) target(%dma_start3A_1001 : memref<10240x128xf32, #tpu.memory_space<vmem_shared>>) offsets(%dma_start3A_998 : memref<80xi32, #tpu.memory_space<vmem>>) semaphore(%arg18 : memref<!tpu.dma_semaphore, #tpu.memory_space<semaphore_mem>>) {add = true}
      %get3A_1002 = arith.constant 1280 : index
      %get3A_1003 = tpu.vector_load %arg9[%get3A_1002] {strides = array<i32>} : memref<4000xi32, #tpu.memory_space<vmem>>, vector<16xi32>,
      %shift_right_logical3A_1004 = arith.constant 7 : i32
      %shift_right_logical3A_1005 = vector.broadcast %shift_right_logical3A_1004 : i32 to vector<16xi32>
      %shift_right_logical3A_1006 = arith.shrui %get3A_1003, %shift_right_logical3A_1005 : vector<16xi32>
      %and3A_1007 = arith.constant 127 : i32
      %and3A_1008 = vector.broadcast %and3A_1007 : i32 to vector<16xi32>
      %and3A_1009 = arith.andi %get3A_1003, %and3A_1008 : vector<16xi32>
      tpu.vector_store_idx %arg12[%shift_right_logical3A_1006, %and3A_1009], %broadcast_in_dim3A_13 {add = true} : memref<128x128xf32, #tpu.memory_space<vmem>>[vector<16xi32>, vector<16xi32>], vector<16xf32>,
      %get3A_1010 = arith.constant 1296 : index
      %get3A_1011 = tpu.vector_load %arg9[%get3A_1010] {strides = array<i32>} : memref<4000xi32, #tpu.memory_space<vmem>>, vector<16xi32>,
      %shift_right_logical3A_1012 = arith.constant 7 : i32
      %shift_right_logical3A_1013 = vector.broadcast %shift_right_logical3A_1012 : i32 to vector<16xi32>
      %shift_right_logical3A_1014 = arith.shrui %get3A_1011, %shift_right_logical3A_1013 : vector<16xi32>
      %and3A_1015 = arith.constant 127 : i32
      %and3A_1016 = vector.broadcast %and3A_1015 : i32 to vector<16xi32>
      %and3A_1017 = arith.andi %get3A_1011, %and3A_1016 : vector<16xi32>
      tpu.vector_store_idx %arg12[%shift_right_logical3A_1014, %and3A_1017], %broadcast_in_dim3A_13 {add = true} : memref<128x128xf32, #tpu.memory_space<vmem>>[vector<16xi32>, vector<16xi32>], vector<16xf32>,
      %get3A_1018 = arith.constant 1312 : index
      %get3A_1019 = tpu.vector_load %arg9[%get3A_1018] {strides = array<i32>} : memref<4000xi32, #tpu.memory_space<vmem>>, vector<16xi32>,
      %shift_right_logical3A_1020 = arith.constant 7 : i32
      %shift_right_logical3A_1021 = vector.broadcast %shift_right_logical3A_1020 : i32 to vector<16xi32>
      %shift_right_logical3A_1022 = arith.shrui %get3A_1019, %shift_right_logical3A_1021 : vector<16xi32>
      %and3A_1023 = arith.constant 127 : i32
      %and3A_1024 = vector.broadcast %and3A_1023 : i32 to vector<16xi32>
      %and3A_1025 = arith.andi %get3A_1019, %and3A_1024 : vector<16xi32>
      tpu.vector_store_idx %arg12[%shift_right_logical3A_1022, %and3A_1025], %broadcast_in_dim3A_13 {add = true} : memref<128x128xf32, #tpu.memory_space<vmem>>[vector<16xi32>, vector<16xi32>], vector<16xf32>,
      %get3A_1026 = arith.constant 1328 : index
      %get3A_1027 = tpu.vector_load %arg9[%get3A_1026] {strides = array<i32>} : memref<4000xi32, #tpu.memory_space<vmem>>, vector<16xi32>,
      %shift_right_logical3A_1028 = arith.constant 7 : i32
      %shift_right_logical3A_1029 = vector.broadcast %shift_right_logical3A_1028 : i32 to vector<16xi32>
      %shift_right_logical3A_1030 = arith.shrui %get3A_1027, %shift_right_logical3A_1029 : vector<16xi32>
      %and3A_1031 = arith.constant 127 : i32
      %and3A_1032 = vector.broadcast %and3A_1031 : i32 to vector<16xi32>
      %and3A_1033 = arith.andi %get3A_1027, %and3A_1032 : vector<16xi32>
      tpu.vector_store_idx %arg12[%shift_right_logical3A_1030, %and3A_1033], %broadcast_in_dim3A_13 {add = true} : memref<128x128xf32, #tpu.memory_space<vmem>>[vector<16xi32>, vector<16xi32>], vector<16xf32>,
      %get3A_1034 = arith.constant 1344 : index
      %get3A_1035 = tpu.vector_load %arg9[%get3A_1034] {strides = array<i32>} : memref<4000xi32, #tpu.memory_space<vmem>>, vector<16xi32>,
      %shift_right_logical3A_1036 = arith.constant 7 : i32
      %shift_right_logical3A_1037 = vector.broadcast %shift_right_logical3A_1036 : i32 to vector<16xi32>
      %shift_right_logical3A_1038 = arith.shrui %get3A_1035, %shift_right_logical3A_1037 : vector<16xi32>
      %and3A_1039 = arith.constant 127 : i32
      %and3A_1040 = vector.broadcast %and3A_1039 : i32 to vector<16xi32>
      %and3A_1041 = arith.andi %get3A_1035, %and3A_1040 : vector<16xi32>
      tpu.vector_store_idx %arg12[%shift_right_logical3A_1038, %and3A_1041], %broadcast_in_dim3A_13 {add = true} : memref<128x128xf32, #tpu.memory_space<vmem>>[vector<16xi32>, vector<16xi32>], vector<16xf32>,
      %dma_wait3A_1042 = arith.constant 1280 : i32
      %dma_wait3A_1043 = tpu.memref_slice %arg9[%dma_wait3A_1042] : memref<4000xi32, #tpu.memory_space<vmem>> -> memref<80xi32, #tpu.memory_space<vmem>>
      %dma_wait3A_1044 = arith.constant 0 : i32
      %dma_wait3A_1045 = arith.constant 0 : i32
      %dma_wait3A_1046 = tpu.memref_slice %arg14[%dma_wait3A_1044, %dma_wait3A_1045] : memref<10240x128xf32, #tpu.memory_space<vmem_shared>> -> memref<10240x128xf32, #tpu.memory_space<vmem_shared>>
      tpu.wait_indirect_dma semaphore(%arg18 : memref<!tpu.dma_semaphore, #tpu.memory_space<semaphore_mem>>) src(%arg10 : memref<80x128xf32, #tpu.memory_space<vmem>>) dst(%dma_wait3A_1046 : memref<10240x128xf32, #tpu.memory_space<vmem_shared>>)
      %dma_start3A_1047 = arith.constant 1440 : i32
      %dma_start3A_1048 = tpu.memref_slice %arg8[%dma_start3A_1047] : memref<4000xi32, #tpu.memory_space<vmem>> -> memref<80xi32, #tpu.memory_space<vmem>>
      %dma_start3A_1049 = arith.constant 0 : i32
      %dma_start3A_1050 = arith.constant 0 : i32
      %dma_start3A_1051 = tpu.memref_slice %arg2[%dma_start3A_1049, %dma_start3A_1050] : memref<10240x128xf32, #tpu.memory_space<hbm>> -> memref<10240x128xf32, #tpu.memory_space<hbm>>
      tpu.enqueue_indirect_dma source(%dma_start3A_1051 : memref<10240x128xf32, #tpu.memory_space<hbm>>) target(%arg10 : memref<80x128xf32, #tpu.memory_space<vmem>>) offsets(%dma_start3A_1048 : memref<80xi32, #tpu.memory_space<vmem>>) semaphore(%arg16 : memref<!tpu.dma_semaphore, #tpu.memory_space<semaphore_mem>>)
      %dma_wait3A_1052 = arith.constant 1360 : i32
      %dma_wait3A_1053 = tpu.memref_slice %arg8[%dma_wait3A_1052] : memref<4000xi32, #tpu.memory_space<vmem>> -> memref<80xi32, #tpu.memory_space<vmem>>
      %dma_wait3A_1054 = arith.constant 0 : i32
      %dma_wait3A_1055 = arith.constant 0 : i32
      %dma_wait3A_1056 = tpu.memref_slice %arg2[%dma_wait3A_1054, %dma_wait3A_1055] : memref<10240x128xf32, #tpu.memory_space<hbm>> -> memref<10240x128xf32, #tpu.memory_space<hbm>>
      tpu.wait_indirect_dma semaphore(%arg17 : memref<!tpu.dma_semaphore, #tpu.memory_space<semaphore_mem>>) src(%dma_wait3A_1056 : memref<10240x128xf32, #tpu.memory_space<hbm>>) dst(%arg11 : memref<80x128xf32, #tpu.memory_space<vmem>>)
      %dma_start3A_1057 = arith.constant 1360 : i32
      %dma_start3A_1058 = tpu.memref_slice %arg9[%dma_start3A_1057] : memref<4000xi32, #tpu.memory_space<vmem>> -> memref<80xi32, #tpu.memory_space<vmem>>
      %dma_start3A_1059 = arith.constant 0 : i32
      %dma_start3A_1060 = arith.constant 0 : i32
      %dma_start3A_1061 = tpu.memref_slice %arg14[%dma_start3A_1059, %dma_start3A_1060] : memref<10240x128xf32, #tpu.memory_space<vmem_shared>> -> memref<10240x128xf32, #tpu.memory_space<vmem_shared>>
      tpu.enqueue_indirect_dma source(%arg11 : memref<80x128xf32, #tpu.memory_space<vmem>>) target(%dma_start3A_1061 : memref<10240x128xf32, #tpu.memory_space<vmem_shared>>) offsets(%dma_start3A_1058 : memref<80xi32, #tpu.memory_space<vmem>>) semaphore(%arg19 : memref<!tpu.dma_semaphore, #tpu.memory_space<semaphore_mem>>) {add = true}
      %get3A_1062 = arith.constant 1360 : index
      %get3A_1063 = tpu.vector_load %arg9[%get3A_1062] {strides = array<i32>} : memref<4000xi32, #tpu.memory_space<vmem>>, vector<16xi32>,
      %shift_right_logical3A_1064 = arith.constant 7 : i32
      %shift_right_logical3A_1065 = vector.broadcast %shift_right_logical3A_1064 : i32 to vector<16xi32>
      %shift_right_logical3A_1066 = arith.shrui %get3A_1063, %shift_right_logical3A_1065 : vector<16xi32>
      %and3A_1067 = arith.constant 127 : i32
      %and3A_1068 = vector.broadcast %and3A_1067 : i32 to vector<16xi32>
      %and3A_1069 = arith.andi %get3A_1063, %and3A_1068 : vector<16xi32>
      tpu.vector_store_idx %arg12[%shift_right_logical3A_1066, %and3A_1069], %broadcast_in_dim3A_13 {add = true} : memref<128x128xf32, #tpu.memory_space<vmem>>[vector<16xi32>, vector<16xi32>], vector<16xf32>,
      %get3A_1070 = arith.constant 1376 : index
      %get3A_1071 = tpu.vector_load %arg9[%get3A_1070] {strides = array<i32>} : memref<4000xi32, #tpu.memory_space<vmem>>, vector<16xi32>,
      %shift_right_logical3A_1072 = arith.constant 7 : i32
      %shift_right_logical3A_1073 = vector.broadcast %shift_right_logical3A_1072 : i32 to vector<16xi32>
      %shift_right_logical3A_1074 = arith.shrui %get3A_1071, %shift_right_logical3A_1073 : vector<16xi32>
      %and3A_1075 = arith.constant 127 : i32
      %and3A_1076 = vector.broadcast %and3A_1075 : i32 to vector<16xi32>
      %and3A_1077 = arith.andi %get3A_1071, %and3A_1076 : vector<16xi32>
      tpu.vector_store_idx %arg12[%shift_right_logical3A_1074, %and3A_1077], %broadcast_in_dim3A_13 {add = true} : memref<128x128xf32, #tpu.memory_space<vmem>>[vector<16xi32>, vector<16xi32>], vector<16xf32>,
      %get3A_1078 = arith.constant 1392 : index
      %get3A_1079 = tpu.vector_load %arg9[%get3A_1078] {strides = array<i32>} : memref<4000xi32, #tpu.memory_space<vmem>>, vector<16xi32>,
      %shift_right_logical3A_1080 = arith.constant 7 : i32
      %shift_right_logical3A_1081 = vector.broadcast %shift_right_logical3A_1080 : i32 to vector<16xi32>
      %shift_right_logical3A_1082 = arith.shrui %get3A_1079, %shift_right_logical3A_1081 : vector<16xi32>
      %and3A_1083 = arith.constant 127 : i32
      %and3A_1084 = vector.broadcast %and3A_1083 : i32 to vector<16xi32>
      %and3A_1085 = arith.andi %get3A_1079, %and3A_1084 : vector<16xi32>
      tpu.vector_store_idx %arg12[%shift_right_logical3A_1082, %and3A_1085], %broadcast_in_dim3A_13 {add = true} : memref<128x128xf32, #tpu.memory_space<vmem>>[vector<16xi32>, vector<16xi32>], vector<16xf32>,
      %get3A_1086 = arith.constant 1408 : index
      %get3A_1087 = tpu.vector_load %arg9[%get3A_1086] {strides = array<i32>} : memref<4000xi32, #tpu.memory_space<vmem>>, vector<16xi32>,
      %shift_right_logical3A_1088 = arith.constant 7 : i32
      %shift_right_logical3A_1089 = vector.broadcast %shift_right_logical3A_1088 : i32 to vector<16xi32>
      %shift_right_logical3A_1090 = arith.shrui %get3A_1087, %shift_right_logical3A_1089 : vector<16xi32>
      %and3A_1091 = arith.constant 127 : i32
      %and3A_1092 = vector.broadcast %and3A_1091 : i32 to vector<16xi32>
      %and3A_1093 = arith.andi %get3A_1087, %and3A_1092 : vector<16xi32>
      tpu.vector_store_idx %arg12[%shift_right_logical3A_1090, %and3A_1093], %broadcast_in_dim3A_13 {add = true} : memref<128x128xf32, #tpu.memory_space<vmem>>[vector<16xi32>, vector<16xi32>], vector<16xf32>,
      %get3A_1094 = arith.constant 1424 : index
      %get3A_1095 = tpu.vector_load %arg9[%get3A_1094] {strides = array<i32>} : memref<4000xi32, #tpu.memory_space<vmem>>, vector<16xi32>,
      %shift_right_logical3A_1096 = arith.constant 7 : i32
      %shift_right_logical3A_1097 = vector.broadcast %shift_right_logical3A_1096 : i32 to vector<16xi32>
      %shift_right_logical3A_1098 = arith.shrui %get3A_1095, %shift_right_logical3A_1097 : vector<16xi32>
      %and3A_1099 = arith.constant 127 : i32
      %and3A_1100 = vector.broadcast %and3A_1099 : i32 to vector<16xi32>
      %and3A_1101 = arith.andi %get3A_1095, %and3A_1100 : vector<16xi32>
      tpu.vector_store_idx %arg12[%shift_right_logical3A_1098, %and3A_1101], %broadcast_in_dim3A_13 {add = true} : memref<128x128xf32, #tpu.memory_space<vmem>>[vector<16xi32>, vector<16xi32>], vector<16xf32>,
      %dma_wait3A_1102 = arith.constant 1360 : i32
      %dma_wait3A_1103 = tpu.memref_slice %arg9[%dma_wait3A_1102] : memref<4000xi32, #tpu.memory_space<vmem>> -> memref<80xi32, #tpu.memory_space<vmem>>
      %dma_wait3A_1104 = arith.constant 0 : i32
      %dma_wait3A_1105 = arith.constant 0 : i32
      %dma_wait3A_1106 = tpu.memref_slice %arg14[%dma_wait3A_1104, %dma_wait3A_1105] : memref<10240x128xf32, #tpu.memory_space<vmem_shared>> -> memref<10240x128xf32, #tpu.memory_space<vmem_shared>>
      tpu.wait_indirect_dma semaphore(%arg19 : memref<!tpu.dma_semaphore, #tpu.memory_space<semaphore_mem>>) src(%arg11 : memref<80x128xf32, #tpu.memory_space<vmem>>) dst(%dma_wait3A_1106 : memref<10240x128xf32, #tpu.memory_space<vmem_shared>>)
      %dma_start3A_1107 = arith.constant 1520 : i32
      %dma_start3A_1108 = tpu.memref_slice %arg8[%dma_start3A_1107] : memref<4000xi32, #tpu.memory_space<vmem>> -> memref<80xi32, #tpu.memory_space<vmem>>
      %dma_start3A_1109 = arith.constant 0 : i32
      %dma_start3A_1110 = arith.constant 0 : i32
      %dma_start3A_1111 = tpu.memref_slice %arg2[%dma_start3A_1109, %dma_start3A_1110] : memref<10240x128xf32, #tpu.memory_space<hbm>> -> memref<10240x128xf32, #tpu.memory_space<hbm>>
      tpu.enqueue_indirect_dma source(%dma_start3A_1111 : memref<10240x128xf32, #tpu.memory_space<hbm>>) target(%arg11 : memref<80x128xf32, #tpu.memory_space<vmem>>) offsets(%dma_start3A_1108 : memref<80xi32, #tpu.memory_space<vmem>>) semaphore(%arg17 : memref<!tpu.dma_semaphore, #tpu.memory_space<semaphore_mem>>)
      %dma_wait3A_1112 = arith.constant 1440 : i32
      %dma_wait3A_1113 = tpu.memref_slice %arg8[%dma_wait3A_1112] : memref<4000xi32, #tpu.memory_space<vmem>> -> memref<80xi32, #tpu.memory_space<vmem>>
      %dma_wait3A_1114 = arith.constant 0 : i32
      %dma_wait3A_1115 = arith.constant 0 : i32
      %dma_wait3A_1116 = tpu.memref_slice %arg2[%dma_wait3A_1114, %dma_wait3A_1115] : memref<10240x128xf32, #tpu.memory_space<hbm>> -> memref<10240x128xf32, #tpu.memory_space<hbm>>
      tpu.wait_indirect_dma semaphore(%arg16 : memref<!tpu.dma_semaphore, #tpu.memory_space<semaphore_mem>>) src(%dma_wait3A_1116 : memref<10240x128xf32, #tpu.memory_space<hbm>>) dst(%arg10 : memref<80x128xf32, #tpu.memory_space<vmem>>)
      %dma_start3A_1117 = arith.constant 1440 : i32
      %dma_start3A_1118 = tpu.memref_slice %arg9[%dma_start3A_1117] : memref<4000xi32, #tpu.memory_space<vmem>> -> memref<80xi32, #tpu.memory_space<vmem>>
      %dma_start3A_1119 = arith.constant 0 : i32
      %dma_start3A_1120 = arith.constant 0 : i32
      %dma_start3A_1121 = tpu.memref_slice %arg14[%dma_start3A_1119, %dma_start3A_1120] : memref<10240x128xf32, #tpu.memory_space<vmem_shared>> -> memref<10240x128xf32, #tpu.memory_space<vmem_shared>>
      tpu.enqueue_indirect_dma source(%arg10 : memref<80x128xf32, #tpu.memory_space<vmem>>) target(%dma_start3A_1121 : memref<10240x128xf32, #tpu.memory_space<vmem_shared>>) offsets(%dma_start3A_1118 : memref<80xi32, #tpu.memory_space<vmem>>) semaphore(%arg18 : memref<!tpu.dma_semaphore, #tpu.memory_space<semaphore_mem>>) {add = true}
      %get3A_1122 = arith.constant 1440 : index
      %get3A_1123 = tpu.vector_load %arg9[%get3A_1122] {strides = array<i32>} : memref<4000xi32, #tpu.memory_space<vmem>>, vector<16xi32>,
      %shift_right_logical3A_1124 = arith.constant 7 : i32
      %shift_right_logical3A_1125 = vector.broadcast %shift_right_logical3A_1124 : i32 to vector<16xi32>
      %shift_right_logical3A_1126 = arith.shrui %get3A_1123, %shift_right_logical3A_1125 : vector<16xi32>
      %and3A_1127 = arith.constant 127 : i32
      %and3A_1128 = vector.broadcast %and3A_1127 : i32 to vector<16xi32>
      %and3A_1129 = arith.andi %get3A_1123, %and3A_1128 : vector<16xi32>
      tpu.vector_store_idx %arg12[%shift_right_logical3A_1126, %and3A_1129], %broadcast_in_dim3A_13 {add = true} : memref<128x128xf32, #tpu.memory_space<vmem>>[vector<16xi32>, vector<16xi32>], vector<16xf32>,
      %get3A_1130 = arith.constant 1456 : index
      %get3A_1131 = tpu.vector_load %arg9[%get3A_1130] {strides = array<i32>} : memref<4000xi32, #tpu.memory_space<vmem>>, vector<16xi32>,
      %shift_right_logical3A_1132 = arith.constant 7 : i32
      %shift_right_logical3A_1133 = vector.broadcast %shift_right_logical3A_1132 : i32 to vector<16xi32>
      %shift_right_logical3A_1134 = arith.shrui %get3A_1131, %shift_right_logical3A_1133 : vector<16xi32>
      %and3A_1135 = arith.constant 127 : i32
      %and3A_1136 = vector.broadcast %and3A_1135 : i32 to vector<16xi32>
      %and3A_1137 = arith.andi %get3A_1131, %and3A_1136 : vector<16xi32>
      tpu.vector_store_idx %arg12[%shift_right_logical3A_1134, %and3A_1137], %broadcast_in_dim3A_13 {add = true} : memref<128x128xf32, #tpu.memory_space<vmem>>[vector<16xi32>, vector<16xi32>], vector<16xf32>,
      %get3A_1138 = arith.constant 1472 : index
      %get3A_1139 = tpu.vector_load %arg9[%get3A_1138] {strides = array<i32>} : memref<4000xi32, #tpu.memory_space<vmem>>, vector<16xi32>,
      %shift_right_logical3A_1140 = arith.constant 7 : i32
      %shift_right_logical3A_1141 = vector.broadcast %shift_right_logical3A_1140 : i32 to vector<16xi32>
      %shift_right_logical3A_1142 = arith.shrui %get3A_1139, %shift_right_logical3A_1141 : vector<16xi32>
      %and3A_1143 = arith.constant 127 : i32
      %and3A_1144 = vector.broadcast %and3A_1143 : i32 to vector<16xi32>
      %and3A_1145 = arith.andi %get3A_1139, %and3A_1144 : vector<16xi32>
      tpu.vector_store_idx %arg12[%shift_right_logical3A_1142, %and3A_1145], %broadcast_in_dim3A_13 {add = true} : memref<128x128xf32, #tpu.memory_space<vmem>>[vector<16xi32>, vector<16xi32>], vector<16xf32>,
      %get3A_1146 = arith.constant 1488 : index
      %get3A_1147 = tpu.vector_load %arg9[%get3A_1146] {strides = array<i32>} : memref<4000xi32, #tpu.memory_space<vmem>>, vector<16xi32>,
      %shift_right_logical3A_1148 = arith.constant 7 : i32
      %shift_right_logical3A_1149 = vector.broadcast %shift_right_logical3A_1148 : i32 to vector<16xi32>
      %shift_right_logical3A_1150 = arith.shrui %get3A_1147, %shift_right_logical3A_1149 : vector<16xi32>
      %and3A_1151 = arith.constant 127 : i32
      %and3A_1152 = vector.broadcast %and3A_1151 : i32 to vector<16xi32>
      %and3A_1153 = arith.andi %get3A_1147, %and3A_1152 : vector<16xi32>
      tpu.vector_store_idx %arg12[%shift_right_logical3A_1150, %and3A_1153], %broadcast_in_dim3A_13 {add = true} : memref<128x128xf32, #tpu.memory_space<vmem>>[vector<16xi32>, vector<16xi32>], vector<16xf32>,
      %get3A_1154 = arith.constant 1504 : index
      %get3A_1155 = tpu.vector_load %arg9[%get3A_1154] {strides = array<i32>} : memref<4000xi32, #tpu.memory_space<vmem>>, vector<16xi32>,
      %shift_right_logical3A_1156 = arith.constant 7 : i32
      %shift_right_logical3A_1157 = vector.broadcast %shift_right_logical3A_1156 : i32 to vector<16xi32>
      %shift_right_logical3A_1158 = arith.shrui %get3A_1155, %shift_right_logical3A_1157 : vector<16xi32>
      %and3A_1159 = arith.constant 127 : i32
      %and3A_1160 = vector.broadcast %and3A_1159 : i32 to vector<16xi32>
      %and3A_1161 = arith.andi %get3A_1155, %and3A_1160 : vector<16xi32>
      tpu.vector_store_idx %arg12[%shift_right_logical3A_1158, %and3A_1161], %broadcast_in_dim3A_13 {add = true} : memref<128x128xf32, #tpu.memory_space<vmem>>[vector<16xi32>, vector<16xi32>], vector<16xf32>,
      %dma_wait3A_1162 = arith.constant 1440 : i32
      %dma_wait3A_1163 = tpu.memref_slice %arg9[%dma_wait3A_1162] : memref<4000xi32, #tpu.memory_space<vmem>> -> memref<80xi32, #tpu.memory_space<vmem>>
      %dma_wait3A_1164 = arith.constant 0 : i32
      %dma_wait3A_1165 = arith.constant 0 : i32
      %dma_wait3A_1166 = tpu.memref_slice %arg14[%dma_wait3A_1164, %dma_wait3A_1165] : memref<10240x128xf32, #tpu.memory_space<vmem_shared>> -> memref<10240x128xf32, #tpu.memory_space<vmem_shared>>
      tpu.wait_indirect_dma semaphore(%arg18 : memref<!tpu.dma_semaphore, #tpu.memory_space<semaphore_mem>>) src(%arg10 : memref<80x128xf32, #tpu.memory_space<vmem>>) dst(%dma_wait3A_1166 : memref<10240x128xf32, #tpu.memory_space<vmem_shared>>)
      %dma_start3A_1167 = arith.constant 1600 : i32
      %dma_start3A_1168 = tpu.memref_slice %arg8[%dma_start3A_1167] : memref<4000xi32, #tpu.memory_space<vmem>> -> memref<80xi32, #tpu.memory_space<vmem>>
      %dma_start3A_1169 = arith.constant 0 : i32
      %dma_start3A_1170 = arith.constant 0 : i32
      %dma_start3A_1171 = tpu.memref_slice %arg2[%dma_start3A_1169, %dma_start3A_1170] : memref<10240x128xf32, #tpu.memory_space<hbm>> -> memref<10240x128xf32, #tpu.memory_space<hbm>>
      tpu.enqueue_indirect_dma source(%dma_start3A_1171 : memref<10240x128xf32, #tpu.memory_space<hbm>>) target(%arg10 : memref<80x128xf32, #tpu.memory_space<vmem>>) offsets(%dma_start3A_1168 : memref<80xi32, #tpu.memory_space<vmem>>) semaphore(%arg16 : memref<!tpu.dma_semaphore, #tpu.memory_space<semaphore_mem>>)
      %dma_wait3A_1172 = arith.constant 1520 : i32
      %dma_wait3A_1173 = tpu.memref_slice %arg8[%dma_wait3A_1172] : memref<4000xi32, #tpu.memory_space<vmem>> -> memref<80xi32, #tpu.memory_space<vmem>>
      %dma_wait3A_1174 = arith.constant 0 : i32
      %dma_wait3A_1175 = arith.constant 0 : i32
      %dma_wait3A_1176 = tpu.memref_slice %arg2[%dma_wait3A_1174, %dma_wait3A_1175] : memref<10240x128xf32, #tpu.memory_space<hbm>> -> memref<10240x128xf32, #tpu.memory_space<hbm>>
      tpu.wait_indirect_dma semaphore(%arg17 : memref<!tpu.dma_semaphore, #tpu.memory_space<semaphore_mem>>) src(%dma_wait3A_1176 : memref<10240x128xf32, #tpu.memory_space<hbm>>) dst(%arg11 : memref<80x128xf32, #tpu.memory_space<vmem>>)
      %dma_start3A_1177 = arith.constant 1520 : i32
      %dma_start3A_1178 = tpu.memref_slice %arg9[%dma_start3A_1177] : memref<4000xi32, #tpu.memory_space<vmem>> -> memref<80xi32, #tpu.memory_space<vmem>>
      %dma_start3A_1179 = arith.constant 0 : i32
      %dma_start3A_1180 = arith.constant 0 : i32
      %dma_start3A_1181 = tpu.memref_slice %arg14[%dma_start3A_1179, %dma_start3A_1180] : memref<10240x128xf32, #tpu.memory_space<vmem_shared>> -> memref<10240x128xf32, #tpu.memory_space<vmem_shared>>
      tpu.enqueue_indirect_dma source(%arg11 : memref<80x128xf32, #tpu.memory_space<vmem>>) target(%dma_start3A_1181 : memref<10240x128xf32, #tpu.memory_space<vmem_shared>>) offsets(%dma_start3A_1178 : memref<80xi32, #tpu.memory_space<vmem>>) semaphore(%arg19 : memref<!tpu.dma_semaphore, #tpu.memory_space<semaphore_mem>>) {add = true}
      %get3A_1182 = arith.constant 1520 : index
      %get3A_1183 = tpu.vector_load %arg9[%get3A_1182] {strides = array<i32>} : memref<4000xi32, #tpu.memory_space<vmem>>, vector<16xi32>,
      %shift_right_logical3A_1184 = arith.constant 7 : i32
      %shift_right_logical3A_1185 = vector.broadcast %shift_right_logical3A_1184 : i32 to vector<16xi32>
      %shift_right_logical3A_1186 = arith.shrui %get3A_1183, %shift_right_logical3A_1185 : vector<16xi32>
      %and3A_1187 = arith.constant 127 : i32
      %and3A_1188 = vector.broadcast %and3A_1187 : i32 to vector<16xi32>
      %and3A_1189 = arith.andi %get3A_1183, %and3A_1188 : vector<16xi32>
      tpu.vector_store_idx %arg12[%shift_right_logical3A_1186, %and3A_1189], %broadcast_in_dim3A_13 {add = true} : memref<128x128xf32, #tpu.memory_space<vmem>>[vector<16xi32>, vector<16xi32>], vector<16xf32>,
      %get3A_1190 = arith.constant 1536 : index
      %get3A_1191 = tpu.vector_load %arg9[%get3A_1190] {strides = array<i32>} : memref<4000xi32, #tpu.memory_space<vmem>>, vector<16xi32>,
      %shift_right_logical3A_1192 = arith.constant 7 : i32
      %shift_right_logical3A_1193 = vector.broadcast %shift_right_logical3A_1192 : i32 to vector<16xi32>
      %shift_right_logical3A_1194 = arith.shrui %get3A_1191, %shift_right_logical3A_1193 : vector<16xi32>
      %and3A_1195 = arith.constant 127 : i32
      %and3A_1196 = vector.broadcast %and3A_1195 : i32 to vector<16xi32>
      %and3A_1197 = arith.andi %get3A_1191, %and3A_1196 : vector<16xi32>
      tpu.vector_store_idx %arg12[%shift_right_logical3A_1194, %and3A_1197], %broadcast_in_dim3A_13 {add = true} : memref<128x128xf32, #tpu.memory_space<vmem>>[vector<16xi32>, vector<16xi32>], vector<16xf32>,
      %get3A_1198 = arith.constant 1552 : index
      %get3A_1199 = tpu.vector_load %arg9[%get3A_1198] {strides = array<i32>} : memref<4000xi32, #tpu.memory_space<vmem>>, vector<16xi32>,
      %shift_right_logical3A_1200 = arith.constant 7 : i32
      %shift_right_logical3A_1201 = vector.broadcast %shift_right_logical3A_1200 : i32 to vector<16xi32>
      %shift_right_logical3A_1202 = arith.shrui %get3A_1199, %shift_right_logical3A_1201 : vector<16xi32>
      %and3A_1203 = arith.constant 127 : i32
      %and3A_1204 = vector.broadcast %and3A_1203 : i32 to vector<16xi32>
      %and3A_1205 = arith.andi %get3A_1199, %and3A_1204 : vector<16xi32>
      tpu.vector_store_idx %arg12[%shift_right_logical3A_1202, %and3A_1205], %broadcast_in_dim3A_13 {add = true} : memref<128x128xf32, #tpu.memory_space<vmem>>[vector<16xi32>, vector<16xi32>], vector<16xf32>,
      %get3A_1206 = arith.constant 1568 : index
      %get3A_1207 = tpu.vector_load %arg9[%get3A_1206] {strides = array<i32>} : memref<4000xi32, #tpu.memory_space<vmem>>, vector<16xi32>,
      %shift_right_logical3A_1208 = arith.constant 7 : i32
      %shift_right_logical3A_1209 = vector.broadcast %shift_right_logical3A_1208 : i32 to vector<16xi32>
      %shift_right_logical3A_1210 = arith.shrui %get3A_1207, %shift_right_logical3A_1209 : vector<16xi32>
      %and3A_1211 = arith.constant 127 : i32
      %and3A_1212 = vector.broadcast %and3A_1211 : i32 to vector<16xi32>
      %and3A_1213 = arith.andi %get3A_1207, %and3A_1212 : vector<16xi32>
      tpu.vector_store_idx %arg12[%shift_right_logical3A_1210, %and3A_1213], %broadcast_in_dim3A_13 {add = true} : memref<128x128xf32, #tpu.memory_space<vmem>>[vector<16xi32>, vector<16xi32>], vector<16xf32>,
      %get3A_1214 = arith.constant 1584 : index
      %get3A_1215 = tpu.vector_load %arg9[%get3A_1214] {strides = array<i32>} : memref<4000xi32, #tpu.memory_space<vmem>>, vector<16xi32>,
      %shift_right_logical3A_1216 = arith.constant 7 : i32
      %shift_right_logical3A_1217 = vector.broadcast %shift_right_logical3A_1216 : i32 to vector<16xi32>
      %shift_right_logical3A_1218 = arith.shrui %get3A_1215, %shift_right_logical3A_1217 : vector<16xi32>
      %and3A_1219 = arith.constant 127 : i32
      %and3A_1220 = vector.broadcast %and3A_1219 : i32 to vector<16xi32>
      %and3A_1221 = arith.andi %get3A_1215, %and3A_1220 : vector<16xi32>
      tpu.vector_store_idx %arg12[%shift_right_logical3A_1218, %and3A_1221], %broadcast_in_dim3A_13 {add = true} : memref<128x128xf32, #tpu.memory_space<vmem>>[vector<16xi32>, vector<16xi32>], vector<16xf32>,
      %dma_wait3A_1222 = arith.constant 1520 : i32
      %dma_wait3A_1223 = tpu.memref_slice %arg9[%dma_wait3A_1222] : memref<4000xi32, #tpu.memory_space<vmem>> -> memref<80xi32, #tpu.memory_space<vmem>>
      %dma_wait3A_1224 = arith.constant 0 : i32
      %dma_wait3A_1225 = arith.constant 0 : i32
      %dma_wait3A_1226 = tpu.memref_slice %arg14[%dma_wait3A_1224, %dma_wait3A_1225] : memref<10240x128xf32, #tpu.memory_space<vmem_shared>> -> memref<10240x128xf32, #tpu.memory_space<vmem_shared>>
      tpu.wait_indirect_dma semaphore(%arg19 : memref<!tpu.dma_semaphore, #tpu.memory_space<semaphore_mem>>) src(%arg11 : memref<80x128xf32, #tpu.memory_space<vmem>>) dst(%dma_wait3A_1226 : memref<10240x128xf32, #tpu.memory_space<vmem_shared>>)
      %dma_start3A_1227 = arith.constant 1680 : i32
      %dma_start3A_1228 = tpu.memref_slice %arg8[%dma_start3A_1227] : memref<4000xi32, #tpu.memory_space<vmem>> -> memref<80xi32, #tpu.memory_space<vmem>>
      %dma_start3A_1229 = arith.constant 0 : i32
      %dma_start3A_1230 = arith.constant 0 : i32
      %dma_start3A_1231 = tpu.memref_slice %arg2[%dma_start3A_1229, %dma_start3A_1230] : memref<10240x128xf32, #tpu.memory_space<hbm>> -> memref<10240x128xf32, #tpu.memory_space<hbm>>
      tpu.enqueue_indirect_dma source(%dma_start3A_1231 : memref<10240x128xf32, #tpu.memory_space<hbm>>) target(%arg11 : memref<80x128xf32, #tpu.memory_space<vmem>>) offsets(%dma_start3A_1228 : memref<80xi32, #tpu.memory_space<vmem>>) semaphore(%arg17 : memref<!tpu.dma_semaphore, #tpu.memory_space<semaphore_mem>>)
      %dma_wait3A_1232 = arith.constant 1600 : i32
      %dma_wait3A_1233 = tpu.memref_slice %arg8[%dma_wait3A_1232] : memref<4000xi32, #tpu.memory_space<vmem>> -> memref<80xi32, #tpu.memory_space<vmem>>
      %dma_wait3A_1234 = arith.constant 0 : i32
      %dma_wait3A_1235 = arith.constant 0 : i32
      %dma_wait3A_1236 = tpu.memref_slice %arg2[%dma_wait3A_1234, %dma_wait3A_1235] : memref<10240x128xf32, #tpu.memory_space<hbm>> -> memref<10240x128xf32, #tpu.memory_space<hbm>>
      tpu.wait_indirect_dma semaphore(%arg16 : memref<!tpu.dma_semaphore, #tpu.memory_space<semaphore_mem>>) src(%dma_wait3A_1236 : memref<10240x128xf32, #tpu.memory_space<hbm>>) dst(%arg10 : memref<80x128xf32, #tpu.memory_space<vmem>>)
      %dma_start3A_1237 = arith.constant 1600 : i32
      %dma_start3A_1238 = tpu.memref_slice %arg9[%dma_start3A_1237] : memref<4000xi32, #tpu.memory_space<vmem>> -> memref<80xi32, #tpu.memory_space<vmem>>
      %dma_start3A_1239 = arith.constant 0 : i32
      %dma_start3A_1240 = arith.constant 0 : i32
      %dma_start3A_1241 = tpu.memref_slice %arg14[%dma_start3A_1239, %dma_start3A_1240] : memref<10240x128xf32, #tpu.memory_space<vmem_shared>> -> memref<10240x128xf32, #tpu.memory_space<vmem_shared>>
      tpu.enqueue_indirect_dma source(%arg10 : memref<80x128xf32, #tpu.memory_space<vmem>>) target(%dma_start3A_1241 : memref<10240x128xf32, #tpu.memory_space<vmem_shared>>) offsets(%dma_start3A_1238 : memref<80xi32, #tpu.memory_space<vmem>>) semaphore(%arg18 : memref<!tpu.dma_semaphore, #tpu.memory_space<semaphore_mem>>) {add = true}
      %get3A_1242 = arith.constant 1600 : index
      %get3A_1243 = tpu.vector_load %arg9[%get3A_1242] {strides = array<i32>} : memref<4000xi32, #tpu.memory_space<vmem>>, vector<16xi32>,
      %shift_right_logical3A_1244 = arith.constant 7 : i32
      %shift_right_logical3A_1245 = vector.broadcast %shift_right_logical3A_1244 : i32 to vector<16xi32>
      %shift_right_logical3A_1246 = arith.shrui %get3A_1243, %shift_right_logical3A_1245 : vector<16xi32>
      %and3A_1247 = arith.constant 127 : i32
      %and3A_1248 = vector.broadcast %and3A_1247 : i32 to vector<16xi32>
      %and3A_1249 = arith.andi %get3A_1243, %and3A_1248 : vector<16xi32>
      tpu.vector_store_idx %arg12[%shift_right_logical3A_1246, %and3A_1249], %broadcast_in_dim3A_13 {add = true} : memref<128x128xf32, #tpu.memory_space<vmem>>[vector<16xi32>, vector<16xi32>], vector<16xf32>,
      %get3A_1250 = arith.constant 1616 : index
      %get3A_1251 = tpu.vector_load %arg9[%get3A_1250] {strides = array<i32>} : memref<4000xi32, #tpu.memory_space<vmem>>, vector<16xi32>,
      %shift_right_logical3A_1252 = arith.constant 7 : i32
      %shift_right_logical3A_1253 = vector.broadcast %shift_right_logical3A_1252 : i32 to vector<16xi32>
      %shift_right_logical3A_1254 = arith.shrui %get3A_1251, %shift_right_logical3A_1253 : vector<16xi32>
      %and3A_1255 = arith.constant 127 : i32
      %and3A_1256 = vector.broadcast %and3A_1255 : i32 to vector<16xi32>
      %and3A_1257 = arith.andi %get3A_1251, %and3A_1256 : vector<16xi32>
      tpu.vector_store_idx %arg12[%shift_right_logical3A_1254, %and3A_1257], %broadcast_in_dim3A_13 {add = true} : memref<128x128xf32, #tpu.memory_space<vmem>>[vector<16xi32>, vector<16xi32>], vector<16xf32>,
      %get3A_1258 = arith.constant 1632 : index
      %get3A_1259 = tpu.vector_load %arg9[%get3A_1258] {strides = array<i32>} : memref<4000xi32, #tpu.memory_space<vmem>>, vector<16xi32>,
      %shift_right_logical3A_1260 = arith.constant 7 : i32
      %shift_right_logical3A_1261 = vector.broadcast %shift_right_logical3A_1260 : i32 to vector<16xi32>
      %shift_right_logical3A_1262 = arith.shrui %get3A_1259, %shift_right_logical3A_1261 : vector<16xi32>
      %and3A_1263 = arith.constant 127 : i32
      %and3A_1264 = vector.broadcast %and3A_1263 : i32 to vector<16xi32>
      %and3A_1265 = arith.andi %get3A_1259, %and3A_1264 : vector<16xi32>
      tpu.vector_store_idx %arg12[%shift_right_logical3A_1262, %and3A_1265], %broadcast_in_dim3A_13 {add = true} : memref<128x128xf32, #tpu.memory_space<vmem>>[vector<16xi32>, vector<16xi32>], vector<16xf32>,
      %get3A_1266 = arith.constant 1648 : index
      %get3A_1267 = tpu.vector_load %arg9[%get3A_1266] {strides = array<i32>} : memref<4000xi32, #tpu.memory_space<vmem>>, vector<16xi32>,
      %shift_right_logical3A_1268 = arith.constant 7 : i32
      %shift_right_logical3A_1269 = vector.broadcast %shift_right_logical3A_1268 : i32 to vector<16xi32>
      %shift_right_logical3A_1270 = arith.shrui %get3A_1267, %shift_right_logical3A_1269 : vector<16xi32>
      %and3A_1271 = arith.constant 127 : i32
      %and3A_1272 = vector.broadcast %and3A_1271 : i32 to vector<16xi32>
      %and3A_1273 = arith.andi %get3A_1267, %and3A_1272 : vector<16xi32>
      tpu.vector_store_idx %arg12[%shift_right_logical3A_1270, %and3A_1273], %broadcast_in_dim3A_13 {add = true} : memref<128x128xf32, #tpu.memory_space<vmem>>[vector<16xi32>, vector<16xi32>], vector<16xf32>,
      %get3A_1274 = arith.constant 1664 : index
      %get3A_1275 = tpu.vector_load %arg9[%get3A_1274] {strides = array<i32>} : memref<4000xi32, #tpu.memory_space<vmem>>, vector<16xi32>,
      %shift_right_logical3A_1276 = arith.constant 7 : i32
      %shift_right_logical3A_1277 = vector.broadcast %shift_right_logical3A_1276 : i32 to vector<16xi32>
      %shift_right_logical3A_1278 = arith.shrui %get3A_1275, %shift_right_logical3A_1277 : vector<16xi32>
      %and3A_1279 = arith.constant 127 : i32
      %and3A_1280 = vector.broadcast %and3A_1279 : i32 to vector<16xi32>
      %and3A_1281 = arith.andi %get3A_1275, %and3A_1280 : vector<16xi32>
      tpu.vector_store_idx %arg12[%shift_right_logical3A_1278, %and3A_1281], %broadcast_in_dim3A_13 {add = true} : memref<128x128xf32, #tpu.memory_space<vmem>>[vector<16xi32>, vector<16xi32>], vector<16xf32>,
      %dma_wait3A_1282 = arith.constant 1600 : i32
      %dma_wait3A_1283 = tpu.memref_slice %arg9[%dma_wait3A_1282] : memref<4000xi32, #tpu.memory_space<vmem>> -> memref<80xi32, #tpu.memory_space<vmem>>
      %dma_wait3A_1284 = arith.constant 0 : i32
      %dma_wait3A_1285 = arith.constant 0 : i32
      %dma_wait3A_1286 = tpu.memref_slice %arg14[%dma_wait3A_1284, %dma_wait3A_1285] : memref<10240x128xf32, #tpu.memory_space<vmem_shared>> -> memref<10240x128xf32, #tpu.memory_space<vmem_shared>>
      tpu.wait_indirect_dma semaphore(%arg18 : memref<!tpu.dma_semaphore, #tpu.memory_space<semaphore_mem>>) src(%arg10 : memref<80x128xf32, #tpu.memory_space<vmem>>) dst(%dma_wait3A_1286 : memref<10240x128xf32, #tpu.memory_space<vmem_shared>>)
      %dma_start3A_1287 = arith.constant 1760 : i32
      %dma_start3A_1288 = tpu.memref_slice %arg8[%dma_start3A_1287] : memref<4000xi32, #tpu.memory_space<vmem>> -> memref<80xi32, #tpu.memory_space<vmem>>
      %dma_start3A_1289 = arith.constant 0 : i32
      %dma_start3A_1290 = arith.constant 0 : i32
      %dma_start3A_1291 = tpu.memref_slice %arg2[%dma_start3A_1289, %dma_start3A_1290] : memref<10240x128xf32, #tpu.memory_space<hbm>> -> memref<10240x128xf32, #tpu.memory_space<hbm>>
      tpu.enqueue_indirect_dma source(%dma_start3A_1291 : memref<10240x128xf32, #tpu.memory_space<hbm>>) target(%arg10 : memref<80x128xf32, #tpu.memory_space<vmem>>) offsets(%dma_start3A_1288 : memref<80xi32, #tpu.memory_space<vmem>>) semaphore(%arg16 : memref<!tpu.dma_semaphore, #tpu.memory_space<semaphore_mem>>)
      %dma_wait3A_1292 = arith.constant 1680 : i32
      %dma_wait3A_1293 = tpu.memref_slice %arg8[%dma_wait3A_1292] : memref<4000xi32, #tpu.memory_space<vmem>> -> memref<80xi32, #tpu.memory_space<vmem>>
      %dma_wait3A_1294 = arith.constant 0 : i32
      %dma_wait3A_1295 = arith.constant 0 : i32
      %dma_wait3A_1296 = tpu.memref_slice %arg2[%dma_wait3A_1294, %dma_wait3A_1295] : memref<10240x128xf32, #tpu.memory_space<hbm>> -> memref<10240x128xf32, #tpu.memory_space<hbm>>
      tpu.wait_indirect_dma semaphore(%arg17 : memref<!tpu.dma_semaphore, #tpu.memory_space<semaphore_mem>>) src(%dma_wait3A_1296 : memref<10240x128xf32, #tpu.memory_space<hbm>>) dst(%arg11 : memref<80x128xf32, #tpu.memory_space<vmem>>)
      %dma_start3A_1297 = arith.constant 1680 : i32
      %dma_start3A_1298 = tpu.memref_slice %arg9[%dma_start3A_1297] : memref<4000xi32, #tpu.memory_space<vmem>> -> memref<80xi32, #tpu.memory_space<vmem>>
      %dma_start3A_1299 = arith.constant 0 : i32
      %dma_start3A_1300 = arith.constant 0 : i32
      %dma_start3A_1301 = tpu.memref_slice %arg14[%dma_start3A_1299, %dma_start3A_1300] : memref<10240x128xf32, #tpu.memory_space<vmem_shared>> -> memref<10240x128xf32, #tpu.memory_space<vmem_shared>>
      tpu.enqueue_indirect_dma source(%arg11 : memref<80x128xf32, #tpu.memory_space<vmem>>) target(%dma_start3A_1301 : memref<10240x128xf32, #tpu.memory_space<vmem_shared>>) offsets(%dma_start3A_1298 : memref<80xi32, #tpu.memory_space<vmem>>) semaphore(%arg19 : memref<!tpu.dma_semaphore, #tpu.memory_space<semaphore_mem>>) {add = true}
      %get3A_1302 = arith.constant 1680 : index
      %get3A_1303 = tpu.vector_load %arg9[%get3A_1302] {strides = array<i32>} : memref<4000xi32, #tpu.memory_space<vmem>>, vector<16xi32>,
      %shift_right_logical3A_1304 = arith.constant 7 : i32
      %shift_right_logical3A_1305 = vector.broadcast %shift_right_logical3A_1304 : i32 to vector<16xi32>
      %shift_right_logical3A_1306 = arith.shrui %get3A_1303, %shift_right_logical3A_1305 : vector<16xi32>
      %and3A_1307 = arith.constant 127 : i32
      %and3A_1308 = vector.broadcast %and3A_1307 : i32 to vector<16xi32>
      %and3A_1309 = arith.andi %get3A_1303, %and3A_1308 : vector<16xi32>
      tpu.vector_store_idx %arg12[%shift_right_logical3A_1306, %and3A_1309], %broadcast_in_dim3A_13 {add = true} : memref<128x128xf32, #tpu.memory_space<vmem>>[vector<16xi32>, vector<16xi32>], vector<16xf32>,
      %get3A_1310 = arith.constant 1696 : index
      %get3A_1311 = tpu.vector_load %arg9[%get3A_1310] {strides = array<i32>} : memref<4000xi32, #tpu.memory_space<vmem>>, vector<16xi32>,
      %shift_right_logical3A_1312 = arith.constant 7 : i32
      %shift_right_logical3A_1313 = vector.broadcast %shift_right_logical3A_1312 : i32 to vector<16xi32>
      %shift_right_logical3A_1314 = arith.shrui %get3A_1311, %shift_right_logical3A_1313 : vector<16xi32>
      %and3A_1315 = arith.constant 127 : i32
      %and3A_1316 = vector.broadcast %and3A_1315 : i32 to vector<16xi32>
      %and3A_1317 = arith.andi %get3A_1311, %and3A_1316 : vector<16xi32>
      tpu.vector_store_idx %arg12[%shift_right_logical3A_1314, %and3A_1317], %broadcast_in_dim3A_13 {add = true} : memref<128x128xf32, #tpu.memory_space<vmem>>[vector<16xi32>, vector<16xi32>], vector<16xf32>,
      %get3A_1318 = arith.constant 1712 : index
      %get3A_1319 = tpu.vector_load %arg9[%get3A_1318] {strides = array<i32>} : memref<4000xi32, #tpu.memory_space<vmem>>, vector<16xi32>,
      %shift_right_logical3A_1320 = arith.constant 7 : i32
      %shift_right_logical3A_1321 = vector.broadcast %shift_right_logical3A_1320 : i32 to vector<16xi32>
      %shift_right_logical3A_1322 = arith.shrui %get3A_1319, %shift_right_logical3A_1321 : vector<16xi32>
      %and3A_1323 = arith.constant 127 : i32
      %and3A_1324 = vector.broadcast %and3A_1323 : i32 to vector<16xi32>
      %and3A_1325 = arith.andi %get3A_1319, %and3A_1324 : vector<16xi32>
      tpu.vector_store_idx %arg12[%shift_right_logical3A_1322, %and3A_1325], %broadcast_in_dim3A_13 {add = true} : memref<128x128xf32, #tpu.memory_space<vmem>>[vector<16xi32>, vector<16xi32>], vector<16xf32>,
      %get3A_1326 = arith.constant 1728 : index
      %get3A_1327 = tpu.vector_load %arg9[%get3A_1326] {strides = array<i32>} : memref<4000xi32, #tpu.memory_space<vmem>>, vector<16xi32>,
      %shift_right_logical3A_1328 = arith.constant 7 : i32
      %shift_right_logical3A_1329 = vector.broadcast %shift_right_logical3A_1328 : i32 to vector<16xi32>
      %shift_right_logical3A_1330 = arith.shrui %get3A_1327, %shift_right_logical3A_1329 : vector<16xi32>
      %and3A_1331 = arith.constant 127 : i32
      %and3A_1332 = vector.broadcast %and3A_1331 : i32 to vector<16xi32>
      %and3A_1333 = arith.andi %get3A_1327, %and3A_1332 : vector<16xi32>
      tpu.vector_store_idx %arg12[%shift_right_logical3A_1330, %and3A_1333], %broadcast_in_dim3A_13 {add = true} : memref<128x128xf32, #tpu.memory_space<vmem>>[vector<16xi32>, vector<16xi32>], vector<16xf32>,
      %get3A_1334 = arith.constant 1744 : index
      %get3A_1335 = tpu.vector_load %arg9[%get3A_1334] {strides = array<i32>} : memref<4000xi32, #tpu.memory_space<vmem>>, vector<16xi32>,
      %shift_right_logical3A_1336 = arith.constant 7 : i32
      %shift_right_logical3A_1337 = vector.broadcast %shift_right_logical3A_1336 : i32 to vector<16xi32>
      %shift_right_logical3A_1338 = arith.shrui %get3A_1335, %shift_right_logical3A_1337 : vector<16xi32>
      %and3A_1339 = arith.constant 127 : i32
      %and3A_1340 = vector.broadcast %and3A_1339 : i32 to vector<16xi32>
      %and3A_1341 = arith.andi %get3A_1335, %and3A_1340 : vector<16xi32>
      tpu.vector_store_idx %arg12[%shift_right_logical3A_1338, %and3A_1341], %broadcast_in_dim3A_13 {add = true} : memref<128x128xf32, #tpu.memory_space<vmem>>[vector<16xi32>, vector<16xi32>], vector<16xf32>,
      %dma_wait3A_1342 = arith.constant 1680 : i32
      %dma_wait3A_1343 = tpu.memref_slice %arg9[%dma_wait3A_1342] : memref<4000xi32, #tpu.memory_space<vmem>> -> memref<80xi32, #tpu.memory_space<vmem>>
      %dma_wait3A_1344 = arith.constant 0 : i32
      %dma_wait3A_1345 = arith.constant 0 : i32
      %dma_wait3A_1346 = tpu.memref_slice %arg14[%dma_wait3A_1344, %dma_wait3A_1345] : memref<10240x128xf32, #tpu.memory_space<vmem_shared>> -> memref<10240x128xf32, #tpu.memory_space<vmem_shared>>
      tpu.wait_indirect_dma semaphore(%arg19 : memref<!tpu.dma_semaphore, #tpu.memory_space<semaphore_mem>>) src(%arg11 : memref<80x128xf32, #tpu.memory_space<vmem>>) dst(%dma_wait3A_1346 : memref<10240x128xf32, #tpu.memory_space<vmem_shared>>)
      %dma_start3A_1347 = arith.constant 1840 : i32
      %dma_start3A_1348 = tpu.memref_slice %arg8[%dma_start3A_1347] : memref<4000xi32, #tpu.memory_space<vmem>> -> memref<80xi32, #tpu.memory_space<vmem>>
      %dma_start3A_1349 = arith.constant 0 : i32
      %dma_start3A_1350 = arith.constant 0 : i32
      %dma_start3A_1351 = tpu.memref_slice %arg2[%dma_start3A_1349, %dma_start3A_1350] : memref<10240x128xf32, #tpu.memory_space<hbm>> -> memref<10240x128xf32, #tpu.memory_space<hbm>>
      tpu.enqueue_indirect_dma source(%dma_start3A_1351 : memref<10240x128xf32, #tpu.memory_space<hbm>>) target(%arg11 : memref<80x128xf32, #tpu.memory_space<vmem>>) offsets(%dma_start3A_1348 : memref<80xi32, #tpu.memory_space<vmem>>) semaphore(%arg17 : memref<!tpu.dma_semaphore, #tpu.memory_space<semaphore_mem>>)
      %dma_wait3A_1352 = arith.constant 1760 : i32
      %dma_wait3A_1353 = tpu.memref_slice %arg8[%dma_wait3A_1352] : memref<4000xi32, #tpu.memory_space<vmem>> -> memref<80xi32, #tpu.memory_space<vmem>>
      %dma_wait3A_1354 = arith.constant 0 : i32
      %dma_wait3A_1355 = arith.constant 0 : i32
      %dma_wait3A_1356 = tpu.memref_slice %arg2[%dma_wait3A_1354, %dma_wait3A_1355] : memref<10240x128xf32, #tpu.memory_space<hbm>> -> memref<10240x128xf32, #tpu.memory_space<hbm>>
      tpu.wait_indirect_dma semaphore(%arg16 : memref<!tpu.dma_semaphore, #tpu.memory_space<semaphore_mem>>) src(%dma_wait3A_1356 : memref<10240x128xf32, #tpu.memory_space<hbm>>) dst(%arg10 : memref<80x128xf32, #tpu.memory_space<vmem>>)
      %dma_start3A_1357 = arith.constant 1760 : i32
      %dma_start3A_1358 = tpu.memref_slice %arg9[%dma_start3A_1357] : memref<4000xi32, #tpu.memory_space<vmem>> -> memref<80xi32, #tpu.memory_space<vmem>>
      %dma_start3A_1359 = arith.constant 0 : i32
      %dma_start3A_1360 = arith.constant 0 : i32
      %dma_start3A_1361 = tpu.memref_slice %arg14[%dma_start3A_1359, %dma_start3A_1360] : memref<10240x128xf32, #tpu.memory_space<vmem_shared>> -> memref<10240x128xf32, #tpu.memory_space<vmem_shared>>
      tpu.enqueue_indirect_dma source(%arg10 : memref<80x128xf32, #tpu.memory_space<vmem>>) target(%dma_start3A_1361 : memref<10240x128xf32, #tpu.memory_space<vmem_shared>>) offsets(%dma_start3A_1358 : memref<80xi32, #tpu.memory_space<vmem>>) semaphore(%arg18 : memref<!tpu.dma_semaphore, #tpu.memory_space<semaphore_mem>>) {add = true}
      %get3A_1362 = arith.constant 1760 : index
      %get3A_1363 = tpu.vector_load %arg9[%get3A_1362] {strides = array<i32>} : memref<4000xi32, #tpu.memory_space<vmem>>, vector<16xi32>,
      %shift_right_logical3A_1364 = arith.constant 7 : i32
      %shift_right_logical3A_1365 = vector.broadcast %shift_right_logical3A_1364 : i32 to vector<16xi32>
      %shift_right_logical3A_1366 = arith.shrui %get3A_1363, %shift_right_logical3A_1365 : vector<16xi32>
      %and3A_1367 = arith.constant 127 : i32
      %and3A_1368 = vector.broadcast %and3A_1367 : i32 to vector<16xi32>
      %and3A_1369 = arith.andi %get3A_1363, %and3A_1368 : vector<16xi32>
      tpu.vector_store_idx %arg12[%shift_right_logical3A_1366, %and3A_1369], %broadcast_in_dim3A_13 {add = true} : memref<128x128xf32, #tpu.memory_space<vmem>>[vector<16xi32>, vector<16xi32>], vector<16xf32>,
      %get3A_1370 = arith.constant 1776 : index
      %get3A_1371 = tpu.vector_load %arg9[%get3A_1370] {strides = array<i32>} : memref<4000xi32, #tpu.memory_space<vmem>>, vector<16xi32>,
      %shift_right_logical3A_1372 = arith.constant 7 : i32
      %shift_right_logical3A_1373 = vector.broadcast %shift_right_logical3A_1372 : i32 to vector<16xi32>
      %shift_right_logical3A_1374 = arith.shrui %get3A_1371, %shift_right_logical3A_1373 : vector<16xi32>
      %and3A_1375 = arith.constant 127 : i32
      %and3A_1376 = vector.broadcast %and3A_1375 : i32 to vector<16xi32>
      %and3A_1377 = arith.andi %get3A_1371, %and3A_1376 : vector<16xi32>
      tpu.vector_store_idx %arg12[%shift_right_logical3A_1374, %and3A_1377], %broadcast_in_dim3A_13 {add = true} : memref<128x128xf32, #tpu.memory_space<vmem>>[vector<16xi32>, vector<16xi32>], vector<16xf32>,
      %get3A_1378 = arith.constant 1792 : index
      %get3A_1379 = tpu.vector_load %arg9[%get3A_1378] {strides = array<i32>} : memref<4000xi32, #tpu.memory_space<vmem>>, vector<16xi32>,
      %shift_right_logical3A_1380 = arith.constant 7 : i32
      %shift_right_logical3A_1381 = vector.broadcast %shift_right_logical3A_1380 : i32 to vector<16xi32>
      %shift_right_logical3A_1382 = arith.shrui %get3A_1379, %shift_right_logical3A_1381 : vector<16xi32>
      %and3A_1383 = arith.constant 127 : i32
      %and3A_1384 = vector.broadcast %and3A_1383 : i32 to vector<16xi32>
      %and3A_1385 = arith.andi %get3A_1379, %and3A_1384 : vector<16xi32>
      tpu.vector_store_idx %arg12[%shift_right_logical3A_1382, %and3A_1385], %broadcast_in_dim3A_13 {add = true} : memref<128x128xf32, #tpu.memory_space<vmem>>[vector<16xi32>, vector<16xi32>], vector<16xf32>,
      %get3A_1386 = arith.constant 1808 : index
      %get3A_1387 = tpu.vector_load %arg9[%get3A_1386] {strides = array<i32>} : memref<4000xi32, #tpu.memory_space<vmem>>, vector<16xi32>,
      %shift_right_logical3A_1388 = arith.constant 7 : i32
      %shift_right_logical3A_1389 = vector.broadcast %shift_right_logical3A_1388 : i32 to vector<16xi32>
      %shift_right_logical3A_1390 = arith.shrui %get3A_1387, %shift_right_logical3A_1389 : vector<16xi32>
      %and3A_1391 = arith.constant 127 : i32
      %and3A_1392 = vector.broadcast %and3A_1391 : i32 to vector<16xi32>
      %and3A_1393 = arith.andi %get3A_1387, %and3A_1392 : vector<16xi32>
      tpu.vector_store_idx %arg12[%shift_right_logical3A_1390, %and3A_1393], %broadcast_in_dim3A_13 {add = true} : memref<128x128xf32, #tpu.memory_space<vmem>>[vector<16xi32>, vector<16xi32>], vector<16xf32>,
      %get3A_1394 = arith.constant 1824 : index
      %get3A_1395 = tpu.vector_load %arg9[%get3A_1394] {strides = array<i32>} : memref<4000xi32, #tpu.memory_space<vmem>>, vector<16xi32>,
      %shift_right_logical3A_1396 = arith.constant 7 : i32
      %shift_right_logical3A_1397 = vector.broadcast %shift_right_logical3A_1396 : i32 to vector<16xi32>
      %shift_right_logical3A_1398 = arith.shrui %get3A_1395, %shift_right_logical3A_1397 : vector<16xi32>
      %and3A_1399 = arith.constant 127 : i32
      %and3A_1400 = vector.broadcast %and3A_1399 : i32 to vector<16xi32>
      %and3A_1401 = arith.andi %get3A_1395, %and3A_1400 : vector<16xi32>
      tpu.vector_store_idx %arg12[%shift_right_logical3A_1398, %and3A_1401], %broadcast_in_dim3A_13 {add = true} : memref<128x128xf32, #tpu.memory_space<vmem>>[vector<16xi32>, vector<16xi32>], vector<16xf32>,
      %dma_wait3A_1402 = arith.constant 1760 : i32
      %dma_wait3A_1403 = tpu.memref_slice %arg9[%dma_wait3A_1402] : memref<4000xi32, #tpu.memory_space<vmem>> -> memref<80xi32, #tpu.memory_space<vmem>>
      %dma_wait3A_1404 = arith.constant 0 : i32
      %dma_wait3A_1405 = arith.constant 0 : i32
      %dma_wait3A_1406 = tpu.memref_slice %arg14[%dma_wait3A_1404, %dma_wait3A_1405] : memref<10240x128xf32, #tpu.memory_space<vmem_shared>> -> memref<10240x128xf32, #tpu.memory_space<vmem_shared>>
      tpu.wait_indirect_dma semaphore(%arg18 : memref<!tpu.dma_semaphore, #tpu.memory_space<semaphore_mem>>) src(%arg10 : memref<80x128xf32, #tpu.memory_space<vmem>>) dst(%dma_wait3A_1406 : memref<10240x128xf32, #tpu.memory_space<vmem_shared>>)
      %dma_start3A_1407 = arith.constant 1920 : i32
      %dma_start3A_1408 = tpu.memref_slice %arg8[%dma_start3A_1407] : memref<4000xi32, #tpu.memory_space<vmem>> -> memref<80xi32, #tpu.memory_space<vmem>>
      %dma_start3A_1409 = arith.constant 0 : i32
      %dma_start3A_1410 = arith.constant 0 : i32
      %dma_start3A_1411 = tpu.memref_slice %arg2[%dma_start3A_1409, %dma_start3A_1410] : memref<10240x128xf32, #tpu.memory_space<hbm>> -> memref<10240x128xf32, #tpu.memory_space<hbm>>
      tpu.enqueue_indirect_dma source(%dma_start3A_1411 : memref<10240x128xf32, #tpu.memory_space<hbm>>) target(%arg10 : memref<80x128xf32, #tpu.memory_space<vmem>>) offsets(%dma_start3A_1408 : memref<80xi32, #tpu.memory_space<vmem>>) semaphore(%arg16 : memref<!tpu.dma_semaphore, #tpu.memory_space<semaphore_mem>>)
      %dma_wait3A_1412 = arith.constant 1840 : i32
      %dma_wait3A_1413 = tpu.memref_slice %arg8[%dma_wait3A_1412] : memref<4000xi32, #tpu.memory_space<vmem>> -> memref<80xi32, #tpu.memory_space<vmem>>
      %dma_wait3A_1414 = arith.constant 0 : i32
      %dma_wait3A_1415 = arith.constant 0 : i32
      %dma_wait3A_1416 = tpu.memref_slice %arg2[%dma_wait3A_1414, %dma_wait3A_1415] : memref<10240x128xf32, #tpu.memory_space<hbm>> -> memref<10240x128xf32, #tpu.memory_space<hbm>>
      tpu.wait_indirect_dma semaphore(%arg17 : memref<!tpu.dma_semaphore, #tpu.memory_space<semaphore_mem>>) src(%dma_wait3A_1416 : memref<10240x128xf32, #tpu.memory_space<hbm>>) dst(%arg11 : memref<80x128xf32, #tpu.memory_space<vmem>>)
      %dma_start3A_1417 = arith.constant 1840 : i32
      %dma_start3A_1418 = tpu.memref_slice %arg9[%dma_start3A_1417] : memref<4000xi32, #tpu.memory_space<vmem>> -> memref<80xi32, #tpu.memory_space<vmem>>
      %dma_start3A_1419 = arith.constant 0 : i32
      %dma_start3A_1420 = arith.constant 0 : i32
      %dma_start3A_1421 = tpu.memref_slice %arg14[%dma_start3A_1419, %dma_start3A_1420] : memref<10240x128xf32, #tpu.memory_space<vmem_shared>> -> memref<10240x128xf32, #tpu.memory_space<vmem_shared>>
      tpu.enqueue_indirect_dma source(%arg11 : memref<80x128xf32, #tpu.memory_space<vmem>>) target(%dma_start3A_1421 : memref<10240x128xf32, #tpu.memory_space<vmem_shared>>) offsets(%dma_start3A_1418 : memref<80xi32, #tpu.memory_space<vmem>>) semaphore(%arg19 : memref<!tpu.dma_semaphore, #tpu.memory_space<semaphore_mem>>) {add = true}
      %get3A_1422 = arith.constant 1840 : index
      %get3A_1423 = tpu.vector_load %arg9[%get3A_1422] {strides = array<i32>} : memref<4000xi32, #tpu.memory_space<vmem>>, vector<16xi32>,
      %shift_right_logical3A_1424 = arith.constant 7 : i32
      %shift_right_logical3A_1425 = vector.broadcast %shift_right_logical3A_1424 : i32 to vector<16xi32>
      %shift_right_logical3A_1426 = arith.shrui %get3A_1423, %shift_right_logical3A_1425 : vector<16xi32>
      %and3A_1427 = arith.constant 127 : i32
      %and3A_1428 = vector.broadcast %and3A_1427 : i32 to vector<16xi32>
      %and3A_1429 = arith.andi %get3A_1423, %and3A_1428 : vector<16xi32>
      tpu.vector_store_idx %arg12[%shift_right_logical3A_1426, %and3A_1429], %broadcast_in_dim3A_13 {add = true} : memref<128x128xf32, #tpu.memory_space<vmem>>[vector<16xi32>, vector<16xi32>], vector<16xf32>,
      %get3A_1430 = arith.constant 1856 : index
      %get3A_1431 = tpu.vector_load %arg9[%get3A_1430] {strides = array<i32>} : memref<4000xi32, #tpu.memory_space<vmem>>, vector<16xi32>,
      %shift_right_logical3A_1432 = arith.constant 7 : i32
      %shift_right_logical3A_1433 = vector.broadcast %shift_right_logical3A_1432 : i32 to vector<16xi32>
      %shift_right_logical3A_1434 = arith.shrui %get3A_1431, %shift_right_logical3A_1433 : vector<16xi32>
      %and3A_1435 = arith.constant 127 : i32
      %and3A_1436 = vector.broadcast %and3A_1435 : i32 to vector<16xi32>
      %and3A_1437 = arith.andi %get3A_1431, %and3A_1436 : vector<16xi32>
      tpu.vector_store_idx %arg12[%shift_right_logical3A_1434, %and3A_1437], %broadcast_in_dim3A_13 {add = true} : memref<128x128xf32, #tpu.memory_space<vmem>>[vector<16xi32>, vector<16xi32>], vector<16xf32>,
      %get3A_1438 = arith.constant 1872 : index
      %get3A_1439 = tpu.vector_load %arg9[%get3A_1438] {strides = array<i32>} : memref<4000xi32, #tpu.memory_space<vmem>>, vector<16xi32>,
      %shift_right_logical3A_1440 = arith.constant 7 : i32
      %shift_right_logical3A_1441 = vector.broadcast %shift_right_logical3A_1440 : i32 to vector<16xi32>
      %shift_right_logical3A_1442 = arith.shrui %get3A_1439, %shift_right_logical3A_1441 : vector<16xi32>
      %and3A_1443 = arith.constant 127 : i32
      %and3A_1444 = vector.broadcast %and3A_1443 : i32 to vector<16xi32>
      %and3A_1445 = arith.andi %get3A_1439, %and3A_1444 : vector<16xi32>
      tpu.vector_store_idx %arg12[%shift_right_logical3A_1442, %and3A_1445], %broadcast_in_dim3A_13 {add = true} : memref<128x128xf32, #tpu.memory_space<vmem>>[vector<16xi32>, vector<16xi32>], vector<16xf32>,
      %get3A_1446 = arith.constant 1888 : index
      %get3A_1447 = tpu.vector_load %arg9[%get3A_1446] {strides = array<i32>} : memref<4000xi32, #tpu.memory_space<vmem>>, vector<16xi32>,
      %shift_right_logical3A_1448 = arith.constant 7 : i32
      %shift_right_logical3A_1449 = vector.broadcast %shift_right_logical3A_1448 : i32 to vector<16xi32>
      %shift_right_logical3A_1450 = arith.shrui %get3A_1447, %shift_right_logical3A_1449 : vector<16xi32>
      %and3A_1451 = arith.constant 127 : i32
      %and3A_1452 = vector.broadcast %and3A_1451 : i32 to vector<16xi32>
      %and3A_1453 = arith.andi %get3A_1447, %and3A_1452 : vector<16xi32>
      tpu.vector_store_idx %arg12[%shift_right_logical3A_1450, %and3A_1453], %broadcast_in_dim3A_13 {add = true} : memref<128x128xf32, #tpu.memory_space<vmem>>[vector<16xi32>, vector<16xi32>], vector<16xf32>,
      %get3A_1454 = arith.constant 1904 : index
      %get3A_1455 = tpu.vector_load %arg9[%get3A_1454] {strides = array<i32>} : memref<4000xi32, #tpu.memory_space<vmem>>, vector<16xi32>,
      %shift_right_logical3A_1456 = arith.constant 7 : i32
      %shift_right_logical3A_1457 = vector.broadcast %shift_right_logical3A_1456 : i32 to vector<16xi32>
      %shift_right_logical3A_1458 = arith.shrui %get3A_1455, %shift_right_logical3A_1457 : vector<16xi32>
      %and3A_1459 = arith.constant 127 : i32
      %and3A_1460 = vector.broadcast %and3A_1459 : i32 to vector<16xi32>
      %and3A_1461 = arith.andi %get3A_1455, %and3A_1460 : vector<16xi32>
      tpu.vector_store_idx %arg12[%shift_right_logical3A_1458, %and3A_1461], %broadcast_in_dim3A_13 {add = true} : memref<128x128xf32, #tpu.memory_space<vmem>>[vector<16xi32>, vector<16xi32>], vector<16xf32>,
      %dma_wait3A_1462 = arith.constant 1840 : i32
      %dma_wait3A_1463 = tpu.memref_slice %arg9[%dma_wait3A_1462] : memref<4000xi32, #tpu.memory_space<vmem>> -> memref<80xi32, #tpu.memory_space<vmem>>
      %dma_wait3A_1464 = arith.constant 0 : i32
      %dma_wait3A_1465 = arith.constant 0 : i32
      %dma_wait3A_1466 = tpu.memref_slice %arg14[%dma_wait3A_1464, %dma_wait3A_1465] : memref<10240x128xf32, #tpu.memory_space<vmem_shared>> -> memref<10240x128xf32, #tpu.memory_space<vmem_shared>>
      tpu.wait_indirect_dma semaphore(%arg19 : memref<!tpu.dma_semaphore, #tpu.memory_space<semaphore_mem>>) src(%arg11 : memref<80x128xf32, #tpu.memory_space<vmem>>) dst(%dma_wait3A_1466 : memref<10240x128xf32, #tpu.memory_space<vmem_shared>>)
      %dma_start3A_1467 = arith.constant 2000 : i32
      %dma_start3A_1468 = tpu.memref_slice %arg8[%dma_start3A_1467] : memref<4000xi32, #tpu.memory_space<vmem>> -> memref<80xi32, #tpu.memory_space<vmem>>
      %dma_start3A_1469 = arith.constant 0 : i32
      %dma_start3A_1470 = arith.constant 0 : i32
      %dma_start3A_1471 = tpu.memref_slice %arg2[%dma_start3A_1469, %dma_start3A_1470] : memref<10240x128xf32, #tpu.memory_space<hbm>> -> memref<10240x128xf32, #tpu.memory_space<hbm>>
      tpu.enqueue_indirect_dma source(%dma_start3A_1471 : memref<10240x128xf32, #tpu.memory_space<hbm>>) target(%arg11 : memref<80x128xf32, #tpu.memory_space<vmem>>) offsets(%dma_start3A_1468 : memref<80xi32, #tpu.memory_space<vmem>>) semaphore(%arg17 : memref<!tpu.dma_semaphore, #tpu.memory_space<semaphore_mem>>)
      %dma_wait3A_1472 = arith.constant 1920 : i32
      %dma_wait3A_1473 = tpu.memref_slice %arg8[%dma_wait3A_1472] : memref<4000xi32, #tpu.memory_space<vmem>> -> memref<80xi32, #tpu.memory_space<vmem>>
      %dma_wait3A_1474 = arith.constant 0 : i32
      %dma_wait3A_1475 = arith.constant 0 : i32
      %dma_wait3A_1476 = tpu.memref_slice %arg2[%dma_wait3A_1474, %dma_wait3A_1475] : memref<10240x128xf32, #tpu.memory_space<hbm>> -> memref<10240x128xf32, #tpu.memory_space<hbm>>
      tpu.wait_indirect_dma semaphore(%arg16 : memref<!tpu.dma_semaphore, #tpu.memory_space<semaphore_mem>>) src(%dma_wait3A_1476 : memref<10240x128xf32, #tpu.memory_space<hbm>>) dst(%arg10 : memref<80x128xf32, #tpu.memory_space<vmem>>)
      %dma_start3A_1477 = arith.constant 1920 : i32
      %dma_start3A_1478 = tpu.memref_slice %arg9[%dma_start3A_1477] : memref<4000xi32, #tpu.memory_space<vmem>> -> memref<80xi32, #tpu.memory_space<vmem>>
      %dma_start3A_1479 = arith.constant 0 : i32
      %dma_start3A_1480 = arith.constant 0 : i32
      %dma_start3A_1481 = tpu.memref_slice %arg14[%dma_start3A_1479, %dma_start3A_1480] : memref<10240x128xf32, #tpu.memory_space<vmem_shared>> -> memref<10240x128xf32, #tpu.memory_space<vmem_shared>>
      tpu.enqueue_indirect_dma source(%arg10 : memref<80x128xf32, #tpu.memory_space<vmem>>) target(%dma_start3A_1481 : memref<10240x128xf32, #tpu.memory_space<vmem_shared>>) offsets(%dma_start3A_1478 : memref<80xi32, #tpu.memory_space<vmem>>) semaphore(%arg18 : memref<!tpu.dma_semaphore, #tpu.memory_space<semaphore_mem>>) {add = true}
      %get3A_1482 = arith.constant 1920 : index
      %get3A_1483 = tpu.vector_load %arg9[%get3A_1482] {strides = array<i32>} : memref<4000xi32, #tpu.memory_space<vmem>>, vector<16xi32>,
      %shift_right_logical3A_1484 = arith.constant 7 : i32
      %shift_right_logical3A_1485 = vector.broadcast %shift_right_logical3A_1484 : i32 to vector<16xi32>
      %shift_right_logical3A_1486 = arith.shrui %get3A_1483, %shift_right_logical3A_1485 : vector<16xi32>
      %and3A_1487 = arith.constant 127 : i32
      %and3A_1488 = vector.broadcast %and3A_1487 : i32 to vector<16xi32>
      %and3A_1489 = arith.andi %get3A_1483, %and3A_1488 : vector<16xi32>
      tpu.vector_store_idx %arg12[%shift_right_logical3A_1486, %and3A_1489], %broadcast_in_dim3A_13 {add = true} : memref<128x128xf32, #tpu.memory_space<vmem>>[vector<16xi32>, vector<16xi32>], vector<16xf32>,
      %get3A_1490 = arith.constant 1936 : index
      %get3A_1491 = tpu.vector_load %arg9[%get3A_1490] {strides = array<i32>} : memref<4000xi32, #tpu.memory_space<vmem>>, vector<16xi32>,
      %shift_right_logical3A_1492 = arith.constant 7 : i32
      %shift_right_logical3A_1493 = vector.broadcast %shift_right_logical3A_1492 : i32 to vector<16xi32>
      %shift_right_logical3A_1494 = arith.shrui %get3A_1491, %shift_right_logical3A_1493 : vector<16xi32>
      %and3A_1495 = arith.constant 127 : i32
      %and3A_1496 = vector.broadcast %and3A_1495 : i32 to vector<16xi32>
      %and3A_1497 = arith.andi %get3A_1491, %and3A_1496 : vector<16xi32>
      tpu.vector_store_idx %arg12[%shift_right_logical3A_1494, %and3A_1497], %broadcast_in_dim3A_13 {add = true} : memref<128x128xf32, #tpu.memory_space<vmem>>[vector<16xi32>, vector<16xi32>], vector<16xf32>,
      %get3A_1498 = arith.constant 1952 : index
      %get3A_1499 = tpu.vector_load %arg9[%get3A_1498] {strides = array<i32>} : memref<4000xi32, #tpu.memory_space<vmem>>, vector<16xi32>,
      %shift_right_logical3A_1500 = arith.constant 7 : i32
      %shift_right_logical3A_1501 = vector.broadcast %shift_right_logical3A_1500 : i32 to vector<16xi32>
      %shift_right_logical3A_1502 = arith.shrui %get3A_1499, %shift_right_logical3A_1501 : vector<16xi32>
      %and3A_1503 = arith.constant 127 : i32
      %and3A_1504 = vector.broadcast %and3A_1503 : i32 to vector<16xi32>
      %and3A_1505 = arith.andi %get3A_1499, %and3A_1504 : vector<16xi32>
      tpu.vector_store_idx %arg12[%shift_right_logical3A_1502, %and3A_1505], %broadcast_in_dim3A_13 {add = true} : memref<128x128xf32, #tpu.memory_space<vmem>>[vector<16xi32>, vector<16xi32>], vector<16xf32>,
      %get3A_1506 = arith.constant 1968 : index
      %get3A_1507 = tpu.vector_load %arg9[%get3A_1506] {strides = array<i32>} : memref<4000xi32, #tpu.memory_space<vmem>>, vector<16xi32>,
      %shift_right_logical3A_1508 = arith.constant 7 : i32
      %shift_right_logical3A_1509 = vector.broadcast %shift_right_logical3A_1508 : i32 to vector<16xi32>
      %shift_right_logical3A_1510 = arith.shrui %get3A_1507, %shift_right_logical3A_1509 : vector<16xi32>
      %and3A_1511 = arith.constant 127 : i32
      %and3A_1512 = vector.broadcast %and3A_1511 : i32 to vector<16xi32>
      %and3A_1513 = arith.andi %get3A_1507, %and3A_1512 : vector<16xi32>
      tpu.vector_store_idx %arg12[%shift_right_logical3A_1510, %and3A_1513], %broadcast_in_dim3A_13 {add = true} : memref<128x128xf32, #tpu.memory_space<vmem>>[vector<16xi32>, vector<16xi32>], vector<16xf32>,
      %get3A_1514 = arith.constant 1984 : index
      %get3A_1515 = tpu.vector_load %arg9[%get3A_1514] {strides = array<i32>} : memref<4000xi32, #tpu.memory_space<vmem>>, vector<16xi32>,
      %shift_right_logical3A_1516 = arith.constant 7 : i32
      %shift_right_logical3A_1517 = vector.broadcast %shift_right_logical3A_1516 : i32 to vector<16xi32>
      %shift_right_logical3A_1518 = arith.shrui %get3A_1515, %shift_right_logical3A_1517 : vector<16xi32>
      %and3A_1519 = arith.constant 127 : i32
      %and3A_1520 = vector.broadcast %and3A_1519 : i32 to vector<16xi32>
      %and3A_1521 = arith.andi %get3A_1515, %and3A_1520 : vector<16xi32>
      tpu.vector_store_idx %arg12[%shift_right_logical3A_1518, %and3A_1521], %broadcast_in_dim3A_13 {add = true} : memref<128x128xf32, #tpu.memory_space<vmem>>[vector<16xi32>, vector<16xi32>], vector<16xf32>,
      %dma_wait3A_1522 = arith.constant 1920 : i32
      %dma_wait3A_1523 = tpu.memref_slice %arg9[%dma_wait3A_1522] : memref<4000xi32, #tpu.memory_space<vmem>> -> memref<80xi32, #tpu.memory_space<vmem>>
      %dma_wait3A_1524 = arith.constant 0 : i32
      %dma_wait3A_1525 = arith.constant 0 : i32
      %dma_wait3A_1526 = tpu.memref_slice %arg14[%dma_wait3A_1524, %dma_wait3A_1525] : memref<10240x128xf32, #tpu.memory_space<vmem_shared>> -> memref<10240x128xf32, #tpu.memory_space<vmem_shared>>
      tpu.wait_indirect_dma semaphore(%arg18 : memref<!tpu.dma_semaphore, #tpu.memory_space<semaphore_mem>>) src(%arg10 : memref<80x128xf32, #tpu.memory_space<vmem>>) dst(%dma_wait3A_1526 : memref<10240x128xf32, #tpu.memory_space<vmem_shared>>)
      %dma_start3A_1527 = arith.constant 2080 : i32
      %dma_start3A_1528 = tpu.memref_slice %arg8[%dma_start3A_1527] : memref<4000xi32, #tpu.memory_space<vmem>> -> memref<80xi32, #tpu.memory_space<vmem>>
      %dma_start3A_1529 = arith.constant 0 : i32
      %dma_start3A_1530 = arith.constant 0 : i32
      %dma_start3A_1531 = tpu.memref_slice %arg2[%dma_start3A_1529, %dma_start3A_1530] : memref<10240x128xf32, #tpu.memory_space<hbm>> -> memref<10240x128xf32, #tpu.memory_space<hbm>>
      tpu.enqueue_indirect_dma source(%dma_start3A_1531 : memref<10240x128xf32, #tpu.memory_space<hbm>>) target(%arg10 : memref<80x128xf32, #tpu.memory_space<vmem>>) offsets(%dma_start3A_1528 : memref<80xi32, #tpu.memory_space<vmem>>) semaphore(%arg16 : memref<!tpu.dma_semaphore, #tpu.memory_space<semaphore_mem>>)
      %dma_wait3A_1532 = arith.constant 2000 : i32
      %dma_wait3A_1533 = tpu.memref_slice %arg8[%dma_wait3A_1532] : memref<4000xi32, #tpu.memory_space<vmem>> -> memref<80xi32, #tpu.memory_space<vmem>>
      %dma_wait3A_1534 = arith.constant 0 : i32
      %dma_wait3A_1535 = arith.constant 0 : i32
      %dma_wait3A_1536 = tpu.memref_slice %arg2[%dma_wait3A_1534, %dma_wait3A_1535] : memref<10240x128xf32, #tpu.memory_space<hbm>> -> memref<10240x128xf32, #tpu.memory_space<hbm>>
      tpu.wait_indirect_dma semaphore(%arg17 : memref<!tpu.dma_semaphore, #tpu.memory_space<semaphore_mem>>) src(%dma_wait3A_1536 : memref<10240x128xf32, #tpu.memory_space<hbm>>) dst(%arg11 : memref<80x128xf32, #tpu.memory_space<vmem>>)
      %dma_start3A_1537 = arith.constant 2000 : i32
      %dma_start3A_1538 = tpu.memref_slice %arg9[%dma_start3A_1537] : memref<4000xi32, #tpu.memory_space<vmem>> -> memref<80xi32, #tpu.memory_space<vmem>>
      %dma_start3A_1539 = arith.constant 0 : i32
      %dma_start3A_1540 = arith.constant 0 : i32
      %dma_start3A_1541 = tpu.memref_slice %arg14[%dma_start3A_1539, %dma_start3A_1540] : memref<10240x128xf32, #tpu.memory_space<vmem_shared>> -> memref<10240x128xf32, #tpu.memory_space<vmem_shared>>
      tpu.enqueue_indirect_dma source(%arg11 : memref<80x128xf32, #tpu.memory_space<vmem>>) target(%dma_start3A_1541 : memref<10240x128xf32, #tpu.memory_space<vmem_shared>>) offsets(%dma_start3A_1538 : memref<80xi32, #tpu.memory_space<vmem>>) semaphore(%arg19 : memref<!tpu.dma_semaphore, #tpu.memory_space<semaphore_mem>>) {add = true}
      %get3A_1542 = arith.constant 2000 : index
      %get3A_1543 = tpu.vector_load %arg9[%get3A_1542] {strides = array<i32>} : memref<4000xi32, #tpu.memory_space<vmem>>, vector<16xi32>,
      %shift_right_logical3A_1544 = arith.constant 7 : i32
      %shift_right_logical3A_1545 = vector.broadcast %shift_right_logical3A_1544 : i32 to vector<16xi32>
      %shift_right_logical3A_1546 = arith.shrui %get3A_1543, %shift_right_logical3A_1545 : vector<16xi32>
      %and3A_1547 = arith.constant 127 : i32
      %and3A_1548 = vector.broadcast %and3A_1547 : i32 to vector<16xi32>
      %and3A_1549 = arith.andi %get3A_1543, %and3A_1548 : vector<16xi32>
      tpu.vector_store_idx %arg12[%shift_right_logical3A_1546, %and3A_1549], %broadcast_in_dim3A_13 {add = true} : memref<128x128xf32, #tpu.memory_space<vmem>>[vector<16xi32>, vector<16xi32>], vector<16xf32>,
      %get3A_1550 = arith.constant 2016 : index
      %get3A_1551 = tpu.vector_load %arg9[%get3A_1550] {strides = array<i32>} : memref<4000xi32, #tpu.memory_space<vmem>>, vector<16xi32>,
      %shift_right_logical3A_1552 = arith.constant 7 : i32
      %shift_right_logical3A_1553 = vector.broadcast %shift_right_logical3A_1552 : i32 to vector<16xi32>
      %shift_right_logical3A_1554 = arith.shrui %get3A_1551, %shift_right_logical3A_1553 : vector<16xi32>
      %and3A_1555 = arith.constant 127 : i32
      %and3A_1556 = vector.broadcast %and3A_1555 : i32 to vector<16xi32>
      %and3A_1557 = arith.andi %get3A_1551, %and3A_1556 : vector<16xi32>
      tpu.vector_store_idx %arg12[%shift_right_logical3A_1554, %and3A_1557], %broadcast_in_dim3A_13 {add = true} : memref<128x128xf32, #tpu.memory_space<vmem>>[vector<16xi32>, vector<16xi32>], vector<16xf32>,
      %get3A_1558 = arith.constant 2032 : index
      %get3A_1559 = tpu.vector_load %arg9[%get3A_1558] {strides = array<i32>} : memref<4000xi32, #tpu.memory_space<vmem>>, vector<16xi32>,
      %shift_right_logical3A_1560 = arith.constant 7 : i32
      %shift_right_logical3A_1561 = vector.broadcast %shift_right_logical3A_1560 : i32 to vector<16xi32>
      %shift_right_logical3A_1562 = arith.shrui %get3A_1559, %shift_right_logical3A_1561 : vector<16xi32>
      %and3A_1563 = arith.constant 127 : i32
      %and3A_1564 = vector.broadcast %and3A_1563 : i32 to vector<16xi32>
      %and3A_1565 = arith.andi %get3A_1559, %and3A_1564 : vector<16xi32>
      tpu.vector_store_idx %arg12[%shift_right_logical3A_1562, %and3A_1565], %broadcast_in_dim3A_13 {add = true} : memref<128x128xf32, #tpu.memory_space<vmem>>[vector<16xi32>, vector<16xi32>], vector<16xf32>,
      %get3A_1566 = arith.constant 2048 : index
      %get3A_1567 = tpu.vector_load %arg9[%get3A_1566] {strides = array<i32>} : memref<4000xi32, #tpu.memory_space<vmem>>, vector<16xi32>,
      %shift_right_logical3A_1568 = arith.constant 7 : i32
      %shift_right_logical3A_1569 = vector.broadcast %shift_right_logical3A_1568 : i32 to vector<16xi32>
      %shift_right_logical3A_1570 = arith.shrui %get3A_1567, %shift_right_logical3A_1569 : vector<16xi32>
      %and3A_1571 = arith.constant 127 : i32
      %and3A_1572 = vector.broadcast %and3A_1571 : i32 to vector<16xi32>
      %and3A_1573 = arith.andi %get3A_1567, %and3A_1572 : vector<16xi32>
      tpu.vector_store_idx %arg12[%shift_right_logical3A_1570, %and3A_1573], %broadcast_in_dim3A_13 {add = true} : memref<128x128xf32, #tpu.memory_space<vmem>>[vector<16xi32>, vector<16xi32>], vector<16xf32>,
      %get3A_1574 = arith.constant 2064 : index
      %get3A_1575 = tpu.vector_load %arg9[%get3A_1574] {strides = array<i32>} : memref<4000xi32, #tpu.memory_space<vmem>>, vector<16xi32>,
      %shift_right_logical3A_1576 = arith.constant 7 : i32
      %shift_right_logical3A_1577 = vector.broadcast %shift_right_logical3A_1576 : i32 to vector<16xi32>
      %shift_right_logical3A_1578 = arith.shrui %get3A_1575, %shift_right_logical3A_1577 : vector<16xi32>
      %and3A_1579 = arith.constant 127 : i32
      %and3A_1580 = vector.broadcast %and3A_1579 : i32 to vector<16xi32>
      %and3A_1581 = arith.andi %get3A_1575, %and3A_1580 : vector<16xi32>
      tpu.vector_store_idx %arg12[%shift_right_logical3A_1578, %and3A_1581], %broadcast_in_dim3A_13 {add = true} : memref<128x128xf32, #tpu.memory_space<vmem>>[vector<16xi32>, vector<16xi32>], vector<16xf32>,
      %dma_wait3A_1582 = arith.constant 2000 : i32
      %dma_wait3A_1583 = tpu.memref_slice %arg9[%dma_wait3A_1582] : memref<4000xi32, #tpu.memory_space<vmem>> -> memref<80xi32, #tpu.memory_space<vmem>>
      %dma_wait3A_1584 = arith.constant 0 : i32
      %dma_wait3A_1585 = arith.constant 0 : i32
      %dma_wait3A_1586 = tpu.memref_slice %arg14[%dma_wait3A_1584, %dma_wait3A_1585] : memref<10240x128xf32, #tpu.memory_space<vmem_shared>> -> memref<10240x128xf32, #tpu.memory_space<vmem_shared>>
      tpu.wait_indirect_dma semaphore(%arg19 : memref<!tpu.dma_semaphore, #tpu.memory_space<semaphore_mem>>) src(%arg11 : memref<80x128xf32, #tpu.memory_space<vmem>>) dst(%dma_wait3A_1586 : memref<10240x128xf32, #tpu.memory_space<vmem_shared>>)
      %dma_start3A_1587 = arith.constant 2160 : i32
      %dma_start3A_1588 = tpu.memref_slice %arg8[%dma_start3A_1587] : memref<4000xi32, #tpu.memory_space<vmem>> -> memref<80xi32, #tpu.memory_space<vmem>>
      %dma_start3A_1589 = arith.constant 0 : i32
      %dma_start3A_1590 = arith.constant 0 : i32
      %dma_start3A_1591 = tpu.memref_slice %arg2[%dma_start3A_1589, %dma_start3A_1590] : memref<10240x128xf32, #tpu.memory_space<hbm>> -> memref<10240x128xf32, #tpu.memory_space<hbm>>
      tpu.enqueue_indirect_dma source(%dma_start3A_1591 : memref<10240x128xf32, #tpu.memory_space<hbm>>) target(%arg11 : memref<80x128xf32, #tpu.memory_space<vmem>>) offsets(%dma_start3A_1588 : memref<80xi32, #tpu.memory_space<vmem>>) semaphore(%arg17 : memref<!tpu.dma_semaphore, #tpu.memory_space<semaphore_mem>>)
      %dma_wait3A_1592 = arith.constant 2080 : i32
      %dma_wait3A_1593 = tpu.memref_slice %arg8[%dma_wait3A_1592] : memref<4000xi32, #tpu.memory_space<vmem>> -> memref<80xi32, #tpu.memory_space<vmem>>
      %dma_wait3A_1594 = arith.constant 0 : i32
      %dma_wait3A_1595 = arith.constant 0 : i32
      %dma_wait3A_1596 = tpu.memref_slice %arg2[%dma_wait3A_1594, %dma_wait3A_1595] : memref<10240x128xf32, #tpu.memory_space<hbm>> -> memref<10240x128xf32, #tpu.memory_space<hbm>>
      tpu.wait_indirect_dma semaphore(%arg16 : memref<!tpu.dma_semaphore, #tpu.memory_space<semaphore_mem>>) src(%dma_wait3A_1596 : memref<10240x128xf32, #tpu.memory_space<hbm>>) dst(%arg10 : memref<80x128xf32, #tpu.memory_space<vmem>>)
      %dma_start3A_1597 = arith.constant 2080 : i32
      %dma_start3A_1598 = tpu.memref_slice %arg9[%dma_start3A_1597] : memref<4000xi32, #tpu.memory_space<vmem>> -> memref<80xi32, #tpu.memory_space<vmem>>
      %dma_start3A_1599 = arith.constant 0 : i32
      %dma_start3A_1600 = arith.constant 0 : i32
      %dma_start3A_1601 = tpu.memref_slice %arg14[%dma_start3A_1599, %dma_start3A_1600] : memref<10240x128xf32, #tpu.memory_space<vmem_shared>> -> memref<10240x128xf32, #tpu.memory_space<vmem_shared>>
      tpu.enqueue_indirect_dma source(%arg10 : memref<80x128xf32, #tpu.memory_space<vmem>>) target(%dma_start3A_1601 : memref<10240x128xf32, #tpu.memory_space<vmem_shared>>) offsets(%dma_start3A_1598 : memref<80xi32, #tpu.memory_space<vmem>>) semaphore(%arg18 : memref<!tpu.dma_semaphore, #tpu.memory_space<semaphore_mem>>) {add = true}
      %get3A_1602 = arith.constant 2080 : index
      %get3A_1603 = tpu.vector_load %arg9[%get3A_1602] {strides = array<i32>} : memref<4000xi32, #tpu.memory_space<vmem>>, vector<16xi32>,
      %shift_right_logical3A_1604 = arith.constant 7 : i32
      %shift_right_logical3A_1605 = vector.broadcast %shift_right_logical3A_1604 : i32 to vector<16xi32>
      %shift_right_logical3A_1606 = arith.shrui %get3A_1603, %shift_right_logical3A_1605 : vector<16xi32>
      %and3A_1607 = arith.constant 127 : i32
      %and3A_1608 = vector.broadcast %and3A_1607 : i32 to vector<16xi32>
      %and3A_1609 = arith.andi %get3A_1603, %and3A_1608 : vector<16xi32>
      tpu.vector_store_idx %arg12[%shift_right_logical3A_1606, %and3A_1609], %broadcast_in_dim3A_13 {add = true} : memref<128x128xf32, #tpu.memory_space<vmem>>[vector<16xi32>, vector<16xi32>], vector<16xf32>,
      %get3A_1610 = arith.constant 2096 : index
      %get3A_1611 = tpu.vector_load %arg9[%get3A_1610] {strides = array<i32>} : memref<4000xi32, #tpu.memory_space<vmem>>, vector<16xi32>,
      %shift_right_logical3A_1612 = arith.constant 7 : i32
      %shift_right_logical3A_1613 = vector.broadcast %shift_right_logical3A_1612 : i32 to vector<16xi32>
      %shift_right_logical3A_1614 = arith.shrui %get3A_1611, %shift_right_logical3A_1613 : vector<16xi32>
      %and3A_1615 = arith.constant 127 : i32
      %and3A_1616 = vector.broadcast %and3A_1615 : i32 to vector<16xi32>
      %and3A_1617 = arith.andi %get3A_1611, %and3A_1616 : vector<16xi32>
      tpu.vector_store_idx %arg12[%shift_right_logical3A_1614, %and3A_1617], %broadcast_in_dim3A_13 {add = true} : memref<128x128xf32, #tpu.memory_space<vmem>>[vector<16xi32>, vector<16xi32>], vector<16xf32>,
      %get3A_1618 = arith.constant 2112 : index
      %get3A_1619 = tpu.vector_load %arg9[%get3A_1618] {strides = array<i32>} : memref<4000xi32, #tpu.memory_space<vmem>>, vector<16xi32>,
      %shift_right_logical3A_1620 = arith.constant 7 : i32
      %shift_right_logical3A_1621 = vector.broadcast %shift_right_logical3A_1620 : i32 to vector<16xi32>
      %shift_right_logical3A_1622 = arith.shrui %get3A_1619, %shift_right_logical3A_1621 : vector<16xi32>
      %and3A_1623 = arith.constant 127 : i32
      %and3A_1624 = vector.broadcast %and3A_1623 : i32 to vector<16xi32>
      %and3A_1625 = arith.andi %get3A_1619, %and3A_1624 : vector<16xi32>
      tpu.vector_store_idx %arg12[%shift_right_logical3A_1622, %and3A_1625], %broadcast_in_dim3A_13 {add = true} : memref<128x128xf32, #tpu.memory_space<vmem>>[vector<16xi32>, vector<16xi32>], vector<16xf32>,
      %get3A_1626 = arith.constant 2128 : index
      %get3A_1627 = tpu.vector_load %arg9[%get3A_1626] {strides = array<i32>} : memref<4000xi32, #tpu.memory_space<vmem>>, vector<16xi32>,
      %shift_right_logical3A_1628 = arith.constant 7 : i32
      %shift_right_logical3A_1629 = vector.broadcast %shift_right_logical3A_1628 : i32 to vector<16xi32>
      %shift_right_logical3A_1630 = arith.shrui %get3A_1627, %shift_right_logical3A_1629 : vector<16xi32>
      %and3A_1631 = arith.constant 127 : i32
      %and3A_1632 = vector.broadcast %and3A_1631 : i32 to vector<16xi32>
      %and3A_1633 = arith.andi %get3A_1627, %and3A_1632 : vector<16xi32>
      tpu.vector_store_idx %arg12[%shift_right_logical3A_1630, %and3A_1633], %broadcast_in_dim3A_13 {add = true} : memref<128x128xf32, #tpu.memory_space<vmem>>[vector<16xi32>, vector<16xi32>], vector<16xf32>,
      %get3A_1634 = arith.constant 2144 : index
      %get3A_1635 = tpu.vector_load %arg9[%get3A_1634] {strides = array<i32>} : memref<4000xi32, #tpu.memory_space<vmem>>, vector<16xi32>,
      %shift_right_logical3A_1636 = arith.constant 7 : i32
      %shift_right_logical3A_1637 = vector.broadcast %shift_right_logical3A_1636 : i32 to vector<16xi32>
      %shift_right_logical3A_1638 = arith.shrui %get3A_1635, %shift_right_logical3A_1637 : vector<16xi32>
      %and3A_1639 = arith.constant 127 : i32
      %and3A_1640 = vector.broadcast %and3A_1639 : i32 to vector<16xi32>
      %and3A_1641 = arith.andi %get3A_1635, %and3A_1640 : vector<16xi32>
      tpu.vector_store_idx %arg12[%shift_right_logical3A_1638, %and3A_1641], %broadcast_in_dim3A_13 {add = true} : memref<128x128xf32, #tpu.memory_space<vmem>>[vector<16xi32>, vector<16xi32>], vector<16xf32>,
      %dma_wait3A_1642 = arith.constant 2080 : i32
      %dma_wait3A_1643 = tpu.memref_slice %arg9[%dma_wait3A_1642] : memref<4000xi32, #tpu.memory_space<vmem>> -> memref<80xi32, #tpu.memory_space<vmem>>
      %dma_wait3A_1644 = arith.constant 0 : i32
      %dma_wait3A_1645 = arith.constant 0 : i32
      %dma_wait3A_1646 = tpu.memref_slice %arg14[%dma_wait3A_1644, %dma_wait3A_1645] : memref<10240x128xf32, #tpu.memory_space<vmem_shared>> -> memref<10240x128xf32, #tpu.memory_space<vmem_shared>>
      tpu.wait_indirect_dma semaphore(%arg18 : memref<!tpu.dma_semaphore, #tpu.memory_space<semaphore_mem>>) src(%arg10 : memref<80x128xf32, #tpu.memory_space<vmem>>) dst(%dma_wait3A_1646 : memref<10240x128xf32, #tpu.memory_space<vmem_shared>>)
      %dma_start3A_1647 = arith.constant 2240 : i32
      %dma_start3A_1648 = tpu.memref_slice %arg8[%dma_start3A_1647] : memref<4000xi32, #tpu.memory_space<vmem>> -> memref<80xi32, #tpu.memory_space<vmem>>
      %dma_start3A_1649 = arith.constant 0 : i32
      %dma_start3A_1650 = arith.constant 0 : i32
      %dma_start3A_1651 = tpu.memref_slice %arg2[%dma_start3A_1649, %dma_start3A_1650] : memref<10240x128xf32, #tpu.memory_space<hbm>> -> memref<10240x128xf32, #tpu.memory_space<hbm>>
      tpu.enqueue_indirect_dma source(%dma_start3A_1651 : memref<10240x128xf32, #tpu.memory_space<hbm>>) target(%arg10 : memref<80x128xf32, #tpu.memory_space<vmem>>) offsets(%dma_start3A_1648 : memref<80xi32, #tpu.memory_space<vmem>>) semaphore(%arg16 : memref<!tpu.dma_semaphore, #tpu.memory_space<semaphore_mem>>)
      %dma_wait3A_1652 = arith.constant 2160 : i32
      %dma_wait3A_1653 = tpu.memref_slice %arg8[%dma_wait3A_1652] : memref<4000xi32, #tpu.memory_space<vmem>> -> memref<80xi32, #tpu.memory_space<vmem>>
      %dma_wait3A_1654 = arith.constant 0 : i32
      %dma_wait3A_1655 = arith.constant 0 : i32
      %dma_wait3A_1656 = tpu.memref_slice %arg2[%dma_wait3A_1654, %dma_wait3A_1655] : memref<10240x128xf32, #tpu.memory_space<hbm>> -> memref<10240x128xf32, #tpu.memory_space<hbm>>
      tpu.wait_indirect_dma semaphore(%arg17 : memref<!tpu.dma_semaphore, #tpu.memory_space<semaphore_mem>>) src(%dma_wait3A_1656 : memref<10240x128xf32, #tpu.memory_space<hbm>>) dst(%arg11 : memref<80x128xf32, #tpu.memory_space<vmem>>)
      %dma_start3A_1657 = arith.constant 2160 : i32
      %dma_start3A_1658 = tpu.memref_slice %arg9[%dma_start3A_1657] : memref<4000xi32, #tpu.memory_space<vmem>> -> memref<80xi32, #tpu.memory_space<vmem>>
      %dma_start3A_1659 = arith.constant 0 : i32
      %dma_start3A_1660 = arith.constant 0 : i32
      %dma_start3A_1661 = tpu.memref_slice %arg14[%dma_start3A_1659, %dma_start3A_1660] : memref<10240x128xf32, #tpu.memory_space<vmem_shared>> -> memref<10240x128xf32, #tpu.memory_space<vmem_shared>>
      tpu.enqueue_indirect_dma source(%arg11 : memref<80x128xf32, #tpu.memory_space<vmem>>) target(%dma_start3A_1661 : memref<10240x128xf32, #tpu.memory_space<vmem_shared>>) offsets(%dma_start3A_1658 : memref<80xi32, #tpu.memory_space<vmem>>) semaphore(%arg19 : memref<!tpu.dma_semaphore, #tpu.memory_space<semaphore_mem>>) {add = true}
      %get3A_1662 = arith.constant 2160 : index
      %get3A_1663 = tpu.vector_load %arg9[%get3A_1662] {strides = array<i32>} : memref<4000xi32, #tpu.memory_space<vmem>>, vector<16xi32>,
      %shift_right_logical3A_1664 = arith.constant 7 : i32
      %shift_right_logical3A_1665 = vector.broadcast %shift_right_logical3A_1664 : i32 to vector<16xi32>
      %shift_right_logical3A_1666 = arith.shrui %get3A_1663, %shift_right_logical3A_1665 : vector<16xi32>
      %and3A_1667 = arith.constant 127 : i32
      %and3A_1668 = vector.broadcast %and3A_1667 : i32 to vector<16xi32>
      %and3A_1669 = arith.andi %get3A_1663, %and3A_1668 : vector<16xi32>
      tpu.vector_store_idx %arg12[%shift_right_logical3A_1666, %and3A_1669], %broadcast_in_dim3A_13 {add = true} : memref<128x128xf32, #tpu.memory_space<vmem>>[vector<16xi32>, vector<16xi32>], vector<16xf32>,
      %get3A_1670 = arith.constant 2176 : index
      %get3A_1671 = tpu.vector_load %arg9[%get3A_1670] {strides = array<i32>} : memref<4000xi32, #tpu.memory_space<vmem>>, vector<16xi32>,
      %shift_right_logical3A_1672 = arith.constant 7 : i32
      %shift_right_logical3A_1673 = vector.broadcast %shift_right_logical3A_1672 : i32 to vector<16xi32>
      %shift_right_logical3A_1674 = arith.shrui %get3A_1671, %shift_right_logical3A_1673 : vector<16xi32>
      %and3A_1675 = arith.constant 127 : i32
      %and3A_1676 = vector.broadcast %and3A_1675 : i32 to vector<16xi32>
      %and3A_1677 = arith.andi %get3A_1671, %and3A_1676 : vector<16xi32>
      tpu.vector_store_idx %arg12[%shift_right_logical3A_1674, %and3A_1677], %broadcast_in_dim3A_13 {add = true} : memref<128x128xf32, #tpu.memory_space<vmem>>[vector<16xi32>, vector<16xi32>], vector<16xf32>,
      %get3A_1678 = arith.constant 2192 : index
      %get3A_1679 = tpu.vector_load %arg9[%get3A_1678] {strides = array<i32>} : memref<4000xi32, #tpu.memory_space<vmem>>, vector<16xi32>,
      %shift_right_logical3A_1680 = arith.constant 7 : i32
      %shift_right_logical3A_1681 = vector.broadcast %shift_right_logical3A_1680 : i32 to vector<16xi32>
      %shift_right_logical3A_1682 = arith.shrui %get3A_1679, %shift_right_logical3A_1681 : vector<16xi32>
      %and3A_1683 = arith.constant 127 : i32
      %and3A_1684 = vector.broadcast %and3A_1683 : i32 to vector<16xi32>
      %and3A_1685 = arith.andi %get3A_1679, %and3A_1684 : vector<16xi32>
      tpu.vector_store_idx %arg12[%shift_right_logical3A_1682, %and3A_1685], %broadcast_in_dim3A_13 {add = true} : memref<128x128xf32, #tpu.memory_space<vmem>>[vector<16xi32>, vector<16xi32>], vector<16xf32>,
      %get3A_1686 = arith.constant 2208 : index
      %get3A_1687 = tpu.vector_load %arg9[%get3A_1686] {strides = array<i32>} : memref<4000xi32, #tpu.memory_space<vmem>>, vector<16xi32>,
      %shift_right_logical3A_1688 = arith.constant 7 : i32
      %shift_right_logical3A_1689 = vector.broadcast %shift_right_logical3A_1688 : i32 to vector<16xi32>
      %shift_right_logical3A_1690 = arith.shrui %get3A_1687, %shift_right_logical3A_1689 : vector<16xi32>
      %and3A_1691 = arith.constant 127 : i32
      %and3A_1692 = vector.broadcast %and3A_1691 : i32 to vector<16xi32>
      %and3A_1693 = arith.andi %get3A_1687, %and3A_1692 : vector<16xi32>
      tpu.vector_store_idx %arg12[%shift_right_logical3A_1690, %and3A_1693], %broadcast_in_dim3A_13 {add = true} : memref<128x128xf32, #tpu.memory_space<vmem>>[vector<16xi32>, vector<16xi32>], vector<16xf32>,
      %get3A_1694 = arith.constant 2224 : index
      %get3A_1695 = tpu.vector_load %arg9[%get3A_1694] {strides = array<i32>} : memref<4000xi32, #tpu.memory_space<vmem>>, vector<16xi32>,
      %shift_right_logical3A_1696 = arith.constant 7 : i32
      %shift_right_logical3A_1697 = vector.broadcast %shift_right_logical3A_1696 : i32 to vector<16xi32>
      %shift_right_logical3A_1698 = arith.shrui %get3A_1695, %shift_right_logical3A_1697 : vector<16xi32>
      %and3A_1699 = arith.constant 127 : i32
      %and3A_1700 = vector.broadcast %and3A_1699 : i32 to vector<16xi32>
      %and3A_1701 = arith.andi %get3A_1695, %and3A_1700 : vector<16xi32>
      tpu.vector_store_idx %arg12[%shift_right_logical3A_1698, %and3A_1701], %broadcast_in_dim3A_13 {add = true} : memref<128x128xf32, #tpu.memory_space<vmem>>[vector<16xi32>, vector<16xi32>], vector<16xf32>,
      %dma_wait3A_1702 = arith.constant 2160 : i32
      %dma_wait3A_1703 = tpu.memref_slice %arg9[%dma_wait3A_1702] : memref<4000xi32, #tpu.memory_space<vmem>> -> memref<80xi32, #tpu.memory_space<vmem>>
      %dma_wait3A_1704 = arith.constant 0 : i32
      %dma_wait3A_1705 = arith.constant 0 : i32
      %dma_wait3A_1706 = tpu.memref_slice %arg14[%dma_wait3A_1704, %dma_wait3A_1705] : memref<10240x128xf32, #tpu.memory_space<vmem_shared>> -> memref<10240x128xf32, #tpu.memory_space<vmem_shared>>
      tpu.wait_indirect_dma semaphore(%arg19 : memref<!tpu.dma_semaphore, #tpu.memory_space<semaphore_mem>>) src(%arg11 : memref<80x128xf32, #tpu.memory_space<vmem>>) dst(%dma_wait3A_1706 : memref<10240x128xf32, #tpu.memory_space<vmem_shared>>)
      %dma_start3A_1707 = arith.constant 2320 : i32
      %dma_start3A_1708 = tpu.memref_slice %arg8[%dma_start3A_1707] : memref<4000xi32, #tpu.memory_space<vmem>> -> memref<80xi32, #tpu.memory_space<vmem>>
      %dma_start3A_1709 = arith.constant 0 : i32
      %dma_start3A_1710 = arith.constant 0 : i32
      %dma_start3A_1711 = tpu.memref_slice %arg2[%dma_start3A_1709, %dma_start3A_1710] : memref<10240x128xf32, #tpu.memory_space<hbm>> -> memref<10240x128xf32, #tpu.memory_space<hbm>>
      tpu.enqueue_indirect_dma source(%dma_start3A_1711 : memref<10240x128xf32, #tpu.memory_space<hbm>>) target(%arg11 : memref<80x128xf32, #tpu.memory_space<vmem>>) offsets(%dma_start3A_1708 : memref<80xi32, #tpu.memory_space<vmem>>) semaphore(%arg17 : memref<!tpu.dma_semaphore, #tpu.memory_space<semaphore_mem>>)
      %dma_wait3A_1712 = arith.constant 2240 : i32
      %dma_wait3A_1713 = tpu.memref_slice %arg8[%dma_wait3A_1712] : memref<4000xi32, #tpu.memory_space<vmem>> -> memref<80xi32, #tpu.memory_space<vmem>>
      %dma_wait3A_1714 = arith.constant 0 : i32
      %dma_wait3A_1715 = arith.constant 0 : i32
      %dma_wait3A_1716 = tpu.memref_slice %arg2[%dma_wait3A_1714, %dma_wait3A_1715] : memref<10240x128xf32, #tpu.memory_space<hbm>> -> memref<10240x128xf32, #tpu.memory_space<hbm>>
      tpu.wait_indirect_dma semaphore(%arg16 : memref<!tpu.dma_semaphore, #tpu.memory_space<semaphore_mem>>) src(%dma_wait3A_1716 : memref<10240x128xf32, #tpu.memory_space<hbm>>) dst(%arg10 : memref<80x128xf32, #tpu.memory_space<vmem>>)
      %dma_start3A_1717 = arith.constant 2240 : i32
      %dma_start3A_1718 = tpu.memref_slice %arg9[%dma_start3A_1717] : memref<4000xi32, #tpu.memory_space<vmem>> -> memref<80xi32, #tpu.memory_space<vmem>>
      %dma_start3A_1719 = arith.constant 0 : i32
      %dma_start3A_1720 = arith.constant 0 : i32
      %dma_start3A_1721 = tpu.memref_slice %arg14[%dma_start3A_1719, %dma_start3A_1720] : memref<10240x128xf32, #tpu.memory_space<vmem_shared>> -> memref<10240x128xf32, #tpu.memory_space<vmem_shared>>
      tpu.enqueue_indirect_dma source(%arg10 : memref<80x128xf32, #tpu.memory_space<vmem>>) target(%dma_start3A_1721 : memref<10240x128xf32, #tpu.memory_space<vmem_shared>>) offsets(%dma_start3A_1718 : memref<80xi32, #tpu.memory_space<vmem>>) semaphore(%arg18 : memref<!tpu.dma_semaphore, #tpu.memory_space<semaphore_mem>>) {add = true}
      %get3A_1722 = arith.constant 2240 : index
      %get3A_1723 = tpu.vector_load %arg9[%get3A_1722] {strides = array<i32>} : memref<4000xi32, #tpu.memory_space<vmem>>, vector<16xi32>,
      %shift_right_logical3A_1724 = arith.constant 7 : i32
      %shift_right_logical3A_1725 = vector.broadcast %shift_right_logical3A_1724 : i32 to vector<16xi32>
      %shift_right_logical3A_1726 = arith.shrui %get3A_1723, %shift_right_logical3A_1725 : vector<16xi32>
      %and3A_1727 = arith.constant 127 : i32
      %and3A_1728 = vector.broadcast %and3A_1727 : i32 to vector<16xi32>
      %and3A_1729 = arith.andi %get3A_1723, %and3A_1728 : vector<16xi32>
      tpu.vector_store_idx %arg12[%shift_right_logical3A_1726, %and3A_1729], %broadcast_in_dim3A_13 {add = true} : memref<128x128xf32, #tpu.memory_space<vmem>>[vector<16xi32>, vector<16xi32>], vector<16xf32>,
      %get3A_1730 = arith.constant 2256 : index
      %get3A_1731 = tpu.vector_load %arg9[%get3A_1730] {strides = array<i32>} : memref<4000xi32, #tpu.memory_space<vmem>>, vector<16xi32>,
      %shift_right_logical3A_1732 = arith.constant 7 : i32
      %shift_right_logical3A_1733 = vector.broadcast %shift_right_logical3A_1732 : i32 to vector<16xi32>
      %shift_right_logical3A_1734 = arith.shrui %get3A_1731, %shift_right_logical3A_1733 : vector<16xi32>
      %and3A_1735 = arith.constant 127 : i32
      %and3A_1736 = vector.broadcast %and3A_1735 : i32 to vector<16xi32>
      %and3A_1737 = arith.andi %get3A_1731, %and3A_1736 : vector<16xi32>
      tpu.vector_store_idx %arg12[%shift_right_logical3A_1734, %and3A_1737], %broadcast_in_dim3A_13 {add = true} : memref<128x128xf32, #tpu.memory_space<vmem>>[vector<16xi32>, vector<16xi32>], vector<16xf32>,
      %get3A_1738 = arith.constant 2272 : index
      %get3A_1739 = tpu.vector_load %arg9[%get3A_1738] {strides = array<i32>} : memref<4000xi32, #tpu.memory_space<vmem>>, vector<16xi32>,
      %shift_right_logical3A_1740 = arith.constant 7 : i32
      %shift_right_logical3A_1741 = vector.broadcast %shift_right_logical3A_1740 : i32 to vector<16xi32>
      %shift_right_logical3A_1742 = arith.shrui %get3A_1739, %shift_right_logical3A_1741 : vector<16xi32>
      %and3A_1743 = arith.constant 127 : i32
      %and3A_1744 = vector.broadcast %and3A_1743 : i32 to vector<16xi32>
      %and3A_1745 = arith.andi %get3A_1739, %and3A_1744 : vector<16xi32>
      tpu.vector_store_idx %arg12[%shift_right_logical3A_1742, %and3A_1745], %broadcast_in_dim3A_13 {add = true} : memref<128x128xf32, #tpu.memory_space<vmem>>[vector<16xi32>, vector<16xi32>], vector<16xf32>,
      %get3A_1746 = arith.constant 2288 : index
      %get3A_1747 = tpu.vector_load %arg9[%get3A_1746] {strides = array<i32>} : memref<4000xi32, #tpu.memory_space<vmem>>, vector<16xi32>,
      %shift_right_logical3A_1748 = arith.constant 7 : i32
      %shift_right_logical3A_1749 = vector.broadcast %shift_right_logical3A_1748 : i32 to vector<16xi32>
      %shift_right_logical3A_1750 = arith.shrui %get3A_1747, %shift_right_logical3A_1749 : vector<16xi32>
      %and3A_1751 = arith.constant 127 : i32
      %and3A_1752 = vector.broadcast %and3A_1751 : i32 to vector<16xi32>
      %and3A_1753 = arith.andi %get3A_1747, %and3A_1752 : vector<16xi32>
      tpu.vector_store_idx %arg12[%shift_right_logical3A_1750, %and3A_1753], %broadcast_in_dim3A_13 {add = true} : memref<128x128xf32, #tpu.memory_space<vmem>>[vector<16xi32>, vector<16xi32>], vector<16xf32>,
      %get3A_1754 = arith.constant 2304 : index
      %get3A_1755 = tpu.vector_load %arg9[%get3A_1754] {strides = array<i32>} : memref<4000xi32, #tpu.memory_space<vmem>>, vector<16xi32>,
      %shift_right_logical3A_1756 = arith.constant 7 : i32
      %shift_right_logical3A_1757 = vector.broadcast %shift_right_logical3A_1756 : i32 to vector<16xi32>
      %shift_right_logical3A_1758 = arith.shrui %get3A_1755, %shift_right_logical3A_1757 : vector<16xi32>
      %and3A_1759 = arith.constant 127 : i32
      %and3A_1760 = vector.broadcast %and3A_1759 : i32 to vector<16xi32>
      %and3A_1761 = arith.andi %get3A_1755, %and3A_1760 : vector<16xi32>
      tpu.vector_store_idx %arg12[%shift_right_logical3A_1758, %and3A_1761], %broadcast_in_dim3A_13 {add = true} : memref<128x128xf32, #tpu.memory_space<vmem>>[vector<16xi32>, vector<16xi32>], vector<16xf32>,
      %dma_wait3A_1762 = arith.constant 2240 : i32
      %dma_wait3A_1763 = tpu.memref_slice %arg9[%dma_wait3A_1762] : memref<4000xi32, #tpu.memory_space<vmem>> -> memref<80xi32, #tpu.memory_space<vmem>>
      %dma_wait3A_1764 = arith.constant 0 : i32
      %dma_wait3A_1765 = arith.constant 0 : i32
      %dma_wait3A_1766 = tpu.memref_slice %arg14[%dma_wait3A_1764, %dma_wait3A_1765] : memref<10240x128xf32, #tpu.memory_space<vmem_shared>> -> memref<10240x128xf32, #tpu.memory_space<vmem_shared>>
      tpu.wait_indirect_dma semaphore(%arg18 : memref<!tpu.dma_semaphore, #tpu.memory_space<semaphore_mem>>) src(%arg10 : memref<80x128xf32, #tpu.memory_space<vmem>>) dst(%dma_wait3A_1766 : memref<10240x128xf32, #tpu.memory_space<vmem_shared>>)
      %dma_start3A_1767 = arith.constant 2400 : i32
      %dma_start3A_1768 = tpu.memref_slice %arg8[%dma_start3A_1767] : memref<4000xi32, #tpu.memory_space<vmem>> -> memref<80xi32, #tpu.memory_space<vmem>>
      %dma_start3A_1769 = arith.constant 0 : i32
      %dma_start3A_1770 = arith.constant 0 : i32
      %dma_start3A_1771 = tpu.memref_slice %arg2[%dma_start3A_1769, %dma_start3A_1770] : memref<10240x128xf32, #tpu.memory_space<hbm>> -> memref<10240x128xf32, #tpu.memory_space<hbm>>
      tpu.enqueue_indirect_dma source(%dma_start3A_1771 : memref<10240x128xf32, #tpu.memory_space<hbm>>) target(%arg10 : memref<80x128xf32, #tpu.memory_space<vmem>>) offsets(%dma_start3A_1768 : memref<80xi32, #tpu.memory_space<vmem>>) semaphore(%arg16 : memref<!tpu.dma_semaphore, #tpu.memory_space<semaphore_mem>>)
      %dma_wait3A_1772 = arith.constant 2320 : i32
      %dma_wait3A_1773 = tpu.memref_slice %arg8[%dma_wait3A_1772] : memref<4000xi32, #tpu.memory_space<vmem>> -> memref<80xi32, #tpu.memory_space<vmem>>
      %dma_wait3A_1774 = arith.constant 0 : i32
      %dma_wait3A_1775 = arith.constant 0 : i32
      %dma_wait3A_1776 = tpu.memref_slice %arg2[%dma_wait3A_1774, %dma_wait3A_1775] : memref<10240x128xf32, #tpu.memory_space<hbm>> -> memref<10240x128xf32, #tpu.memory_space<hbm>>
      tpu.wait_indirect_dma semaphore(%arg17 : memref<!tpu.dma_semaphore, #tpu.memory_space<semaphore_mem>>) src(%dma_wait3A_1776 : memref<10240x128xf32, #tpu.memory_space<hbm>>) dst(%arg11 : memref<80x128xf32, #tpu.memory_space<vmem>>)
      %dma_start3A_1777 = arith.constant 2320 : i32
      %dma_start3A_1778 = tpu.memref_slice %arg9[%dma_start3A_1777] : memref<4000xi32, #tpu.memory_space<vmem>> -> memref<80xi32, #tpu.memory_space<vmem>>
      %dma_start3A_1779 = arith.constant 0 : i32
      %dma_start3A_1780 = arith.constant 0 : i32
      %dma_start3A_1781 = tpu.memref_slice %arg14[%dma_start3A_1779, %dma_start3A_1780] : memref<10240x128xf32, #tpu.memory_space<vmem_shared>> -> memref<10240x128xf32, #tpu.memory_space<vmem_shared>>
      tpu.enqueue_indirect_dma source(%arg11 : memref<80x128xf32, #tpu.memory_space<vmem>>) target(%dma_start3A_1781 : memref<10240x128xf32, #tpu.memory_space<vmem_shared>>) offsets(%dma_start3A_1778 : memref<80xi32, #tpu.memory_space<vmem>>) semaphore(%arg19 : memref<!tpu.dma_semaphore, #tpu.memory_space<semaphore_mem>>) {add = true}
      %get3A_1782 = arith.constant 2320 : index
      %get3A_1783 = tpu.vector_load %arg9[%get3A_1782] {strides = array<i32>} : memref<4000xi32, #tpu.memory_space<vmem>>, vector<16xi32>,
      %shift_right_logical3A_1784 = arith.constant 7 : i32
      %shift_right_logical3A_1785 = vector.broadcast %shift_right_logical3A_1784 : i32 to vector<16xi32>
      %shift_right_logical3A_1786 = arith.shrui %get3A_1783, %shift_right_logical3A_1785 : vector<16xi32>
      %and3A_1787 = arith.constant 127 : i32
      %and3A_1788 = vector.broadcast %and3A_1787 : i32 to vector<16xi32>
      %and3A_1789 = arith.andi %get3A_1783, %and3A_1788 : vector<16xi32>
      tpu.vector_store_idx %arg12[%shift_right_logical3A_1786, %and3A_1789], %broadcast_in_dim3A_13 {add = true} : memref<128x128xf32, #tpu.memory_space<vmem>>[vector<16xi32>, vector<16xi32>], vector<16xf32>,
      %get3A_1790 = arith.constant 2336 : index
      %get3A_1791 = tpu.vector_load %arg9[%get3A_1790] {strides = array<i32>} : memref<4000xi32, #tpu.memory_space<vmem>>, vector<16xi32>,
      %shift_right_logical3A_1792 = arith.constant 7 : i32
      %shift_right_logical3A_1793 = vector.broadcast %shift_right_logical3A_1792 : i32 to vector<16xi32>
      %shift_right_logical3A_1794 = arith.shrui %get3A_1791, %shift_right_logical3A_1793 : vector<16xi32>
      %and3A_1795 = arith.constant 127 : i32
      %and3A_1796 = vector.broadcast %and3A_1795 : i32 to vector<16xi32>
      %and3A_1797 = arith.andi %get3A_1791, %and3A_1796 : vector<16xi32>
      tpu.vector_store_idx %arg12[%shift_right_logical3A_1794, %and3A_1797], %broadcast_in_dim3A_13 {add = true} : memref<128x128xf32, #tpu.memory_space<vmem>>[vector<16xi32>, vector<16xi32>], vector<16xf32>,
      %get3A_1798 = arith.constant 2352 : index
      %get3A_1799 = tpu.vector_load %arg9[%get3A_1798] {strides = array<i32>} : memref<4000xi32, #tpu.memory_space<vmem>>, vector<16xi32>,
      %shift_right_logical3A_1800 = arith.constant 7 : i32
      %shift_right_logical3A_1801 = vector.broadcast %shift_right_logical3A_1800 : i32 to vector<16xi32>
      %shift_right_logical3A_1802 = arith.shrui %get3A_1799, %shift_right_logical3A_1801 : vector<16xi32>
      %and3A_1803 = arith.constant 127 : i32
      %and3A_1804 = vector.broadcast %and3A_1803 : i32 to vector<16xi32>
      %and3A_1805 = arith.andi %get3A_1799, %and3A_1804 : vector<16xi32>
      tpu.vector_store_idx %arg12[%shift_right_logical3A_1802, %and3A_1805], %broadcast_in_dim3A_13 {add = true} : memref<128x128xf32, #tpu.memory_space<vmem>>[vector<16xi32>, vector<16xi32>], vector<16xf32>,
      %get3A_1806 = arith.constant 2368 : index
      %get3A_1807 = tpu.vector_load %arg9[%get3A_1806] {strides = array<i32>} : memref<4000xi32, #tpu.memory_space<vmem>>, vector<16xi32>,
      %shift_right_logical3A_1808 = arith.constant 7 : i32
      %shift_right_logical3A_1809 = vector.broadcast %shift_right_logical3A_1808 : i32 to vector<16xi32>
      %shift_right_logical3A_1810 = arith.shrui %get3A_1807, %shift_right_logical3A_1809 : vector<16xi32>
      %and3A_1811 = arith.constant 127 : i32
      %and3A_1812 = vector.broadcast %and3A_1811 : i32 to vector<16xi32>
      %and3A_1813 = arith.andi %get3A_1807, %and3A_1812 : vector<16xi32>
      tpu.vector_store_idx %arg12[%shift_right_logical3A_1810, %and3A_1813], %broadcast_in_dim3A_13 {add = true} : memref<128x128xf32, #tpu.memory_space<vmem>>[vector<16xi32>, vector<16xi32>], vector<16xf32>,
      %get3A_1814 = arith.constant 2384 : index
      %get3A_1815 = tpu.vector_load %arg9[%get3A_1814] {strides = array<i32>} : memref<4000xi32, #tpu.memory_space<vmem>>, vector<16xi32>,
      %shift_right_logical3A_1816 = arith.constant 7 : i32
      %shift_right_logical3A_1817 = vector.broadcast %shift_right_logical3A_1816 : i32 to vector<16xi32>
      %shift_right_logical3A_1818 = arith.shrui %get3A_1815, %shift_right_logical3A_1817 : vector<16xi32>
      %and3A_1819 = arith.constant 127 : i32
      %and3A_1820 = vector.broadcast %and3A_1819 : i32 to vector<16xi32>
      %and3A_1821 = arith.andi %get3A_1815, %and3A_1820 : vector<16xi32>
      tpu.vector_store_idx %arg12[%shift_right_logical3A_1818, %and3A_1821], %broadcast_in_dim3A_13 {add = true} : memref<128x128xf32, #tpu.memory_space<vmem>>[vector<16xi32>, vector<16xi32>], vector<16xf32>,
      %dma_wait3A_1822 = arith.constant 2320 : i32
      %dma_wait3A_1823 = tpu.memref_slice %arg9[%dma_wait3A_1822] : memref<4000xi32, #tpu.memory_space<vmem>> -> memref<80xi32, #tpu.memory_space<vmem>>
      %dma_wait3A_1824 = arith.constant 0 : i32
      %dma_wait3A_1825 = arith.constant 0 : i32
      %dma_wait3A_1826 = tpu.memref_slice %arg14[%dma_wait3A_1824, %dma_wait3A_1825] : memref<10240x128xf32, #tpu.memory_space<vmem_shared>> -> memref<10240x128xf32, #tpu.memory_space<vmem_shared>>
      tpu.wait_indirect_dma semaphore(%arg19 : memref<!tpu.dma_semaphore, #tpu.memory_space<semaphore_mem>>) src(%arg11 : memref<80x128xf32, #tpu.memory_space<vmem>>) dst(%dma_wait3A_1826 : memref<10240x128xf32, #tpu.memory_space<vmem_shared>>)
      %dma_start3A_1827 = arith.constant 2480 : i32
      %dma_start3A_1828 = tpu.memref_slice %arg8[%dma_start3A_1827] : memref<4000xi32, #tpu.memory_space<vmem>> -> memref<80xi32, #tpu.memory_space<vmem>>
      %dma_start3A_1829 = arith.constant 0 : i32
      %dma_start3A_1830 = arith.constant 0 : i32
      %dma_start3A_1831 = tpu.memref_slice %arg2[%dma_start3A_1829, %dma_start3A_1830] : memref<10240x128xf32, #tpu.memory_space<hbm>> -> memref<10240x128xf32, #tpu.memory_space<hbm>>
      tpu.enqueue_indirect_dma source(%dma_start3A_1831 : memref<10240x128xf32, #tpu.memory_space<hbm>>) target(%arg11 : memref<80x128xf32, #tpu.memory_space<vmem>>) offsets(%dma_start3A_1828 : memref<80xi32, #tpu.memory_space<vmem>>) semaphore(%arg17 : memref<!tpu.dma_semaphore, #tpu.memory_space<semaphore_mem>>)
      %dma_wait3A_1832 = arith.constant 2400 : i32
      %dma_wait3A_1833 = tpu.memref_slice %arg8[%dma_wait3A_1832] : memref<4000xi32, #tpu.memory_space<vmem>> -> memref<80xi32, #tpu.memory_space<vmem>>
      %dma_wait3A_1834 = arith.constant 0 : i32
      %dma_wait3A_1835 = arith.constant 0 : i32
      %dma_wait3A_1836 = tpu.memref_slice %arg2[%dma_wait3A_1834, %dma_wait3A_1835] : memref<10240x128xf32, #tpu.memory_space<hbm>> -> memref<10240x128xf32, #tpu.memory_space<hbm>>
      tpu.wait_indirect_dma semaphore(%arg16 : memref<!tpu.dma_semaphore, #tpu.memory_space<semaphore_mem>>) src(%dma_wait3A_1836 : memref<10240x128xf32, #tpu.memory_space<hbm>>) dst(%arg10 : memref<80x128xf32, #tpu.memory_space<vmem>>)
      %dma_start3A_1837 = arith.constant 2400 : i32
      %dma_start3A_1838 = tpu.memref_slice %arg9[%dma_start3A_1837] : memref<4000xi32, #tpu.memory_space<vmem>> -> memref<80xi32, #tpu.memory_space<vmem>>
      %dma_start3A_1839 = arith.constant 0 : i32
      %dma_start3A_1840 = arith.constant 0 : i32
      %dma_start3A_1841 = tpu.memref_slice %arg14[%dma_start3A_1839, %dma_start3A_1840] : memref<10240x128xf32, #tpu.memory_space<vmem_shared>> -> memref<10240x128xf32, #tpu.memory_space<vmem_shared>>
      tpu.enqueue_indirect_dma source(%arg10 : memref<80x128xf32, #tpu.memory_space<vmem>>) target(%dma_start3A_1841 : memref<10240x128xf32, #tpu.memory_space<vmem_shared>>) offsets(%dma_start3A_1838 : memref<80xi32, #tpu.memory_space<vmem>>) semaphore(%arg18 : memref<!tpu.dma_semaphore, #tpu.memory_space<semaphore_mem>>) {add = true}
      %get3A_1842 = arith.constant 2400 : index
      %get3A_1843 = tpu.vector_load %arg9[%get3A_1842] {strides = array<i32>} : memref<4000xi32, #tpu.memory_space<vmem>>, vector<16xi32>,
      %shift_right_logical3A_1844 = arith.constant 7 : i32
      %shift_right_logical3A_1845 = vector.broadcast %shift_right_logical3A_1844 : i32 to vector<16xi32>
      %shift_right_logical3A_1846 = arith.shrui %get3A_1843, %shift_right_logical3A_1845 : vector<16xi32>
      %and3A_1847 = arith.constant 127 : i32
      %and3A_1848 = vector.broadcast %and3A_1847 : i32 to vector<16xi32>
      %and3A_1849 = arith.andi %get3A_1843, %and3A_1848 : vector<16xi32>
      tpu.vector_store_idx %arg12[%shift_right_logical3A_1846, %and3A_1849], %broadcast_in_dim3A_13 {add = true} : memref<128x128xf32, #tpu.memory_space<vmem>>[vector<16xi32>, vector<16xi32>], vector<16xf32>,
      %get3A_1850 = arith.constant 2416 : index
      %get3A_1851 = tpu.vector_load %arg9[%get3A_1850] {strides = array<i32>} : memref<4000xi32, #tpu.memory_space<vmem>>, vector<16xi32>,
      %shift_right_logical3A_1852 = arith.constant 7 : i32
      %shift_right_logical3A_1853 = vector.broadcast %shift_right_logical3A_1852 : i32 to vector<16xi32>
      %shift_right_logical3A_1854 = arith.shrui %get3A_1851, %shift_right_logical3A_1853 : vector<16xi32>
      %and3A_1855 = arith.constant 127 : i32
      %and3A_1856 = vector.broadcast %and3A_1855 : i32 to vector<16xi32>
      %and3A_1857 = arith.andi %get3A_1851, %and3A_1856 : vector<16xi32>
      tpu.vector_store_idx %arg12[%shift_right_logical3A_1854, %and3A_1857], %broadcast_in_dim3A_13 {add = true} : memref<128x128xf32, #tpu.memory_space<vmem>>[vector<16xi32>, vector<16xi32>], vector<16xf32>,
      %get3A_1858 = arith.constant 2432 : index
      %get3A_1859 = tpu.vector_load %arg9[%get3A_1858] {strides = array<i32>} : memref<4000xi32, #tpu.memory_space<vmem>>, vector<16xi32>,
      %shift_right_logical3A_1860 = arith.constant 7 : i32
      %shift_right_logical3A_1861 = vector.broadcast %shift_right_logical3A_1860 : i32 to vector<16xi32>
      %shift_right_logical3A_1862 = arith.shrui %get3A_1859, %shift_right_logical3A_1861 : vector<16xi32>
      %and3A_1863 = arith.constant 127 : i32
      %and3A_1864 = vector.broadcast %and3A_1863 : i32 to vector<16xi32>
      %and3A_1865 = arith.andi %get3A_1859, %and3A_1864 : vector<16xi32>
      tpu.vector_store_idx %arg12[%shift_right_logical3A_1862, %and3A_1865], %broadcast_in_dim3A_13 {add = true} : memref<128x128xf32, #tpu.memory_space<vmem>>[vector<16xi32>, vector<16xi32>], vector<16xf32>,
      %get3A_1866 = arith.constant 2448 : index
      %get3A_1867 = tpu.vector_load %arg9[%get3A_1866] {strides = array<i32>} : memref<4000xi32, #tpu.memory_space<vmem>>, vector<16xi32>,
      %shift_right_logical3A_1868 = arith.constant 7 : i32
      %shift_right_logical3A_1869 = vector.broadcast %shift_right_logical3A_1868 : i32 to vector<16xi32>
      %shift_right_logical3A_1870 = arith.shrui %get3A_1867, %shift_right_logical3A_1869 : vector<16xi32>
      %and3A_1871 = arith.constant 127 : i32
      %and3A_1872 = vector.broadcast %and3A_1871 : i32 to vector<16xi32>
      %and3A_1873 = arith.andi %get3A_1867, %and3A_1872 : vector<16xi32>
      tpu.vector_store_idx %arg12[%shift_right_logical3A_1870, %and3A_1873], %broadcast_in_dim3A_13 {add = true} : memref<128x128xf32, #tpu.memory_space<vmem>>[vector<16xi32>, vector<16xi32>], vector<16xf32>,
      %get3A_1874 = arith.constant 2464 : index
      %get3A_1875 = tpu.vector_load %arg9[%get3A_1874] {strides = array<i32>} : memref<4000xi32, #tpu.memory_space<vmem>>, vector<16xi32>,
      %shift_right_logical3A_1876 = arith.constant 7 : i32
      %shift_right_logical3A_1877 = vector.broadcast %shift_right_logical3A_1876 : i32 to vector<16xi32>
      %shift_right_logical3A_1878 = arith.shrui %get3A_1875, %shift_right_logical3A_1877 : vector<16xi32>
      %and3A_1879 = arith.constant 127 : i32
      %and3A_1880 = vector.broadcast %and3A_1879 : i32 to vector<16xi32>
      %and3A_1881 = arith.andi %get3A_1875, %and3A_1880 : vector<16xi32>
      tpu.vector_store_idx %arg12[%shift_right_logical3A_1878, %and3A_1881], %broadcast_in_dim3A_13 {add = true} : memref<128x128xf32, #tpu.memory_space<vmem>>[vector<16xi32>, vector<16xi32>], vector<16xf32>,
      %dma_wait3A_1882 = arith.constant 2400 : i32
      %dma_wait3A_1883 = tpu.memref_slice %arg9[%dma_wait3A_1882] : memref<4000xi32, #tpu.memory_space<vmem>> -> memref<80xi32, #tpu.memory_space<vmem>>
      %dma_wait3A_1884 = arith.constant 0 : i32
      %dma_wait3A_1885 = arith.constant 0 : i32
      %dma_wait3A_1886 = tpu.memref_slice %arg14[%dma_wait3A_1884, %dma_wait3A_1885] : memref<10240x128xf32, #tpu.memory_space<vmem_shared>> -> memref<10240x128xf32, #tpu.memory_space<vmem_shared>>
      tpu.wait_indirect_dma semaphore(%arg18 : memref<!tpu.dma_semaphore, #tpu.memory_space<semaphore_mem>>) src(%arg10 : memref<80x128xf32, #tpu.memory_space<vmem>>) dst(%dma_wait3A_1886 : memref<10240x128xf32, #tpu.memory_space<vmem_shared>>)
      %dma_start3A_1887 = arith.constant 2560 : i32
      %dma_start3A_1888 = tpu.memref_slice %arg8[%dma_start3A_1887] : memref<4000xi32, #tpu.memory_space<vmem>> -> memref<80xi32, #tpu.memory_space<vmem>>
      %dma_start3A_1889 = arith.constant 0 : i32
      %dma_start3A_1890 = arith.constant 0 : i32
      %dma_start3A_1891 = tpu.memref_slice %arg2[%dma_start3A_1889, %dma_start3A_1890] : memref<10240x128xf32, #tpu.memory_space<hbm>> -> memref<10240x128xf32, #tpu.memory_space<hbm>>
      tpu.enqueue_indirect_dma source(%dma_start3A_1891 : memref<10240x128xf32, #tpu.memory_space<hbm>>) target(%arg10 : memref<80x128xf32, #tpu.memory_space<vmem>>) offsets(%dma_start3A_1888 : memref<80xi32, #tpu.memory_space<vmem>>) semaphore(%arg16 : memref<!tpu.dma_semaphore, #tpu.memory_space<semaphore_mem>>)
      %dma_wait3A_1892 = arith.constant 2480 : i32
      %dma_wait3A_1893 = tpu.memref_slice %arg8[%dma_wait3A_1892] : memref<4000xi32, #tpu.memory_space<vmem>> -> memref<80xi32, #tpu.memory_space<vmem>>
      %dma_wait3A_1894 = arith.constant 0 : i32
      %dma_wait3A_1895 = arith.constant 0 : i32
      %dma_wait3A_1896 = tpu.memref_slice %arg2[%dma_wait3A_1894, %dma_wait3A_1895] : memref<10240x128xf32, #tpu.memory_space<hbm>> -> memref<10240x128xf32, #tpu.memory_space<hbm>>
      tpu.wait_indirect_dma semaphore(%arg17 : memref<!tpu.dma_semaphore, #tpu.memory_space<semaphore_mem>>) src(%dma_wait3A_1896 : memref<10240x128xf32, #tpu.memory_space<hbm>>) dst(%arg11 : memref<80x128xf32, #tpu.memory_space<vmem>>)
      %dma_start3A_1897 = arith.constant 2480 : i32
      %dma_start3A_1898 = tpu.memref_slice %arg9[%dma_start3A_1897] : memref<4000xi32, #tpu.memory_space<vmem>> -> memref<80xi32, #tpu.memory_space<vmem>>
      %dma_start3A_1899 = arith.constant 0 : i32
      %dma_start3A_1900 = arith.constant 0 : i32
      %dma_start3A_1901 = tpu.memref_slice %arg14[%dma_start3A_1899, %dma_start3A_1900] : memref<10240x128xf32, #tpu.memory_space<vmem_shared>> -> memref<10240x128xf32, #tpu.memory_space<vmem_shared>>
      tpu.enqueue_indirect_dma source(%arg11 : memref<80x128xf32, #tpu.memory_space<vmem>>) target(%dma_start3A_1901 : memref<10240x128xf32, #tpu.memory_space<vmem_shared>>) offsets(%dma_start3A_1898 : memref<80xi32, #tpu.memory_space<vmem>>) semaphore(%arg19 : memref<!tpu.dma_semaphore, #tpu.memory_space<semaphore_mem>>) {add = true}
      %get3A_1902 = arith.constant 2480 : index
      %get3A_1903 = tpu.vector_load %arg9[%get3A_1902] {strides = array<i32>} : memref<4000xi32, #tpu.memory_space<vmem>>, vector<16xi32>,
      %shift_right_logical3A_1904 = arith.constant 7 : i32
      %shift_right_logical3A_1905 = vector.broadcast %shift_right_logical3A_1904 : i32 to vector<16xi32>
      %shift_right_logical3A_1906 = arith.shrui %get3A_1903, %shift_right_logical3A_1905 : vector<16xi32>
      %and3A_1907 = arith.constant 127 : i32
      %and3A_1908 = vector.broadcast %and3A_1907 : i32 to vector<16xi32>
      %and3A_1909 = arith.andi %get3A_1903, %and3A_1908 : vector<16xi32>
      tpu.vector_store_idx %arg12[%shift_right_logical3A_1906, %and3A_1909], %broadcast_in_dim3A_13 {add = true} : memref<128x128xf32, #tpu.memory_space<vmem>>[vector<16xi32>, vector<16xi32>], vector<16xf32>,
      %get3A_1910 = arith.constant 2496 : index
      %get3A_1911 = tpu.vector_load %arg9[%get3A_1910] {strides = array<i32>} : memref<4000xi32, #tpu.memory_space<vmem>>, vector<16xi32>,
      %shift_right_logical3A_1912 = arith.constant 7 : i32
      %shift_right_logical3A_1913 = vector.broadcast %shift_right_logical3A_1912 : i32 to vector<16xi32>
      %shift_right_logical3A_1914 = arith.shrui %get3A_1911, %shift_right_logical3A_1913 : vector<16xi32>
      %and3A_1915 = arith.constant 127 : i32
      %and3A_1916 = vector.broadcast %and3A_1915 : i32 to vector<16xi32>
      %and3A_1917 = arith.andi %get3A_1911, %and3A_1916 : vector<16xi32>
      tpu.vector_store_idx %arg12[%shift_right_logical3A_1914, %and3A_1917], %broadcast_in_dim3A_13 {add = true} : memref<128x128xf32, #tpu.memory_space<vmem>>[vector<16xi32>, vector<16xi32>], vector<16xf32>,
      %get3A_1918 = arith.constant 2512 : index
      %get3A_1919 = tpu.vector_load %arg9[%get3A_1918] {strides = array<i32>} : memref<4000xi32, #tpu.memory_space<vmem>>, vector<16xi32>,
      %shift_right_logical3A_1920 = arith.constant 7 : i32
      %shift_right_logical3A_1921 = vector.broadcast %shift_right_logical3A_1920 : i32 to vector<16xi32>
      %shift_right_logical3A_1922 = arith.shrui %get3A_1919, %shift_right_logical3A_1921 : vector<16xi32>
      %and3A_1923 = arith.constant 127 : i32
      %and3A_1924 = vector.broadcast %and3A_1923 : i32 to vector<16xi32>
      %and3A_1925 = arith.andi %get3A_1919, %and3A_1924 : vector<16xi32>
      tpu.vector_store_idx %arg12[%shift_right_logical3A_1922, %and3A_1925], %broadcast_in_dim3A_13 {add = true} : memref<128x128xf32, #tpu.memory_space<vmem>>[vector<16xi32>, vector<16xi32>], vector<16xf32>,
      %get3A_1926 = arith.constant 2528 : index
      %get3A_1927 = tpu.vector_load %arg9[%get3A_1926] {strides = array<i32>} : memref<4000xi32, #tpu.memory_space<vmem>>, vector<16xi32>,
      %shift_right_logical3A_1928 = arith.constant 7 : i32
      %shift_right_logical3A_1929 = vector.broadcast %shift_right_logical3A_1928 : i32 to vector<16xi32>
      %shift_right_logical3A_1930 = arith.shrui %get3A_1927, %shift_right_logical3A_1929 : vector<16xi32>
      %and3A_1931 = arith.constant 127 : i32
      %and3A_1932 = vector.broadcast %and3A_1931 : i32 to vector<16xi32>
      %and3A_1933 = arith.andi %get3A_1927, %and3A_1932 : vector<16xi32>
      tpu.vector_store_idx %arg12[%shift_right_logical3A_1930, %and3A_1933], %broadcast_in_dim3A_13 {add = true} : memref<128x128xf32, #tpu.memory_space<vmem>>[vector<16xi32>, vector<16xi32>], vector<16xf32>,
      %get3A_1934 = arith.constant 2544 : index
      %get3A_1935 = tpu.vector_load %arg9[%get3A_1934] {strides = array<i32>} : memref<4000xi32, #tpu.memory_space<vmem>>, vector<16xi32>,
      %shift_right_logical3A_1936 = arith.constant 7 : i32
      %shift_right_logical3A_1937 = vector.broadcast %shift_right_logical3A_1936 : i32 to vector<16xi32>
      %shift_right_logical3A_1938 = arith.shrui %get3A_1935, %shift_right_logical3A_1937 : vector<16xi32>
      %and3A_1939 = arith.constant 127 : i32
      %and3A_1940 = vector.broadcast %and3A_1939 : i32 to vector<16xi32>
      %and3A_1941 = arith.andi %get3A_1935, %and3A_1940 : vector<16xi32>
      tpu.vector_store_idx %arg12[%shift_right_logical3A_1938, %and3A_1941], %broadcast_in_dim3A_13 {add = true} : memref<128x128xf32, #tpu.memory_space<vmem>>[vector<16xi32>, vector<16xi32>], vector<16xf32>,
      %dma_wait3A_1942 = arith.constant 2480 : i32
      %dma_wait3A_1943 = tpu.memref_slice %arg9[%dma_wait3A_1942] : memref<4000xi32, #tpu.memory_space<vmem>> -> memref<80xi32, #tpu.memory_space<vmem>>
      %dma_wait3A_1944 = arith.constant 0 : i32
      %dma_wait3A_1945 = arith.constant 0 : i32
      %dma_wait3A_1946 = tpu.memref_slice %arg14[%dma_wait3A_1944, %dma_wait3A_1945] : memref<10240x128xf32, #tpu.memory_space<vmem_shared>> -> memref<10240x128xf32, #tpu.memory_space<vmem_shared>>
      tpu.wait_indirect_dma semaphore(%arg19 : memref<!tpu.dma_semaphore, #tpu.memory_space<semaphore_mem>>) src(%arg11 : memref<80x128xf32, #tpu.memory_space<vmem>>) dst(%dma_wait3A_1946 : memref<10240x128xf32, #tpu.memory_space<vmem_shared>>)
      %dma_start3A_1947 = arith.constant 2640 : i32
      %dma_start3A_1948 = tpu.memref_slice %arg8[%dma_start3A_1947] : memref<4000xi32, #tpu.memory_space<vmem>> -> memref<80xi32, #tpu.memory_space<vmem>>
      %dma_start3A_1949 = arith.constant 0 : i32
      %dma_start3A_1950 = arith.constant 0 : i32
      %dma_start3A_1951 = tpu.memref_slice %arg2[%dma_start3A_1949, %dma_start3A_1950] : memref<10240x128xf32, #tpu.memory_space<hbm>> -> memref<10240x128xf32, #tpu.memory_space<hbm>>
      tpu.enqueue_indirect_dma source(%dma_start3A_1951 : memref<10240x128xf32, #tpu.memory_space<hbm>>) target(%arg11 : memref<80x128xf32, #tpu.memory_space<vmem>>) offsets(%dma_start3A_1948 : memref<80xi32, #tpu.memory_space<vmem>>) semaphore(%arg17 : memref<!tpu.dma_semaphore, #tpu.memory_space<semaphore_mem>>)
      %dma_wait3A_1952 = arith.constant 2560 : i32
      %dma_wait3A_1953 = tpu.memref_slice %arg8[%dma_wait3A_1952] : memref<4000xi32, #tpu.memory_space<vmem>> -> memref<80xi32, #tpu.memory_space<vmem>>
      %dma_wait3A_1954 = arith.constant 0 : i32
      %dma_wait3A_1955 = arith.constant 0 : i32
      %dma_wait3A_1956 = tpu.memref_slice %arg2[%dma_wait3A_1954, %dma_wait3A_1955] : memref<10240x128xf32, #tpu.memory_space<hbm>> -> memref<10240x128xf32, #tpu.memory_space<hbm>>
      tpu.wait_indirect_dma semaphore(%arg16 : memref<!tpu.dma_semaphore, #tpu.memory_space<semaphore_mem>>) src(%dma_wait3A_1956 : memref<10240x128xf32, #tpu.memory_space<hbm>>) dst(%arg10 : memref<80x128xf32, #tpu.memory_space<vmem>>)
      %dma_start3A_1957 = arith.constant 2560 : i32
      %dma_start3A_1958 = tpu.memref_slice %arg9[%dma_start3A_1957] : memref<4000xi32, #tpu.memory_space<vmem>> -> memref<80xi32, #tpu.memory_space<vmem>>
      %dma_start3A_1959 = arith.constant 0 : i32
      %dma_start3A_1960 = arith.constant 0 : i32
      %dma_start3A_1961 = tpu.memref_slice %arg14[%dma_start3A_1959, %dma_start3A_1960] : memref<10240x128xf32, #tpu.memory_space<vmem_shared>> -> memref<10240x128xf32, #tpu.memory_space<vmem_shared>>
      tpu.enqueue_indirect_dma source(%arg10 : memref<80x128xf32, #tpu.memory_space<vmem>>) target(%dma_start3A_1961 : memref<10240x128xf32, #tpu.memory_space<vmem_shared>>) offsets(%dma_start3A_1958 : memref<80xi32, #tpu.memory_space<vmem>>) semaphore(%arg18 : memref<!tpu.dma_semaphore, #tpu.memory_space<semaphore_mem>>) {add = true}
      %get3A_1962 = arith.constant 2560 : index
      %get3A_1963 = tpu.vector_load %arg9[%get3A_1962] {strides = array<i32>} : memref<4000xi32, #tpu.memory_space<vmem>>, vector<16xi32>,
      %shift_right_logical3A_1964 = arith.constant 7 : i32
      %shift_right_logical3A_1965 = vector.broadcast %shift_right_logical3A_1964 : i32 to vector<16xi32>
      %shift_right_logical3A_1966 = arith.shrui %get3A_1963, %shift_right_logical3A_1965 : vector<16xi32>
      %and3A_1967 = arith.constant 127 : i32
      %and3A_1968 = vector.broadcast %and3A_1967 : i32 to vector<16xi32>
      %and3A_1969 = arith.andi %get3A_1963, %and3A_1968 : vector<16xi32>
      tpu.vector_store_idx %arg12[%shift_right_logical3A_1966, %and3A_1969], %broadcast_in_dim3A_13 {add = true} : memref<128x128xf32, #tpu.memory_space<vmem>>[vector<16xi32>, vector<16xi32>], vector<16xf32>,
      %get3A_1970 = arith.constant 2576 : index
      %get3A_1971 = tpu.vector_load %arg9[%get3A_1970] {strides = array<i32>} : memref<4000xi32, #tpu.memory_space<vmem>>, vector<16xi32>,
      %shift_right_logical3A_1972 = arith.constant 7 : i32
      %shift_right_logical3A_1973 = vector.broadcast %shift_right_logical3A_1972 : i32 to vector<16xi32>
      %shift_right_logical3A_1974 = arith.shrui %get3A_1971, %shift_right_logical3A_1973 : vector<16xi32>
      %and3A_1975 = arith.constant 127 : i32
      %and3A_1976 = vector.broadcast %and3A_1975 : i32 to vector<16xi32>
      %and3A_1977 = arith.andi %get3A_1971, %and3A_1976 : vector<16xi32>
      tpu.vector_store_idx %arg12[%shift_right_logical3A_1974, %and3A_1977], %broadcast_in_dim3A_13 {add = true} : memref<128x128xf32, #tpu.memory_space<vmem>>[vector<16xi32>, vector<16xi32>], vector<16xf32>,
      %get3A_1978 = arith.constant 2592 : index
      %get3A_1979 = tpu.vector_load %arg9[%get3A_1978] {strides = array<i32>} : memref<4000xi32, #tpu.memory_space<vmem>>, vector<16xi32>,
      %shift_right_logical3A_1980 = arith.constant 7 : i32
      %shift_right_logical3A_1981 = vector.broadcast %shift_right_logical3A_1980 : i32 to vector<16xi32>
      %shift_right_logical3A_1982 = arith.shrui %get3A_1979, %shift_right_logical3A_1981 : vector<16xi32>
      %and3A_1983 = arith.constant 127 : i32
      %and3A_1984 = vector.broadcast %and3A_1983 : i32 to vector<16xi32>
      %and3A_1985 = arith.andi %get3A_1979, %and3A_1984 : vector<16xi32>
      tpu.vector_store_idx %arg12[%shift_right_logical3A_1982, %and3A_1985], %broadcast_in_dim3A_13 {add = true} : memref<128x128xf32, #tpu.memory_space<vmem>>[vector<16xi32>, vector<16xi32>], vector<16xf32>,
      %get3A_1986 = arith.constant 2608 : index
      %get3A_1987 = tpu.vector_load %arg9[%get3A_1986] {strides = array<i32>} : memref<4000xi32, #tpu.memory_space<vmem>>, vector<16xi32>,
      %shift_right_logical3A_1988 = arith.constant 7 : i32
      %shift_right_logical3A_1989 = vector.broadcast %shift_right_logical3A_1988 : i32 to vector<16xi32>
      %shift_right_logical3A_1990 = arith.shrui %get3A_1987, %shift_right_logical3A_1989 : vector<16xi32>
      %and3A_1991 = arith.constant 127 : i32
      %and3A_1992 = vector.broadcast %and3A_1991 : i32 to vector<16xi32>
      %and3A_1993 = arith.andi %get3A_1987, %and3A_1992 : vector<16xi32>
      tpu.vector_store_idx %arg12[%shift_right_logical3A_1990, %and3A_1993], %broadcast_in_dim3A_13 {add = true} : memref<128x128xf32, #tpu.memory_space<vmem>>[vector<16xi32>, vector<16xi32>], vector<16xf32>,
      %get3A_1994 = arith.constant 2624 : index
      %get3A_1995 = tpu.vector_load %arg9[%get3A_1994] {strides = array<i32>} : memref<4000xi32, #tpu.memory_space<vmem>>, vector<16xi32>,
      %shift_right_logical3A_1996 = arith.constant 7 : i32
      %shift_right_logical3A_1997 = vector.broadcast %shift_right_logical3A_1996 : i32 to vector<16xi32>
      %shift_right_logical3A_1998 = arith.shrui %get3A_1995, %shift_right_logical3A_1997 : vector<16xi32>
      %and3A_1999 = arith.constant 127 : i32
      %and3A_2000 = vector.broadcast %and3A_1999 : i32 to vector<16xi32>
      %and3A_2001 = arith.andi %get3A_1995, %and3A_2000 : vector<16xi32>
      tpu.vector_store_idx %arg12[%shift_right_logical3A_1998, %and3A_2001], %broadcast_in_dim3A_13 {add = true} : memref<128x128xf32, #tpu.memory_space<vmem>>[vector<16xi32>, vector<16xi32>], vector<16xf32>,
      %dma_wait3A_2002 = arith.constant 2560 : i32
      %dma_wait3A_2003 = tpu.memref_slice %arg9[%dma_wait3A_2002] : memref<4000xi32, #tpu.memory_space<vmem>> -> memref<80xi32, #tpu.memory_space<vmem>>
      %dma_wait3A_2004 = arith.constant 0 : i32
      %dma_wait3A_2005 = arith.constant 0 : i32
      %dma_wait3A_2006 = tpu.memref_slice %arg14[%dma_wait3A_2004, %dma_wait3A_2005] : memref<10240x128xf32, #tpu.memory_space<vmem_shared>> -> memref<10240x128xf32, #tpu.memory_space<vmem_shared>>
      tpu.wait_indirect_dma semaphore(%arg18 : memref<!tpu.dma_semaphore, #tpu.memory_space<semaphore_mem>>) src(%arg10 : memref<80x128xf32, #tpu.memory_space<vmem>>) dst(%dma_wait3A_2006 : memref<10240x128xf32, #tpu.memory_space<vmem_shared>>)
      %dma_start3A_2007 = arith.constant 2720 : i32
      %dma_start3A_2008 = tpu.memref_slice %arg8[%dma_start3A_2007] : memref<4000xi32, #tpu.memory_space<vmem>> -> memref<80xi32, #tpu.memory_space<vmem>>
      %dma_start3A_2009 = arith.constant 0 : i32
      %dma_start3A_2010 = arith.constant 0 : i32
      %dma_start3A_2011 = tpu.memref_slice %arg2[%dma_start3A_2009, %dma_start3A_2010] : memref<10240x128xf32, #tpu.memory_space<hbm>> -> memref<10240x128xf32, #tpu.memory_space<hbm>>
      tpu.enqueue_indirect_dma source(%dma_start3A_2011 : memref<10240x128xf32, #tpu.memory_space<hbm>>) target(%arg10 : memref<80x128xf32, #tpu.memory_space<vmem>>) offsets(%dma_start3A_2008 : memref<80xi32, #tpu.memory_space<vmem>>) semaphore(%arg16 : memref<!tpu.dma_semaphore, #tpu.memory_space<semaphore_mem>>)
      %dma_wait3A_2012 = arith.constant 2640 : i32
      %dma_wait3A_2013 = tpu.memref_slice %arg8[%dma_wait3A_2012] : memref<4000xi32, #tpu.memory_space<vmem>> -> memref<80xi32, #tpu.memory_space<vmem>>
      %dma_wait3A_2014 = arith.constant 0 : i32
      %dma_wait3A_2015 = arith.constant 0 : i32
      %dma_wait3A_2016 = tpu.memref_slice %arg2[%dma_wait3A_2014, %dma_wait3A_2015] : memref<10240x128xf32, #tpu.memory_space<hbm>> -> memref<10240x128xf32, #tpu.memory_space<hbm>>
      tpu.wait_indirect_dma semaphore(%arg17 : memref<!tpu.dma_semaphore, #tpu.memory_space<semaphore_mem>>) src(%dma_wait3A_2016 : memref<10240x128xf32, #tpu.memory_space<hbm>>) dst(%arg11 : memref<80x128xf32, #tpu.memory_space<vmem>>)
      %dma_start3A_2017 = arith.constant 2640 : i32
      %dma_start3A_2018 = tpu.memref_slice %arg9[%dma_start3A_2017] : memref<4000xi32, #tpu.memory_space<vmem>> -> memref<80xi32, #tpu.memory_space<vmem>>
      %dma_start3A_2019 = arith.constant 0 : i32
      %dma_start3A_2020 = arith.constant 0 : i32
      %dma_start3A_2021 = tpu.memref_slice %arg14[%dma_start3A_2019, %dma_start3A_2020] : memref<10240x128xf32, #tpu.memory_space<vmem_shared>> -> memref<10240x128xf32, #tpu.memory_space<vmem_shared>>
      tpu.enqueue_indirect_dma source(%arg11 : memref<80x128xf32, #tpu.memory_space<vmem>>) target(%dma_start3A_2021 : memref<10240x128xf32, #tpu.memory_space<vmem_shared>>) offsets(%dma_start3A_2018 : memref<80xi32, #tpu.memory_space<vmem>>) semaphore(%arg19 : memref<!tpu.dma_semaphore, #tpu.memory_space<semaphore_mem>>) {add = true}
      %get3A_2022 = arith.constant 2640 : index
      %get3A_2023 = tpu.vector_load %arg9[%get3A_2022] {strides = array<i32>} : memref<4000xi32, #tpu.memory_space<vmem>>, vector<16xi32>,
      %shift_right_logical3A_2024 = arith.constant 7 : i32
      %shift_right_logical3A_2025 = vector.broadcast %shift_right_logical3A_2024 : i32 to vector<16xi32>
      %shift_right_logical3A_2026 = arith.shrui %get3A_2023, %shift_right_logical3A_2025 : vector<16xi32>
      %and3A_2027 = arith.constant 127 : i32
      %and3A_2028 = vector.broadcast %and3A_2027 : i32 to vector<16xi32>
      %and3A_2029 = arith.andi %get3A_2023, %and3A_2028 : vector<16xi32>
      tpu.vector_store_idx %arg12[%shift_right_logical3A_2026, %and3A_2029], %broadcast_in_dim3A_13 {add = true} : memref<128x128xf32, #tpu.memory_space<vmem>>[vector<16xi32>, vector<16xi32>], vector<16xf32>,
      %get3A_2030 = arith.constant 2656 : index
      %get3A_2031 = tpu.vector_load %arg9[%get3A_2030] {strides = array<i32>} : memref<4000xi32, #tpu.memory_space<vmem>>, vector<16xi32>,
      %shift_right_logical3A_2032 = arith.constant 7 : i32
      %shift_right_logical3A_2033 = vector.broadcast %shift_right_logical3A_2032 : i32 to vector<16xi32>
      %shift_right_logical3A_2034 = arith.shrui %get3A_2031, %shift_right_logical3A_2033 : vector<16xi32>
      %and3A_2035 = arith.constant 127 : i32
      %and3A_2036 = vector.broadcast %and3A_2035 : i32 to vector<16xi32>
      %and3A_2037 = arith.andi %get3A_2031, %and3A_2036 : vector<16xi32>
      tpu.vector_store_idx %arg12[%shift_right_logical3A_2034, %and3A_2037], %broadcast_in_dim3A_13 {add = true} : memref<128x128xf32, #tpu.memory_space<vmem>>[vector<16xi32>, vector<16xi32>], vector<16xf32>,
      %get3A_2038 = arith.constant 2672 : index
      %get3A_2039 = tpu.vector_load %arg9[%get3A_2038] {strides = array<i32>} : memref<4000xi32, #tpu.memory_space<vmem>>, vector<16xi32>,
      %shift_right_logical3A_2040 = arith.constant 7 : i32
      %shift_right_logical3A_2041 = vector.broadcast %shift_right_logical3A_2040 : i32 to vector<16xi32>
      %shift_right_logical3A_2042 = arith.shrui %get3A_2039, %shift_right_logical3A_2041 : vector<16xi32>
      %and3A_2043 = arith.constant 127 : i32
      %and3A_2044 = vector.broadcast %and3A_2043 : i32 to vector<16xi32>
      %and3A_2045 = arith.andi %get3A_2039, %and3A_2044 : vector<16xi32>
      tpu.vector_store_idx %arg12[%shift_right_logical3A_2042, %and3A_2045], %broadcast_in_dim3A_13 {add = true} : memref<128x128xf32, #tpu.memory_space<vmem>>[vector<16xi32>, vector<16xi32>], vector<16xf32>,
      %get3A_2046 = arith.constant 2688 : index
      %get3A_2047 = tpu.vector_load %arg9[%get3A_2046] {strides = array<i32>} : memref<4000xi32, #tpu.memory_space<vmem>>, vector<16xi32>,
      %shift_right_logical3A_2048 = arith.constant 7 : i32
      %shift_right_logical3A_2049 = vector.broadcast %shift_right_logical3A_2048 : i32 to vector<16xi32>
      %shift_right_logical3A_2050 = arith.shrui %get3A_2047, %shift_right_logical3A_2049 : vector<16xi32>
      %and3A_2051 = arith.constant 127 : i32
      %and3A_2052 = vector.broadcast %and3A_2051 : i32 to vector<16xi32>
      %and3A_2053 = arith.andi %get3A_2047, %and3A_2052 : vector<16xi32>
      tpu.vector_store_idx %arg12[%shift_right_logical3A_2050, %and3A_2053], %broadcast_in_dim3A_13 {add = true} : memref<128x128xf32, #tpu.memory_space<vmem>>[vector<16xi32>, vector<16xi32>], vector<16xf32>,
      %get3A_2054 = arith.constant 2704 : index
      %get3A_2055 = tpu.vector_load %arg9[%get3A_2054] {strides = array<i32>} : memref<4000xi32, #tpu.memory_space<vmem>>, vector<16xi32>,
      %shift_right_logical3A_2056 = arith.constant 7 : i32
      %shift_right_logical3A_2057 = vector.broadcast %shift_right_logical3A_2056 : i32 to vector<16xi32>
      %shift_right_logical3A_2058 = arith.shrui %get3A_2055, %shift_right_logical3A_2057 : vector<16xi32>
      %and3A_2059 = arith.constant 127 : i32
      %and3A_2060 = vector.broadcast %and3A_2059 : i32 to vector<16xi32>
      %and3A_2061 = arith.andi %get3A_2055, %and3A_2060 : vector<16xi32>
      tpu.vector_store_idx %arg12[%shift_right_logical3A_2058, %and3A_2061], %broadcast_in_dim3A_13 {add = true} : memref<128x128xf32, #tpu.memory_space<vmem>>[vector<16xi32>, vector<16xi32>], vector<16xf32>,
      %dma_wait3A_2062 = arith.constant 2640 : i32
      %dma_wait3A_2063 = tpu.memref_slice %arg9[%dma_wait3A_2062] : memref<4000xi32, #tpu.memory_space<vmem>> -> memref<80xi32, #tpu.memory_space<vmem>>
      %dma_wait3A_2064 = arith.constant 0 : i32
      %dma_wait3A_2065 = arith.constant 0 : i32
      %dma_wait3A_2066 = tpu.memref_slice %arg14[%dma_wait3A_2064, %dma_wait3A_2065] : memref<10240x128xf32, #tpu.memory_space<vmem_shared>> -> memref<10240x128xf32, #tpu.memory_space<vmem_shared>>
      tpu.wait_indirect_dma semaphore(%arg19 : memref<!tpu.dma_semaphore, #tpu.memory_space<semaphore_mem>>) src(%arg11 : memref<80x128xf32, #tpu.memory_space<vmem>>) dst(%dma_wait3A_2066 : memref<10240x128xf32, #tpu.memory_space<vmem_shared>>)
      %dma_start3A_2067 = arith.constant 2800 : i32
      %dma_start3A_2068 = tpu.memref_slice %arg8[%dma_start3A_2067] : memref<4000xi32, #tpu.memory_space<vmem>> -> memref<80xi32, #tpu.memory_space<vmem>>
      %dma_start3A_2069 = arith.constant 0 : i32
      %dma_start3A_2070 = arith.constant 0 : i32
      %dma_start3A_2071 = tpu.memref_slice %arg2[%dma_start3A_2069, %dma_start3A_2070] : memref<10240x128xf32, #tpu.memory_space<hbm>> -> memref<10240x128xf32, #tpu.memory_space<hbm>>
      tpu.enqueue_indirect_dma source(%dma_start3A_2071 : memref<10240x128xf32, #tpu.memory_space<hbm>>) target(%arg11 : memref<80x128xf32, #tpu.memory_space<vmem>>) offsets(%dma_start3A_2068 : memref<80xi32, #tpu.memory_space<vmem>>) semaphore(%arg17 : memref<!tpu.dma_semaphore, #tpu.memory_space<semaphore_mem>>)
      %dma_wait3A_2072 = arith.constant 2720 : i32
      %dma_wait3A_2073 = tpu.memref_slice %arg8[%dma_wait3A_2072] : memref<4000xi32, #tpu.memory_space<vmem>> -> memref<80xi32, #tpu.memory_space<vmem>>
      %dma_wait3A_2074 = arith.constant 0 : i32
      %dma_wait3A_2075 = arith.constant 0 : i32
      %dma_wait3A_2076 = tpu.memref_slice %arg2[%dma_wait3A_2074, %dma_wait3A_2075] : memref<10240x128xf32, #tpu.memory_space<hbm>> -> memref<10240x128xf32, #tpu.memory_space<hbm>>
      tpu.wait_indirect_dma semaphore(%arg16 : memref<!tpu.dma_semaphore, #tpu.memory_space<semaphore_mem>>) src(%dma_wait3A_2076 : memref<10240x128xf32, #tpu.memory_space<hbm>>) dst(%arg10 : memref<80x128xf32, #tpu.memory_space<vmem>>)
      %dma_start3A_2077 = arith.constant 2720 : i32
      %dma_start3A_2078 = tpu.memref_slice %arg9[%dma_start3A_2077] : memref<4000xi32, #tpu.memory_space<vmem>> -> memref<80xi32, #tpu.memory_space<vmem>>
      %dma_start3A_2079 = arith.constant 0 : i32
      %dma_start3A_2080 = arith.constant 0 : i32
      %dma_start3A_2081 = tpu.memref_slice %arg14[%dma_start3A_2079, %dma_start3A_2080] : memref<10240x128xf32, #tpu.memory_space<vmem_shared>> -> memref<10240x128xf32, #tpu.memory_space<vmem_shared>>
      tpu.enqueue_indirect_dma source(%arg10 : memref<80x128xf32, #tpu.memory_space<vmem>>) target(%dma_start3A_2081 : memref<10240x128xf32, #tpu.memory_space<vmem_shared>>) offsets(%dma_start3A_2078 : memref<80xi32, #tpu.memory_space<vmem>>) semaphore(%arg18 : memref<!tpu.dma_semaphore, #tpu.memory_space<semaphore_mem>>) {add = true}
      %get3A_2082 = arith.constant 2720 : index
      %get3A_2083 = tpu.vector_load %arg9[%get3A_2082] {strides = array<i32>} : memref<4000xi32, #tpu.memory_space<vmem>>, vector<16xi32>,
      %shift_right_logical3A_2084 = arith.constant 7 : i32
      %shift_right_logical3A_2085 = vector.broadcast %shift_right_logical3A_2084 : i32 to vector<16xi32>
      %shift_right_logical3A_2086 = arith.shrui %get3A_2083, %shift_right_logical3A_2085 : vector<16xi32>
      %and3A_2087 = arith.constant 127 : i32
      %and3A_2088 = vector.broadcast %and3A_2087 : i32 to vector<16xi32>
      %and3A_2089 = arith.andi %get3A_2083, %and3A_2088 : vector<16xi32>
      tpu.vector_store_idx %arg12[%shift_right_logical3A_2086, %and3A_2089], %broadcast_in_dim3A_13 {add = true} : memref<128x128xf32, #tpu.memory_space<vmem>>[vector<16xi32>, vector<16xi32>], vector<16xf32>,
      %get3A_2090 = arith.constant 2736 : index
      %get3A_2091 = tpu.vector_load %arg9[%get3A_2090] {strides = array<i32>} : memref<4000xi32, #tpu.memory_space<vmem>>, vector<16xi32>,
      %shift_right_logical3A_2092 = arith.constant 7 : i32
      %shift_right_logical3A_2093 = vector.broadcast %shift_right_logical3A_2092 : i32 to vector<16xi32>
      %shift_right_logical3A_2094 = arith.shrui %get3A_2091, %shift_right_logical3A_2093 : vector<16xi32>
      %and3A_2095 = arith.constant 127 : i32
      %and3A_2096 = vector.broadcast %and3A_2095 : i32 to vector<16xi32>
      %and3A_2097 = arith.andi %get3A_2091, %and3A_2096 : vector<16xi32>
      tpu.vector_store_idx %arg12[%shift_right_logical3A_2094, %and3A_2097], %broadcast_in_dim3A_13 {add = true} : memref<128x128xf32, #tpu.memory_space<vmem>>[vector<16xi32>, vector<16xi32>], vector<16xf32>,
      %get3A_2098 = arith.constant 2752 : index
      %get3A_2099 = tpu.vector_load %arg9[%get3A_2098] {strides = array<i32>} : memref<4000xi32, #tpu.memory_space<vmem>>, vector<16xi32>,
      %shift_right_logical3A_2100 = arith.constant 7 : i32
      %shift_right_logical3A_2101 = vector.broadcast %shift_right_logical3A_2100 : i32 to vector<16xi32>
      %shift_right_logical3A_2102 = arith.shrui %get3A_2099, %shift_right_logical3A_2101 : vector<16xi32>
      %and3A_2103 = arith.constant 127 : i32
      %and3A_2104 = vector.broadcast %and3A_2103 : i32 to vector<16xi32>
      %and3A_2105 = arith.andi %get3A_2099, %and3A_2104 : vector<16xi32>
      tpu.vector_store_idx %arg12[%shift_right_logical3A_2102, %and3A_2105], %broadcast_in_dim3A_13 {add = true} : memref<128x128xf32, #tpu.memory_space<vmem>>[vector<16xi32>, vector<16xi32>], vector<16xf32>,
      %get3A_2106 = arith.constant 2768 : index
      %get3A_2107 = tpu.vector_load %arg9[%get3A_2106] {strides = array<i32>} : memref<4000xi32, #tpu.memory_space<vmem>>, vector<16xi32>,
      %shift_right_logical3A_2108 = arith.constant 7 : i32
      %shift_right_logical3A_2109 = vector.broadcast %shift_right_logical3A_2108 : i32 to vector<16xi32>
      %shift_right_logical3A_2110 = arith.shrui %get3A_2107, %shift_right_logical3A_2109 : vector<16xi32>
      %and3A_2111 = arith.constant 127 : i32
      %and3A_2112 = vector.broadcast %and3A_2111 : i32 to vector<16xi32>
      %and3A_2113 = arith.andi %get3A_2107, %and3A_2112 : vector<16xi32>
      tpu.vector_store_idx %arg12[%shift_right_logical3A_2110, %and3A_2113], %broadcast_in_dim3A_13 {add = true} : memref<128x128xf32, #tpu.memory_space<vmem>>[vector<16xi32>, vector<16xi32>], vector<16xf32>,
      %get3A_2114 = arith.constant 2784 : index
      %get3A_2115 = tpu.vector_load %arg9[%get3A_2114] {strides = array<i32>} : memref<4000xi32, #tpu.memory_space<vmem>>, vector<16xi32>,
      %shift_right_logical3A_2116 = arith.constant 7 : i32
      %shift_right_logical3A_2117 = vector.broadcast %shift_right_logical3A_2116 : i32 to vector<16xi32>
      %shift_right_logical3A_2118 = arith.shrui %get3A_2115, %shift_right_logical3A_2117 : vector<16xi32>
      %and3A_2119 = arith.constant 127 : i32
      %and3A_2120 = vector.broadcast %and3A_2119 : i32 to vector<16xi32>
      %and3A_2121 = arith.andi %get3A_2115, %and3A_2120 : vector<16xi32>
      tpu.vector_store_idx %arg12[%shift_right_logical3A_2118, %and3A_2121], %broadcast_in_dim3A_13 {add = true} : memref<128x128xf32, #tpu.memory_space<vmem>>[vector<16xi32>, vector<16xi32>], vector<16xf32>,
      %dma_wait3A_2122 = arith.constant 2720 : i32
      %dma_wait3A_2123 = tpu.memref_slice %arg9[%dma_wait3A_2122] : memref<4000xi32, #tpu.memory_space<vmem>> -> memref<80xi32, #tpu.memory_space<vmem>>
      %dma_wait3A_2124 = arith.constant 0 : i32
      %dma_wait3A_2125 = arith.constant 0 : i32
      %dma_wait3A_2126 = tpu.memref_slice %arg14[%dma_wait3A_2124, %dma_wait3A_2125] : memref<10240x128xf32, #tpu.memory_space<vmem_shared>> -> memref<10240x128xf32, #tpu.memory_space<vmem_shared>>
      tpu.wait_indirect_dma semaphore(%arg18 : memref<!tpu.dma_semaphore, #tpu.memory_space<semaphore_mem>>) src(%arg10 : memref<80x128xf32, #tpu.memory_space<vmem>>) dst(%dma_wait3A_2126 : memref<10240x128xf32, #tpu.memory_space<vmem_shared>>)
      %dma_start3A_2127 = arith.constant 2880 : i32
      %dma_start3A_2128 = tpu.memref_slice %arg8[%dma_start3A_2127] : memref<4000xi32, #tpu.memory_space<vmem>> -> memref<80xi32, #tpu.memory_space<vmem>>
      %dma_start3A_2129 = arith.constant 0 : i32
      %dma_start3A_2130 = arith.constant 0 : i32
      %dma_start3A_2131 = tpu.memref_slice %arg2[%dma_start3A_2129, %dma_start3A_2130] : memref<10240x128xf32, #tpu.memory_space<hbm>> -> memref<10240x128xf32, #tpu.memory_space<hbm>>
      tpu.enqueue_indirect_dma source(%dma_start3A_2131 : memref<10240x128xf32, #tpu.memory_space<hbm>>) target(%arg10 : memref<80x128xf32, #tpu.memory_space<vmem>>) offsets(%dma_start3A_2128 : memref<80xi32, #tpu.memory_space<vmem>>) semaphore(%arg16 : memref<!tpu.dma_semaphore, #tpu.memory_space<semaphore_mem>>)
      %dma_wait3A_2132 = arith.constant 2800 : i32
      %dma_wait3A_2133 = tpu.memref_slice %arg8[%dma_wait3A_2132] : memref<4000xi32, #tpu.memory_space<vmem>> -> memref<80xi32, #tpu.memory_space<vmem>>
      %dma_wait3A_2134 = arith.constant 0 : i32
      %dma_wait3A_2135 = arith.constant 0 : i32
      %dma_wait3A_2136 = tpu.memref_slice %arg2[%dma_wait3A_2134, %dma_wait3A_2135] : memref<10240x128xf32, #tpu.memory_space<hbm>> -> memref<10240x128xf32, #tpu.memory_space<hbm>>
      tpu.wait_indirect_dma semaphore(%arg17 : memref<!tpu.dma_semaphore, #tpu.memory_space<semaphore_mem>>) src(%dma_wait3A_2136 : memref<10240x128xf32, #tpu.memory_space<hbm>>) dst(%arg11 : memref<80x128xf32, #tpu.memory_space<vmem>>)
      %dma_start3A_2137 = arith.constant 2800 : i32
      %dma_start3A_2138 = tpu.memref_slice %arg9[%dma_start3A_2137] : memref<4000xi32, #tpu.memory_space<vmem>> -> memref<80xi32, #tpu.memory_space<vmem>>
      %dma_start3A_2139 = arith.constant 0 : i32
      %dma_start3A_2140 = arith.constant 0 : i32
      %dma_start3A_2141 = tpu.memref_slice %arg14[%dma_start3A_2139, %dma_start3A_2140] : memref<10240x128xf32, #tpu.memory_space<vmem_shared>> -> memref<10240x128xf32, #tpu.memory_space<vmem_shared>>
      tpu.enqueue_indirect_dma source(%arg11 : memref<80x128xf32, #tpu.memory_space<vmem>>) target(%dma_start3A_2141 : memref<10240x128xf32, #tpu.memory_space<vmem_shared>>) offsets(%dma_start3A_2138 : memref<80xi32, #tpu.memory_space<vmem>>) semaphore(%arg19 : memref<!tpu.dma_semaphore, #tpu.memory_space<semaphore_mem>>) {add = true}
      %get3A_2142 = arith.constant 2800 : index
      %get3A_2143 = tpu.vector_load %arg9[%get3A_2142] {strides = array<i32>} : memref<4000xi32, #tpu.memory_space<vmem>>, vector<16xi32>,
      %shift_right_logical3A_2144 = arith.constant 7 : i32
      %shift_right_logical3A_2145 = vector.broadcast %shift_right_logical3A_2144 : i32 to vector<16xi32>
      %shift_right_logical3A_2146 = arith.shrui %get3A_2143, %shift_right_logical3A_2145 : vector<16xi32>
      %and3A_2147 = arith.constant 127 : i32
      %and3A_2148 = vector.broadcast %and3A_2147 : i32 to vector<16xi32>
      %and3A_2149 = arith.andi %get3A_2143, %and3A_2148 : vector<16xi32>
      tpu.vector_store_idx %arg12[%shift_right_logical3A_2146, %and3A_2149], %broadcast_in_dim3A_13 {add = true} : memref<128x128xf32, #tpu.memory_space<vmem>>[vector<16xi32>, vector<16xi32>], vector<16xf32>,
      %get3A_2150 = arith.constant 2816 : index
      %get3A_2151 = tpu.vector_load %arg9[%get3A_2150] {strides = array<i32>} : memref<4000xi32, #tpu.memory_space<vmem>>, vector<16xi32>,
      %shift_right_logical3A_2152 = arith.constant 7 : i32
      %shift_right_logical3A_2153 = vector.broadcast %shift_right_logical3A_2152 : i32 to vector<16xi32>
      %shift_right_logical3A_2154 = arith.shrui %get3A_2151, %shift_right_logical3A_2153 : vector<16xi32>
      %and3A_2155 = arith.constant 127 : i32
      %and3A_2156 = vector.broadcast %and3A_2155 : i32 to vector<16xi32>
      %and3A_2157 = arith.andi %get3A_2151, %and3A_2156 : vector<16xi32>
      tpu.vector_store_idx %arg12[%shift_right_logical3A_2154, %and3A_2157], %broadcast_in_dim3A_13 {add = true} : memref<128x128xf32, #tpu.memory_space<vmem>>[vector<16xi32>, vector<16xi32>], vector<16xf32>,
      %get3A_2158 = arith.constant 2832 : index
      %get3A_2159 = tpu.vector_load %arg9[%get3A_2158] {strides = array<i32>} : memref<4000xi32, #tpu.memory_space<vmem>>, vector<16xi32>,
      %shift_right_logical3A_2160 = arith.constant 7 : i32
      %shift_right_logical3A_2161 = vector.broadcast %shift_right_logical3A_2160 : i32 to vector<16xi32>
      %shift_right_logical3A_2162 = arith.shrui %get3A_2159, %shift_right_logical3A_2161 : vector<16xi32>
      %and3A_2163 = arith.constant 127 : i32
      %and3A_2164 = vector.broadcast %and3A_2163 : i32 to vector<16xi32>
      %and3A_2165 = arith.andi %get3A_2159, %and3A_2164 : vector<16xi32>
      tpu.vector_store_idx %arg12[%shift_right_logical3A_2162, %and3A_2165], %broadcast_in_dim3A_13 {add = true} : memref<128x128xf32, #tpu.memory_space<vmem>>[vector<16xi32>, vector<16xi32>], vector<16xf32>,
      %get3A_2166 = arith.constant 2848 : index
      %get3A_2167 = tpu.vector_load %arg9[%get3A_2166] {strides = array<i32>} : memref<4000xi32, #tpu.memory_space<vmem>>, vector<16xi32>,
      %shift_right_logical3A_2168 = arith.constant 7 : i32
      %shift_right_logical3A_2169 = vector.broadcast %shift_right_logical3A_2168 : i32 to vector<16xi32>
      %shift_right_logical3A_2170 = arith.shrui %get3A_2167, %shift_right_logical3A_2169 : vector<16xi32>
      %and3A_2171 = arith.constant 127 : i32
      %and3A_2172 = vector.broadcast %and3A_2171 : i32 to vector<16xi32>
      %and3A_2173 = arith.andi %get3A_2167, %and3A_2172 : vector<16xi32>
      tpu.vector_store_idx %arg12[%shift_right_logical3A_2170, %and3A_2173], %broadcast_in_dim3A_13 {add = true} : memref<128x128xf32, #tpu.memory_space<vmem>>[vector<16xi32>, vector<16xi32>], vector<16xf32>,
      %get3A_2174 = arith.constant 2864 : index
      %get3A_2175 = tpu.vector_load %arg9[%get3A_2174] {strides = array<i32>} : memref<4000xi32, #tpu.memory_space<vmem>>, vector<16xi32>,
      %shift_right_logical3A_2176 = arith.constant 7 : i32
      %shift_right_logical3A_2177 = vector.broadcast %shift_right_logical3A_2176 : i32 to vector<16xi32>
      %shift_right_logical3A_2178 = arith.shrui %get3A_2175, %shift_right_logical3A_2177 : vector<16xi32>
      %and3A_2179 = arith.constant 127 : i32
      %and3A_2180 = vector.broadcast %and3A_2179 : i32 to vector<16xi32>
      %and3A_2181 = arith.andi %get3A_2175, %and3A_2180 : vector<16xi32>
      tpu.vector_store_idx %arg12[%shift_right_logical3A_2178, %and3A_2181], %broadcast_in_dim3A_13 {add = true} : memref<128x128xf32, #tpu.memory_space<vmem>>[vector<16xi32>, vector<16xi32>], vector<16xf32>,
      %dma_wait3A_2182 = arith.constant 2800 : i32
      %dma_wait3A_2183 = tpu.memref_slice %arg9[%dma_wait3A_2182] : memref<4000xi32, #tpu.memory_space<vmem>> -> memref<80xi32, #tpu.memory_space<vmem>>
      %dma_wait3A_2184 = arith.constant 0 : i32
      %dma_wait3A_2185 = arith.constant 0 : i32
      %dma_wait3A_2186 = tpu.memref_slice %arg14[%dma_wait3A_2184, %dma_wait3A_2185] : memref<10240x128xf32, #tpu.memory_space<vmem_shared>> -> memref<10240x128xf32, #tpu.memory_space<vmem_shared>>
      tpu.wait_indirect_dma semaphore(%arg19 : memref<!tpu.dma_semaphore, #tpu.memory_space<semaphore_mem>>) src(%arg11 : memref<80x128xf32, #tpu.memory_space<vmem>>) dst(%dma_wait3A_2186 : memref<10240x128xf32, #tpu.memory_space<vmem_shared>>)
      %dma_start3A_2187 = arith.constant 2960 : i32
      %dma_start3A_2188 = tpu.memref_slice %arg8[%dma_start3A_2187] : memref<4000xi32, #tpu.memory_space<vmem>> -> memref<80xi32, #tpu.memory_space<vmem>>
      %dma_start3A_2189 = arith.constant 0 : i32
      %dma_start3A_2190 = arith.constant 0 : i32
      %dma_start3A_2191 = tpu.memref_slice %arg2[%dma_start3A_2189, %dma_start3A_2190] : memref<10240x128xf32, #tpu.memory_space<hbm>> -> memref<10240x128xf32, #tpu.memory_space<hbm>>
      tpu.enqueue_indirect_dma source(%dma_start3A_2191 : memref<10240x128xf32, #tpu.memory_space<hbm>>) target(%arg11 : memref<80x128xf32, #tpu.memory_space<vmem>>) offsets(%dma_start3A_2188 : memref<80xi32, #tpu.memory_space<vmem>>) semaphore(%arg17 : memref<!tpu.dma_semaphore, #tpu.memory_space<semaphore_mem>>)
      %dma_wait3A_2192 = arith.constant 2880 : i32
      %dma_wait3A_2193 = tpu.memref_slice %arg8[%dma_wait3A_2192] : memref<4000xi32, #tpu.memory_space<vmem>> -> memref<80xi32, #tpu.memory_space<vmem>>
      %dma_wait3A_2194 = arith.constant 0 : i32
      %dma_wait3A_2195 = arith.constant 0 : i32
      %dma_wait3A_2196 = tpu.memref_slice %arg2[%dma_wait3A_2194, %dma_wait3A_2195] : memref<10240x128xf32, #tpu.memory_space<hbm>> -> memref<10240x128xf32, #tpu.memory_space<hbm>>
      tpu.wait_indirect_dma semaphore(%arg16 : memref<!tpu.dma_semaphore, #tpu.memory_space<semaphore_mem>>) src(%dma_wait3A_2196 : memref<10240x128xf32, #tpu.memory_space<hbm>>) dst(%arg10 : memref<80x128xf32, #tpu.memory_space<vmem>>)
      %dma_start3A_2197 = arith.constant 2880 : i32
      %dma_start3A_2198 = tpu.memref_slice %arg9[%dma_start3A_2197] : memref<4000xi32, #tpu.memory_space<vmem>> -> memref<80xi32, #tpu.memory_space<vmem>>
      %dma_start3A_2199 = arith.constant 0 : i32
      %dma_start3A_2200 = arith.constant 0 : i32
      %dma_start3A_2201 = tpu.memref_slice %arg14[%dma_start3A_2199, %dma_start3A_2200] : memref<10240x128xf32, #tpu.memory_space<vmem_shared>> -> memref<10240x128xf32, #tpu.memory_space<vmem_shared>>
      tpu.enqueue_indirect_dma source(%arg10 : memref<80x128xf32, #tpu.memory_space<vmem>>) target(%dma_start3A_2201 : memref<10240x128xf32, #tpu.memory_space<vmem_shared>>) offsets(%dma_start3A_2198 : memref<80xi32, #tpu.memory_space<vmem>>) semaphore(%arg18 : memref<!tpu.dma_semaphore, #tpu.memory_space<semaphore_mem>>) {add = true}
      %get3A_2202 = arith.constant 2880 : index
      %get3A_2203 = tpu.vector_load %arg9[%get3A_2202] {strides = array<i32>} : memref<4000xi32, #tpu.memory_space<vmem>>, vector<16xi32>,
      %shift_right_logical3A_2204 = arith.constant 7 : i32
      %shift_right_logical3A_2205 = vector.broadcast %shift_right_logical3A_2204 : i32 to vector<16xi32>
      %shift_right_logical3A_2206 = arith.shrui %get3A_2203, %shift_right_logical3A_2205 : vector<16xi32>
      %and3A_2207 = arith.constant 127 : i32
      %and3A_2208 = vector.broadcast %and3A_2207 : i32 to vector<16xi32>
      %and3A_2209 = arith.andi %get3A_2203, %and3A_2208 : vector<16xi32>
      tpu.vector_store_idx %arg12[%shift_right_logical3A_2206, %and3A_2209], %broadcast_in_dim3A_13 {add = true} : memref<128x128xf32, #tpu.memory_space<vmem>>[vector<16xi32>, vector<16xi32>], vector<16xf32>,
      %get3A_2210 = arith.constant 2896 : index
      %get3A_2211 = tpu.vector_load %arg9[%get3A_2210] {strides = array<i32>} : memref<4000xi32, #tpu.memory_space<vmem>>, vector<16xi32>,
      %shift_right_logical3A_2212 = arith.constant 7 : i32
      %shift_right_logical3A_2213 = vector.broadcast %shift_right_logical3A_2212 : i32 to vector<16xi32>
      %shift_right_logical3A_2214 = arith.shrui %get3A_2211, %shift_right_logical3A_2213 : vector<16xi32>
      %and3A_2215 = arith.constant 127 : i32
      %and3A_2216 = vector.broadcast %and3A_2215 : i32 to vector<16xi32>
      %and3A_2217 = arith.andi %get3A_2211, %and3A_2216 : vector<16xi32>
      tpu.vector_store_idx %arg12[%shift_right_logical3A_2214, %and3A_2217], %broadcast_in_dim3A_13 {add = true} : memref<128x128xf32, #tpu.memory_space<vmem>>[vector<16xi32>, vector<16xi32>], vector<16xf32>,
      %get3A_2218 = arith.constant 2912 : index
      %get3A_2219 = tpu.vector_load %arg9[%get3A_2218] {strides = array<i32>} : memref<4000xi32, #tpu.memory_space<vmem>>, vector<16xi32>,
      %shift_right_logical3A_2220 = arith.constant 7 : i32
      %shift_right_logical3A_2221 = vector.broadcast %shift_right_logical3A_2220 : i32 to vector<16xi32>
      %shift_right_logical3A_2222 = arith.shrui %get3A_2219, %shift_right_logical3A_2221 : vector<16xi32>
      %and3A_2223 = arith.constant 127 : i32
      %and3A_2224 = vector.broadcast %and3A_2223 : i32 to vector<16xi32>
      %and3A_2225 = arith.andi %get3A_2219, %and3A_2224 : vector<16xi32>
      tpu.vector_store_idx %arg12[%shift_right_logical3A_2222, %and3A_2225], %broadcast_in_dim3A_13 {add = true} : memref<128x128xf32, #tpu.memory_space<vmem>>[vector<16xi32>, vector<16xi32>], vector<16xf32>,
      %get3A_2226 = arith.constant 2928 : index
      %get3A_2227 = tpu.vector_load %arg9[%get3A_2226] {strides = array<i32>} : memref<4000xi32, #tpu.memory_space<vmem>>, vector<16xi32>,
      %shift_right_logical3A_2228 = arith.constant 7 : i32
      %shift_right_logical3A_2229 = vector.broadcast %shift_right_logical3A_2228 : i32 to vector<16xi32>
      %shift_right_logical3A_2230 = arith.shrui %get3A_2227, %shift_right_logical3A_2229 : vector<16xi32>
      %and3A_2231 = arith.constant 127 : i32
      %and3A_2232 = vector.broadcast %and3A_2231 : i32 to vector<16xi32>
      %and3A_2233 = arith.andi %get3A_2227, %and3A_2232 : vector<16xi32>
      tpu.vector_store_idx %arg12[%shift_right_logical3A_2230, %and3A_2233], %broadcast_in_dim3A_13 {add = true} : memref<128x128xf32, #tpu.memory_space<vmem>>[vector<16xi32>, vector<16xi32>], vector<16xf32>,
      %get3A_2234 = arith.constant 2944 : index
      %get3A_2235 = tpu.vector_load %arg9[%get3A_2234] {strides = array<i32>} : memref<4000xi32, #tpu.memory_space<vmem>>, vector<16xi32>,
      %shift_right_logical3A_2236 = arith.constant 7 : i32
      %shift_right_logical3A_2237 = vector.broadcast %shift_right_logical3A_2236 : i32 to vector<16xi32>
      %shift_right_logical3A_2238 = arith.shrui %get3A_2235, %shift_right_logical3A_2237 : vector<16xi32>
      %and3A_2239 = arith.constant 127 : i32
      %and3A_2240 = vector.broadcast %and3A_2239 : i32 to vector<16xi32>
      %and3A_2241 = arith.andi %get3A_2235, %and3A_2240 : vector<16xi32>
      tpu.vector_store_idx %arg12[%shift_right_logical3A_2238, %and3A_2241], %broadcast_in_dim3A_13 {add = true} : memref<128x128xf32, #tpu.memory_space<vmem>>[vector<16xi32>, vector<16xi32>], vector<16xf32>,
      %dma_wait3A_2242 = arith.constant 2880 : i32
      %dma_wait3A_2243 = tpu.memref_slice %arg9[%dma_wait3A_2242] : memref<4000xi32, #tpu.memory_space<vmem>> -> memref<80xi32, #tpu.memory_space<vmem>>
      %dma_wait3A_2244 = arith.constant 0 : i32
      %dma_wait3A_2245 = arith.constant 0 : i32
      %dma_wait3A_2246 = tpu.memref_slice %arg14[%dma_wait3A_2244, %dma_wait3A_2245] : memref<10240x128xf32, #tpu.memory_space<vmem_shared>> -> memref<10240x128xf32, #tpu.memory_space<vmem_shared>>
      tpu.wait_indirect_dma semaphore(%arg18 : memref<!tpu.dma_semaphore, #tpu.memory_space<semaphore_mem>>) src(%arg10 : memref<80x128xf32, #tpu.memory_space<vmem>>) dst(%dma_wait3A_2246 : memref<10240x128xf32, #tpu.memory_space<vmem_shared>>)
      %dma_start3A_2247 = arith.constant 3040 : i32
      %dma_start3A_2248 = tpu.memref_slice %arg8[%dma_start3A_2247] : memref<4000xi32, #tpu.memory_space<vmem>> -> memref<80xi32, #tpu.memory_space<vmem>>
      %dma_start3A_2249 = arith.constant 0 : i32
      %dma_start3A_2250 = arith.constant 0 : i32
      %dma_start3A_2251 = tpu.memref_slice %arg2[%dma_start3A_2249, %dma_start3A_2250] : memref<10240x128xf32, #tpu.memory_space<hbm>> -> memref<10240x128xf32, #tpu.memory_space<hbm>>
      tpu.enqueue_indirect_dma source(%dma_start3A_2251 : memref<10240x128xf32, #tpu.memory_space<hbm>>) target(%arg10 : memref<80x128xf32, #tpu.memory_space<vmem>>) offsets(%dma_start3A_2248 : memref<80xi32, #tpu.memory_space<vmem>>) semaphore(%arg16 : memref<!tpu.dma_semaphore, #tpu.memory_space<semaphore_mem>>)
      %dma_wait3A_2252 = arith.constant 2960 : i32
      %dma_wait3A_2253 = tpu.memref_slice %arg8[%dma_wait3A_2252] : memref<4000xi32, #tpu.memory_space<vmem>> -> memref<80xi32, #tpu.memory_space<vmem>>
      %dma_wait3A_2254 = arith.constant 0 : i32
      %dma_wait3A_2255 = arith.constant 0 : i32
      %dma_wait3A_2256 = tpu.memref_slice %arg2[%dma_wait3A_2254, %dma_wait3A_2255] : memref<10240x128xf32, #tpu.memory_space<hbm>> -> memref<10240x128xf32, #tpu.memory_space<hbm>>
      tpu.wait_indirect_dma semaphore(%arg17 : memref<!tpu.dma_semaphore, #tpu.memory_space<semaphore_mem>>) src(%dma_wait3A_2256 : memref<10240x128xf32, #tpu.memory_space<hbm>>) dst(%arg11 : memref<80x128xf32, #tpu.memory_space<vmem>>)
      %dma_start3A_2257 = arith.constant 2960 : i32
      %dma_start3A_2258 = tpu.memref_slice %arg9[%dma_start3A_2257] : memref<4000xi32, #tpu.memory_space<vmem>> -> memref<80xi32, #tpu.memory_space<vmem>>
      %dma_start3A_2259 = arith.constant 0 : i32
      %dma_start3A_2260 = arith.constant 0 : i32
      %dma_start3A_2261 = tpu.memref_slice %arg14[%dma_start3A_2259, %dma_start3A_2260] : memref<10240x128xf32, #tpu.memory_space<vmem_shared>> -> memref<10240x128xf32, #tpu.memory_space<vmem_shared>>
      tpu.enqueue_indirect_dma source(%arg11 : memref<80x128xf32, #tpu.memory_space<vmem>>) target(%dma_start3A_2261 : memref<10240x128xf32, #tpu.memory_space<vmem_shared>>) offsets(%dma_start3A_2258 : memref<80xi32, #tpu.memory_space<vmem>>) semaphore(%arg19 : memref<!tpu.dma_semaphore, #tpu.memory_space<semaphore_mem>>) {add = true}
      %get3A_2262 = arith.constant 2960 : index
      %get3A_2263 = tpu.vector_load %arg9[%get3A_2262] {strides = array<i32>} : memref<4000xi32, #tpu.memory_space<vmem>>, vector<16xi32>,
      %shift_right_logical3A_2264 = arith.constant 7 : i32
      %shift_right_logical3A_2265 = vector.broadcast %shift_right_logical3A_2264 : i32 to vector<16xi32>
      %shift_right_logical3A_2266 = arith.shrui %get3A_2263, %shift_right_logical3A_2265 : vector<16xi32>
      %and3A_2267 = arith.constant 127 : i32
      %and3A_2268 = vector.broadcast %and3A_2267 : i32 to vector<16xi32>
      %and3A_2269 = arith.andi %get3A_2263, %and3A_2268 : vector<16xi32>
      tpu.vector_store_idx %arg12[%shift_right_logical3A_2266, %and3A_2269], %broadcast_in_dim3A_13 {add = true} : memref<128x128xf32, #tpu.memory_space<vmem>>[vector<16xi32>, vector<16xi32>], vector<16xf32>,
      %get3A_2270 = arith.constant 2976 : index
      %get3A_2271 = tpu.vector_load %arg9[%get3A_2270] {strides = array<i32>} : memref<4000xi32, #tpu.memory_space<vmem>>, vector<16xi32>,
      %shift_right_logical3A_2272 = arith.constant 7 : i32
      %shift_right_logical3A_2273 = vector.broadcast %shift_right_logical3A_2272 : i32 to vector<16xi32>
      %shift_right_logical3A_2274 = arith.shrui %get3A_2271, %shift_right_logical3A_2273 : vector<16xi32>
      %and3A_2275 = arith.constant 127 : i32
      %and3A_2276 = vector.broadcast %and3A_2275 : i32 to vector<16xi32>
      %and3A_2277 = arith.andi %get3A_2271, %and3A_2276 : vector<16xi32>
      tpu.vector_store_idx %arg12[%shift_right_logical3A_2274, %and3A_2277], %broadcast_in_dim3A_13 {add = true} : memref<128x128xf32, #tpu.memory_space<vmem>>[vector<16xi32>, vector<16xi32>], vector<16xf32>,
      %get3A_2278 = arith.constant 2992 : index
      %get3A_2279 = tpu.vector_load %arg9[%get3A_2278] {strides = array<i32>} : memref<4000xi32, #tpu.memory_space<vmem>>, vector<16xi32>,
      %shift_right_logical3A_2280 = arith.constant 7 : i32
      %shift_right_logical3A_2281 = vector.broadcast %shift_right_logical3A_2280 : i32 to vector<16xi32>
      %shift_right_logical3A_2282 = arith.shrui %get3A_2279, %shift_right_logical3A_2281 : vector<16xi32>
      %and3A_2283 = arith.constant 127 : i32
      %and3A_2284 = vector.broadcast %and3A_2283 : i32 to vector<16xi32>
      %and3A_2285 = arith.andi %get3A_2279, %and3A_2284 : vector<16xi32>
      tpu.vector_store_idx %arg12[%shift_right_logical3A_2282, %and3A_2285], %broadcast_in_dim3A_13 {add = true} : memref<128x128xf32, #tpu.memory_space<vmem>>[vector<16xi32>, vector<16xi32>], vector<16xf32>,
      %get3A_2286 = arith.constant 3008 : index
      %get3A_2287 = tpu.vector_load %arg9[%get3A_2286] {strides = array<i32>} : memref<4000xi32, #tpu.memory_space<vmem>>, vector<16xi32>,
      %shift_right_logical3A_2288 = arith.constant 7 : i32
      %shift_right_logical3A_2289 = vector.broadcast %shift_right_logical3A_2288 : i32 to vector<16xi32>
      %shift_right_logical3A_2290 = arith.shrui %get3A_2287, %shift_right_logical3A_2289 : vector<16xi32>
      %and3A_2291 = arith.constant 127 : i32
      %and3A_2292 = vector.broadcast %and3A_2291 : i32 to vector<16xi32>
      %and3A_2293 = arith.andi %get3A_2287, %and3A_2292 : vector<16xi32>
      tpu.vector_store_idx %arg12[%shift_right_logical3A_2290, %and3A_2293], %broadcast_in_dim3A_13 {add = true} : memref<128x128xf32, #tpu.memory_space<vmem>>[vector<16xi32>, vector<16xi32>], vector<16xf32>,
      %get3A_2294 = arith.constant 3024 : index
      %get3A_2295 = tpu.vector_load %arg9[%get3A_2294] {strides = array<i32>} : memref<4000xi32, #tpu.memory_space<vmem>>, vector<16xi32>,
      %shift_right_logical3A_2296 = arith.constant 7 : i32
      %shift_right_logical3A_2297 = vector.broadcast %shift_right_logical3A_2296 : i32 to vector<16xi32>
      %shift_right_logical3A_2298 = arith.shrui %get3A_2295, %shift_right_logical3A_2297 : vector<16xi32>
      %and3A_2299 = arith.constant 127 : i32
      %and3A_2300 = vector.broadcast %and3A_2299 : i32 to vector<16xi32>
      %and3A_2301 = arith.andi %get3A_2295, %and3A_2300 : vector<16xi32>
      tpu.vector_store_idx %arg12[%shift_right_logical3A_2298, %and3A_2301], %broadcast_in_dim3A_13 {add = true} : memref<128x128xf32, #tpu.memory_space<vmem>>[vector<16xi32>, vector<16xi32>], vector<16xf32>,
      %dma_wait3A_2302 = arith.constant 2960 : i32
      %dma_wait3A_2303 = tpu.memref_slice %arg9[%dma_wait3A_2302] : memref<4000xi32, #tpu.memory_space<vmem>> -> memref<80xi32, #tpu.memory_space<vmem>>
      %dma_wait3A_2304 = arith.constant 0 : i32
      %dma_wait3A_2305 = arith.constant 0 : i32
      %dma_wait3A_2306 = tpu.memref_slice %arg14[%dma_wait3A_2304, %dma_wait3A_2305] : memref<10240x128xf32, #tpu.memory_space<vmem_shared>> -> memref<10240x128xf32, #tpu.memory_space<vmem_shared>>
      tpu.wait_indirect_dma semaphore(%arg19 : memref<!tpu.dma_semaphore, #tpu.memory_space<semaphore_mem>>) src(%arg11 : memref<80x128xf32, #tpu.memory_space<vmem>>) dst(%dma_wait3A_2306 : memref<10240x128xf32, #tpu.memory_space<vmem_shared>>)
      %dma_start3A_2307 = arith.constant 3120 : i32
      %dma_start3A_2308 = tpu.memref_slice %arg8[%dma_start3A_2307] : memref<4000xi32, #tpu.memory_space<vmem>> -> memref<80xi32, #tpu.memory_space<vmem>>
      %dma_start3A_2309 = arith.constant 0 : i32
      %dma_start3A_2310 = arith.constant 0 : i32
      %dma_start3A_2311 = tpu.memref_slice %arg2[%dma_start3A_2309, %dma_start3A_2310] : memref<10240x128xf32, #tpu.memory_space<hbm>> -> memref<10240x128xf32, #tpu.memory_space<hbm>>
      tpu.enqueue_indirect_dma source(%dma_start3A_2311 : memref<10240x128xf32, #tpu.memory_space<hbm>>) target(%arg11 : memref<80x128xf32, #tpu.memory_space<vmem>>) offsets(%dma_start3A_2308 : memref<80xi32, #tpu.memory_space<vmem>>) semaphore(%arg17 : memref<!tpu.dma_semaphore, #tpu.memory_space<semaphore_mem>>)
      %dma_wait3A_2312 = arith.constant 3040 : i32
      %dma_wait3A_2313 = tpu.memref_slice %arg8[%dma_wait3A_2312] : memref<4000xi32, #tpu.memory_space<vmem>> -> memref<80xi32, #tpu.memory_space<vmem>>
      %dma_wait3A_2314 = arith.constant 0 : i32
      %dma_wait3A_2315 = arith.constant 0 : i32
      %dma_wait3A_2316 = tpu.memref_slice %arg2[%dma_wait3A_2314, %dma_wait3A_2315] : memref<10240x128xf32, #tpu.memory_space<hbm>> -> memref<10240x128xf32, #tpu.memory_space<hbm>>
      tpu.wait_indirect_dma semaphore(%arg16 : memref<!tpu.dma_semaphore, #tpu.memory_space<semaphore_mem>>) src(%dma_wait3A_2316 : memref<10240x128xf32, #tpu.memory_space<hbm>>) dst(%arg10 : memref<80x128xf32, #tpu.memory_space<vmem>>)
      %dma_start3A_2317 = arith.constant 3040 : i32
      %dma_start3A_2318 = tpu.memref_slice %arg9[%dma_start3A_2317] : memref<4000xi32, #tpu.memory_space<vmem>> -> memref<80xi32, #tpu.memory_space<vmem>>
      %dma_start3A_2319 = arith.constant 0 : i32
      %dma_start3A_2320 = arith.constant 0 : i32
      %dma_start3A_2321 = tpu.memref_slice %arg14[%dma_start3A_2319, %dma_start3A_2320] : memref<10240x128xf32, #tpu.memory_space<vmem_shared>> -> memref<10240x128xf32, #tpu.memory_space<vmem_shared>>
      tpu.enqueue_indirect_dma source(%arg10 : memref<80x128xf32, #tpu.memory_space<vmem>>) target(%dma_start3A_2321 : memref<10240x128xf32, #tpu.memory_space<vmem_shared>>) offsets(%dma_start3A_2318 : memref<80xi32, #tpu.memory_space<vmem>>) semaphore(%arg18 : memref<!tpu.dma_semaphore, #tpu.memory_space<semaphore_mem>>) {add = true}
      %get3A_2322 = arith.constant 3040 : index
      %get3A_2323 = tpu.vector_load %arg9[%get3A_2322] {strides = array<i32>} : memref<4000xi32, #tpu.memory_space<vmem>>, vector<16xi32>,
      %shift_right_logical3A_2324 = arith.constant 7 : i32
      %shift_right_logical3A_2325 = vector.broadcast %shift_right_logical3A_2324 : i32 to vector<16xi32>
      %shift_right_logical3A_2326 = arith.shrui %get3A_2323, %shift_right_logical3A_2325 : vector<16xi32>
      %and3A_2327 = arith.constant 127 : i32
      %and3A_2328 = vector.broadcast %and3A_2327 : i32 to vector<16xi32>
      %and3A_2329 = arith.andi %get3A_2323, %and3A_2328 : vector<16xi32>
      tpu.vector_store_idx %arg12[%shift_right_logical3A_2326, %and3A_2329], %broadcast_in_dim3A_13 {add = true} : memref<128x128xf32, #tpu.memory_space<vmem>>[vector<16xi32>, vector<16xi32>], vector<16xf32>,
      %get3A_2330 = arith.constant 3056 : index
      %get3A_2331 = tpu.vector_load %arg9[%get3A_2330] {strides = array<i32>} : memref<4000xi32, #tpu.memory_space<vmem>>, vector<16xi32>,
      %shift_right_logical3A_2332 = arith.constant 7 : i32
      %shift_right_logical3A_2333 = vector.broadcast %shift_right_logical3A_2332 : i32 to vector<16xi32>
      %shift_right_logical3A_2334 = arith.shrui %get3A_2331, %shift_right_logical3A_2333 : vector<16xi32>
      %and3A_2335 = arith.constant 127 : i32
      %and3A_2336 = vector.broadcast %and3A_2335 : i32 to vector<16xi32>
      %and3A_2337 = arith.andi %get3A_2331, %and3A_2336 : vector<16xi32>
      tpu.vector_store_idx %arg12[%shift_right_logical3A_2334, %and3A_2337], %broadcast_in_dim3A_13 {add = true} : memref<128x128xf32, #tpu.memory_space<vmem>>[vector<16xi32>, vector<16xi32>], vector<16xf32>,
      %get3A_2338 = arith.constant 3072 : index
      %get3A_2339 = tpu.vector_load %arg9[%get3A_2338] {strides = array<i32>} : memref<4000xi32, #tpu.memory_space<vmem>>, vector<16xi32>,
      %shift_right_logical3A_2340 = arith.constant 7 : i32
      %shift_right_logical3A_2341 = vector.broadcast %shift_right_logical3A_2340 : i32 to vector<16xi32>
      %shift_right_logical3A_2342 = arith.shrui %get3A_2339, %shift_right_logical3A_2341 : vector<16xi32>
      %and3A_2343 = arith.constant 127 : i32
      %and3A_2344 = vector.broadcast %and3A_2343 : i32 to vector<16xi32>
      %and3A_2345 = arith.andi %get3A_2339, %and3A_2344 : vector<16xi32>
      tpu.vector_store_idx %arg12[%shift_right_logical3A_2342, %and3A_2345], %broadcast_in_dim3A_13 {add = true} : memref<128x128xf32, #tpu.memory_space<vmem>>[vector<16xi32>, vector<16xi32>], vector<16xf32>,
      %get3A_2346 = arith.constant 3088 : index
      %get3A_2347 = tpu.vector_load %arg9[%get3A_2346] {strides = array<i32>} : memref<4000xi32, #tpu.memory_space<vmem>>, vector<16xi32>,
      %shift_right_logical3A_2348 = arith.constant 7 : i32
      %shift_right_logical3A_2349 = vector.broadcast %shift_right_logical3A_2348 : i32 to vector<16xi32>
      %shift_right_logical3A_2350 = arith.shrui %get3A_2347, %shift_right_logical3A_2349 : vector<16xi32>
      %and3A_2351 = arith.constant 127 : i32
      %and3A_2352 = vector.broadcast %and3A_2351 : i32 to vector<16xi32>
      %and3A_2353 = arith.andi %get3A_2347, %and3A_2352 : vector<16xi32>
      tpu.vector_store_idx %arg12[%shift_right_logical3A_2350, %and3A_2353], %broadcast_in_dim3A_13 {add = true} : memref<128x128xf32, #tpu.memory_space<vmem>>[vector<16xi32>, vector<16xi32>], vector<16xf32>,
      %get3A_2354 = arith.constant 3104 : index
      %get3A_2355 = tpu.vector_load %arg9[%get3A_2354] {strides = array<i32>} : memref<4000xi32, #tpu.memory_space<vmem>>, vector<16xi32>,
      %shift_right_logical3A_2356 = arith.constant 7 : i32
      %shift_right_logical3A_2357 = vector.broadcast %shift_right_logical3A_2356 : i32 to vector<16xi32>
      %shift_right_logical3A_2358 = arith.shrui %get3A_2355, %shift_right_logical3A_2357 : vector<16xi32>
      %and3A_2359 = arith.constant 127 : i32
      %and3A_2360 = vector.broadcast %and3A_2359 : i32 to vector<16xi32>
      %and3A_2361 = arith.andi %get3A_2355, %and3A_2360 : vector<16xi32>
      tpu.vector_store_idx %arg12[%shift_right_logical3A_2358, %and3A_2361], %broadcast_in_dim3A_13 {add = true} : memref<128x128xf32, #tpu.memory_space<vmem>>[vector<16xi32>, vector<16xi32>], vector<16xf32>,
      %dma_wait3A_2362 = arith.constant 3040 : i32
      %dma_wait3A_2363 = tpu.memref_slice %arg9[%dma_wait3A_2362] : memref<4000xi32, #tpu.memory_space<vmem>> -> memref<80xi32, #tpu.memory_space<vmem>>
      %dma_wait3A_2364 = arith.constant 0 : i32
      %dma_wait3A_2365 = arith.constant 0 : i32
      %dma_wait3A_2366 = tpu.memref_slice %arg14[%dma_wait3A_2364, %dma_wait3A_2365] : memref<10240x128xf32, #tpu.memory_space<vmem_shared>> -> memref<10240x128xf32, #tpu.memory_space<vmem_shared>>
      tpu.wait_indirect_dma semaphore(%arg18 : memref<!tpu.dma_semaphore, #tpu.memory_space<semaphore_mem>>) src(%arg10 : memref<80x128xf32, #tpu.memory_space<vmem>>) dst(%dma_wait3A_2366 : memref<10240x128xf32, #tpu.memory_space<vmem_shared>>)
      %dma_start3A_2367 = arith.constant 3200 : i32
      %dma_start3A_2368 = tpu.memref_slice %arg8[%dma_start3A_2367] : memref<4000xi32, #tpu.memory_space<vmem>> -> memref<80xi32, #tpu.memory_space<vmem>>
      %dma_start3A_2369 = arith.constant 0 : i32
      %dma_start3A_2370 = arith.constant 0 : i32
      %dma_start3A_2371 = tpu.memref_slice %arg2[%dma_start3A_2369, %dma_start3A_2370] : memref<10240x128xf32, #tpu.memory_space<hbm>> -> memref<10240x128xf32, #tpu.memory_space<hbm>>
      tpu.enqueue_indirect_dma source(%dma_start3A_2371 : memref<10240x128xf32, #tpu.memory_space<hbm>>) target(%arg10 : memref<80x128xf32, #tpu.memory_space<vmem>>) offsets(%dma_start3A_2368 : memref<80xi32, #tpu.memory_space<vmem>>) semaphore(%arg16 : memref<!tpu.dma_semaphore, #tpu.memory_space<semaphore_mem>>)
      %dma_wait3A_2372 = arith.constant 3120 : i32
      %dma_wait3A_2373 = tpu.memref_slice %arg8[%dma_wait3A_2372] : memref<4000xi32, #tpu.memory_space<vmem>> -> memref<80xi32, #tpu.memory_space<vmem>>
      %dma_wait3A_2374 = arith.constant 0 : i32
      %dma_wait3A_2375 = arith.constant 0 : i32
      %dma_wait3A_2376 = tpu.memref_slice %arg2[%dma_wait3A_2374, %dma_wait3A_2375] : memref<10240x128xf32, #tpu.memory_space<hbm>> -> memref<10240x128xf32, #tpu.memory_space<hbm>>
      tpu.wait_indirect_dma semaphore(%arg17 : memref<!tpu.dma_semaphore, #tpu.memory_space<semaphore_mem>>) src(%dma_wait3A_2376 : memref<10240x128xf32, #tpu.memory_space<hbm>>) dst(%arg11 : memref<80x128xf32, #tpu.memory_space<vmem>>)
      %dma_start3A_2377 = arith.constant 3120 : i32
      %dma_start3A_2378 = tpu.memref_slice %arg9[%dma_start3A_2377] : memref<4000xi32, #tpu.memory_space<vmem>> -> memref<80xi32, #tpu.memory_space<vmem>>
      %dma_start3A_2379 = arith.constant 0 : i32
      %dma_start3A_2380 = arith.constant 0 : i32
      %dma_start3A_2381 = tpu.memref_slice %arg14[%dma_start3A_2379, %dma_start3A_2380] : memref<10240x128xf32, #tpu.memory_space<vmem_shared>> -> memref<10240x128xf32, #tpu.memory_space<vmem_shared>>
      tpu.enqueue_indirect_dma source(%arg11 : memref<80x128xf32, #tpu.memory_space<vmem>>) target(%dma_start3A_2381 : memref<10240x128xf32, #tpu.memory_space<vmem_shared>>) offsets(%dma_start3A_2378 : memref<80xi32, #tpu.memory_space<vmem>>) semaphore(%arg19 : memref<!tpu.dma_semaphore, #tpu.memory_space<semaphore_mem>>) {add = true}
      %get3A_2382 = arith.constant 3120 : index
      %get3A_2383 = tpu.vector_load %arg9[%get3A_2382] {strides = array<i32>} : memref<4000xi32, #tpu.memory_space<vmem>>, vector<16xi32>,
      %shift_right_logical3A_2384 = arith.constant 7 : i32
      %shift_right_logical3A_2385 = vector.broadcast %shift_right_logical3A_2384 : i32 to vector<16xi32>
      %shift_right_logical3A_2386 = arith.shrui %get3A_2383, %shift_right_logical3A_2385 : vector<16xi32>
      %and3A_2387 = arith.constant 127 : i32
      %and3A_2388 = vector.broadcast %and3A_2387 : i32 to vector<16xi32>
      %and3A_2389 = arith.andi %get3A_2383, %and3A_2388 : vector<16xi32>
      tpu.vector_store_idx %arg12[%shift_right_logical3A_2386, %and3A_2389], %broadcast_in_dim3A_13 {add = true} : memref<128x128xf32, #tpu.memory_space<vmem>>[vector<16xi32>, vector<16xi32>], vector<16xf32>,
      %get3A_2390 = arith.constant 3136 : index
      %get3A_2391 = tpu.vector_load %arg9[%get3A_2390] {strides = array<i32>} : memref<4000xi32, #tpu.memory_space<vmem>>, vector<16xi32>,
      %shift_right_logical3A_2392 = arith.constant 7 : i32
      %shift_right_logical3A_2393 = vector.broadcast %shift_right_logical3A_2392 : i32 to vector<16xi32>
      %shift_right_logical3A_2394 = arith.shrui %get3A_2391, %shift_right_logical3A_2393 : vector<16xi32>
      %and3A_2395 = arith.constant 127 : i32
      %and3A_2396 = vector.broadcast %and3A_2395 : i32 to vector<16xi32>
      %and3A_2397 = arith.andi %get3A_2391, %and3A_2396 : vector<16xi32>
      tpu.vector_store_idx %arg12[%shift_right_logical3A_2394, %and3A_2397], %broadcast_in_dim3A_13 {add = true} : memref<128x128xf32, #tpu.memory_space<vmem>>[vector<16xi32>, vector<16xi32>], vector<16xf32>,
      %get3A_2398 = arith.constant 3152 : index
      %get3A_2399 = tpu.vector_load %arg9[%get3A_2398] {strides = array<i32>} : memref<4000xi32, #tpu.memory_space<vmem>>, vector<16xi32>,
      %shift_right_logical3A_2400 = arith.constant 7 : i32
      %shift_right_logical3A_2401 = vector.broadcast %shift_right_logical3A_2400 : i32 to vector<16xi32>
      %shift_right_logical3A_2402 = arith.shrui %get3A_2399, %shift_right_logical3A_2401 : vector<16xi32>
      %and3A_2403 = arith.constant 127 : i32
      %and3A_2404 = vector.broadcast %and3A_2403 : i32 to vector<16xi32>
      %and3A_2405 = arith.andi %get3A_2399, %and3A_2404 : vector<16xi32>
      tpu.vector_store_idx %arg12[%shift_right_logical3A_2402, %and3A_2405], %broadcast_in_dim3A_13 {add = true} : memref<128x128xf32, #tpu.memory_space<vmem>>[vector<16xi32>, vector<16xi32>], vector<16xf32>,
      %get3A_2406 = arith.constant 3168 : index
      %get3A_2407 = tpu.vector_load %arg9[%get3A_2406] {strides = array<i32>} : memref<4000xi32, #tpu.memory_space<vmem>>, vector<16xi32>,
      %shift_right_logical3A_2408 = arith.constant 7 : i32
      %shift_right_logical3A_2409 = vector.broadcast %shift_right_logical3A_2408 : i32 to vector<16xi32>
      %shift_right_logical3A_2410 = arith.shrui %get3A_2407, %shift_right_logical3A_2409 : vector<16xi32>
      %and3A_2411 = arith.constant 127 : i32
      %and3A_2412 = vector.broadcast %and3A_2411 : i32 to vector<16xi32>
      %and3A_2413 = arith.andi %get3A_2407, %and3A_2412 : vector<16xi32>
      tpu.vector_store_idx %arg12[%shift_right_logical3A_2410, %and3A_2413], %broadcast_in_dim3A_13 {add = true} : memref<128x128xf32, #tpu.memory_space<vmem>>[vector<16xi32>, vector<16xi32>], vector<16xf32>,
      %get3A_2414 = arith.constant 3184 : index
      %get3A_2415 = tpu.vector_load %arg9[%get3A_2414] {strides = array<i32>} : memref<4000xi32, #tpu.memory_space<vmem>>, vector<16xi32>,
      %shift_right_logical3A_2416 = arith.constant 7 : i32
      %shift_right_logical3A_2417 = vector.broadcast %shift_right_logical3A_2416 : i32 to vector<16xi32>
      %shift_right_logical3A_2418 = arith.shrui %get3A_2415, %shift_right_logical3A_2417 : vector<16xi32>
      %and3A_2419 = arith.constant 127 : i32
      %and3A_2420 = vector.broadcast %and3A_2419 : i32 to vector<16xi32>
      %and3A_2421 = arith.andi %get3A_2415, %and3A_2420 : vector<16xi32>
      tpu.vector_store_idx %arg12[%shift_right_logical3A_2418, %and3A_2421], %broadcast_in_dim3A_13 {add = true} : memref<128x128xf32, #tpu.memory_space<vmem>>[vector<16xi32>, vector<16xi32>], vector<16xf32>,
      %dma_wait3A_2422 = arith.constant 3120 : i32
      %dma_wait3A_2423 = tpu.memref_slice %arg9[%dma_wait3A_2422] : memref<4000xi32, #tpu.memory_space<vmem>> -> memref<80xi32, #tpu.memory_space<vmem>>
      %dma_wait3A_2424 = arith.constant 0 : i32
      %dma_wait3A_2425 = arith.constant 0 : i32
      %dma_wait3A_2426 = tpu.memref_slice %arg14[%dma_wait3A_2424, %dma_wait3A_2425] : memref<10240x128xf32, #tpu.memory_space<vmem_shared>> -> memref<10240x128xf32, #tpu.memory_space<vmem_shared>>
      tpu.wait_indirect_dma semaphore(%arg19 : memref<!tpu.dma_semaphore, #tpu.memory_space<semaphore_mem>>) src(%arg11 : memref<80x128xf32, #tpu.memory_space<vmem>>) dst(%dma_wait3A_2426 : memref<10240x128xf32, #tpu.memory_space<vmem_shared>>)
      %dma_start3A_2427 = arith.constant 3280 : i32
      %dma_start3A_2428 = tpu.memref_slice %arg8[%dma_start3A_2427] : memref<4000xi32, #tpu.memory_space<vmem>> -> memref<80xi32, #tpu.memory_space<vmem>>
      %dma_start3A_2429 = arith.constant 0 : i32
      %dma_start3A_2430 = arith.constant 0 : i32
      %dma_start3A_2431 = tpu.memref_slice %arg2[%dma_start3A_2429, %dma_start3A_2430] : memref<10240x128xf32, #tpu.memory_space<hbm>> -> memref<10240x128xf32, #tpu.memory_space<hbm>>
      tpu.enqueue_indirect_dma source(%dma_start3A_2431 : memref<10240x128xf32, #tpu.memory_space<hbm>>) target(%arg11 : memref<80x128xf32, #tpu.memory_space<vmem>>) offsets(%dma_start3A_2428 : memref<80xi32, #tpu.memory_space<vmem>>) semaphore(%arg17 : memref<!tpu.dma_semaphore, #tpu.memory_space<semaphore_mem>>)
      %dma_wait3A_2432 = arith.constant 3200 : i32
      %dma_wait3A_2433 = tpu.memref_slice %arg8[%dma_wait3A_2432] : memref<4000xi32, #tpu.memory_space<vmem>> -> memref<80xi32, #tpu.memory_space<vmem>>
      %dma_wait3A_2434 = arith.constant 0 : i32
      %dma_wait3A_2435 = arith.constant 0 : i32
      %dma_wait3A_2436 = tpu.memref_slice %arg2[%dma_wait3A_2434, %dma_wait3A_2435] : memref<10240x128xf32, #tpu.memory_space<hbm>> -> memref<10240x128xf32, #tpu.memory_space<hbm>>
      tpu.wait_indirect_dma semaphore(%arg16 : memref<!tpu.dma_semaphore, #tpu.memory_space<semaphore_mem>>) src(%dma_wait3A_2436 : memref<10240x128xf32, #tpu.memory_space<hbm>>) dst(%arg10 : memref<80x128xf32, #tpu.memory_space<vmem>>)
      %dma_start3A_2437 = arith.constant 3200 : i32
      %dma_start3A_2438 = tpu.memref_slice %arg9[%dma_start3A_2437] : memref<4000xi32, #tpu.memory_space<vmem>> -> memref<80xi32, #tpu.memory_space<vmem>>
      %dma_start3A_2439 = arith.constant 0 : i32
      %dma_start3A_2440 = arith.constant 0 : i32
      %dma_start3A_2441 = tpu.memref_slice %arg14[%dma_start3A_2439, %dma_start3A_2440] : memref<10240x128xf32, #tpu.memory_space<vmem_shared>> -> memref<10240x128xf32, #tpu.memory_space<vmem_shared>>
      tpu.enqueue_indirect_dma source(%arg10 : memref<80x128xf32, #tpu.memory_space<vmem>>) target(%dma_start3A_2441 : memref<10240x128xf32, #tpu.memory_space<vmem_shared>>) offsets(%dma_start3A_2438 : memref<80xi32, #tpu.memory_space<vmem>>) semaphore(%arg18 : memref<!tpu.dma_semaphore, #tpu.memory_space<semaphore_mem>>) {add = true}
      %get3A_2442 = arith.constant 3200 : index
      %get3A_2443 = tpu.vector_load %arg9[%get3A_2442] {strides = array<i32>} : memref<4000xi32, #tpu.memory_space<vmem>>, vector<16xi32>,
      %shift_right_logical3A_2444 = arith.constant 7 : i32
      %shift_right_logical3A_2445 = vector.broadcast %shift_right_logical3A_2444 : i32 to vector<16xi32>
      %shift_right_logical3A_2446 = arith.shrui %get3A_2443, %shift_right_logical3A_2445 : vector<16xi32>
      %and3A_2447 = arith.constant 127 : i32
      %and3A_2448 = vector.broadcast %and3A_2447 : i32 to vector<16xi32>
      %and3A_2449 = arith.andi %get3A_2443, %and3A_2448 : vector<16xi32>
      tpu.vector_store_idx %arg12[%shift_right_logical3A_2446, %and3A_2449], %broadcast_in_dim3A_13 {add = true} : memref<128x128xf32, #tpu.memory_space<vmem>>[vector<16xi32>, vector<16xi32>], vector<16xf32>,
      %get3A_2450 = arith.constant 3216 : index
      %get3A_2451 = tpu.vector_load %arg9[%get3A_2450] {strides = array<i32>} : memref<4000xi32, #tpu.memory_space<vmem>>, vector<16xi32>,
      %shift_right_logical3A_2452 = arith.constant 7 : i32
      %shift_right_logical3A_2453 = vector.broadcast %shift_right_logical3A_2452 : i32 to vector<16xi32>
      %shift_right_logical3A_2454 = arith.shrui %get3A_2451, %shift_right_logical3A_2453 : vector<16xi32>
      %and3A_2455 = arith.constant 127 : i32
      %and3A_2456 = vector.broadcast %and3A_2455 : i32 to vector<16xi32>
      %and3A_2457 = arith.andi %get3A_2451, %and3A_2456 : vector<16xi32>
      tpu.vector_store_idx %arg12[%shift_right_logical3A_2454, %and3A_2457], %broadcast_in_dim3A_13 {add = true} : memref<128x128xf32, #tpu.memory_space<vmem>>[vector<16xi32>, vector<16xi32>], vector<16xf32>,
      %get3A_2458 = arith.constant 3232 : index
      %get3A_2459 = tpu.vector_load %arg9[%get3A_2458] {strides = array<i32>} : memref<4000xi32, #tpu.memory_space<vmem>>, vector<16xi32>,
      %shift_right_logical3A_2460 = arith.constant 7 : i32
      %shift_right_logical3A_2461 = vector.broadcast %shift_right_logical3A_2460 : i32 to vector<16xi32>
      %shift_right_logical3A_2462 = arith.shrui %get3A_2459, %shift_right_logical3A_2461 : vector<16xi32>
      %and3A_2463 = arith.constant 127 : i32
      %and3A_2464 = vector.broadcast %and3A_2463 : i32 to vector<16xi32>
      %and3A_2465 = arith.andi %get3A_2459, %and3A_2464 : vector<16xi32>
      tpu.vector_store_idx %arg12[%shift_right_logical3A_2462, %and3A_2465], %broadcast_in_dim3A_13 {add = true} : memref<128x128xf32, #tpu.memory_space<vmem>>[vector<16xi32>, vector<16xi32>], vector<16xf32>,
      %get3A_2466 = arith.constant 3248 : index
      %get3A_2467 = tpu.vector_load %arg9[%get3A_2466] {strides = array<i32>} : memref<4000xi32, #tpu.memory_space<vmem>>, vector<16xi32>,
      %shift_right_logical3A_2468 = arith.constant 7 : i32
      %shift_right_logical3A_2469 = vector.broadcast %shift_right_logical3A_2468 : i32 to vector<16xi32>
      %shift_right_logical3A_2470 = arith.shrui %get3A_2467, %shift_right_logical3A_2469 : vector<16xi32>
      %and3A_2471 = arith.constant 127 : i32
      %and3A_2472 = vector.broadcast %and3A_2471 : i32 to vector<16xi32>
      %and3A_2473 = arith.andi %get3A_2467, %and3A_2472 : vector<16xi32>
      tpu.vector_store_idx %arg12[%shift_right_logical3A_2470, %and3A_2473], %broadcast_in_dim3A_13 {add = true} : memref<128x128xf32, #tpu.memory_space<vmem>>[vector<16xi32>, vector<16xi32>], vector<16xf32>,
      %get3A_2474 = arith.constant 3264 : index
      %get3A_2475 = tpu.vector_load %arg9[%get3A_2474] {strides = array<i32>} : memref<4000xi32, #tpu.memory_space<vmem>>, vector<16xi32>,
      %shift_right_logical3A_2476 = arith.constant 7 : i32
      %shift_right_logical3A_2477 = vector.broadcast %shift_right_logical3A_2476 : i32 to vector<16xi32>
      %shift_right_logical3A_2478 = arith.shrui %get3A_2475, %shift_right_logical3A_2477 : vector<16xi32>
      %and3A_2479 = arith.constant 127 : i32
      %and3A_2480 = vector.broadcast %and3A_2479 : i32 to vector<16xi32>
      %and3A_2481 = arith.andi %get3A_2475, %and3A_2480 : vector<16xi32>
      tpu.vector_store_idx %arg12[%shift_right_logical3A_2478, %and3A_2481], %broadcast_in_dim3A_13 {add = true} : memref<128x128xf32, #tpu.memory_space<vmem>>[vector<16xi32>, vector<16xi32>], vector<16xf32>,
      %dma_wait3A_2482 = arith.constant 3200 : i32
      %dma_wait3A_2483 = tpu.memref_slice %arg9[%dma_wait3A_2482] : memref<4000xi32, #tpu.memory_space<vmem>> -> memref<80xi32, #tpu.memory_space<vmem>>
      %dma_wait3A_2484 = arith.constant 0 : i32
      %dma_wait3A_2485 = arith.constant 0 : i32
      %dma_wait3A_2486 = tpu.memref_slice %arg14[%dma_wait3A_2484, %dma_wait3A_2485] : memref<10240x128xf32, #tpu.memory_space<vmem_shared>> -> memref<10240x128xf32, #tpu.memory_space<vmem_shared>>
      tpu.wait_indirect_dma semaphore(%arg18 : memref<!tpu.dma_semaphore, #tpu.memory_space<semaphore_mem>>) src(%arg10 : memref<80x128xf32, #tpu.memory_space<vmem>>) dst(%dma_wait3A_2486 : memref<10240x128xf32, #tpu.memory_space<vmem_shared>>)
      %dma_start3A_2487 = arith.constant 3360 : i32
      %dma_start3A_2488 = tpu.memref_slice %arg8[%dma_start3A_2487] : memref<4000xi32, #tpu.memory_space<vmem>> -> memref<80xi32, #tpu.memory_space<vmem>>
      %dma_start3A_2489 = arith.constant 0 : i32
      %dma_start3A_2490 = arith.constant 0 : i32
      %dma_start3A_2491 = tpu.memref_slice %arg2[%dma_start3A_2489, %dma_start3A_2490] : memref<10240x128xf32, #tpu.memory_space<hbm>> -> memref<10240x128xf32, #tpu.memory_space<hbm>>
      tpu.enqueue_indirect_dma source(%dma_start3A_2491 : memref<10240x128xf32, #tpu.memory_space<hbm>>) target(%arg10 : memref<80x128xf32, #tpu.memory_space<vmem>>) offsets(%dma_start3A_2488 : memref<80xi32, #tpu.memory_space<vmem>>) semaphore(%arg16 : memref<!tpu.dma_semaphore, #tpu.memory_space<semaphore_mem>>)
      %dma_wait3A_2492 = arith.constant 3280 : i32
      %dma_wait3A_2493 = tpu.memref_slice %arg8[%dma_wait3A_2492] : memref<4000xi32, #tpu.memory_space<vmem>> -> memref<80xi32, #tpu.memory_space<vmem>>
      %dma_wait3A_2494 = arith.constant 0 : i32
      %dma_wait3A_2495 = arith.constant 0 : i32
      %dma_wait3A_2496 = tpu.memref_slice %arg2[%dma_wait3A_2494, %dma_wait3A_2495] : memref<10240x128xf32, #tpu.memory_space<hbm>> -> memref<10240x128xf32, #tpu.memory_space<hbm>>
      tpu.wait_indirect_dma semaphore(%arg17 : memref<!tpu.dma_semaphore, #tpu.memory_space<semaphore_mem>>) src(%dma_wait3A_2496 : memref<10240x128xf32, #tpu.memory_space<hbm>>) dst(%arg11 : memref<80x128xf32, #tpu.memory_space<vmem>>)
      %dma_start3A_2497 = arith.constant 3280 : i32
      %dma_start3A_2498 = tpu.memref_slice %arg9[%dma_start3A_2497] : memref<4000xi32, #tpu.memory_space<vmem>> -> memref<80xi32, #tpu.memory_space<vmem>>
      %dma_start3A_2499 = arith.constant 0 : i32
      %dma_start3A_2500 = arith.constant 0 : i32
      %dma_start3A_2501 = tpu.memref_slice %arg14[%dma_start3A_2499, %dma_start3A_2500] : memref<10240x128xf32, #tpu.memory_space<vmem_shared>> -> memref<10240x128xf32, #tpu.memory_space<vmem_shared>>
      tpu.enqueue_indirect_dma source(%arg11 : memref<80x128xf32, #tpu.memory_space<vmem>>) target(%dma_start3A_2501 : memref<10240x128xf32, #tpu.memory_space<vmem_shared>>) offsets(%dma_start3A_2498 : memref<80xi32, #tpu.memory_space<vmem>>) semaphore(%arg19 : memref<!tpu.dma_semaphore, #tpu.memory_space<semaphore_mem>>) {add = true}
      %get3A_2502 = arith.constant 3280 : index
      %get3A_2503 = tpu.vector_load %arg9[%get3A_2502] {strides = array<i32>} : memref<4000xi32, #tpu.memory_space<vmem>>, vector<16xi32>,
      %shift_right_logical3A_2504 = arith.constant 7 : i32
      %shift_right_logical3A_2505 = vector.broadcast %shift_right_logical3A_2504 : i32 to vector<16xi32>
      %shift_right_logical3A_2506 = arith.shrui %get3A_2503, %shift_right_logical3A_2505 : vector<16xi32>
      %and3A_2507 = arith.constant 127 : i32
      %and3A_2508 = vector.broadcast %and3A_2507 : i32 to vector<16xi32>
      %and3A_2509 = arith.andi %get3A_2503, %and3A_2508 : vector<16xi32>
      tpu.vector_store_idx %arg12[%shift_right_logical3A_2506, %and3A_2509], %broadcast_in_dim3A_13 {add = true} : memref<128x128xf32, #tpu.memory_space<vmem>>[vector<16xi32>, vector<16xi32>], vector<16xf32>,
      %get3A_2510 = arith.constant 3296 : index
      %get3A_2511 = tpu.vector_load %arg9[%get3A_2510] {strides = array<i32>} : memref<4000xi32, #tpu.memory_space<vmem>>, vector<16xi32>,
      %shift_right_logical3A_2512 = arith.constant 7 : i32
      %shift_right_logical3A_2513 = vector.broadcast %shift_right_logical3A_2512 : i32 to vector<16xi32>
      %shift_right_logical3A_2514 = arith.shrui %get3A_2511, %shift_right_logical3A_2513 : vector<16xi32>
      %and3A_2515 = arith.constant 127 : i32
      %and3A_2516 = vector.broadcast %and3A_2515 : i32 to vector<16xi32>
      %and3A_2517 = arith.andi %get3A_2511, %and3A_2516 : vector<16xi32>
      tpu.vector_store_idx %arg12[%shift_right_logical3A_2514, %and3A_2517], %broadcast_in_dim3A_13 {add = true} : memref<128x128xf32, #tpu.memory_space<vmem>>[vector<16xi32>, vector<16xi32>], vector<16xf32>,
      %get3A_2518 = arith.constant 3312 : index
      %get3A_2519 = tpu.vector_load %arg9[%get3A_2518] {strides = array<i32>} : memref<4000xi32, #tpu.memory_space<vmem>>, vector<16xi32>,
      %shift_right_logical3A_2520 = arith.constant 7 : i32
      %shift_right_logical3A_2521 = vector.broadcast %shift_right_logical3A_2520 : i32 to vector<16xi32>
      %shift_right_logical3A_2522 = arith.shrui %get3A_2519, %shift_right_logical3A_2521 : vector<16xi32>
      %and3A_2523 = arith.constant 127 : i32
      %and3A_2524 = vector.broadcast %and3A_2523 : i32 to vector<16xi32>
      %and3A_2525 = arith.andi %get3A_2519, %and3A_2524 : vector<16xi32>
      tpu.vector_store_idx %arg12[%shift_right_logical3A_2522, %and3A_2525], %broadcast_in_dim3A_13 {add = true} : memref<128x128xf32, #tpu.memory_space<vmem>>[vector<16xi32>, vector<16xi32>], vector<16xf32>,
      %get3A_2526 = arith.constant 3328 : index
      %get3A_2527 = tpu.vector_load %arg9[%get3A_2526] {strides = array<i32>} : memref<4000xi32, #tpu.memory_space<vmem>>, vector<16xi32>,
      %shift_right_logical3A_2528 = arith.constant 7 : i32
      %shift_right_logical3A_2529 = vector.broadcast %shift_right_logical3A_2528 : i32 to vector<16xi32>
      %shift_right_logical3A_2530 = arith.shrui %get3A_2527, %shift_right_logical3A_2529 : vector<16xi32>
      %and3A_2531 = arith.constant 127 : i32
      %and3A_2532 = vector.broadcast %and3A_2531 : i32 to vector<16xi32>
      %and3A_2533 = arith.andi %get3A_2527, %and3A_2532 : vector<16xi32>
      tpu.vector_store_idx %arg12[%shift_right_logical3A_2530, %and3A_2533], %broadcast_in_dim3A_13 {add = true} : memref<128x128xf32, #tpu.memory_space<vmem>>[vector<16xi32>, vector<16xi32>], vector<16xf32>,
      %get3A_2534 = arith.constant 3344 : index
      %get3A_2535 = tpu.vector_load %arg9[%get3A_2534] {strides = array<i32>} : memref<4000xi32, #tpu.memory_space<vmem>>, vector<16xi32>,
      %shift_right_logical3A_2536 = arith.constant 7 : i32
      %shift_right_logical3A_2537 = vector.broadcast %shift_right_logical3A_2536 : i32 to vector<16xi32>
      %shift_right_logical3A_2538 = arith.shrui %get3A_2535, %shift_right_logical3A_2537 : vector<16xi32>
      %and3A_2539 = arith.constant 127 : i32
      %and3A_2540 = vector.broadcast %and3A_2539 : i32 to vector<16xi32>
      %and3A_2541 = arith.andi %get3A_2535, %and3A_2540 : vector<16xi32>
      tpu.vector_store_idx %arg12[%shift_right_logical3A_2538, %and3A_2541], %broadcast_in_dim3A_13 {add = true} : memref<128x128xf32, #tpu.memory_space<vmem>>[vector<16xi32>, vector<16xi32>], vector<16xf32>,
      %dma_wait3A_2542 = arith.constant 3280 : i32
      %dma_wait3A_2543 = tpu.memref_slice %arg9[%dma_wait3A_2542] : memref<4000xi32, #tpu.memory_space<vmem>> -> memref<80xi32, #tpu.memory_space<vmem>>
      %dma_wait3A_2544 = arith.constant 0 : i32
      %dma_wait3A_2545 = arith.constant 0 : i32
      %dma_wait3A_2546 = tpu.memref_slice %arg14[%dma_wait3A_2544, %dma_wait3A_2545] : memref<10240x128xf32, #tpu.memory_space<vmem_shared>> -> memref<10240x128xf32, #tpu.memory_space<vmem_shared>>
      tpu.wait_indirect_dma semaphore(%arg19 : memref<!tpu.dma_semaphore, #tpu.memory_space<semaphore_mem>>) src(%arg11 : memref<80x128xf32, #tpu.memory_space<vmem>>) dst(%dma_wait3A_2546 : memref<10240x128xf32, #tpu.memory_space<vmem_shared>>)
      %dma_start3A_2547 = arith.constant 3440 : i32
      %dma_start3A_2548 = tpu.memref_slice %arg8[%dma_start3A_2547] : memref<4000xi32, #tpu.memory_space<vmem>> -> memref<80xi32, #tpu.memory_space<vmem>>
      %dma_start3A_2549 = arith.constant 0 : i32
      %dma_start3A_2550 = arith.constant 0 : i32
      %dma_start3A_2551 = tpu.memref_slice %arg2[%dma_start3A_2549, %dma_start3A_2550] : memref<10240x128xf32, #tpu.memory_space<hbm>> -> memref<10240x128xf32, #tpu.memory_space<hbm>>
      tpu.enqueue_indirect_dma source(%dma_start3A_2551 : memref<10240x128xf32, #tpu.memory_space<hbm>>) target(%arg11 : memref<80x128xf32, #tpu.memory_space<vmem>>) offsets(%dma_start3A_2548 : memref<80xi32, #tpu.memory_space<vmem>>) semaphore(%arg17 : memref<!tpu.dma_semaphore, #tpu.memory_space<semaphore_mem>>)
      %dma_wait3A_2552 = arith.constant 3360 : i32
      %dma_wait3A_2553 = tpu.memref_slice %arg8[%dma_wait3A_2552] : memref<4000xi32, #tpu.memory_space<vmem>> -> memref<80xi32, #tpu.memory_space<vmem>>
      %dma_wait3A_2554 = arith.constant 0 : i32
      %dma_wait3A_2555 = arith.constant 0 : i32
      %dma_wait3A_2556 = tpu.memref_slice %arg2[%dma_wait3A_2554, %dma_wait3A_2555] : memref<10240x128xf32, #tpu.memory_space<hbm>> -> memref<10240x128xf32, #tpu.memory_space<hbm>>
      tpu.wait_indirect_dma semaphore(%arg16 : memref<!tpu.dma_semaphore, #tpu.memory_space<semaphore_mem>>) src(%dma_wait3A_2556 : memref<10240x128xf32, #tpu.memory_space<hbm>>) dst(%arg10 : memref<80x128xf32, #tpu.memory_space<vmem>>)
      %dma_start3A_2557 = arith.constant 3360 : i32
      %dma_start3A_2558 = tpu.memref_slice %arg9[%dma_start3A_2557] : memref<4000xi32, #tpu.memory_space<vmem>> -> memref<80xi32, #tpu.memory_space<vmem>>
      %dma_start3A_2559 = arith.constant 0 : i32
      %dma_start3A_2560 = arith.constant 0 : i32
      %dma_start3A_2561 = tpu.memref_slice %arg14[%dma_start3A_2559, %dma_start3A_2560] : memref<10240x128xf32, #tpu.memory_space<vmem_shared>> -> memref<10240x128xf32, #tpu.memory_space<vmem_shared>>
      tpu.enqueue_indirect_dma source(%arg10 : memref<80x128xf32, #tpu.memory_space<vmem>>) target(%dma_start3A_2561 : memref<10240x128xf32, #tpu.memory_space<vmem_shared>>) offsets(%dma_start3A_2558 : memref<80xi32, #tpu.memory_space<vmem>>) semaphore(%arg18 : memref<!tpu.dma_semaphore, #tpu.memory_space<semaphore_mem>>) {add = true}
      %get3A_2562 = arith.constant 3360 : index
      %get3A_2563 = tpu.vector_load %arg9[%get3A_2562] {strides = array<i32>} : memref<4000xi32, #tpu.memory_space<vmem>>, vector<16xi32>,
      %shift_right_logical3A_2564 = arith.constant 7 : i32
      %shift_right_logical3A_2565 = vector.broadcast %shift_right_logical3A_2564 : i32 to vector<16xi32>
      %shift_right_logical3A_2566 = arith.shrui %get3A_2563, %shift_right_logical3A_2565 : vector<16xi32>
      %and3A_2567 = arith.constant 127 : i32
      %and3A_2568 = vector.broadcast %and3A_2567 : i32 to vector<16xi32>
      %and3A_2569 = arith.andi %get3A_2563, %and3A_2568 : vector<16xi32>
      tpu.vector_store_idx %arg12[%shift_right_logical3A_2566, %and3A_2569], %broadcast_in_dim3A_13 {add = true} : memref<128x128xf32, #tpu.memory_space<vmem>>[vector<16xi32>, vector<16xi32>], vector<16xf32>,
      %get3A_2570 = arith.constant 3376 : index
      %get3A_2571 = tpu.vector_load %arg9[%get3A_2570] {strides = array<i32>} : memref<4000xi32, #tpu.memory_space<vmem>>, vector<16xi32>,
      %shift_right_logical3A_2572 = arith.constant 7 : i32
      %shift_right_logical3A_2573 = vector.broadcast %shift_right_logical3A_2572 : i32 to vector<16xi32>
      %shift_right_logical3A_2574 = arith.shrui %get3A_2571, %shift_right_logical3A_2573 : vector<16xi32>
      %and3A_2575 = arith.constant 127 : i32
      %and3A_2576 = vector.broadcast %and3A_2575 : i32 to vector<16xi32>
      %and3A_2577 = arith.andi %get3A_2571, %and3A_2576 : vector<16xi32>
      tpu.vector_store_idx %arg12[%shift_right_logical3A_2574, %and3A_2577], %broadcast_in_dim3A_13 {add = true} : memref<128x128xf32, #tpu.memory_space<vmem>>[vector<16xi32>, vector<16xi32>], vector<16xf32>,
      %get3A_2578 = arith.constant 3392 : index
      %get3A_2579 = tpu.vector_load %arg9[%get3A_2578] {strides = array<i32>} : memref<4000xi32, #tpu.memory_space<vmem>>, vector<16xi32>,
      %shift_right_logical3A_2580 = arith.constant 7 : i32
      %shift_right_logical3A_2581 = vector.broadcast %shift_right_logical3A_2580 : i32 to vector<16xi32>
      %shift_right_logical3A_2582 = arith.shrui %get3A_2579, %shift_right_logical3A_2581 : vector<16xi32>
      %and3A_2583 = arith.constant 127 : i32
      %and3A_2584 = vector.broadcast %and3A_2583 : i32 to vector<16xi32>
      %and3A_2585 = arith.andi %get3A_2579, %and3A_2584 : vector<16xi32>
      tpu.vector_store_idx %arg12[%shift_right_logical3A_2582, %and3A_2585], %broadcast_in_dim3A_13 {add = true} : memref<128x128xf32, #tpu.memory_space<vmem>>[vector<16xi32>, vector<16xi32>], vector<16xf32>,
      %get3A_2586 = arith.constant 3408 : index
      %get3A_2587 = tpu.vector_load %arg9[%get3A_2586] {strides = array<i32>} : memref<4000xi32, #tpu.memory_space<vmem>>, vector<16xi32>,
      %shift_right_logical3A_2588 = arith.constant 7 : i32
      %shift_right_logical3A_2589 = vector.broadcast %shift_right_logical3A_2588 : i32 to vector<16xi32>
      %shift_right_logical3A_2590 = arith.shrui %get3A_2587, %shift_right_logical3A_2589 : vector<16xi32>
      %and3A_2591 = arith.constant 127 : i32
      %and3A_2592 = vector.broadcast %and3A_2591 : i32 to vector<16xi32>
      %and3A_2593 = arith.andi %get3A_2587, %and3A_2592 : vector<16xi32>
      tpu.vector_store_idx %arg12[%shift_right_logical3A_2590, %and3A_2593], %broadcast_in_dim3A_13 {add = true} : memref<128x128xf32, #tpu.memory_space<vmem>>[vector<16xi32>, vector<16xi32>], vector<16xf32>,
      %get3A_2594 = arith.constant 3424 : index
      %get3A_2595 = tpu.vector_load %arg9[%get3A_2594] {strides = array<i32>} : memref<4000xi32, #tpu.memory_space<vmem>>, vector<16xi32>,
      %shift_right_logical3A_2596 = arith.constant 7 : i32
      %shift_right_logical3A_2597 = vector.broadcast %shift_right_logical3A_2596 : i32 to vector<16xi32>
      %shift_right_logical3A_2598 = arith.shrui %get3A_2595, %shift_right_logical3A_2597 : vector<16xi32>
      %and3A_2599 = arith.constant 127 : i32
      %and3A_2600 = vector.broadcast %and3A_2599 : i32 to vector<16xi32>
      %and3A_2601 = arith.andi %get3A_2595, %and3A_2600 : vector<16xi32>
      tpu.vector_store_idx %arg12[%shift_right_logical3A_2598, %and3A_2601], %broadcast_in_dim3A_13 {add = true} : memref<128x128xf32, #tpu.memory_space<vmem>>[vector<16xi32>, vector<16xi32>], vector<16xf32>,
      %dma_wait3A_2602 = arith.constant 3360 : i32
      %dma_wait3A_2603 = tpu.memref_slice %arg9[%dma_wait3A_2602] : memref<4000xi32, #tpu.memory_space<vmem>> -> memref<80xi32, #tpu.memory_space<vmem>>
      %dma_wait3A_2604 = arith.constant 0 : i32
      %dma_wait3A_2605 = arith.constant 0 : i32
      %dma_wait3A_2606 = tpu.memref_slice %arg14[%dma_wait3A_2604, %dma_wait3A_2605] : memref<10240x128xf32, #tpu.memory_space<vmem_shared>> -> memref<10240x128xf32, #tpu.memory_space<vmem_shared>>
      tpu.wait_indirect_dma semaphore(%arg18 : memref<!tpu.dma_semaphore, #tpu.memory_space<semaphore_mem>>) src(%arg10 : memref<80x128xf32, #tpu.memory_space<vmem>>) dst(%dma_wait3A_2606 : memref<10240x128xf32, #tpu.memory_space<vmem_shared>>)
      %dma_start3A_2607 = arith.constant 3520 : i32
      %dma_start3A_2608 = tpu.memref_slice %arg8[%dma_start3A_2607] : memref<4000xi32, #tpu.memory_space<vmem>> -> memref<80xi32, #tpu.memory_space<vmem>>
      %dma_start3A_2609 = arith.constant 0 : i32
      %dma_start3A_2610 = arith.constant 0 : i32
      %dma_start3A_2611 = tpu.memref_slice %arg2[%dma_start3A_2609, %dma_start3A_2610] : memref<10240x128xf32, #tpu.memory_space<hbm>> -> memref<10240x128xf32, #tpu.memory_space<hbm>>
      tpu.enqueue_indirect_dma source(%dma_start3A_2611 : memref<10240x128xf32, #tpu.memory_space<hbm>>) target(%arg10 : memref<80x128xf32, #tpu.memory_space<vmem>>) offsets(%dma_start3A_2608 : memref<80xi32, #tpu.memory_space<vmem>>) semaphore(%arg16 : memref<!tpu.dma_semaphore, #tpu.memory_space<semaphore_mem>>)
      %dma_wait3A_2612 = arith.constant 3440 : i32
      %dma_wait3A_2613 = tpu.memref_slice %arg8[%dma_wait3A_2612] : memref<4000xi32, #tpu.memory_space<vmem>> -> memref<80xi32, #tpu.memory_space<vmem>>
      %dma_wait3A_2614 = arith.constant 0 : i32
      %dma_wait3A_2615 = arith.constant 0 : i32
      %dma_wait3A_2616 = tpu.memref_slice %arg2[%dma_wait3A_2614, %dma_wait3A_2615] : memref<10240x128xf32, #tpu.memory_space<hbm>> -> memref<10240x128xf32, #tpu.memory_space<hbm>>
      tpu.wait_indirect_dma semaphore(%arg17 : memref<!tpu.dma_semaphore, #tpu.memory_space<semaphore_mem>>) src(%dma_wait3A_2616 : memref<10240x128xf32, #tpu.memory_space<hbm>>) dst(%arg11 : memref<80x128xf32, #tpu.memory_space<vmem>>)
      %dma_start3A_2617 = arith.constant 3440 : i32
      %dma_start3A_2618 = tpu.memref_slice %arg9[%dma_start3A_2617] : memref<4000xi32, #tpu.memory_space<vmem>> -> memref<80xi32, #tpu.memory_space<vmem>>
      %dma_start3A_2619 = arith.constant 0 : i32
      %dma_start3A_2620 = arith.constant 0 : i32
      %dma_start3A_2621 = tpu.memref_slice %arg14[%dma_start3A_2619, %dma_start3A_2620] : memref<10240x128xf32, #tpu.memory_space<vmem_shared>> -> memref<10240x128xf32, #tpu.memory_space<vmem_shared>>
      tpu.enqueue_indirect_dma source(%arg11 : memref<80x128xf32, #tpu.memory_space<vmem>>) target(%dma_start3A_2621 : memref<10240x128xf32, #tpu.memory_space<vmem_shared>>) offsets(%dma_start3A_2618 : memref<80xi32, #tpu.memory_space<vmem>>) semaphore(%arg19 : memref<!tpu.dma_semaphore, #tpu.memory_space<semaphore_mem>>) {add = true}
      %get3A_2622 = arith.constant 3440 : index
      %get3A_2623 = tpu.vector_load %arg9[%get3A_2622] {strides = array<i32>} : memref<4000xi32, #tpu.memory_space<vmem>>, vector<16xi32>,
      %shift_right_logical3A_2624 = arith.constant 7 : i32
      %shift_right_logical3A_2625 = vector.broadcast %shift_right_logical3A_2624 : i32 to vector<16xi32>
      %shift_right_logical3A_2626 = arith.shrui %get3A_2623, %shift_right_logical3A_2625 : vector<16xi32>
      %and3A_2627 = arith.constant 127 : i32
      %and3A_2628 = vector.broadcast %and3A_2627 : i32 to vector<16xi32>
      %and3A_2629 = arith.andi %get3A_2623, %and3A_2628 : vector<16xi32>
      tpu.vector_store_idx %arg12[%shift_right_logical3A_2626, %and3A_2629], %broadcast_in_dim3A_13 {add = true} : memref<128x128xf32, #tpu.memory_space<vmem>>[vector<16xi32>, vector<16xi32>], vector<16xf32>,
      %get3A_2630 = arith.constant 3456 : index
      %get3A_2631 = tpu.vector_load %arg9[%get3A_2630] {strides = array<i32>} : memref<4000xi32, #tpu.memory_space<vmem>>, vector<16xi32>,
      %shift_right_logical3A_2632 = arith.constant 7 : i32
      %shift_right_logical3A_2633 = vector.broadcast %shift_right_logical3A_2632 : i32 to vector<16xi32>
      %shift_right_logical3A_2634 = arith.shrui %get3A_2631, %shift_right_logical3A_2633 : vector<16xi32>
      %and3A_2635 = arith.constant 127 : i32
      %and3A_2636 = vector.broadcast %and3A_2635 : i32 to vector<16xi32>
      %and3A_2637 = arith.andi %get3A_2631, %and3A_2636 : vector<16xi32>
      tpu.vector_store_idx %arg12[%shift_right_logical3A_2634, %and3A_2637], %broadcast_in_dim3A_13 {add = true} : memref<128x128xf32, #tpu.memory_space<vmem>>[vector<16xi32>, vector<16xi32>], vector<16xf32>,
      %get3A_2638 = arith.constant 3472 : index
      %get3A_2639 = tpu.vector_load %arg9[%get3A_2638] {strides = array<i32>} : memref<4000xi32, #tpu.memory_space<vmem>>, vector<16xi32>,
      %shift_right_logical3A_2640 = arith.constant 7 : i32
      %shift_right_logical3A_2641 = vector.broadcast %shift_right_logical3A_2640 : i32 to vector<16xi32>
      %shift_right_logical3A_2642 = arith.shrui %get3A_2639, %shift_right_logical3A_2641 : vector<16xi32>
      %and3A_2643 = arith.constant 127 : i32
      %and3A_2644 = vector.broadcast %and3A_2643 : i32 to vector<16xi32>
      %and3A_2645 = arith.andi %get3A_2639, %and3A_2644 : vector<16xi32>
      tpu.vector_store_idx %arg12[%shift_right_logical3A_2642, %and3A_2645], %broadcast_in_dim3A_13 {add = true} : memref<128x128xf32, #tpu.memory_space<vmem>>[vector<16xi32>, vector<16xi32>], vector<16xf32>,
      %get3A_2646 = arith.constant 3488 : index
      %get3A_2647 = tpu.vector_load %arg9[%get3A_2646] {strides = array<i32>} : memref<4000xi32, #tpu.memory_space<vmem>>, vector<16xi32>,
      %shift_right_logical3A_2648 = arith.constant 7 : i32
      %shift_right_logical3A_2649 = vector.broadcast %shift_right_logical3A_2648 : i32 to vector<16xi32>
      %shift_right_logical3A_2650 = arith.shrui %get3A_2647, %shift_right_logical3A_2649 : vector<16xi32>
      %and3A_2651 = arith.constant 127 : i32
      %and3A_2652 = vector.broadcast %and3A_2651 : i32 to vector<16xi32>
      %and3A_2653 = arith.andi %get3A_2647, %and3A_2652 : vector<16xi32>
      tpu.vector_store_idx %arg12[%shift_right_logical3A_2650, %and3A_2653], %broadcast_in_dim3A_13 {add = true} : memref<128x128xf32, #tpu.memory_space<vmem>>[vector<16xi32>, vector<16xi32>], vector<16xf32>,
      %get3A_2654 = arith.constant 3504 : index
      %get3A_2655 = tpu.vector_load %arg9[%get3A_2654] {strides = array<i32>} : memref<4000xi32, #tpu.memory_space<vmem>>, vector<16xi32>,
      %shift_right_logical3A_2656 = arith.constant 7 : i32
      %shift_right_logical3A_2657 = vector.broadcast %shift_right_logical3A_2656 : i32 to vector<16xi32>
      %shift_right_logical3A_2658 = arith.shrui %get3A_2655, %shift_right_logical3A_2657 : vector<16xi32>
      %and3A_2659 = arith.constant 127 : i32
      %and3A_2660 = vector.broadcast %and3A_2659 : i32 to vector<16xi32>
      %and3A_2661 = arith.andi %get3A_2655, %and3A_2660 : vector<16xi32>
      tpu.vector_store_idx %arg12[%shift_right_logical3A_2658, %and3A_2661], %broadcast_in_dim3A_13 {add = true} : memref<128x128xf32, #tpu.memory_space<vmem>>[vector<16xi32>, vector<16xi32>], vector<16xf32>,
      %dma_wait3A_2662 = arith.constant 3440 : i32
      %dma_wait3A_2663 = tpu.memref_slice %arg9[%dma_wait3A_2662] : memref<4000xi32, #tpu.memory_space<vmem>> -> memref<80xi32, #tpu.memory_space<vmem>>
      %dma_wait3A_2664 = arith.constant 0 : i32
      %dma_wait3A_2665 = arith.constant 0 : i32
      %dma_wait3A_2666 = tpu.memref_slice %arg14[%dma_wait3A_2664, %dma_wait3A_2665] : memref<10240x128xf32, #tpu.memory_space<vmem_shared>> -> memref<10240x128xf32, #tpu.memory_space<vmem_shared>>
      tpu.wait_indirect_dma semaphore(%arg19 : memref<!tpu.dma_semaphore, #tpu.memory_space<semaphore_mem>>) src(%arg11 : memref<80x128xf32, #tpu.memory_space<vmem>>) dst(%dma_wait3A_2666 : memref<10240x128xf32, #tpu.memory_space<vmem_shared>>)
      %dma_start3A_2667 = arith.constant 3600 : i32
      %dma_start3A_2668 = tpu.memref_slice %arg8[%dma_start3A_2667] : memref<4000xi32, #tpu.memory_space<vmem>> -> memref<80xi32, #tpu.memory_space<vmem>>
      %dma_start3A_2669 = arith.constant 0 : i32
      %dma_start3A_2670 = arith.constant 0 : i32
      %dma_start3A_2671 = tpu.memref_slice %arg2[%dma_start3A_2669, %dma_start3A_2670] : memref<10240x128xf32, #tpu.memory_space<hbm>> -> memref<10240x128xf32, #tpu.memory_space<hbm>>
      tpu.enqueue_indirect_dma source(%dma_start3A_2671 : memref<10240x128xf32, #tpu.memory_space<hbm>>) target(%arg11 : memref<80x128xf32, #tpu.memory_space<vmem>>) offsets(%dma_start3A_2668 : memref<80xi32, #tpu.memory_space<vmem>>) semaphore(%arg17 : memref<!tpu.dma_semaphore, #tpu.memory_space<semaphore_mem>>)
      %dma_wait3A_2672 = arith.constant 3520 : i32
      %dma_wait3A_2673 = tpu.memref_slice %arg8[%dma_wait3A_2672] : memref<4000xi32, #tpu.memory_space<vmem>> -> memref<80xi32, #tpu.memory_space<vmem>>
      %dma_wait3A_2674 = arith.constant 0 : i32
      %dma_wait3A_2675 = arith.constant 0 : i32
      %dma_wait3A_2676 = tpu.memref_slice %arg2[%dma_wait3A_2674, %dma_wait3A_2675] : memref<10240x128xf32, #tpu.memory_space<hbm>> -> memref<10240x128xf32, #tpu.memory_space<hbm>>
      tpu.wait_indirect_dma semaphore(%arg16 : memref<!tpu.dma_semaphore, #tpu.memory_space<semaphore_mem>>) src(%dma_wait3A_2676 : memref<10240x128xf32, #tpu.memory_space<hbm>>) dst(%arg10 : memref<80x128xf32, #tpu.memory_space<vmem>>)
      %dma_start3A_2677 = arith.constant 3520 : i32
      %dma_start3A_2678 = tpu.memref_slice %arg9[%dma_start3A_2677] : memref<4000xi32, #tpu.memory_space<vmem>> -> memref<80xi32, #tpu.memory_space<vmem>>
      %dma_start3A_2679 = arith.constant 0 : i32
      %dma_start3A_2680 = arith.constant 0 : i32
      %dma_start3A_2681 = tpu.memref_slice %arg14[%dma_start3A_2679, %dma_start3A_2680] : memref<10240x128xf32, #tpu.memory_space<vmem_shared>> -> memref<10240x128xf32, #tpu.memory_space<vmem_shared>>
      tpu.enqueue_indirect_dma source(%arg10 : memref<80x128xf32, #tpu.memory_space<vmem>>) target(%dma_start3A_2681 : memref<10240x128xf32, #tpu.memory_space<vmem_shared>>) offsets(%dma_start3A_2678 : memref<80xi32, #tpu.memory_space<vmem>>) semaphore(%arg18 : memref<!tpu.dma_semaphore, #tpu.memory_space<semaphore_mem>>) {add = true}
      %get3A_2682 = arith.constant 3520 : index
      %get3A_2683 = tpu.vector_load %arg9[%get3A_2682] {strides = array<i32>} : memref<4000xi32, #tpu.memory_space<vmem>>, vector<16xi32>,
      %shift_right_logical3A_2684 = arith.constant 7 : i32
      %shift_right_logical3A_2685 = vector.broadcast %shift_right_logical3A_2684 : i32 to vector<16xi32>
      %shift_right_logical3A_2686 = arith.shrui %get3A_2683, %shift_right_logical3A_2685 : vector<16xi32>
      %and3A_2687 = arith.constant 127 : i32
      %and3A_2688 = vector.broadcast %and3A_2687 : i32 to vector<16xi32>
      %and3A_2689 = arith.andi %get3A_2683, %and3A_2688 : vector<16xi32>
      tpu.vector_store_idx %arg12[%shift_right_logical3A_2686, %and3A_2689], %broadcast_in_dim3A_13 {add = true} : memref<128x128xf32, #tpu.memory_space<vmem>>[vector<16xi32>, vector<16xi32>], vector<16xf32>,
      %get3A_2690 = arith.constant 3536 : index
      %get3A_2691 = tpu.vector_load %arg9[%get3A_2690] {strides = array<i32>} : memref<4000xi32, #tpu.memory_space<vmem>>, vector<16xi32>,
      %shift_right_logical3A_2692 = arith.constant 7 : i32
      %shift_right_logical3A_2693 = vector.broadcast %shift_right_logical3A_2692 : i32 to vector<16xi32>
      %shift_right_logical3A_2694 = arith.shrui %get3A_2691, %shift_right_logical3A_2693 : vector<16xi32>
      %and3A_2695 = arith.constant 127 : i32
      %and3A_2696 = vector.broadcast %and3A_2695 : i32 to vector<16xi32>
      %and3A_2697 = arith.andi %get3A_2691, %and3A_2696 : vector<16xi32>
      tpu.vector_store_idx %arg12[%shift_right_logical3A_2694, %and3A_2697], %broadcast_in_dim3A_13 {add = true} : memref<128x128xf32, #tpu.memory_space<vmem>>[vector<16xi32>, vector<16xi32>], vector<16xf32>,
      %get3A_2698 = arith.constant 3552 : index
      %get3A_2699 = tpu.vector_load %arg9[%get3A_2698] {strides = array<i32>} : memref<4000xi32, #tpu.memory_space<vmem>>, vector<16xi32>,
      %shift_right_logical3A_2700 = arith.constant 7 : i32
      %shift_right_logical3A_2701 = vector.broadcast %shift_right_logical3A_2700 : i32 to vector<16xi32>
      %shift_right_logical3A_2702 = arith.shrui %get3A_2699, %shift_right_logical3A_2701 : vector<16xi32>
      %and3A_2703 = arith.constant 127 : i32
      %and3A_2704 = vector.broadcast %and3A_2703 : i32 to vector<16xi32>
      %and3A_2705 = arith.andi %get3A_2699, %and3A_2704 : vector<16xi32>
      tpu.vector_store_idx %arg12[%shift_right_logical3A_2702, %and3A_2705], %broadcast_in_dim3A_13 {add = true} : memref<128x128xf32, #tpu.memory_space<vmem>>[vector<16xi32>, vector<16xi32>], vector<16xf32>,
      %get3A_2706 = arith.constant 3568 : index
      %get3A_2707 = tpu.vector_load %arg9[%get3A_2706] {strides = array<i32>} : memref<4000xi32, #tpu.memory_space<vmem>>, vector<16xi32>,
      %shift_right_logical3A_2708 = arith.constant 7 : i32
      %shift_right_logical3A_2709 = vector.broadcast %shift_right_logical3A_2708 : i32 to vector<16xi32>
      %shift_right_logical3A_2710 = arith.shrui %get3A_2707, %shift_right_logical3A_2709 : vector<16xi32>
      %and3A_2711 = arith.constant 127 : i32
      %and3A_2712 = vector.broadcast %and3A_2711 : i32 to vector<16xi32>
      %and3A_2713 = arith.andi %get3A_2707, %and3A_2712 : vector<16xi32>
      tpu.vector_store_idx %arg12[%shift_right_logical3A_2710, %and3A_2713], %broadcast_in_dim3A_13 {add = true} : memref<128x128xf32, #tpu.memory_space<vmem>>[vector<16xi32>, vector<16xi32>], vector<16xf32>,
      %get3A_2714 = arith.constant 3584 : index
      %get3A_2715 = tpu.vector_load %arg9[%get3A_2714] {strides = array<i32>} : memref<4000xi32, #tpu.memory_space<vmem>>, vector<16xi32>,
      %shift_right_logical3A_2716 = arith.constant 7 : i32
      %shift_right_logical3A_2717 = vector.broadcast %shift_right_logical3A_2716 : i32 to vector<16xi32>
      %shift_right_logical3A_2718 = arith.shrui %get3A_2715, %shift_right_logical3A_2717 : vector<16xi32>
      %and3A_2719 = arith.constant 127 : i32
      %and3A_2720 = vector.broadcast %and3A_2719 : i32 to vector<16xi32>
      %and3A_2721 = arith.andi %get3A_2715, %and3A_2720 : vector<16xi32>
      tpu.vector_store_idx %arg12[%shift_right_logical3A_2718, %and3A_2721], %broadcast_in_dim3A_13 {add = true} : memref<128x128xf32, #tpu.memory_space<vmem>>[vector<16xi32>, vector<16xi32>], vector<16xf32>,
      %dma_wait3A_2722 = arith.constant 3520 : i32
      %dma_wait3A_2723 = tpu.memref_slice %arg9[%dma_wait3A_2722] : memref<4000xi32, #tpu.memory_space<vmem>> -> memref<80xi32, #tpu.memory_space<vmem>>
      %dma_wait3A_2724 = arith.constant 0 : i32
      %dma_wait3A_2725 = arith.constant 0 : i32
      %dma_wait3A_2726 = tpu.memref_slice %arg14[%dma_wait3A_2724, %dma_wait3A_2725] : memref<10240x128xf32, #tpu.memory_space<vmem_shared>> -> memref<10240x128xf32, #tpu.memory_space<vmem_shared>>
      tpu.wait_indirect_dma semaphore(%arg18 : memref<!tpu.dma_semaphore, #tpu.memory_space<semaphore_mem>>) src(%arg10 : memref<80x128xf32, #tpu.memory_space<vmem>>) dst(%dma_wait3A_2726 : memref<10240x128xf32, #tpu.memory_space<vmem_shared>>)
      %dma_start3A_2727 = arith.constant 3680 : i32
      %dma_start3A_2728 = tpu.memref_slice %arg8[%dma_start3A_2727] : memref<4000xi32, #tpu.memory_space<vmem>> -> memref<80xi32, #tpu.memory_space<vmem>>
      %dma_start3A_2729 = arith.constant 0 : i32
      %dma_start3A_2730 = arith.constant 0 : i32
      %dma_start3A_2731 = tpu.memref_slice %arg2[%dma_start3A_2729, %dma_start3A_2730] : memref<10240x128xf32, #tpu.memory_space<hbm>> -> memref<10240x128xf32, #tpu.memory_space<hbm>>
      tpu.enqueue_indirect_dma source(%dma_start3A_2731 : memref<10240x128xf32, #tpu.memory_space<hbm>>) target(%arg10 : memref<80x128xf32, #tpu.memory_space<vmem>>) offsets(%dma_start3A_2728 : memref<80xi32, #tpu.memory_space<vmem>>) semaphore(%arg16 : memref<!tpu.dma_semaphore, #tpu.memory_space<semaphore_mem>>)
      %dma_wait3A_2732 = arith.constant 3600 : i32
      %dma_wait3A_2733 = tpu.memref_slice %arg8[%dma_wait3A_2732] : memref<4000xi32, #tpu.memory_space<vmem>> -> memref<80xi32, #tpu.memory_space<vmem>>
      %dma_wait3A_2734 = arith.constant 0 : i32
      %dma_wait3A_2735 = arith.constant 0 : i32
      %dma_wait3A_2736 = tpu.memref_slice %arg2[%dma_wait3A_2734, %dma_wait3A_2735] : memref<10240x128xf32, #tpu.memory_space<hbm>> -> memref<10240x128xf32, #tpu.memory_space<hbm>>
      tpu.wait_indirect_dma semaphore(%arg17 : memref<!tpu.dma_semaphore, #tpu.memory_space<semaphore_mem>>) src(%dma_wait3A_2736 : memref<10240x128xf32, #tpu.memory_space<hbm>>) dst(%arg11 : memref<80x128xf32, #tpu.memory_space<vmem>>)
      %dma_start3A_2737 = arith.constant 3600 : i32
      %dma_start3A_2738 = tpu.memref_slice %arg9[%dma_start3A_2737] : memref<4000xi32, #tpu.memory_space<vmem>> -> memref<80xi32, #tpu.memory_space<vmem>>
      %dma_start3A_2739 = arith.constant 0 : i32
      %dma_start3A_2740 = arith.constant 0 : i32
      %dma_start3A_2741 = tpu.memref_slice %arg14[%dma_start3A_2739, %dma_start3A_2740] : memref<10240x128xf32, #tpu.memory_space<vmem_shared>> -> memref<10240x128xf32, #tpu.memory_space<vmem_shared>>
      tpu.enqueue_indirect_dma source(%arg11 : memref<80x128xf32, #tpu.memory_space<vmem>>) target(%dma_start3A_2741 : memref<10240x128xf32, #tpu.memory_space<vmem_shared>>) offsets(%dma_start3A_2738 : memref<80xi32, #tpu.memory_space<vmem>>) semaphore(%arg19 : memref<!tpu.dma_semaphore, #tpu.memory_space<semaphore_mem>>) {add = true}
      %get3A_2742 = arith.constant 3600 : index
      %get3A_2743 = tpu.vector_load %arg9[%get3A_2742] {strides = array<i32>} : memref<4000xi32, #tpu.memory_space<vmem>>, vector<16xi32>,
      %shift_right_logical3A_2744 = arith.constant 7 : i32
      %shift_right_logical3A_2745 = vector.broadcast %shift_right_logical3A_2744 : i32 to vector<16xi32>
      %shift_right_logical3A_2746 = arith.shrui %get3A_2743, %shift_right_logical3A_2745 : vector<16xi32>
      %and3A_2747 = arith.constant 127 : i32
      %and3A_2748 = vector.broadcast %and3A_2747 : i32 to vector<16xi32>
      %and3A_2749 = arith.andi %get3A_2743, %and3A_2748 : vector<16xi32>
      tpu.vector_store_idx %arg12[%shift_right_logical3A_2746, %and3A_2749], %broadcast_in_dim3A_13 {add = true} : memref<128x128xf32, #tpu.memory_space<vmem>>[vector<16xi32>, vector<16xi32>], vector<16xf32>,
      %get3A_2750 = arith.constant 3616 : index
      %get3A_2751 = tpu.vector_load %arg9[%get3A_2750] {strides = array<i32>} : memref<4000xi32, #tpu.memory_space<vmem>>, vector<16xi32>,
      %shift_right_logical3A_2752 = arith.constant 7 : i32
      %shift_right_logical3A_2753 = vector.broadcast %shift_right_logical3A_2752 : i32 to vector<16xi32>
      %shift_right_logical3A_2754 = arith.shrui %get3A_2751, %shift_right_logical3A_2753 : vector<16xi32>
      %and3A_2755 = arith.constant 127 : i32
      %and3A_2756 = vector.broadcast %and3A_2755 : i32 to vector<16xi32>
      %and3A_2757 = arith.andi %get3A_2751, %and3A_2756 : vector<16xi32>
      tpu.vector_store_idx %arg12[%shift_right_logical3A_2754, %and3A_2757], %broadcast_in_dim3A_13 {add = true} : memref<128x128xf32, #tpu.memory_space<vmem>>[vector<16xi32>, vector<16xi32>], vector<16xf32>,
      %get3A_2758 = arith.constant 3632 : index
      %get3A_2759 = tpu.vector_load %arg9[%get3A_2758] {strides = array<i32>} : memref<4000xi32, #tpu.memory_space<vmem>>, vector<16xi32>,
      %shift_right_logical3A_2760 = arith.constant 7 : i32
      %shift_right_logical3A_2761 = vector.broadcast %shift_right_logical3A_2760 : i32 to vector<16xi32>
      %shift_right_logical3A_2762 = arith.shrui %get3A_2759, %shift_right_logical3A_2761 : vector<16xi32>
      %and3A_2763 = arith.constant 127 : i32
      %and3A_2764 = vector.broadcast %and3A_2763 : i32 to vector<16xi32>
      %and3A_2765 = arith.andi %get3A_2759, %and3A_2764 : vector<16xi32>
      tpu.vector_store_idx %arg12[%shift_right_logical3A_2762, %and3A_2765], %broadcast_in_dim3A_13 {add = true} : memref<128x128xf32, #tpu.memory_space<vmem>>[vector<16xi32>, vector<16xi32>], vector<16xf32>,
      %get3A_2766 = arith.constant 3648 : index
      %get3A_2767 = tpu.vector_load %arg9[%get3A_2766] {strides = array<i32>} : memref<4000xi32, #tpu.memory_space<vmem>>, vector<16xi32>,
      %shift_right_logical3A_2768 = arith.constant 7 : i32
      %shift_right_logical3A_2769 = vector.broadcast %shift_right_logical3A_2768 : i32 to vector<16xi32>
      %shift_right_logical3A_2770 = arith.shrui %get3A_2767, %shift_right_logical3A_2769 : vector<16xi32>
      %and3A_2771 = arith.constant 127 : i32
      %and3A_2772 = vector.broadcast %and3A_2771 : i32 to vector<16xi32>
      %and3A_2773 = arith.andi %get3A_2767, %and3A_2772 : vector<16xi32>
      tpu.vector_store_idx %arg12[%shift_right_logical3A_2770, %and3A_2773], %broadcast_in_dim3A_13 {add = true} : memref<128x128xf32, #tpu.memory_space<vmem>>[vector<16xi32>, vector<16xi32>], vector<16xf32>,
      %get3A_2774 = arith.constant 3664 : index
      %get3A_2775 = tpu.vector_load %arg9[%get3A_2774] {strides = array<i32>} : memref<4000xi32, #tpu.memory_space<vmem>>, vector<16xi32>,
      %shift_right_logical3A_2776 = arith.constant 7 : i32
      %shift_right_logical3A_2777 = vector.broadcast %shift_right_logical3A_2776 : i32 to vector<16xi32>
      %shift_right_logical3A_2778 = arith.shrui %get3A_2775, %shift_right_logical3A_2777 : vector<16xi32>
      %and3A_2779 = arith.constant 127 : i32
      %and3A_2780 = vector.broadcast %and3A_2779 : i32 to vector<16xi32>
      %and3A_2781 = arith.andi %get3A_2775, %and3A_2780 : vector<16xi32>
      tpu.vector_store_idx %arg12[%shift_right_logical3A_2778, %and3A_2781], %broadcast_in_dim3A_13 {add = true} : memref<128x128xf32, #tpu.memory_space<vmem>>[vector<16xi32>, vector<16xi32>], vector<16xf32>,
      %dma_wait3A_2782 = arith.constant 3600 : i32
      %dma_wait3A_2783 = tpu.memref_slice %arg9[%dma_wait3A_2782] : memref<4000xi32, #tpu.memory_space<vmem>> -> memref<80xi32, #tpu.memory_space<vmem>>
      %dma_wait3A_2784 = arith.constant 0 : i32
      %dma_wait3A_2785 = arith.constant 0 : i32
      %dma_wait3A_2786 = tpu.memref_slice %arg14[%dma_wait3A_2784, %dma_wait3A_2785] : memref<10240x128xf32, #tpu.memory_space<vmem_shared>> -> memref<10240x128xf32, #tpu.memory_space<vmem_shared>>
      tpu.wait_indirect_dma semaphore(%arg19 : memref<!tpu.dma_semaphore, #tpu.memory_space<semaphore_mem>>) src(%arg11 : memref<80x128xf32, #tpu.memory_space<vmem>>) dst(%dma_wait3A_2786 : memref<10240x128xf32, #tpu.memory_space<vmem_shared>>)
      %dma_start3A_2787 = arith.constant 3760 : i32
      %dma_start3A_2788 = tpu.memref_slice %arg8[%dma_start3A_2787] : memref<4000xi32, #tpu.memory_space<vmem>> -> memref<80xi32, #tpu.memory_space<vmem>>
      %dma_start3A_2789 = arith.constant 0 : i32
      %dma_start3A_2790 = arith.constant 0 : i32
      %dma_start3A_2791 = tpu.memref_slice %arg2[%dma_start3A_2789, %dma_start3A_2790] : memref<10240x128xf32, #tpu.memory_space<hbm>> -> memref<10240x128xf32, #tpu.memory_space<hbm>>
      tpu.enqueue_indirect_dma source(%dma_start3A_2791 : memref<10240x128xf32, #tpu.memory_space<hbm>>) target(%arg11 : memref<80x128xf32, #tpu.memory_space<vmem>>) offsets(%dma_start3A_2788 : memref<80xi32, #tpu.memory_space<vmem>>) semaphore(%arg17 : memref<!tpu.dma_semaphore, #tpu.memory_space<semaphore_mem>>)
      %dma_wait3A_2792 = arith.constant 3680 : i32
      %dma_wait3A_2793 = tpu.memref_slice %arg8[%dma_wait3A_2792] : memref<4000xi32, #tpu.memory_space<vmem>> -> memref<80xi32, #tpu.memory_space<vmem>>
      %dma_wait3A_2794 = arith.constant 0 : i32
      %dma_wait3A_2795 = arith.constant 0 : i32
      %dma_wait3A_2796 = tpu.memref_slice %arg2[%dma_wait3A_2794, %dma_wait3A_2795] : memref<10240x128xf32, #tpu.memory_space<hbm>> -> memref<10240x128xf32, #tpu.memory_space<hbm>>
      tpu.wait_indirect_dma semaphore(%arg16 : memref<!tpu.dma_semaphore, #tpu.memory_space<semaphore_mem>>) src(%dma_wait3A_2796 : memref<10240x128xf32, #tpu.memory_space<hbm>>) dst(%arg10 : memref<80x128xf32, #tpu.memory_space<vmem>>)
      %dma_start3A_2797 = arith.constant 3680 : i32
      %dma_start3A_2798 = tpu.memref_slice %arg9[%dma_start3A_2797] : memref<4000xi32, #tpu.memory_space<vmem>> -> memref<80xi32, #tpu.memory_space<vmem>>
      %dma_start3A_2799 = arith.constant 0 : i32
      %dma_start3A_2800 = arith.constant 0 : i32
      %dma_start3A_2801 = tpu.memref_slice %arg14[%dma_start3A_2799, %dma_start3A_2800] : memref<10240x128xf32, #tpu.memory_space<vmem_shared>> -> memref<10240x128xf32, #tpu.memory_space<vmem_shared>>
      tpu.enqueue_indirect_dma source(%arg10 : memref<80x128xf32, #tpu.memory_space<vmem>>) target(%dma_start3A_2801 : memref<10240x128xf32, #tpu.memory_space<vmem_shared>>) offsets(%dma_start3A_2798 : memref<80xi32, #tpu.memory_space<vmem>>) semaphore(%arg18 : memref<!tpu.dma_semaphore, #tpu.memory_space<semaphore_mem>>) {add = true}
      %get3A_2802 = arith.constant 3680 : index
      %get3A_2803 = tpu.vector_load %arg9[%get3A_2802] {strides = array<i32>} : memref<4000xi32, #tpu.memory_space<vmem>>, vector<16xi32>,
      %shift_right_logical3A_2804 = arith.constant 7 : i32
      %shift_right_logical3A_2805 = vector.broadcast %shift_right_logical3A_2804 : i32 to vector<16xi32>
      %shift_right_logical3A_2806 = arith.shrui %get3A_2803, %shift_right_logical3A_2805 : vector<16xi32>
      %and3A_2807 = arith.constant 127 : i32
      %and3A_2808 = vector.broadcast %and3A_2807 : i32 to vector<16xi32>
      %and3A_2809 = arith.andi %get3A_2803, %and3A_2808 : vector<16xi32>
      tpu.vector_store_idx %arg12[%shift_right_logical3A_2806, %and3A_2809], %broadcast_in_dim3A_13 {add = true} : memref<128x128xf32, #tpu.memory_space<vmem>>[vector<16xi32>, vector<16xi32>], vector<16xf32>,
      %get3A_2810 = arith.constant 3696 : index
      %get3A_2811 = tpu.vector_load %arg9[%get3A_2810] {strides = array<i32>} : memref<4000xi32, #tpu.memory_space<vmem>>, vector<16xi32>,
      %shift_right_logical3A_2812 = arith.constant 7 : i32
      %shift_right_logical3A_2813 = vector.broadcast %shift_right_logical3A_2812 : i32 to vector<16xi32>
      %shift_right_logical3A_2814 = arith.shrui %get3A_2811, %shift_right_logical3A_2813 : vector<16xi32>
      %and3A_2815 = arith.constant 127 : i32
      %and3A_2816 = vector.broadcast %and3A_2815 : i32 to vector<16xi32>
      %and3A_2817 = arith.andi %get3A_2811, %and3A_2816 : vector<16xi32>
      tpu.vector_store_idx %arg12[%shift_right_logical3A_2814, %and3A_2817], %broadcast_in_dim3A_13 {add = true} : memref<128x128xf32, #tpu.memory_space<vmem>>[vector<16xi32>, vector<16xi32>], vector<16xf32>,
      %get3A_2818 = arith.constant 3712 : index
      %get3A_2819 = tpu.vector_load %arg9[%get3A_2818] {strides = array<i32>} : memref<4000xi32, #tpu.memory_space<vmem>>, vector<16xi32>,
      %shift_right_logical3A_2820 = arith.constant 7 : i32
      %shift_right_logical3A_2821 = vector.broadcast %shift_right_logical3A_2820 : i32 to vector<16xi32>
      %shift_right_logical3A_2822 = arith.shrui %get3A_2819, %shift_right_logical3A_2821 : vector<16xi32>
      %and3A_2823 = arith.constant 127 : i32
      %and3A_2824 = vector.broadcast %and3A_2823 : i32 to vector<16xi32>
      %and3A_2825 = arith.andi %get3A_2819, %and3A_2824 : vector<16xi32>
      tpu.vector_store_idx %arg12[%shift_right_logical3A_2822, %and3A_2825], %broadcast_in_dim3A_13 {add = true} : memref<128x128xf32, #tpu.memory_space<vmem>>[vector<16xi32>, vector<16xi32>], vector<16xf32>,
      %get3A_2826 = arith.constant 3728 : index
      %get3A_2827 = tpu.vector_load %arg9[%get3A_2826] {strides = array<i32>} : memref<4000xi32, #tpu.memory_space<vmem>>, vector<16xi32>,
      %shift_right_logical3A_2828 = arith.constant 7 : i32
      %shift_right_logical3A_2829 = vector.broadcast %shift_right_logical3A_2828 : i32 to vector<16xi32>
      %shift_right_logical3A_2830 = arith.shrui %get3A_2827, %shift_right_logical3A_2829 : vector<16xi32>
      %and3A_2831 = arith.constant 127 : i32
      %and3A_2832 = vector.broadcast %and3A_2831 : i32 to vector<16xi32>
      %and3A_2833 = arith.andi %get3A_2827, %and3A_2832 : vector<16xi32>
      tpu.vector_store_idx %arg12[%shift_right_logical3A_2830, %and3A_2833], %broadcast_in_dim3A_13 {add = true} : memref<128x128xf32, #tpu.memory_space<vmem>>[vector<16xi32>, vector<16xi32>], vector<16xf32>,
      %get3A_2834 = arith.constant 3744 : index
      %get3A_2835 = tpu.vector_load %arg9[%get3A_2834] {strides = array<i32>} : memref<4000xi32, #tpu.memory_space<vmem>>, vector<16xi32>,
      %shift_right_logical3A_2836 = arith.constant 7 : i32
      %shift_right_logical3A_2837 = vector.broadcast %shift_right_logical3A_2836 : i32 to vector<16xi32>
      %shift_right_logical3A_2838 = arith.shrui %get3A_2835, %shift_right_logical3A_2837 : vector<16xi32>
      %and3A_2839 = arith.constant 127 : i32
      %and3A_2840 = vector.broadcast %and3A_2839 : i32 to vector<16xi32>
      %and3A_2841 = arith.andi %get3A_2835, %and3A_2840 : vector<16xi32>
      tpu.vector_store_idx %arg12[%shift_right_logical3A_2838, %and3A_2841], %broadcast_in_dim3A_13 {add = true} : memref<128x128xf32, #tpu.memory_space<vmem>>[vector<16xi32>, vector<16xi32>], vector<16xf32>,
      %dma_wait3A_2842 = arith.constant 3680 : i32
      %dma_wait3A_2843 = tpu.memref_slice %arg9[%dma_wait3A_2842] : memref<4000xi32, #tpu.memory_space<vmem>> -> memref<80xi32, #tpu.memory_space<vmem>>
      %dma_wait3A_2844 = arith.constant 0 : i32
      %dma_wait3A_2845 = arith.constant 0 : i32
      %dma_wait3A_2846 = tpu.memref_slice %arg14[%dma_wait3A_2844, %dma_wait3A_2845] : memref<10240x128xf32, #tpu.memory_space<vmem_shared>> -> memref<10240x128xf32, #tpu.memory_space<vmem_shared>>
      tpu.wait_indirect_dma semaphore(%arg18 : memref<!tpu.dma_semaphore, #tpu.memory_space<semaphore_mem>>) src(%arg10 : memref<80x128xf32, #tpu.memory_space<vmem>>) dst(%dma_wait3A_2846 : memref<10240x128xf32, #tpu.memory_space<vmem_shared>>)
      %dma_start3A_2847 = arith.constant 3840 : i32
      %dma_start3A_2848 = tpu.memref_slice %arg8[%dma_start3A_2847] : memref<4000xi32, #tpu.memory_space<vmem>> -> memref<80xi32, #tpu.memory_space<vmem>>
      %dma_start3A_2849 = arith.constant 0 : i32
      %dma_start3A_2850 = arith.constant 0 : i32
      %dma_start3A_2851 = tpu.memref_slice %arg2[%dma_start3A_2849, %dma_start3A_2850] : memref<10240x128xf32, #tpu.memory_space<hbm>> -> memref<10240x128xf32, #tpu.memory_space<hbm>>
      tpu.enqueue_indirect_dma source(%dma_start3A_2851 : memref<10240x128xf32, #tpu.memory_space<hbm>>) target(%arg10 : memref<80x128xf32, #tpu.memory_space<vmem>>) offsets(%dma_start3A_2848 : memref<80xi32, #tpu.memory_space<vmem>>) semaphore(%arg16 : memref<!tpu.dma_semaphore, #tpu.memory_space<semaphore_mem>>)
      %dma_wait3A_2852 = arith.constant 3760 : i32
      %dma_wait3A_2853 = tpu.memref_slice %arg8[%dma_wait3A_2852] : memref<4000xi32, #tpu.memory_space<vmem>> -> memref<80xi32, #tpu.memory_space<vmem>>
      %dma_wait3A_2854 = arith.constant 0 : i32
      %dma_wait3A_2855 = arith.constant 0 : i32
      %dma_wait3A_2856 = tpu.memref_slice %arg2[%dma_wait3A_2854, %dma_wait3A_2855] : memref<10240x128xf32, #tpu.memory_space<hbm>> -> memref<10240x128xf32, #tpu.memory_space<hbm>>
      tpu.wait_indirect_dma semaphore(%arg17 : memref<!tpu.dma_semaphore, #tpu.memory_space<semaphore_mem>>) src(%dma_wait3A_2856 : memref<10240x128xf32, #tpu.memory_space<hbm>>) dst(%arg11 : memref<80x128xf32, #tpu.memory_space<vmem>>)
      %dma_start3A_2857 = arith.constant 3760 : i32
      %dma_start3A_2858 = tpu.memref_slice %arg9[%dma_start3A_2857] : memref<4000xi32, #tpu.memory_space<vmem>> -> memref<80xi32, #tpu.memory_space<vmem>>
      %dma_start3A_2859 = arith.constant 0 : i32
      %dma_start3A_2860 = arith.constant 0 : i32
      %dma_start3A_2861 = tpu.memref_slice %arg14[%dma_start3A_2859, %dma_start3A_2860] : memref<10240x128xf32, #tpu.memory_space<vmem_shared>> -> memref<10240x128xf32, #tpu.memory_space<vmem_shared>>
      tpu.enqueue_indirect_dma source(%arg11 : memref<80x128xf32, #tpu.memory_space<vmem>>) target(%dma_start3A_2861 : memref<10240x128xf32, #tpu.memory_space<vmem_shared>>) offsets(%dma_start3A_2858 : memref<80xi32, #tpu.memory_space<vmem>>) semaphore(%arg19 : memref<!tpu.dma_semaphore, #tpu.memory_space<semaphore_mem>>) {add = true}
      %get3A_2862 = arith.constant 3760 : index
      %get3A_2863 = tpu.vector_load %arg9[%get3A_2862] {strides = array<i32>} : memref<4000xi32, #tpu.memory_space<vmem>>, vector<16xi32>,
      %shift_right_logical3A_2864 = arith.constant 7 : i32
      %shift_right_logical3A_2865 = vector.broadcast %shift_right_logical3A_2864 : i32 to vector<16xi32>
      %shift_right_logical3A_2866 = arith.shrui %get3A_2863, %shift_right_logical3A_2865 : vector<16xi32>
      %and3A_2867 = arith.constant 127 : i32
      %and3A_2868 = vector.broadcast %and3A_2867 : i32 to vector<16xi32>
      %and3A_2869 = arith.andi %get3A_2863, %and3A_2868 : vector<16xi32>
      tpu.vector_store_idx %arg12[%shift_right_logical3A_2866, %and3A_2869], %broadcast_in_dim3A_13 {add = true} : memref<128x128xf32, #tpu.memory_space<vmem>>[vector<16xi32>, vector<16xi32>], vector<16xf32>,
      %get3A_2870 = arith.constant 3776 : index
      %get3A_2871 = tpu.vector_load %arg9[%get3A_2870] {strides = array<i32>} : memref<4000xi32, #tpu.memory_space<vmem>>, vector<16xi32>,
      %shift_right_logical3A_2872 = arith.constant 7 : i32
      %shift_right_logical3A_2873 = vector.broadcast %shift_right_logical3A_2872 : i32 to vector<16xi32>
      %shift_right_logical3A_2874 = arith.shrui %get3A_2871, %shift_right_logical3A_2873 : vector<16xi32>
      %and3A_2875 = arith.constant 127 : i32
      %and3A_2876 = vector.broadcast %and3A_2875 : i32 to vector<16xi32>
      %and3A_2877 = arith.andi %get3A_2871, %and3A_2876 : vector<16xi32>
      tpu.vector_store_idx %arg12[%shift_right_logical3A_2874, %and3A_2877], %broadcast_in_dim3A_13 {add = true} : memref<128x128xf32, #tpu.memory_space<vmem>>[vector<16xi32>, vector<16xi32>], vector<16xf32>,
      %get3A_2878 = arith.constant 3792 : index
      %get3A_2879 = tpu.vector_load %arg9[%get3A_2878] {strides = array<i32>} : memref<4000xi32, #tpu.memory_space<vmem>>, vector<16xi32>,
      %shift_right_logical3A_2880 = arith.constant 7 : i32
      %shift_right_logical3A_2881 = vector.broadcast %shift_right_logical3A_2880 : i32 to vector<16xi32>
      %shift_right_logical3A_2882 = arith.shrui %get3A_2879, %shift_right_logical3A_2881 : vector<16xi32>
      %and3A_2883 = arith.constant 127 : i32
      %and3A_2884 = vector.broadcast %and3A_2883 : i32 to vector<16xi32>
      %and3A_2885 = arith.andi %get3A_2879, %and3A_2884 : vector<16xi32>
      tpu.vector_store_idx %arg12[%shift_right_logical3A_2882, %and3A_2885], %broadcast_in_dim3A_13 {add = true} : memref<128x128xf32, #tpu.memory_space<vmem>>[vector<16xi32>, vector<16xi32>], vector<16xf32>,
      %get3A_2886 = arith.constant 3808 : index
      %get3A_2887 = tpu.vector_load %arg9[%get3A_2886] {strides = array<i32>} : memref<4000xi32, #tpu.memory_space<vmem>>, vector<16xi32>,
      %shift_right_logical3A_2888 = arith.constant 7 : i32
      %shift_right_logical3A_2889 = vector.broadcast %shift_right_logical3A_2888 : i32 to vector<16xi32>
      %shift_right_logical3A_2890 = arith.shrui %get3A_2887, %shift_right_logical3A_2889 : vector<16xi32>
      %and3A_2891 = arith.constant 127 : i32
      %and3A_2892 = vector.broadcast %and3A_2891 : i32 to vector<16xi32>
      %and3A_2893 = arith.andi %get3A_2887, %and3A_2892 : vector<16xi32>
      tpu.vector_store_idx %arg12[%shift_right_logical3A_2890, %and3A_2893], %broadcast_in_dim3A_13 {add = true} : memref<128x128xf32, #tpu.memory_space<vmem>>[vector<16xi32>, vector<16xi32>], vector<16xf32>,
      %get3A_2894 = arith.constant 3824 : index
      %get3A_2895 = tpu.vector_load %arg9[%get3A_2894] {strides = array<i32>} : memref<4000xi32, #tpu.memory_space<vmem>>, vector<16xi32>,
      %shift_right_logical3A_2896 = arith.constant 7 : i32
      %shift_right_logical3A_2897 = vector.broadcast %shift_right_logical3A_2896 : i32 to vector<16xi32>
      %shift_right_logical3A_2898 = arith.shrui %get3A_2895, %shift_right_logical3A_2897 : vector<16xi32>
      %and3A_2899 = arith.constant 127 : i32
      %and3A_2900 = vector.broadcast %and3A_2899 : i32 to vector<16xi32>
      %and3A_2901 = arith.andi %get3A_2895, %and3A_2900 : vector<16xi32>
      tpu.vector_store_idx %arg12[%shift_right_logical3A_2898, %and3A_2901], %broadcast_in_dim3A_13 {add = true} : memref<128x128xf32, #tpu.memory_space<vmem>>[vector<16xi32>, vector<16xi32>], vector<16xf32>,
      %dma_wait3A_2902 = arith.constant 3760 : i32
      %dma_wait3A_2903 = tpu.memref_slice %arg9[%dma_wait3A_2902] : memref<4000xi32, #tpu.memory_space<vmem>> -> memref<80xi32, #tpu.memory_space<vmem>>
      %dma_wait3A_2904 = arith.constant 0 : i32
      %dma_wait3A_2905 = arith.constant 0 : i32
      %dma_wait3A_2906 = tpu.memref_slice %arg14[%dma_wait3A_2904, %dma_wait3A_2905] : memref<10240x128xf32, #tpu.memory_space<vmem_shared>> -> memref<10240x128xf32, #tpu.memory_space<vmem_shared>>
      tpu.wait_indirect_dma semaphore(%arg19 : memref<!tpu.dma_semaphore, #tpu.memory_space<semaphore_mem>>) src(%arg11 : memref<80x128xf32, #tpu.memory_space<vmem>>) dst(%dma_wait3A_2906 : memref<10240x128xf32, #tpu.memory_space<vmem_shared>>)
      %dma_start3A_2907 = arith.constant 3920 : i32
      %dma_start3A_2908 = tpu.memref_slice %arg8[%dma_start3A_2907] : memref<4000xi32, #tpu.memory_space<vmem>> -> memref<80xi32, #tpu.memory_space<vmem>>
      %dma_start3A_2909 = arith.constant 0 : i32
      %dma_start3A_2910 = arith.constant 0 : i32
      %dma_start3A_2911 = tpu.memref_slice %arg2[%dma_start3A_2909, %dma_start3A_2910] : memref<10240x128xf32, #tpu.memory_space<hbm>> -> memref<10240x128xf32, #tpu.memory_space<hbm>>
      tpu.enqueue_indirect_dma source(%dma_start3A_2911 : memref<10240x128xf32, #tpu.memory_space<hbm>>) target(%arg11 : memref<80x128xf32, #tpu.memory_space<vmem>>) offsets(%dma_start3A_2908 : memref<80xi32, #tpu.memory_space<vmem>>) semaphore(%arg17 : memref<!tpu.dma_semaphore, #tpu.memory_space<semaphore_mem>>)
      %dma_wait3A_2912 = arith.constant 3840 : i32
      %dma_wait3A_2913 = tpu.memref_slice %arg8[%dma_wait3A_2912] : memref<4000xi32, #tpu.memory_space<vmem>> -> memref<80xi32, #tpu.memory_space<vmem>>
      %dma_wait3A_2914 = arith.constant 0 : i32
      %dma_wait3A_2915 = arith.constant 0 : i32
      %dma_wait3A_2916 = tpu.memref_slice %arg2[%dma_wait3A_2914, %dma_wait3A_2915] : memref<10240x128xf32, #tpu.memory_space<hbm>> -> memref<10240x128xf32, #tpu.memory_space<hbm>>
      tpu.wait_indirect_dma semaphore(%arg16 : memref<!tpu.dma_semaphore, #tpu.memory_space<semaphore_mem>>) src(%dma_wait3A_2916 : memref<10240x128xf32, #tpu.memory_space<hbm>>) dst(%arg10 : memref<80x128xf32, #tpu.memory_space<vmem>>)
      %dma_start3A_2917 = arith.constant 3840 : i32
      %dma_start3A_2918 = tpu.memref_slice %arg9[%dma_start3A_2917] : memref<4000xi32, #tpu.memory_space<vmem>> -> memref<80xi32, #tpu.memory_space<vmem>>
      %dma_start3A_2919 = arith.constant 0 : i32
      %dma_start3A_2920 = arith.constant 0 : i32
      %dma_start3A_2921 = tpu.memref_slice %arg14[%dma_start3A_2919, %dma_start3A_2920] : memref<10240x128xf32, #tpu.memory_space<vmem_shared>> -> memref<10240x128xf32, #tpu.memory_space<vmem_shared>>
      tpu.enqueue_indirect_dma source(%arg10 : memref<80x128xf32, #tpu.memory_space<vmem>>) target(%dma_start3A_2921 : memref<10240x128xf32, #tpu.memory_space<vmem_shared>>) offsets(%dma_start3A_2918 : memref<80xi32, #tpu.memory_space<vmem>>) semaphore(%arg18 : memref<!tpu.dma_semaphore, #tpu.memory_space<semaphore_mem>>) {add = true}
      %get3A_2922 = arith.constant 3840 : index
      %get3A_2923 = tpu.vector_load %arg9[%get3A_2922] {strides = array<i32>} : memref<4000xi32, #tpu.memory_space<vmem>>, vector<16xi32>,
      %shift_right_logical3A_2924 = arith.constant 7 : i32
      %shift_right_logical3A_2925 = vector.broadcast %shift_right_logical3A_2924 : i32 to vector<16xi32>
      %shift_right_logical3A_2926 = arith.shrui %get3A_2923, %shift_right_logical3A_2925 : vector<16xi32>
      %and3A_2927 = arith.constant 127 : i32
      %and3A_2928 = vector.broadcast %and3A_2927 : i32 to vector<16xi32>
      %and3A_2929 = arith.andi %get3A_2923, %and3A_2928 : vector<16xi32>
      tpu.vector_store_idx %arg12[%shift_right_logical3A_2926, %and3A_2929], %broadcast_in_dim3A_13 {add = true} : memref<128x128xf32, #tpu.memory_space<vmem>>[vector<16xi32>, vector<16xi32>], vector<16xf32>,
      %get3A_2930 = arith.constant 3856 : index
      %get3A_2931 = tpu.vector_load %arg9[%get3A_2930] {strides = array<i32>} : memref<4000xi32, #tpu.memory_space<vmem>>, vector<16xi32>,
      %shift_right_logical3A_2932 = arith.constant 7 : i32
      %shift_right_logical3A_2933 = vector.broadcast %shift_right_logical3A_2932 : i32 to vector<16xi32>
      %shift_right_logical3A_2934 = arith.shrui %get3A_2931, %shift_right_logical3A_2933 : vector<16xi32>
      %and3A_2935 = arith.constant 127 : i32
      %and3A_2936 = vector.broadcast %and3A_2935 : i32 to vector<16xi32>
      %and3A_2937 = arith.andi %get3A_2931, %and3A_2936 : vector<16xi32>
      tpu.vector_store_idx %arg12[%shift_right_logical3A_2934, %and3A_2937], %broadcast_in_dim3A_13 {add = true} : memref<128x128xf32, #tpu.memory_space<vmem>>[vector<16xi32>, vector<16xi32>], vector<16xf32>,
      %get3A_2938 = arith.constant 3872 : index
      %get3A_2939 = tpu.vector_load %arg9[%get3A_2938] {strides = array<i32>} : memref<4000xi32, #tpu.memory_space<vmem>>, vector<16xi32>,
      %shift_right_logical3A_2940 = arith.constant 7 : i32
      %shift_right_logical3A_2941 = vector.broadcast %shift_right_logical3A_2940 : i32 to vector<16xi32>
      %shift_right_logical3A_2942 = arith.shrui %get3A_2939, %shift_right_logical3A_2941 : vector<16xi32>
      %and3A_2943 = arith.constant 127 : i32
      %and3A_2944 = vector.broadcast %and3A_2943 : i32 to vector<16xi32>
      %and3A_2945 = arith.andi %get3A_2939, %and3A_2944 : vector<16xi32>
      tpu.vector_store_idx %arg12[%shift_right_logical3A_2942, %and3A_2945], %broadcast_in_dim3A_13 {add = true} : memref<128x128xf32, #tpu.memory_space<vmem>>[vector<16xi32>, vector<16xi32>], vector<16xf32>,
      %get3A_2946 = arith.constant 3888 : index
      %get3A_2947 = tpu.vector_load %arg9[%get3A_2946] {strides = array<i32>} : memref<4000xi32, #tpu.memory_space<vmem>>, vector<16xi32>,
      %shift_right_logical3A_2948 = arith.constant 7 : i32
      %shift_right_logical3A_2949 = vector.broadcast %shift_right_logical3A_2948 : i32 to vector<16xi32>
      %shift_right_logical3A_2950 = arith.shrui %get3A_2947, %shift_right_logical3A_2949 : vector<16xi32>
      %and3A_2951 = arith.constant 127 : i32
      %and3A_2952 = vector.broadcast %and3A_2951 : i32 to vector<16xi32>
      %and3A_2953 = arith.andi %get3A_2947, %and3A_2952 : vector<16xi32>
      tpu.vector_store_idx %arg12[%shift_right_logical3A_2950, %and3A_2953], %broadcast_in_dim3A_13 {add = true} : memref<128x128xf32, #tpu.memory_space<vmem>>[vector<16xi32>, vector<16xi32>], vector<16xf32>,
      %get3A_2954 = arith.constant 3904 : index
      %get3A_2955 = tpu.vector_load %arg9[%get3A_2954] {strides = array<i32>} : memref<4000xi32, #tpu.memory_space<vmem>>, vector<16xi32>,
      %shift_right_logical3A_2956 = arith.constant 7 : i32
      %shift_right_logical3A_2957 = vector.broadcast %shift_right_logical3A_2956 : i32 to vector<16xi32>
      %shift_right_logical3A_2958 = arith.shrui %get3A_2955, %shift_right_logical3A_2957 : vector<16xi32>
      %and3A_2959 = arith.constant 127 : i32
      %and3A_2960 = vector.broadcast %and3A_2959 : i32 to vector<16xi32>
      %and3A_2961 = arith.andi %get3A_2955, %and3A_2960 : vector<16xi32>
      tpu.vector_store_idx %arg12[%shift_right_logical3A_2958, %and3A_2961], %broadcast_in_dim3A_13 {add = true} : memref<128x128xf32, #tpu.memory_space<vmem>>[vector<16xi32>, vector<16xi32>], vector<16xf32>,
      %dma_wait3A_2962 = arith.constant 3920 : i32
      %dma_wait3A_2963 = tpu.memref_slice %arg8[%dma_wait3A_2962] : memref<4000xi32, #tpu.memory_space<vmem>> -> memref<80xi32, #tpu.memory_space<vmem>>
      %dma_wait3A_2964 = arith.constant 0 : i32
      %dma_wait3A_2965 = arith.constant 0 : i32
      %dma_wait3A_2966 = tpu.memref_slice %arg2[%dma_wait3A_2964, %dma_wait3A_2965] : memref<10240x128xf32, #tpu.memory_space<hbm>> -> memref<10240x128xf32, #tpu.memory_space<hbm>>
      tpu.wait_indirect_dma semaphore(%arg17 : memref<!tpu.dma_semaphore, #tpu.memory_space<semaphore_mem>>) src(%dma_wait3A_2966 : memref<10240x128xf32, #tpu.memory_space<hbm>>) dst(%arg11 : memref<80x128xf32, #tpu.memory_space<vmem>>)
      %dma_start3A_2967 = arith.constant 3920 : i32
      %dma_start3A_2968 = tpu.memref_slice %arg9[%dma_start3A_2967] : memref<4000xi32, #tpu.memory_space<vmem>> -> memref<80xi32, #tpu.memory_space<vmem>>
      %dma_start3A_2969 = arith.constant 0 : i32
      %dma_start3A_2970 = arith.constant 0 : i32
      %dma_start3A_2971 = tpu.memref_slice %arg14[%dma_start3A_2969, %dma_start3A_2970] : memref<10240x128xf32, #tpu.memory_space<vmem_shared>> -> memref<10240x128xf32, #tpu.memory_space<vmem_shared>>
      tpu.enqueue_indirect_dma source(%arg11 : memref<80x128xf32, #tpu.memory_space<vmem>>) target(%dma_start3A_2971 : memref<10240x128xf32, #tpu.memory_space<vmem_shared>>) offsets(%dma_start3A_2968 : memref<80xi32, #tpu.memory_space<vmem>>) semaphore(%arg19 : memref<!tpu.dma_semaphore, #tpu.memory_space<semaphore_mem>>) {add = true}
      %get3A_2972 = arith.constant 3920 : index
      %get3A_2973 = tpu.vector_load %arg9[%get3A_2972] {strides = array<i32>} : memref<4000xi32, #tpu.memory_space<vmem>>, vector<16xi32>,
      %shift_right_logical3A_2974 = arith.constant 7 : i32
      %shift_right_logical3A_2975 = vector.broadcast %shift_right_logical3A_2974 : i32 to vector<16xi32>
      %shift_right_logical3A_2976 = arith.shrui %get3A_2973, %shift_right_logical3A_2975 : vector<16xi32>
      %and3A_2977 = arith.constant 127 : i32
      %and3A_2978 = vector.broadcast %and3A_2977 : i32 to vector<16xi32>
      %and3A_2979 = arith.andi %get3A_2973, %and3A_2978 : vector<16xi32>
      tpu.vector_store_idx %arg12[%shift_right_logical3A_2976, %and3A_2979], %broadcast_in_dim3A_13 {add = true} : memref<128x128xf32, #tpu.memory_space<vmem>>[vector<16xi32>, vector<16xi32>], vector<16xf32>,
      %get3A_2980 = arith.constant 3936 : index
      %get3A_2981 = tpu.vector_load %arg9[%get3A_2980] {strides = array<i32>} : memref<4000xi32, #tpu.memory_space<vmem>>, vector<16xi32>,
      %shift_right_logical3A_2982 = arith.constant 7 : i32
      %shift_right_logical3A_2983 = vector.broadcast %shift_right_logical3A_2982 : i32 to vector<16xi32>
      %shift_right_logical3A_2984 = arith.shrui %get3A_2981, %shift_right_logical3A_2983 : vector<16xi32>
      %and3A_2985 = arith.constant 127 : i32
      %and3A_2986 = vector.broadcast %and3A_2985 : i32 to vector<16xi32>
      %and3A_2987 = arith.andi %get3A_2981, %and3A_2986 : vector<16xi32>
      tpu.vector_store_idx %arg12[%shift_right_logical3A_2984, %and3A_2987], %broadcast_in_dim3A_13 {add = true} : memref<128x128xf32, #tpu.memory_space<vmem>>[vector<16xi32>, vector<16xi32>], vector<16xf32>,
      %get3A_2988 = arith.constant 3952 : index
      %get3A_2989 = tpu.vector_load %arg9[%get3A_2988] {strides = array<i32>} : memref<4000xi32, #tpu.memory_space<vmem>>, vector<16xi32>,
      %shift_right_logical3A_2990 = arith.constant 7 : i32
      %shift_right_logical3A_2991 = vector.broadcast %shift_right_logical3A_2990 : i32 to vector<16xi32>
      %shift_right_logical3A_2992 = arith.shrui %get3A_2989, %shift_right_logical3A_2991 : vector<16xi32>
      %and3A_2993 = arith.constant 127 : i32
      %and3A_2994 = vector.broadcast %and3A_2993 : i32 to vector<16xi32>
      %and3A_2995 = arith.andi %get3A_2989, %and3A_2994 : vector<16xi32>
      tpu.vector_store_idx %arg12[%shift_right_logical3A_2992, %and3A_2995], %broadcast_in_dim3A_13 {add = true} : memref<128x128xf32, #tpu.memory_space<vmem>>[vector<16xi32>, vector<16xi32>], vector<16xf32>,
      %get3A_2996 = arith.constant 3968 : index
      %get3A_2997 = tpu.vector_load %arg9[%get3A_2996] {strides = array<i32>} : memref<4000xi32, #tpu.memory_space<vmem>>, vector<16xi32>,
      %shift_right_logical3A_2998 = arith.constant 7 : i32
      %shift_right_logical3A_2999 = vector.broadcast %shift_right_logical3A_2998 : i32 to vector<16xi32>
      %shift_right_logical3A_3000 = arith.shrui %get3A_2997, %shift_right_logical3A_2999 : vector<16xi32>
      %and3A_3001 = arith.constant 127 : i32
      %and3A_3002 = vector.broadcast %and3A_3001 : i32 to vector<16xi32>
      %and3A_3003 = arith.andi %get3A_2997, %and3A_3002 : vector<16xi32>
      tpu.vector_store_idx %arg12[%shift_right_logical3A_3000, %and3A_3003], %broadcast_in_dim3A_13 {add = true} : memref<128x128xf32, #tpu.memory_space<vmem>>[vector<16xi32>, vector<16xi32>], vector<16xf32>,
      %get3A_3004 = arith.constant 3984 : index
      %get3A_3005 = tpu.vector_load %arg9[%get3A_3004] {strides = array<i32>} : memref<4000xi32, #tpu.memory_space<vmem>>, vector<16xi32>,
      %shift_right_logical3A_3006 = arith.constant 7 : i32
      %shift_right_logical3A_3007 = vector.broadcast %shift_right_logical3A_3006 : i32 to vector<16xi32>
      %shift_right_logical3A_3008 = arith.shrui %get3A_3005, %shift_right_logical3A_3007 : vector<16xi32>
      %and3A_3009 = arith.constant 127 : i32
      %and3A_3010 = vector.broadcast %and3A_3009 : i32 to vector<16xi32>
      %and3A_3011 = arith.andi %get3A_3005, %and3A_3010 : vector<16xi32>
      tpu.vector_store_idx %arg12[%shift_right_logical3A_3008, %and3A_3011], %broadcast_in_dim3A_13 {add = true} : memref<128x128xf32, #tpu.memory_space<vmem>>[vector<16xi32>, vector<16xi32>], vector<16xf32>,
      %dma_wait3A_3012 = arith.constant 3840 : i32
      %dma_wait3A_3013 = tpu.memref_slice %arg9[%dma_wait3A_3012] : memref<4000xi32, #tpu.memory_space<vmem>> -> memref<80xi32, #tpu.memory_space<vmem>>
      %dma_wait3A_3014 = arith.constant 0 : i32
      %dma_wait3A_3015 = arith.constant 0 : i32
      %dma_wait3A_3016 = tpu.memref_slice %arg14[%dma_wait3A_3014, %dma_wait3A_3015] : memref<10240x128xf32, #tpu.memory_space<vmem_shared>> -> memref<10240x128xf32, #tpu.memory_space<vmem_shared>>
      tpu.wait_indirect_dma semaphore(%arg18 : memref<!tpu.dma_semaphore, #tpu.memory_space<semaphore_mem>>) src(%arg10 : memref<80x128xf32, #tpu.memory_space<vmem>>) dst(%dma_wait3A_3016 : memref<10240x128xf32, #tpu.memory_space<vmem_shared>>)
      %dma_wait3A_3017 = arith.constant 3920 : i32
      %dma_wait3A_3018 = tpu.memref_slice %arg9[%dma_wait3A_3017] : memref<4000xi32, #tpu.memory_space<vmem>> -> memref<80xi32, #tpu.memory_space<vmem>>
      %dma_wait3A_3019 = arith.constant 0 : i32
      %dma_wait3A_3020 = arith.constant 0 : i32
      %dma_wait3A_3021 = tpu.memref_slice %arg14[%dma_wait3A_3019, %dma_wait3A_3020] : memref<10240x128xf32, #tpu.memory_space<vmem_shared>> -> memref<10240x128xf32, #tpu.memory_space<vmem_shared>>
      tpu.wait_indirect_dma semaphore(%arg19 : memref<!tpu.dma_semaphore, #tpu.memory_space<semaphore_mem>>) src(%arg11 : memref<80x128xf32, #tpu.memory_space<vmem>>) dst(%dma_wait3A_3021 : memref<10240x128xf32, #tpu.memory_space<vmem_shared>>)
    }
    %scan3A_18 = arith.constant 5 : i32
    "tpu.region"() ({
      %run_scoped3A = tpu.sem_alloc : memref<!tpu.dma_semaphore, #tpu.memory_space<semaphore_mem>>
      %dma_start3A = arith.constant 0 : i32
      %dma_start3A_20 = arith.constant 0 : i32
      %dma_start3A_21 = tpu.memref_slice %arg15[%dma_start3A, %dma_start3A_20] : memref<128x128xf32, #tpu.memory_space<vmem_shared>> -> memref<128x128xf32, #tpu.memory_space<vmem_shared>>
      tpu.enqueue_indirect_dma source(%arg12 : memref<128x128xf32, #tpu.memory_space<vmem>>) target(%dma_start3A_21 : memref<128x128xf32, #tpu.memory_space<vmem_shared>>) offsets(%arg13 : memref<128xi32, #tpu.memory_space<vmem>>) semaphore(%run_scoped3A : memref<!tpu.dma_semaphore, #tpu.memory_space<semaphore_mem>>) {add = true}
      %dma_wait3A = arith.constant 0 : i32
      %dma_wait3A_22 = arith.constant 0 : i32
      %dma_wait3A_23 = tpu.memref_slice %arg15[%dma_wait3A, %dma_wait3A_22] : memref<128x128xf32, #tpu.memory_space<vmem_shared>> -> memref<128x128xf32, #tpu.memory_space<vmem_shared>>
      tpu.wait_indirect_dma semaphore(%run_scoped3A : memref<!tpu.dma_semaphore, #tpu.memory_space<semaphore_mem>>) src(%arg12 : memref<128x128xf32, #tpu.memory_space<vmem>>) dst(%dma_wait3A_23 : memref<128x128xf32, #tpu.memory_space<vmem_shared>>)
      tpu.yield
    }) : () -> ()
    %barrier3A_19 = arith.constant 0 : index
    tpu.barrier barrier_id(%barrier3A_19)
    "tpu.region"() ({
      %run_scoped3A = tpu.sem_alloc : memref<!tpu.dma_semaphore, #tpu.memory_space<semaphore_mem>>
      %dma_start3A = arith.constant 0 : i32
      %dma_start3A_20 = tpu.memref_slice %arg6[%arg0, %mul3A_0, %dma_start3A] : memref<2x10240x128xf32, #tpu.memory_space<hbm>> -> memref<1x640x128xf32, #tpu.memory_space<hbm>>
      %dma_start3A_21 = tpu.memref_squeeze %dma_start3A_20 : memref<1x640x128xf32, #tpu.memory_space<hbm>> -> memref<640x128xf32, #tpu.memory_space<hbm>>
      %dma_start3A_22 = arith.constant 0 : i32
      %dma_start3A_23 = tpu.memref_slice %arg14[%mul3A_0, %dma_start3A_22] : memref<10240x128xf32, #tpu.memory_space<vmem_shared>> -> memref<640x128xf32, #tpu.memory_space<vmem_shared>>
      tpu.enqueue_dma source(%dma_start3A_23 : memref<640x128xf32, #tpu.memory_space<vmem_shared>>) target(%dma_start3A_21 : memref<640x128xf32, #tpu.memory_space<hbm>>) target_semaphore(%run_scoped3A : memref<!tpu.dma_semaphore, #tpu.memory_space<semaphore_mem>>)
      %dma_wait3A = arith.constant 0 : i32
      %dma_wait3A_24 = tpu.memref_slice %arg6[%arg0, %mul3A_0, %dma_wait3A] : memref<2x10240x128xf32, #tpu.memory_space<hbm>> -> memref<1x640x128xf32, #tpu.memory_space<hbm>>
      %dma_wait3A_25 = tpu.memref_squeeze %dma_wait3A_24 : memref<1x640x128xf32, #tpu.memory_space<hbm>> -> memref<640x128xf32, #tpu.memory_space<hbm>>
      %dma_wait3A_26 = arith.constant 0 : i32
      %dma_wait3A_27 = tpu.memref_slice %arg14[%mul3A_0, %dma_wait3A_26] : memref<10240x128xf32, #tpu.memory_space<vmem_shared>> -> memref<640x128xf32, #tpu.memory_space<vmem_shared>>
      tpu.wait_dma2 semaphore(%run_scoped3A : memref<!tpu.dma_semaphore, #tpu.memory_space<semaphore_mem>>) src(%dma_wait3A_27 : memref<640x128xf32, #tpu.memory_space<vmem_shared>>) dst(%dma_wait3A_25 : memref<640x128xf32, #tpu.memory_space<hbm>>)
      tpu.yield
    }) : () -> ()
    "tpu.region"() ({
      %run_scoped3A = tpu.sem_alloc : memref<!tpu.dma_semaphore, #tpu.memory_space<semaphore_mem>>
      %dma_start3A = arith.constant 0 : i32
      %dma_start3A_20 = tpu.memref_slice %arg7[%arg0, %mul3A_2, %dma_start3A] : memref<2x128x128xf32, #tpu.memory_space<hbm>> -> memref<1x8x128xf32, #tpu.memory_space<hbm>>
      %dma_start3A_21 = tpu.memref_squeeze %dma_start3A_20 : memref<1x8x128xf32, #tpu.memory_space<hbm>> -> memref<8x128xf32, #tpu.memory_space<hbm>>
      %dma_start3A_22 = arith.constant 0 : i32
      %dma_start3A_23 = tpu.memref_slice %arg15[%mul3A_2, %dma_start3A_22] : memref<128x128xf32, #tpu.memory_space<vmem_shared>> -> memref<8x128xf32, #tpu.memory_space<vmem_shared>>
      tpu.enqueue_dma source(%dma_start3A_23 : memref<8x128xf32, #tpu.memory_space<vmem_shared>>) target(%dma_start3A_21 : memref<8x128xf32, #tpu.memory_space<hbm>>) target_semaphore(%run_scoped3A : memref<!tpu.dma_semaphore, #tpu.memory_space<semaphore_mem>>)
      %dma_wait3A = arith.constant 0 : i32
      %dma_wait3A_24 = tpu.memref_slice %arg7[%arg0, %mul3A_2, %dma_wait3A] : memref<2x128x128xf32, #tpu.memory_space<hbm>> -> memref<1x8x128xf32, #tpu.memory_space<hbm>>
      %dma_wait3A_25 = tpu.memref_squeeze %dma_wait3A_24 : memref<1x8x128xf32, #tpu.memory_space<hbm>> -> memref<8x128xf32, #tpu.memory_space<hbm>>
      %dma_wait3A_26 = arith.constant 0 : i32
      %dma_wait3A_27 = tpu.memref_slice %arg15[%mul3A_2, %dma_wait3A_26] : memref<128x128xf32, #tpu.memory_space<vmem_shared>> -> memref<8x128xf32, #tpu.memory_space<vmem_shared>>
      tpu.wait_dma2 semaphore(%run_scoped3A : memref<!tpu.dma_semaphore, #tpu.memory_space<semaphore_mem>>) src(%dma_wait3A_27 : memref<8x128xf32, #tpu.memory_space<vmem_shared>>) dst(%dma_wait3A_25 : memref<8x128xf32, #tpu.memory_space<hbm>>)
      tpu.yield
    }) : () -> ()
    return
  }
}

module attributes {stable_mosaic.version = 14 : i64} {
  func.func @_combine_body(%arg0: i32, %arg1: memref<1000x128xf32, #tpu.memory_space<vmem>>, %arg2: memref<1x1000x128xf32, #tpu.memory_space<vmem>>, %arg3: memref<1x1000x128xf32, #tpu.memory_space<vmem>>, %arg4: memref<1000x1xf32, #tpu.memory_space<vmem>>, %arg5: memref<1000x1xf32, #tpu.memory_space<vmem>>, %arg6: memref<128x128xf32, #tpu.memory_space<vmem>>, %arg7: memref<128x128xf32, #tpu.memory_space<vmem>>, %arg8: memref<128x128xf32, #tpu.memory_space<vmem>>, %arg9: memref<128x16xf32, #tpu.memory_space<vmem>>, %arg10: memref<1x16xf32, #tpu.memory_space<vmem>>, %arg11: memref<1x128xf32, #tpu.memory_space<vmem>>, %arg12: memref<1x128xf32, #tpu.memory_space<vmem>>, %arg13: memref<1x16xf32, #tpu.memory_space<vmem>>, %arg14: memref<1000x128xf32, #tpu.memory_space<vmem>>) attributes {dimension_semantics = [#tpu.dimension_semantics<arbitrary>], iteration_bounds = array<i64: 10>, scalar_prefetch = 0 : i64, scratch_operands = 0 : i64, tpu.core_type = #tpu.core_type<tc>, window_params = [{transform_indices = @transform_0, window_bounds = array<i64: 1000, 128>}, {transform_indices = @transform_1, window_bounds = array<i64: 1, 1000, 128>}, {transform_indices = @transform_2, window_bounds = array<i64: 1, 1000, 128>}, {transform_indices = @transform_3, window_bounds = array<i64: 1000, 1>}, {transform_indices = @transform_4, window_bounds = array<i64: 1000, 1>}, {pipeline_mode = #tpu.pipeline_mode<synchronous>, transform_indices = @transform_5, window_bounds = array<i64: 128, 128>}, {pipeline_mode = #tpu.pipeline_mode<synchronous>, transform_indices = @transform_6, window_bounds = array<i64: 128, 128>}, {pipeline_mode = #tpu.pipeline_mode<synchronous>, transform_indices = @transform_7, window_bounds = array<i64: 128, 128>}, {pipeline_mode = #tpu.pipeline_mode<synchronous>, transform_indices = @transform_8, window_bounds = array<i64: 128, 16>}, {pipeline_mode = #tpu.pipeline_mode<synchronous>, transform_indices = @transform_9, window_bounds = array<i64: 1, 16>}, {pipeline_mode = #tpu.pipeline_mode<synchronous>, transform_indices = @transform_10, window_bounds = array<i64: 1, 128>}, {pipeline_mode = #tpu.pipeline_mode<synchronous>, transform_indices = @transform_11, window_bounds = array<i64: 1, 128>}, {pipeline_mode = #tpu.pipeline_mode<synchronous>, transform_indices = @transform_12, window_bounds = array<i64: 1, 16>}, {transform_indices = @transform_13, window_bounds = array<i64: 1000, 128>}]} {
    %get3A = arith.constant 0 : index
    %get3A_0 = arith.constant 0 : index
    %get3A_1 = vector.load %arg1[%get3A, %get3A_0] : memref<1000x128xf32, #tpu.memory_space<vmem>>, vector<1000x128xf32>
    %get3A_2 = arith.constant 0 : index
    %get3A_3 = arith.constant 0 : index
    %get3A_4 = vector.load %arg6[%get3A_2, %get3A_3] : memref<128x128xf32, #tpu.memory_space<vmem>>, vector<128x128xf32>
    %dot_general3A = arith.constant dense<0.000000e+00> : vector<1000x128xf32>
    %dot_general3A_5 = tpu.matmul %get3A_1, %get3A_4, %dot_general3A {dimension_numbers = #tpu.dot_dimension_numbers<[1], [0], [0], [1], [0, 0, 1, 1], [], []>, transpose_lhs_hint = false} : vector<1000x128xf32>, vector<128x128xf32>, vector<1000x128xf32> -> vector<1000x128xf32>
    %get3A_6 = arith.constant 0 : index
    %get3A_7 = arith.constant 0 : index
    %get3A_8 = vector.load %arg11[%get3A_6, %get3A_7] : memref<1x128xf32, #tpu.memory_space<vmem>>, vector<1x128xf32>
    %add3A = vector.broadcast %get3A_8 : vector<1x128xf32> to vector<1000x128xf32>
    %add3A_9 = arith.addf %dot_general3A_5, %add3A : vector<1000x128xf32>
    %get3A_10 = arith.constant 0 : index
    %get3A_11 = arith.constant 0 : index
    %get3A_12 = vector.load %arg7[%get3A_10, %get3A_11] : memref<128x128xf32, #tpu.memory_space<vmem>>, vector<128x128xf32>
    %dot_general3A_13 = arith.constant dense<0.000000e+00> : vector<1000x128xf32>
    %dot_general3A_14 = tpu.matmul %get3A_1, %get3A_12, %dot_general3A_13 {dimension_numbers = #tpu.dot_dimension_numbers<[1], [0], [0], [1], [0, 0, 1, 1], [], []>, transpose_lhs_hint = false} : vector<1000x128xf32>, vector<128x128xf32>, vector<1000x128xf32> -> vector<1000x128xf32>
    %get3A_15 = arith.constant 0 : index
    %get3A_16 = arith.constant 0 : index
    %get3A_17 = vector.load %arg12[%get3A_15, %get3A_16] : memref<1x128xf32, #tpu.memory_space<vmem>>, vector<1x128xf32>
    %add3A_18 = vector.broadcast %get3A_17 : vector<1x128xf32> to vector<1000x128xf32>
    %add3A_19 = arith.addf %dot_general3A_14, %add3A_18 : vector<1000x128xf32>
    %get3A_20 = arith.constant 0 : index
    %get3A_21 = arith.constant 0 : index
    %get3A_22 = vector.load %arg8[%get3A_20, %get3A_21] : memref<128x128xf32, #tpu.memory_space<vmem>>, vector<128x128xf32>
    %get3A_23 = arith.constant 0 : index
    %get3A_24 = arith.constant 0 : index
    %get3A_25 = arith.constant 0 : index
    %get3A_26 = vector.load %arg2[%get3A_23, %get3A_24, %get3A_25] : memref<1x1000x128xf32, #tpu.memory_space<vmem>>, vector<1x1000x128xf32>
    %get3A_27 = vector.shape_cast %get3A_26 : vector<1x1000x128xf32> to vector<1000x128xf32>
    %dot_general3A_28 = arith.constant dense<0.000000e+00> : vector<1000x128xf32>
    %dot_general3A_29 = tpu.matmul %get3A_27, %get3A_22, %dot_general3A_28 {dimension_numbers = #tpu.dot_dimension_numbers<[1], [0], [0], [1], [0, 0, 1, 1], [], []>, transpose_lhs_hint = false} : vector<1000x128xf32>, vector<128x128xf32>, vector<1000x128xf32> -> vector<1000x128xf32>
    %get3A_30 = arith.constant 0 : index
    %get3A_31 = arith.constant 0 : index
    %get3A_32 = vector.load %arg4[%get3A_30, %get3A_31] : memref<1000x1xf32, #tpu.memory_space<vmem>>, vector<1000x1xf32>
    %mul3A = vector.broadcast %get3A_32 : vector<1000x1xf32> to vector<1000x128xf32>
    %mul3A_33 = arith.mulf %mul3A, %add3A_19 : vector<1000x128xf32>
    %add3A_34 = arith.addf %dot_general3A_29, %mul3A_33 : vector<1000x128xf32>
    %get3A_35 = arith.constant 0 : index
    %get3A_36 = arith.constant 0 : index
    %get3A_37 = arith.constant 0 : index
    %get3A_38 = vector.load %arg3[%get3A_35, %get3A_36, %get3A_37] : memref<1x1000x128xf32, #tpu.memory_space<vmem>>, vector<1x1000x128xf32>
    %get3A_39 = vector.shape_cast %get3A_38 : vector<1x1000x128xf32> to vector<1000x128xf32>
    %dot_general3A_40 = arith.constant dense<0.000000e+00> : vector<1000x128xf32>
    %dot_general3A_41 = tpu.matmul %get3A_39, %get3A_22, %dot_general3A_40 {dimension_numbers = #tpu.dot_dimension_numbers<[1], [0], [0], [1], [0, 0, 1, 1], [], []>, transpose_lhs_hint = false} : vector<1000x128xf32>, vector<128x128xf32>, vector<1000x128xf32> -> vector<1000x128xf32>
    %get3A_42 = arith.constant 0 : index
    %get3A_43 = arith.constant 0 : index
    %get3A_44 = vector.load %arg5[%get3A_42, %get3A_43] : memref<1000x1xf32, #tpu.memory_space<vmem>>, vector<1000x1xf32>
    %mul3A_45 = vector.broadcast %get3A_44 : vector<1000x1xf32> to vector<1000x128xf32>
    %mul3A_46 = arith.mulf %mul3A_45, %add3A_19 : vector<1000x128xf32>
    %add3A_47 = arith.addf %dot_general3A_41, %mul3A_46 : vector<1000x128xf32>
    %get3A_48 = arith.constant 0 : index
    %get3A_49 = arith.constant 0 : index
    %get3A_50 = vector.load %arg9[%get3A_48, %get3A_49] : memref<128x16xf32, #tpu.memory_space<vmem>>, vector<128x16xf32>
    %get3A_51 = arith.constant 0 : index
    %get3A_52 = arith.constant 0 : index
    %get3A_53 = vector.load %arg10[%get3A_51, %get3A_52] : memref<1x16xf32, #tpu.memory_space<vmem>>, vector<1x16xf32>
    %get3A_54 = arith.constant 0 : index
    %get3A_55 = arith.constant 0 : index
    %get3A_56 = vector.load %arg13[%get3A_54, %get3A_55] : memref<1x16xf32, #tpu.memory_space<vmem>>, vector<1x16xf32>
    %dot_general3A_57 = arith.constant dense<0.000000e+00> : vector<1000x16xf32>
    %dot_general3A_58 = tpu.matmul %add3A_9, %get3A_50, %dot_general3A_57 {dimension_numbers = #tpu.dot_dimension_numbers<[1], [0], [0], [1], [0, 0, 1, 1], [], []>, transpose_lhs_hint = false} : vector<1000x128xf32>, vector<128x16xf32>, vector<1000x16xf32> -> vector<1000x16xf32>
    %add3A_59 = vector.broadcast %get3A_56 : vector<1x16xf32> to vector<1000x16xf32>
    %add3A_60 = arith.addf %dot_general3A_58, %add3A_59 : vector<1000x16xf32>
    %tanh3A = math.tanh %add3A_60 : vector<1000x16xf32>
    %mul3A_61 = vector.broadcast %get3A_53 : vector<1x16xf32> to vector<1000x16xf32>
    %mul3A_62 = arith.mulf %tanh3A, %mul3A_61 : vector<1000x16xf32>
    %reduce_sum3A = arith.constant dense<0.000000e+00> : vector<1000xf32>
    %reduce_sum3A_63 = vector.multi_reduction <add>, %mul3A_62, %reduce_sum3A [1] : vector<1000x16xf32> to vector<1000xf32>
    %broadcast_in_dim3A = vector.shape_cast %reduce_sum3A_63 : vector<1000xf32> to vector<1000x1xf32>
    %dot_general3A_64 = arith.constant dense<0.000000e+00> : vector<1000x16xf32>
    %dot_general3A_65 = tpu.matmul %add3A_34, %get3A_50, %dot_general3A_64 {dimension_numbers = #tpu.dot_dimension_numbers<[1], [0], [0], [1], [0, 0, 1, 1], [], []>, transpose_lhs_hint = false} : vector<1000x128xf32>, vector<128x16xf32>, vector<1000x16xf32> -> vector<1000x16xf32>
    %add3A_66 = vector.broadcast %get3A_56 : vector<1x16xf32> to vector<1000x16xf32>
    %add3A_67 = arith.addf %dot_general3A_65, %add3A_66 : vector<1000x16xf32>
    %tanh3A_68 = math.tanh %add3A_67 : vector<1000x16xf32>
    %mul3A_69 = vector.broadcast %get3A_53 : vector<1x16xf32> to vector<1000x16xf32>
    %mul3A_70 = arith.mulf %tanh3A_68, %mul3A_69 : vector<1000x16xf32>
    %reduce_sum3A_71 = arith.constant dense<0.000000e+00> : vector<1000xf32>
    %reduce_sum3A_72 = vector.multi_reduction <add>, %mul3A_70, %reduce_sum3A_71 [1] : vector<1000x16xf32> to vector<1000xf32>
    %broadcast_in_dim3A_73 = vector.shape_cast %reduce_sum3A_72 : vector<1000xf32> to vector<1000x1xf32>
    %dot_general3A_74 = arith.constant dense<0.000000e+00> : vector<1000x16xf32>
    %dot_general3A_75 = tpu.matmul %add3A_47, %get3A_50, %dot_general3A_74 {dimension_numbers = #tpu.dot_dimension_numbers<[1], [0], [0], [1], [0, 0, 1, 1], [], []>, transpose_lhs_hint = false} : vector<1000x128xf32>, vector<128x16xf32>, vector<1000x16xf32> -> vector<1000x16xf32>
    %add3A_76 = vector.broadcast %get3A_56 : vector<1x16xf32> to vector<1000x16xf32>
    %add3A_77 = arith.addf %dot_general3A_75, %add3A_76 : vector<1000x16xf32>
    %tanh3A_78 = math.tanh %add3A_77 : vector<1000x16xf32>
    %mul3A_79 = vector.broadcast %get3A_53 : vector<1x16xf32> to vector<1000x16xf32>
    %mul3A_80 = arith.mulf %tanh3A_78, %mul3A_79 : vector<1000x16xf32>
    %reduce_sum3A_81 = arith.constant dense<0.000000e+00> : vector<1000xf32>
    %reduce_sum3A_82 = vector.multi_reduction <add>, %mul3A_80, %reduce_sum3A_81 [1] : vector<1000x16xf32> to vector<1000xf32>
    %broadcast_in_dim3A_83 = vector.shape_cast %reduce_sum3A_82 : vector<1000xf32> to vector<1000x1xf32>
    %max3A = arith.maximumf %broadcast_in_dim3A, %broadcast_in_dim3A_73 : vector<1000x1xf32>
    %max3A_84 = arith.maximumf %max3A, %broadcast_in_dim3A_83 : vector<1000x1xf32>
    %sub3A = arith.subf %broadcast_in_dim3A, %max3A_84 : vector<1000x1xf32>
    %exp3A = math.exp %sub3A : vector<1000x1xf32>
    %sub3A_85 = arith.subf %broadcast_in_dim3A_73, %max3A_84 : vector<1000x1xf32>
    %exp3A_86 = math.exp %sub3A_85 : vector<1000x1xf32>
    %sub3A_87 = arith.subf %broadcast_in_dim3A_83, %max3A_84 : vector<1000x1xf32>
    %exp3A_88 = math.exp %sub3A_87 : vector<1000x1xf32>
    %mul3A_89 = vector.broadcast %exp3A : vector<1000x1xf32> to vector<1000x128xf32>
    %mul3A_90 = arith.mulf %mul3A_89, %add3A_9 : vector<1000x128xf32>
    %mul3A_91 = vector.broadcast %exp3A_86 : vector<1000x1xf32> to vector<1000x128xf32>
    %mul3A_92 = arith.mulf %mul3A_91, %add3A_34 : vector<1000x128xf32>
    %add3A_93 = arith.addf %mul3A_90, %mul3A_92 : vector<1000x128xf32>
    %mul3A_94 = vector.broadcast %exp3A_88 : vector<1000x1xf32> to vector<1000x128xf32>
    %mul3A_95 = arith.mulf %mul3A_94, %add3A_47 : vector<1000x128xf32>
    %add3A_96 = arith.addf %add3A_93, %mul3A_95 : vector<1000x128xf32>
    %add3A_97 = arith.addf %exp3A, %exp3A_86 : vector<1000x1xf32>
    %add3A_98 = arith.addf %add3A_97, %exp3A_88 : vector<1000x1xf32>
    %div3A = vector.broadcast %add3A_98 : vector<1000x1xf32> to vector<1000x128xf32>
    %div3A_99 = arith.divf %add3A_96, %div3A : vector<1000x128xf32>
    %swap3A = arith.constant 0 : index
    %swap3A_100 = arith.constant 0 : index
    %swap3A_101 = vector.load %arg14[%swap3A, %swap3A_100] : memref<1000x128xf32, #tpu.memory_space<vmem>>, vector<1000x128xf32>
    tpu.vector_store %arg14[%swap3A, %swap3A_100], %div3A_99 {strides = array<i32>} : memref<1000x128xf32, #tpu.memory_space<vmem>>, vector<1000x128xf32>,
    return
  }
  func.func @transform_0(%arg0: i32) -> (i32, i32) {
    %c0_i32 = arith.constant 0 : i32
    %c0_i32_0 = arith.constant 0 : i32
    return %arg0, %c0_i32 : i32, i32
  }
  func.func @transform_1(%arg0: i32) -> (i32, i32, i32) {
    %c0_i32 = arith.constant 0 : i32
    %c0_i32_0 = arith.constant 0 : i32
    %c0_i32_1 = arith.constant 0 : i32
    return %c0_i32, %arg0, %c0_i32_0 : i32, i32, i32
  }
  func.func @transform_2(%arg0: i32) -> (i32, i32, i32) {
    %c1_i32 = arith.constant 1 : i32
    %c0_i32 = arith.constant 0 : i32
    %c0_i32_0 = arith.constant 0 : i32
    return %c1_i32, %arg0, %c0_i32 : i32, i32, i32
  }
  func.func @transform_3(%arg0: i32) -> (i32, i32) {
    %c0_i32 = arith.constant 0 : i32
    %c0_i32_0 = arith.constant 0 : i32
    return %arg0, %c0_i32 : i32, i32
  }
  func.func @transform_4(%arg0: i32) -> (i32, i32) {
    %c0_i32 = arith.constant 0 : i32
    %c0_i32_0 = arith.constant 0 : i32
    return %arg0, %c0_i32 : i32, i32
  }
  func.func @transform_5(%arg0: i32) -> (i32, i32) {
    %c0_i32 = arith.constant 0 : i32
    %c0_i32_0 = arith.constant 0 : i32
    %c0_i32_1 = arith.constant 0 : i32
    return %c0_i32, %c0_i32_0 : i32, i32
  }
  func.func @transform_6(%arg0: i32) -> (i32, i32) {
    %c0_i32 = arith.constant 0 : i32
    %c0_i32_0 = arith.constant 0 : i32
    %c0_i32_1 = arith.constant 0 : i32
    return %c0_i32, %c0_i32_0 : i32, i32
  }
  func.func @transform_7(%arg0: i32) -> (i32, i32) {
    %c0_i32 = arith.constant 0 : i32
    %c0_i32_0 = arith.constant 0 : i32
    %c0_i32_1 = arith.constant 0 : i32
    return %c0_i32, %c0_i32_0 : i32, i32
  }
  func.func @transform_8(%arg0: i32) -> (i32, i32) {
    %c0_i32 = arith.constant 0 : i32
    %c0_i32_0 = arith.constant 0 : i32
    %c0_i32_1 = arith.constant 0 : i32
    return %c0_i32, %c0_i32_0 : i32, i32
  }
  func.func @transform_9(%arg0: i32) -> (i32, i32) {
    %c0_i32 = arith.constant 0 : i32
    %c0_i32_0 = arith.constant 0 : i32
    %c0_i32_1 = arith.constant 0 : i32
    return %c0_i32, %c0_i32_0 : i32, i32
  }
  func.func @transform_10(%arg0: i32) -> (i32, i32) {
    %c0_i32 = arith.constant 0 : i32
    %c0_i32_0 = arith.constant 0 : i32
    %c0_i32_1 = arith.constant 0 : i32
    return %c0_i32, %c0_i32_0 : i32, i32
  }
  func.func @transform_11(%arg0: i32) -> (i32, i32) {
    %c0_i32 = arith.constant 0 : i32
    %c0_i32_0 = arith.constant 0 : i32
    %c0_i32_1 = arith.constant 0 : i32
    return %c0_i32, %c0_i32_0 : i32, i32
  }
  func.func @transform_12(%arg0: i32) -> (i32, i32) {
    %c0_i32 = arith.constant 0 : i32
    %c0_i32_0 = arith.constant 0 : i32
    %c0_i32_1 = arith.constant 0 : i32
    return %c0_i32, %c0_i32_0 : i32, i32
  }
  func.func @transform_13(%arg0: i32) -> (i32, i32) {
    %c0_i32 = arith.constant 0 : i32
    %c0_i32_0 = arith.constant 0 : i32
    return %arg0, %c0_i32 : i32, i32
  }
}

</mosaic_0001>

<sc_bundles>
// kernel: kernel.4.cloned.1.call-start
scs
__scs_entry_jumppad:
0x0: {  	(pc) =	sbr.rel $0x88, $3  }
0x1: {  	(tag) =	ssettag $0x0;
	lr =	simm.s32 $0x1  }
0x2: {  	[smem:$0x3F98] =	sst lr;
	_ =	strace $0xD0000000  }
0x3: {  	_ = 	snop  }
0x4: {  	_ = 	snop  }
0x5: {  	_ = 	snop  }
0x6: {  	_ = 	snop  }
0x7: {  	_ = 	snop  }
__scs_overlays_trampoline_lowered:
0x8: {  	[smem:$0x3FA7] =	sst s0  }
0x9: {  	[smem:$0x3FA8] =	sst s1  }
0xa: {  	[smem:$0x3FA9] =	sst s2  }
0xb: {  	[smem:$0x3FAA] =	sst s3  }
0xc: {  	[smem:$0x3FAB] =	sst s4  }
0xd: {  	[smem:$0x3FAC] =	sst s5  }
0xe: {  	[smem:$0x3FAD] =	sst s6  }
0xf: {  	[smem:$0x3FAE] =	sst s7  }
0x10: {  	[smem:$0x3FAF] =	sst s8  }
0x11: {  	[smem:$0x3FB0] =	sst s9;
	s0 =	simm.s32 @!p0 $0x0  }
0x12: {  	s1 =	sld [smem:$0x3F96];
	s0 =	simm.s32 @p0 $0x1  }
0x13: {  	[smem:$0x3FB1] =	sst s0;
	s0 =	simm.s32 @!p1 $0x0  }
0x14: {  	s2 =	sld [smem:$0x3F95];
	s0 =	simm.s32 @p1 $0x1  }
0x15: {  	[smem:$0x3FB2] =	sst s0;
	s0 =	simm.s32 @!p2 $0x0  }
0x16: {  	s3 =	sld [smem:$0x3FDB];
	s0 =	simm.s32 @p2 $0x1  }
0x17: {  	s4 =	simm.s32 $0x1BF5;
	[smem:$0x3FB4] =	sst s0  }
0x18: {  	s0 =	sld [smem:$0x3F97];
	_ =	swait.ge [sflag:s4], $0x0  }
0x19: {  	s7 =	sld [smem:$0x3F98]  }
0x1a: {  	s8 =	sadd.s32 $0xFFFFE003, lr  }
0x1b: {  	s9 =	sadd.s32 $0xFFFFFEF7, lr;
	s5 =	simm.s32 $0xFFFFFFFF;
	p2 =	slt.u32 s8, $0xFFFFF086  }
0x1c: {  	p1 =	slt.u32 s9, $0xF7A;
	s5 =	simm.s32 @!p2 $0x0  }
0x1d: {  	s5 =	simm.s32 @p1 $0x1;
	p0 =	seq.s32 s7, s2  }
0x1e: {  	s7 =	smul.u32 @!p0 $0xF7A, s2;
	p2 =	seq.s32 @!p0 s5, $0x0  }
0x1f: {  	s9 =	smul.u32 $0xF7A, s1;
	s8 =	simm.s32 @!p0 $0x1BF5;
	p2 =	por !p2, p0  }
0x20: {  	[sflag:s8] =	ssyncset.s32 @!p0 $0xFFFFF086;
	s6 =	sadd.s32 @!p0 s3, s7;
	s7 =	simm.s32 @!p0 $0x108  }
0x21: {  	s3 =	sadd.s32 s3, s9;
	s6 =	sadd.s32 @!p0 $0x88, s6;
	s7 =	simm.s32 @p2 $0x1082  }
0x22: {  	[simem:s7], [sflag:s8] =	dma.local @!p0 [hbm:s6], $0xF7A  }
0x23: {  	s9 =	sor.u32 $0xD0000000, s2;
	s6 =	simm.s32 $0x108;
	_ =	swait.ge @!p0 [sflag:s8], $0x0  }
0x24: {  	s3 =	sadd.s32 $0x88, s3;
	s6 =	simm.s32 @!p1 $0x1082;
	[sflag:s4] =	ssyncset.s32 $0xFFFFF086  }
0x25: {  	[simem:s6], [sflag:s4] =	dma.local [hbm:s3], $0xF7A  }
0x26: {  	[smem:$0x3F98] =	sst s1;
	(tag) =	ssettag s2;
	_ =	strace s9  }
0x27: {  	s1 =	sld [smem:$0x3FA8]  }
0x28: {  	s2 =	sld [smem:$0x3FA9]  }
0x29: {  	s4 =	sld [smem:$0x3FAB]  }
0x2a: {  	p0 =	seq.s32 s5, $0x0;
	s5 =	sld [smem:$0x3FAC]  }
0x2b: {  	s6 =	sld [smem:$0x3FAD]  }
0x2c: {  	s7 =	sld [smem:$0x3FAE]  }
0x2d: {  	s3 =	simm.s32 $0x108;
	s8 =	sld [smem:$0x3FAF]  }
0x2e: {  	s3 =	simm.s32 @!p0 $0x1082;
	s9 =	sld [smem:$0x3FB0]  }
0x2f: {  	lr =	sadd.s32 s0, s3;
	s0 =	sld [smem:$0x3FA7]  }
0x30: {  	s3 =	sld [smem:$0x3FAA]  }
0x31: {  	[smem:$0x3FB3] =	sst s10  }
0x32: {  	s10 =	sld [smem:$0x3FB1];
	_ =	sdelay $0x3  }
0x33: {  	p0 =	seq.s32 s10, $0x1;
	s10 =	sld [smem:$0x3FB3];
	_ =	sdelay $0x3  }
0x34: {  	[smem:$0x3FB3] =	sst s10  }
0x35: {  	s10 =	sld [smem:$0x3FB2];
	_ =	sdelay $0x3  }
0x36: {  	p1 =	seq.s32 s10, $0x1;
	s10 =	sld [smem:$0x3FB3];
	_ =	sdelay $0x3  }
0x37: {  	[smem:$0x3FB3] =	sst s10  }
0x38: {  	s10 =	sld [smem:$0x3FB4]  }
0x39: {  	_ = 	snop;
	(pc) =	sbr.ind lr, $3  }
0x3a: {  	_ = 	snop  }
0x3b: {  	_ = 	snop  }
0x3c: {  	p2 =	seq.s32 s10, $0x1;
	s10 =	sld [smem:$0x3FB3]  }
0x3d: {  	_ =	shalt  }
0x3e: {  	_ =	shalt  }
0x3f: {  	_ =	shalt  }
0x40: {  	_ =	shalt  }
0x41: {  	_ =	shalt  }
0x42: {  	_ =	shalt  }
0x43: {  	_ =	shalt  }
0x44: {  	_ =	shalt  }
0x45: {  	_ =	shalt  }
0x46: {  	_ =	shalt  }
0x47: {  	_ =	shalt  }
0x48: {  	_ =	shalt  }
0x49: {  	_ =	shalt  }
0x4a: {  	_ =	shalt  }
0x4b: {  	_ =	shalt  }
0x4c: {  	_ =	shalt  }
0x4d: {  	_ =	shalt  }
0x4e: {  	_ =	shalt  }
0x4f: {  	_ =	shalt  }
0x50: {  	_ =	shalt  }
0x51: {  	_ =	shalt  }
0x52: {  	_ =	shalt  }
0x53: {  	_ =	shalt  }
0x54: {  	_ =	shalt  }
0x55: {  	_ =	shalt  }
0x56: {  	_ =	shalt  }
0x57: {  	_ =	shalt  }
0x58: {  	_ =	shalt  }
0x59: {  	_ =	shalt  }
0x5a: {  	_ =	shalt  }
0x5b: {  	_ =	shalt  }
0x5c: {  	_ =	shalt  }
0x5d: {  	_ =	shalt  }
0x5e: {  	_ =	shalt  }
0x5f: {  	_ =	shalt  }
0x60: {  	_ =	shalt  }
0x61: {  	_ =	shalt  }
0x62: {  	_ =	shalt  }
0x63: {  	_ =	shalt  }
0x64: {  	_ =	shalt  }
0x65: {  	_ =	shalt  }
0x66: {  	_ =	shalt  }
0x67: {  	_ =	shalt  }
0x68: {  	_ =	shalt  }
0x69: {  	_ =	shalt  }
0x6a: {  	_ =	shalt  }
0x6b: {  	_ =	shalt  }
0x6c: {  	_ =	shalt  }
0x6d: {  	_ =	shalt  }
0x6e: {  	_ =	shalt  }
0x6f: {  	_ =	shalt  }
0x70: {  	_ =	shalt  }
0x71: {  	_ =	shalt  }
0x72: {  	_ =	shalt  }
0x73: {  	_ =	shalt  }
0x74: {  	_ =	shalt  }
0x75: {  	_ =	shalt  }
0x76: {  	_ =	shalt  }
0x77: {  	_ =	shalt  }
0x78: {  	_ =	shalt  }
0x79: {  	_ =	shalt  }
0x7a: {  	_ =	shalt  }
0x7b: {  	_ =	shalt  }
0x7c: {  	_ =	shalt  }
0x7d: {  	_ =	shalt  }
0x7e: {  	_ =	shalt  }
0x7f: {  	_ =	shalt  }
0x80: {  	_ =	shalt  }
0x81: {  	_ =	shalt  }
0x82: {  	_ =	shalt  }
0x83: {  	_ =	shalt  }
0x84: {  	_ =	shalt  }
0x85: {  	_ =	shalt  }
0x86: {  	_ =	shalt  }
0x87: {  	_ =	shalt  }
.Lfunc_end0:
.L_simem_size_0:
called_computation_lowered:
.L_overlay_start_0:
0x88: {  	s2 =	sld [smem:$0x3FD9]  }
0x89: {  	s3 =	sld [smem:$0x3FFE];
	_ =	sdelay $0x1  }
0x8a: {  	s1 =	srdreg.scid  }
0x8b: {  	s0 =	sand.u32 $0x1, s1  }
0x8c: {  	s17 =	sshll.u32 s0, $0xA;
	s2 =	sadd.s32 s3, s2  }
0x8d: {  	s2 =	sadd.s32 s2, s17  }
0x8e: {  	[smem:$0x3FBF] =	sst s2  }
0x8f: {  	_ = 	snop  }
0x90: {  	s2 =	sld [smem:$0x3FD0];
	(tm) =	ssettm $0x1  }
0x91: {  	s18 =	sld [smem:$0x3FFB];
	_ =	sdelay $0x3  }
0x92: {  	_ =	strace s18  }
0x93: {  	s3 =	sld [smem:$0x3FFC];
	_ =	sdelay $0x3  }
0x94: {  	_ =	strace s3  }
0x95: {  	s3 =	sld [smem:$0x3FFD];
	_ =	sdelay $0x3  }
0x96: {  	_ =	strace s3  }
0x97: {  	_ =	strace $0x8FFFFFFF  }
0x98: {  	s19 =	sld [smem:$0x3FDB];
	_ =	sdelay $0x1  }
0x99: {  	s4 =	simm.s32 $_scs_section_size  }
0x9a: {  	s5 =	simm.s32 $_size__tile_overlayer_lowered;
	s6 =	simm.s32 $_tile_overlayer_lowered  }
0x9b: {  	s22 =	simm.s32 $0x1BFF;
	s21 =	sshll.u32 s6, $0x1;
	s3 =	sadd.s32 s4, s19  }
0x9c: {  	s7 =	simm.s32 $0x0;
	s20 =	sshll.u32 s5, $0x1;
	s5 =	sadd.s32 s21, s3  }
0x9d: {  	[timem:s7], [sflag:s22] =	dma.local [hbm:s5], s20  }
0x9e: {  	_ =	swait.ge [sflag:s22], s20  }
0x9f: {  	s4 =	ssub.s32 $0x0, s20;
	[sflag:s22] =	ssyncset.done $0x0  }
0xa0: {  	[sflag:s22] =	ssyncadd.s32 s4;
	_ =	sdelay $0x1  }
0xa1: {  	s23 =	simm.s32 $0x1B8B  }
0xa2: {  	_ =	swait.ge [sflag:s23], $0x1  }
0xa3: {  	[sflag:s23] =	ssyncset.done $0x0  }
0xa4: {  	s25 =	simm.s32 $0x1B8E;
	s24 =	sld [smem:$0x3FFE];
	[sflag:s23] =	ssyncadd.s32 $0xFFFFFFFF  }
0xa5: {  	s26 =	simm.s32 $execute0_lowered;
	[smem:$0x3FD2] =	sst s25  }
0xa6: {  	s5 =	sshll.u32 s26, $0x1;
	_ =	strace $0x80000046;
	[dreg:$0x1] =	wrdreg $0xFFFFFFFF  }
0xa7: {  	s28 =	simm.s32 $_size_execute0_lowered;
	s3 =	sadd.s32 s3, s5;
	[dreg:$0x0] =	wrdreg $0x0  }
0xa8: {  	s5 =	sshll.u32 s28, $0x1;
	[dreg:$0x2] =	wrdreg s3  }
0xa9: {  	[dreg:$0x3] =	wrdreg s5  }
0xaa: {  	[dreg:$0x4] =	wrdreg $0xC0  }
0xab: {  	_ =	task [dreg:s7], $0x5FFFF  }
0xac: {  	[dreg:$0x1] =	wrdreg $0xFFFFFFFF  }
0xad: {  	[dreg:$0x0] =	wrdreg $0x60  }
0xae: {  	[dreg:$0x2] =	wrdreg s24  }
0xaf: {  	[dreg:$0x3] =	wrdreg s2  }
0xb0: {  	[dreg:$0x4] =	wrdreg $0xB0800  }
0xb1: {  	[dreg:$0x5] =	wrdreg $0x1F0800  }
0xb2: {  	[dreg:$0x6] =	wrdreg $0x9  }
0xb3: {  	_ =	task.clear_ibuf [dreg:s7], $0x7FFFF;
	_ =	strace $0x90000046  }
0xb4: {  	s29 =	simm.s32 $0x9;
	_ =	strace $0x80000048  }
0xb5: {  	_ =	swait.ge [sflag:s29], $0x1  }
0xb6: {  	[sflag:s29] =	ssyncadd.s32 $0xFFFFFFFF  }
0xb7: {  	_ =	strace $0x90000048  }
0xb8: {  	_ =	sfence  }
0xb9: {  	s30 =	sld [smem:$0x0];
	_ =	sdelay $0x2  }
0xba: {  	s31 =	sshll.u32 s1, $0xD;
	s1 =	sshrl.u32 s1, $0x2  }
0xbb: {  	s3 =	sand.u32 $0x4000, s31;
	s1 =	sadd.s32 s1, s30  }
0xbc: {  	s0 =	sor.u32 s3, s0;
	s1 =	sshll.u32 s1, $0x11  }
0xbd: {  	s0 =	sor.u32 s1, s0  }
0xbe: {  	s0 =	sadd.s32 $0x8F2B, s0  }
0xbf: {  	[sflag:s0] =	ssyncadd.remote.s32 $0x1  }
0xc0: {  	_ =	sfence.sel $0xFFFF  }
0xc1: {  	[dreg:$0x0] =	wrdreg $0xFFFFFFFF;
	(pc) =	sbr.abs _section_cstart, $3  }
0xc2: {  	[dreg:$0x1] =	wrdreg $0xFFFFFFFF  }
0xc3: {  	_ =	task.clear_ibuf [dreg:s7], $0x2FFFF;
	_ =	strace $0x9FFFFFFF  }
0xc4: {  	(tm) =	ssettm $0x7FFFFFFF  }
0xc5: {  	_ =	shalt  }
tec
execute0_lowered:
.L_overlay_start_1:
0x0: {  	(tag) =	ssettag $0x1  }
0x1: {  	s1 =	rddreg [dreg:$0x0]  }
0x2: {  	s5 =	rddreg [dreg:$0x1]  }
0x3: {  	s2 =	rddreg [dreg:$0x2]  }
0x4: {  	s11 =	rddreg [dreg:$0x3];
	s4 =	simm.s32 $0x0  }
0x5: {  	s8 =	simm.s32 $0x10A0;
	[smem:$0x7FF] =	sst s4  }
0x6: {  	s9 =	simm.s32 $0x140;
	_ =	strace $0x80000047;
	[dreg:$0xa] =	wrdreg s8  }
0x7: {  	s10 =	simm.s32 $0x10F0;
	[dreg:$0xb] =	wrdreg s9  }
0x8: {  	s12 =	simm.s32 $0x190;
	[dreg:$0xc] =	wrdreg s10  }
0x9: {  	s14 =	simm.s32 $0x1140;
	[dreg:$0xd] =	wrdreg s12  }
0xa: {  	s15 =	simm.s32 $0x1E0;
	[dreg:$0xe] =	wrdreg s14  }
0xb: {  	s16 =	simm.s32 $0x1190;
	[dreg:$0xf] =	wrdreg s15  }
0xc: {  	s17 =	simm.s32 $0x230;
	[dreg:$0x10] =	wrdreg s16  }
0xd: {  	s18 =	simm.s32 $0x11E0;
	[dreg:$0x11] =	wrdreg s17  }
0xe: {  	s19 =	simm.s32 $0x280;
	[dreg:$0x12] =	wrdreg s18  }
0xf: {  	s20 =	simm.s32 $0x1230;
	[dreg:$0x13] =	wrdreg s19  }
0x10: {  	s21 =	simm.s32 $0x2D0;
	[dreg:$0x14] =	wrdreg s20  }
0x11: {  	s22 =	simm.s32 $0x1280;
	[dreg:$0x15] =	wrdreg s21  }
0x12: {  	s23 =	simm.s32 $0x320;
	[dreg:$0x16] =	wrdreg s22  }
0x13: {  	s24 =	simm.s32 $0x12D0;
	[dreg:$0x17] =	wrdreg s23  }
0x14: {  	s25 =	simm.s32 $0x370;
	[dreg:$0x18] =	wrdreg s24  }
0x15: {  	[dreg:$0x19] =	wrdreg s25;
	s8 =	simm.s32 $0x13C0  }
0x16: {  	s9 =	simm.s32 $0x460;
	[dreg:$0x1e] =	wrdreg s8  }
0x17: {  	s10 =	simm.s32 $0x1410;
	[dreg:$0x1f] =	wrdreg s9  }
0x18: {  	s12 =	simm.s32 $0x4B0;
	[smem:$0x7BB] =	sst s10  }
0x19: {  	s14 =	simm.s32 $0x1460;
	[smem:$0x7BC] =	sst s12  }
0x1a: {  	s15 =	simm.s32 $0x500;
	[smem:$0x7BD] =	sst s14  }
0x1b: {  	s16 =	simm.s32 $0x14B0;
	[smem:$0x7BE] =	sst s15  }
0x1c: {  	s17 =	simm.s32 $0x550;
	[smem:$0x7BF] =	sst s16  }
0x1d: {  	s18 =	simm.s32 $0x1500;
	[smem:$0x7C0] =	sst s17  }
0x1e: {  	s19 =	simm.s32 $0x5A0;
	[smem:$0x7C1] =	sst s18  }
0x1f: {  	s20 =	simm.s32 $0x1550;
	[smem:$0x7C2] =	sst s19  }
0x20: {  	s21 =	simm.s32 $0x5F0;
	[smem:$0x7C3] =	sst s20  }
0x21: {  	s22 =	simm.s32 $0x15A0;
	[smem:$0x7C4] =	sst s21  }
0x22: {  	s23 =	simm.s32 $0x640;
	[smem:$0x7C5] =	sst s22  }
0x23: {  	s24 =	simm.s32 $0x15F0;
	[smem:$0x7C6] =	sst s23  }
0x24: {  	s25 =	simm.s32 $0x690;
	[smem:$0x7C7] =	sst s24  }
0x25: {  	[smem:$0x7C8] =	sst s25;
	s8 =	simm.s32 $0x16E0  }
0x26: {  	s9 =	simm.s32 $0x780;
	[smem:$0x7CD] =	sst s8  }
0x27: {  	s10 =	simm.s32 $0x1730;
	[smem:$0x7CE] =	sst s9  }
0x28: {  	s14 =	sadd.s32 $0x29E00, s1;
	[smem:$0x7CF] =	sst s10  }
0x29: {  	s12 =	simm.s32 $0x7D0;
	[smem:$0x7D0] =	sst s14  }
0x2a: {  	s15 =	simm.s32 $0x1780;
	[smem:$0x7D1] =	sst s12  }
0x2b: {  	s17 =	simm.s32 $0x820;
	[smem:$0x7D2] =	sst s15  }
0x2c: {  	s0 =	srdreg.scid;
	s19 =	sadd.s32 $0x29C00, s1;
	[smem:$0x7D3] =	sst s17  }
0x2d: {  	s13 =	stileid.u32;
	s18 =	simm.s32 $0x17D0;
	[smem:$0x7D4] =	sst s19  }
0x2e: {  	s0 =	sand.u32 $0x1, s0;
	s20 =	simm.s32 $0x870;
	[smem:$0x7D5] =	sst s18  }
0x2f: {  	s3 =	smul.u32 $0x4E20, s13;
	s21 =	simm.s32 $0x1820;
	[smem:$0x7D6] =	sst s20  }
0x30: {  	s6 =	smul.u32 $0x4E200, s0;
	s22 =	simm.s32 $0x8C0;
	[smem:$0x7D7] =	sst s21  }
0x31: {  	s23 =	simm.s32 $0x1870;
	[smem:$0x7D8] =	sst s22  }
0x32: {  	s25 =	simm.s32 $0x910;
	s7 =	ssub.s32 s3, s6;
	[smem:$0x7D9] =	sst s23  }
0x33: {  	s3 =	sadd.s32 s3, s6;
	s6 =	simm.s32 $0x1050;
	[smem:$0x7DA] =	sst s25  }
0x34: {  	s10 =	simm.s32 $0x960;
	[dreg:$0x8] =	wrdreg s6  }
0x35: {  	s12 =	simm.s32 $0x1910;
	[smem:$0x7DC] =	sst s10  }
0x36: {  	s14 =	simm.s32 $0x9B0;
	[smem:$0x7DD] =	sst s12  }
0x37: {  	s28 =	simm.s32 $0x1D70;
	s17 =	simm.s32 $0xA00;
	[smem:$0x7DE] =	sst s14  }
0x38: {  	s29 =	simm.s32 $0xE10;
	s18 =	simm.s32 $0x19B0;
	[smem:$0x7E0] =	sst s17  }
0x39: {  	s30 =	simm.s32 $0x1DC0;
	s19 =	simm.s32 $0xA50;
	[smem:$0x7E1] =	sst s18  }
0x3a: {  	s31 =	simm.s32 $0xE60;
	s20 =	simm.s32 $0x1A00;
	[smem:$0x7E2] =	sst s19  }
0x3b: {  	s16 =	smul.u32 $0x140000, s0;
	s22 =	simm.s32 $0xAA0;
	[smem:$0x7E4] =	sst s20  }
0x3c: {  	s24 =	sshll.u32 s13, $0x7;
	s23 =	simm.s32 $0x1A50;
	[smem:$0x7E5] =	sst s22  }
0x3d: {  	s8 =	smul.u32 $0x14000, s13;
	s25 =	simm.s32 $0x1AA0;
	[smem:$0x7E6] =	sst s23  }
0x3e: {  	s15 =	sshll.u32 s13, $0xA;
	s6 =	simm.s32 $0x1370;
	[smem:$0x7EA] =	sst s25  }
0x3f: {  	s7 =	sadd.s32 $0x4E200, s7;
	s17 =	simm.s32 $0xC30;
	[dreg:$0x1c] =	wrdreg s6  }
0x40: {  	s3 =	sshrl.u32 s3, $0x3;
	s18 =	simm.s32 $0x1BE0;
	[smem:$0x7F1] =	sst s17  }
0x41: {  	s10 =	smul.u32 $0x50000, s13;
	s19 =	simm.s32 $0xC80;
	[smem:$0x7F2] =	sst s18  }
0x42: {  	s12 =	simm.s32 $0x5;
	s20 =	simm.s32 $0x1C30;
	[smem:$0x7F3] =	sst s19  }
0x43: {  	s22 =	simm.s32 $0x1C80;
	s23 =	simm.s32 $0xD20;
	[smem:$0x7F4] =	sst s20  }
0x44: {  	s7 =	sshrl.u32 s7, $0x3;
	s3 =	sadd.s32 s3, s5;
	[smem:$0x7F6] =	sst s22  }
0x45: {  	s6 =	simm.s32 $0x1690;
	s17 =	simm.s32 $0x1000;
	[smem:$0x7F7] =	sst s23  }
0x46: {  	s18 =	simm.s32 $0x50;
	s19 =	simm.s32 $0x2000;
	[dreg:$0x6] =	wrdreg s3  }
0x47: {  	s20 =	simm.s32 $0x4800;
	s26 =	sadd.s32 s7, s5;
	[smem:$0x7CB] =	sst s6  }
0x48: {  	s22 =	simm.s32 $0x3;
	s5 =	simm.s32 $0xA0;
	[dreg:$0x5] =	wrdreg s26  }
0x49: {  	s23 =	simm.s32 $0x2;
	s7 =	simm.s32 $0xF0;
	[dreg:$0x7] =	wrdreg s5  }
0x4a: {  	s6 =	ssub.s32 $0x2, s0;
	s3 =	simm.s32 $0x1AF0;
	[dreg:$0x9] =	wrdreg s7  }
0x4b: {  	s10 =	sshrl.u32 s10, $0x2;
	s26 =	simm.s32 $0x1320;
	[smem:$0x7EC] =	sst s3  }
0x4c: {  	s0 =	sshll.u32 s0, $0xB;
	s5 =	simm.s32 $0x3C0;
	[dreg:$0x1a] =	wrdreg s26  }
0x4d: {  	s7 =	simm.s32 $0x410;
	s9 =	sshrl.u32 s6, $0x1;
	[dreg:$0x1b] =	wrdreg s5  }
0x4e: {  	s10 =	sadd.s32 s10, s2;
	[dreg:$0x1d] =	wrdreg s7;
	s26 =	simm.s32 $0x1640  }
0x4f: {  	s3 =	simm.s32 $0x1E60;
	s5 =	simm.s32 $0x6E0;
	[smem:$0x7C9] =	sst s26  }
0x50: {  	s7 =	simm.s32 $0x730;
	s25 =	sshrl.u32 s10, $0x3;
	[smem:$0x7CA] =	sst s5  }
0x51: {  	s10 =	simm.s32 $0x1F00;
	[smem:$0x7CC] =	sst s7;
	s5 =	sadd.s32 $0x1C00, s1  }
0x52: {  	s7 =	sadd.s32 s8, s16;
	s26 =	simm.s32 $0x18C0;
	[smem:$0x7FD] =	sst s25  }
0x53: {  	s8 =	ssub.s32 s6, s9;
	s16 =	simm.s32 $0x1960;
	[smem:$0x7DB] =	sst s26  }
0x54: {  	s9 =	sadd.s32 s15, s11;
	s6 =	simm.s32 $0xB90;
	[smem:$0x7DF] =	sst s16  }
0x55: {  	s11 =	simm.s32 $0x7000;
	s15 =	simm.s32 $0x1B90;
	[smem:$0x7ED] =	sst s6  }
0x56: {  	s7 =	sshrl.u32 s7, $0x3;
	s26 =	smax.u32 s8, $0x1;
	[smem:$0x7F0] =	sst s15  }
0x57: {  	s8 =	simm.s32 $0x1B40;
	s16 =	sshrl.u32 s9, $0x3;
	[smem:$0x7E9] =	sst s26  }
0x58: {  	s9 =	simm.s32 $0xF50;
	s6 =	simm.s32 $0x0;
	[smem:$0x7EE] =	sst s8  }
0x59: {  	s15 =	simm.s32 $0x1F50;
	s7 =	sadd.s32 s7, s1;
	[smem:$0x7FA] =	sst s6  }
0x5a: {  	s1 =	sadd.s32 s24, s1;
	s24 =	simm.s32 $0xAF0;
	[smem:$0x7FB] =	sst s16  }
0x5b: {  	s26 =	simm.s32 $0xD70;
	s8 =	simm.s32 $0x1EB0;
	[smem:$0x7E8] =	sst s24  }
0x5c: {  	s21 =	sadd.s32 $0x2D600, s7;
	s0 =	sadd.s32 s0, s1;
	[smem:$0x7F9] =	sst s26  }
0x5d: {  	s1 =	simm.s32 $0xB40;
	s7 =	sshll.u32 s13, $0x6;
	[smem:$0x7E3] =	sst s21  }
0x5e: {  	s13 =	simm.s32 $0xBE0;
	s24 =	simm.s32 $0x1CD0;
	[smem:$0x7EB] =	sst s1  }
0x5f: {  	s26 =	simm.s32 $0xDC0;
	s0 =	sadd.s32 $0x2C600, s0;
	[smem:$0x7EF] =	sst s13  }
0x60: {  	s14 =	sor.u32 $0x1C05, s7;
	s13 =	simm.s32 $0xB000;
	[smem:$0x7F8] =	sst s24  }
0x61: {  	s21 =	simm.s32 $0xCD0;
	s24 =	simm.s32 $0x4;
	[smem:$0x7E7] =	sst s0  }
0x62: {  	s1 =	simm.s32 $0x1E10;
	s7 =	simm.s32 $0xF00;
	[smem:$0x7F5] =	sst s21  }
0x63: {  	v0 =	vimm.f32 $1.000000000e+00;
	s21 =	simm.s32 $0x1;
	s0 =	simm.s32 $0xEB0;
	[smem:$0x7FC] =	sst s14  }
.LBB2_1:
0x64: {  	s6 =	sld [smem:$0x7D0];
	_ =	sdelay $0x2  }
0x65: {  	[tilespmem:s11], [sflag:$0x5] =	stream.linear.gather [hbm4b:s6+s4], $0x4000, $0x38;
	[tilespmem:$0x1F480] =	vst v63  }
0x66: {  	_ =	swait.ge [sflag:s12], $0x4000  }
0x67: {  	[sflag:s12] =	ssyncset.done $0x0  }
0x68: {  	[sflag:s12] =	ssyncadd.s32 $0xFFFFC000  }
0x69: {  	[spmem:s16], [sflag:s14] =	dma.local [hbm:s6], $0x80  }
0x6a: {  	_ =	swait.ge [sflag:s12], $0x80  }
0x6b: {  	s16 =	sld [smem:$0x7D4]  }
0x6c: {  	[sflag:s12] =	ssyncset.done $0x0  }
0x6d: {  	[sflag:s12] =	ssyncadd.s32 $0xFFFFFF80  }
0x6e: {  	[tilespmem:s13], [sflag:$0x5] =	stream.linear.gather [hbm4b:s16+s4], $0x80, $0x38;
	[tilespmem:$0x1F480] =	vst v63  }
0x6f: {  	_ =	swait.ge [sflag:s12], $0x80  }
0x70: {  	[sflag:s12] =	ssyncset.done $0x0  }
0x71: {  	[sflag:s12] =	ssyncadd.s32 $0xFFFFFF80  }
0x72: {  	[spmem:s25], [sflag:s14] =	dma.local [hbm:s6], $0x2800  }
0x73: {  	_ =	swait.ge [sflag:s12], $0x2800  }
0x74: {  	[sflag:s12] =	ssyncset.done $0x0  }
0x75: {  	[sflag:s12] =	ssyncadd.s32 $0xFFFFD800  }
0x76: {  	s16 =	simm.s32 $0x0;
	s13 =	simm.s32 $0x1D20;
	[bflag:$0x0] =	sbarrier.arrive $0xFFFF  }
.LBB2_2:
0x77: {  	s6 =	rddreg [dreg:$0x6]  }
0x78: {  	s6 =	sadd.s32 s16, s6  }
0x79: {  	[tilespmem:s4], [sflag:$0x5] =	stream.linear.gather [hbm4b:s6+s4], $0xFA0, $0x38;
	[tilespmem:$0x1F480] =	vst v63  }
0x7a: {  	_ =	swait.ge [sflag:s12], $0xFA0  }
0x7b: {  	s14 =	rddreg [dreg:$0x5];
	[sflag:s12] =	ssyncset.done $0x0  }
0x7c: {  	[sflag:s12] =	ssyncadd.s32 $0xFFFFF060;
	s6 =	sadd.s32 s16, s14  }
0x7d: {  	[tilespmem:s17], [sflag:$0x5] =	stream.linear.gather [hbm4b:s6+s4], $0xFA0, $0x38;
	[tilespmem:$0x1F480] =	vst v63  }
0x7e: {  	_ =	swait.ge [sflag:s12], $0xFA0  }
0x7f: {  	[sflag:s12] =	ssyncset.done $0x0  }
0x80: {  	[sflag:s12] =	ssyncadd.s32 $0xFFFFF060  }
0x81: {  	[tilespmem:s19], [sflag:$0x1] =	stream.indirect.gather [hbm4b:s5+s18], $0x80, s4, s18, $0xb8;
	[tilespmem:$0x1F480] =	vst v63  }
0x82: {  	_ = 	snop  }
0x83: {  	[tilespmem:s20], [sflag:$0x2] =	stream.indirect.gather [hbm4b:s5+s18], $0x80, s18, s18, $0xb8;
	[tilespmem:$0x1F480] =	vst v63  }
0x84: {  	_ =	swait.ge [sflag:s21], $0x2800  }
0x85: {  	[sflag:s21] =	ssyncset.done $0x0  }
0x86: {  	[sflag:s21] =	ssyncadd.s32 $0xFFFFD800  }
0x87: {  	[spmem:s2] =	stream.indirect.scatter.add.f32 [tilespmem:s19], [sflag:$0x3], $0x80, s17, s18, $0xb8;
	[tilespmem:$0x1F480] =	vst v63  }
0x88: {  	v1 =	vld [tilespmem:$0x1000];
	_ =	sdelay $0x7  }
0x89: {  	[tilespmem:v1+s11+$0x0] =	vst.idx.add.f32.msk $0xffff, v0  }
0x8a: {  	v1 =	vld [tilespmem:$0x1010];
	_ =	sdelay $0x7  }
0x8b: {  	[tilespmem:v1+s11+$0x0] =	vst.idx.add.f32.msk $0xffff, v0  }
0x8c: {  	v1 =	vld [tilespmem:$0x1020];
	_ =	sdelay $0x7  }
0x8d: {  	[tilespmem:v1+s11+$0x0] =	vst.idx.add.f32.msk $0xffff, v0  }
0x8e: {  	v1 =	vld [tilespmem:$0x1030];
	_ =	sdelay $0x7  }
0x8f: {  	[tilespmem:v1+s11+$0x0] =	vst.idx.add.f32.msk $0xffff, v0  }
0x90: {  	v1 =	vld [tilespmem:$0x1040];
	_ =	sdelay $0x7  }
0x91: {  	[tilespmem:v1+s11+$0x0] =	vst.idx.add.f32.msk $0xffff, v0  }
0x92: {  	_ =	swait.ge [sflag:s22], $0x2800  }
0x93: {  	[sflag:s22] =	ssyncset.done $0x0  }
0x94: {  	s25 =	rddreg [dreg:$0x7];
	[sflag:s22] =	ssyncadd.s32 $0xFFFFD800  }
0x95: {  	[tilespmem:s19], [sflag:$0x1] =	stream.indirect.gather [hbm4b:s5+s18], $0x80, s25, s18, $0xb8;
	[tilespmem:$0x1F480] =	vst v63  }
0x96: {  	_ =	swait.ge [sflag:s23], $0x2800  }
0x97: {  	[sflag:s23] =	ssyncset.done $0x0  }
0x98: {  	s14 =	rddreg [dreg:$0x8];
	[sflag:s23] =	ssyncadd.s32 $0xFFFFD800  }
0x99: {  	[spmem:s2] =	stream.indirect.scatter.add.f32 [tilespmem:s20], [sflag:$0x4], $0x80, s14, s18, $0xb8;
	[tilespmem:$0x1F480] =	vst v63  }
0x9a: {  	v1 =	vld [tilespmem:$0x1050];
	_ =	sdelay $0x7  }
0x9b: {  	[tilespmem:v1+s11+$0x0] =	vst.idx.add.f32.msk $0xffff, v0  }
0x9c: {  	v1 =	vld [tilespmem:$0x1060];
	_ =	sdelay $0x7  }
0x9d: {  	[tilespmem:v1+s11+$0x0] =	vst.idx.add.f32.msk $0xffff, v0  }
0x9e: {  	v1 =	vld [tilespmem:$0x1070];
	_ =	sdelay $0x7  }
0x9f: {  	[tilespmem:v1+s11+$0x0] =	vst.idx.add.f32.msk $0xffff, v0  }
0xa0: {  	v1 =	vld [tilespmem:$0x1080];
	_ =	sdelay $0x7  }
0xa1: {  	[tilespmem:v1+s11+$0x0] =	vst.idx.add.f32.msk $0xffff, v0  }
0xa2: {  	v1 =	vld [tilespmem:$0x1090];
	_ =	sdelay $0x7  }
0xa3: {  	[tilespmem:v1+s11+$0x0] =	vst.idx.add.f32.msk $0xffff, v0  }
0xa4: {  	_ =	swait.ge [sflag:s24], $0x2800  }
0xa5: {  	[sflag:s24] =	ssyncset.done $0x0  }
0xa6: {  	s25 =	rddreg [dreg:$0x9];
	[sflag:s24] =	ssyncadd.s32 $0xFFFFD800  }
0xa7: {  	[tilespmem:s20], [sflag:$0x2] =	stream.indirect.gather [hbm4b:s5+s18], $0x80, s25, s18, $0xb8;
	[tilespmem:$0x1F480] =	vst v63  }
0xa8: {  	_ =	swait.ge [sflag:s21], $0x2800  }
0xa9: {  	[sflag:s21] =	ssyncset.done $0x0  }
0xaa: {  	s14 =	rddreg [dreg:$0xa];
	[sflag:s21] =	ssyncadd.s32 $0xFFFFD800  }
0xab: {  	[spmem:s2] =	stream.indirect.scatter.add.f32 [tilespmem:s19], [sflag:$0x3], $0x80, s14, s18, $0xb8;
	[tilespmem:$0x1F480] =	vst v63  }
0xac: {  	v1 =	vld [tilespmem:$0x10A0];
	_ =	sdelay $0x7  }
0xad: {  	[tilespmem:v1+s11+$0x0] =	vst.idx.add.f32.msk $0xffff, v0  }
0xae: {  	v1 =	vld [tilespmem:$0x10B0];
	_ =	sdelay $0x7  }
0xaf: {  	[tilespmem:v1+s11+$0x0] =	vst.idx.add.f32.msk $0xffff, v0  }
0xb0: {  	v1 =	vld [tilespmem:$0x10C0];
	_ =	sdelay $0x7  }
0xb1: {  	[tilespmem:v1+s11+$0x0] =	vst.idx.add.f32.msk $0xffff, v0  }
0xb2: {  	v1 =	vld [tilespmem:$0x10D0];
	_ =	sdelay $0x7  }
0xb3: {  	[tilespmem:v1+s11+$0x0] =	vst.idx.add.f32.msk $0xffff, v0  }
0xb4: {  	v1 =	vld [tilespmem:$0x10E0];
	_ =	sdelay $0x7  }
0xb5: {  	[tilespmem:v1+s11+$0x0] =	vst.idx.add.f32.msk $0xffff, v0  }
0xb6: {  	_ =	swait.ge [sflag:s22], $0x2800  }
0xb7: {  	[sflag:s22] =	ssyncset.done $0x0  }
0xb8: {  	s25 =	rddreg [dreg:$0xb];
	[sflag:s22] =	ssyncadd.s32 $0xFFFFD800  }
0xb9: {  	[tilespmem:s19], [sflag:$0x1] =	stream.indirect.gather [hbm4b:s5+s18], $0x80, s25, s18, $0xb8;
	[tilespmem:$0x1F480] =	vst v63  }
0xba: {  	_ =	swait.ge [sflag:s23], $0x2800  }
0xbb: {  	[sflag:s23] =	ssyncset.done $0x0  }
0xbc: {  	s14 =	rddreg [dreg:$0xc];
	[sflag:s23] =	ssyncadd.s32 $0xFFFFD800  }
0xbd: {  	[spmem:s2] =	stream.indirect.scatter.add.f32 [tilespmem:s20], [sflag:$0x4], $0x80, s14, s18, $0xb8;
	[tilespmem:$0x1F480] =	vst v63  }
0xbe: {  	v1 =	vld [tilespmem:$0x10F0];
	_ =	sdelay $0x7  }
0xbf: {  	[tilespmem:v1+s11+$0x0] =	vst.idx.add.f32.msk $0xffff, v0  }
0xc0: {  	v1 =	vld [tilespmem:$0x1100];
	_ =	sdelay $0x7  }
0xc1: {  	[tilespmem:v1+s11+$0x0] =	vst.idx.add.f32.msk $0xffff, v0  }
0xc2: {  	v1 =	vld [tilespmem:$0x1110];
	_ =	sdelay $0x7  }
0xc3: {  	[tilespmem:v1+s11+$0x0] =	vst.idx.add.f32.msk $0xffff, v0  }
0xc4: {  	v1 =	vld [tilespmem:$0x1120];
	_ =	sdelay $0x7  }
0xc5: {  	[tilespmem:v1+s11+$0x0] =	vst.idx.add.f32.msk $0xffff, v0  }
0xc6: {  	v1 =	vld [tilespmem:$0x1130];
	_ =	sdelay $0x7  }
0xc7: {  	[tilespmem:v1+s11+$0x0] =	vst.idx.add.f32.msk $0xffff, v0  }
0xc8: {  	_ =	swait.ge [sflag:s24], $0x2800  }
0xc9: {  	[sflag:s24] =	ssyncset.done $0x0  }
0xca: {  	s25 =	rddreg [dreg:$0xd];
	[sflag:s24] =	ssyncadd.s32 $0xFFFFD800  }
0xcb: {  	[tilespmem:s20], [sflag:$0x2] =	stream.indirect.gather [hbm4b:s5+s18], $0x80, s25, s18, $0xb8;
	[tilespmem:$0x1F480] =	vst v63  }
0xcc: {  	_ =	swait.ge [sflag:s21], $0x2800  }
0xcd: {  	[sflag:s21] =	ssyncset.done $0x0  }
0xce: {  	s14 =	rddreg [dreg:$0xe];
	[sflag:s21] =	ssyncadd.s32 $0xFFFFD800  }
0xcf: {  	[spmem:s2] =	stream.indirect.scatter.add.f32 [tilespmem:s19], [sflag:$0x3], $0x80, s14, s18, $0xb8;
	[tilespmem:$0x1F480] =	vst v63  }
0xd0: {  	v1 =	vld [tilespmem:$0x1140];
	_ =	sdelay $0x7  }
0xd1: {  	[tilespmem:v1+s11+$0x0] =	vst.idx.add.f32.msk $0xffff, v0  }
0xd2: {  	v1 =	vld [tilespmem:$0x1150];
	_ =	sdelay $0x7  }
0xd3: {  	[tilespmem:v1+s11+$0x0] =	vst.idx.add.f32.msk $0xffff, v0  }
0xd4: {  	v1 =	vld [tilespmem:$0x1160];
	_ =	sdelay $0x7  }
0xd5: {  	[tilespmem:v1+s11+$0x0] =	vst.idx.add.f32.msk $0xffff, v0  }
0xd6: {  	v1 =	vld [tilespmem:$0x1170];
	_ =	sdelay $0x7  }
0xd7: {  	[tilespmem:v1+s11+$0x0] =	vst.idx.add.f32.msk $0xffff, v0  }
0xd8: {  	v1 =	vld [tilespmem:$0x1180];
	_ =	sdelay $0x7  }
0xd9: {  	[tilespmem:v1+s11+$0x0] =	vst.idx.add.f32.msk $0xffff, v0  }
0xda: {  	_ =	swait.ge [sflag:s22], $0x2800  }
0xdb: {  	[sflag:s22] =	ssyncset.done $0x0  }
0xdc: {  	s25 =	rddreg [dreg:$0xf];
	[sflag:s22] =	ssyncadd.s32 $0xFFFFD800  }
0xdd: {  	[tilespmem:s19], [sflag:$0x1] =	stream.indirect.gather [hbm4b:s5+s18], $0x80, s25, s18, $0xb8;
	[tilespmem:$0x1F480] =	vst v63  }
0xde: {  	_ =	swait.ge [sflag:s23], $0x2800  }
0xdf: {  	[sflag:s23] =	ssyncset.done $0x0  }
0xe0: {  	s14 =	rddreg [dreg:$0x10];
	[sflag:s23] =	ssyncadd.s32 $0xFFFFD800  }
0xe1: {  	[spmem:s2] =	stream.indirect.scatter.add.f32 [tilespmem:s20], [sflag:$0x4], $0x80, s14, s18, $0xb8;
	[tilespmem:$0x1F480] =	vst v63  }
0xe2: {  	v1 =	vld [tilespmem:$0x1190];
	_ =	sdelay $0x7  }
0xe3: {  	[tilespmem:v1+s11+$0x0] =	vst.idx.add.f32.msk $0xffff, v0  }
0xe4: {  	v1 =	vld [tilespmem:$0x11A0];
	_ =	sdelay $0x7  }
0xe5: {  	[tilespmem:v1+s11+$0x0] =	vst.idx.add.f32.msk $0xffff, v0  }
0xe6: {  	v1 =	vld [tilespmem:$0x11B0];
	_ =	sdelay $0x7  }
0xe7: {  	[tilespmem:v1+s11+$0x0] =	vst.idx.add.f32.msk $0xffff, v0  }
0xe8: {  	v1 =	vld [tilespmem:$0x11C0];
	_ =	sdelay $0x7  }
0xe9: {  	[tilespmem:v1+s11+$0x0] =	vst.idx.add.f32.msk $0xffff, v0  }
0xea: {  	v1 =	vld [tilespmem:$0x11D0];
	_ =	sdelay $0x7  }
0xeb: {  	[tilespmem:v1+s11+$0x0] =	vst.idx.add.f32.msk $0xffff, v0  }
0xec: {  	_ =	swait.ge [sflag:s24], $0x2800  }
0xed: {  	[sflag:s24] =	ssyncset.done $0x0  }
0xee: {  	s25 =	rddreg [dreg:$0x11];
	[sflag:s24] =	ssyncadd.s32 $0xFFFFD800  }
0xef: {  	[tilespmem:s20], [sflag:$0x2] =	stream.indirect.gather [hbm4b:s5+s18], $0x80, s25, s18, $0xb8;
	[tilespmem:$0x1F480] =	vst v63  }
0xf0: {  	_ =	swait.ge [sflag:s21], $0x2800  }
0xf1: {  	[sflag:s21] =	ssyncset.done $0x0  }
0xf2: {  	s14 =	rddreg [dreg:$0x12];
	[sflag:s21] =	ssyncadd.s32 $0xFFFFD800  }
0xf3: {  	[spmem:s2] =	stream.indirect.scatter.add.f32 [tilespmem:s19], [sflag:$0x3], $0x80, s14, s18, $0xb8;
	[tilespmem:$0x1F480] =	vst v63  }
0xf4: {  	v1 =	vld [tilespmem:$0x11E0];
	_ =	sdelay $0x7  }
0xf5: {  	[tilespmem:v1+s11+$0x0] =	vst.idx.add.f32.msk $0xffff, v0  }
0xf6: {  	v1 =	vld [tilespmem:$0x11F0];
	_ =	sdelay $0x7  }
0xf7: {  	[tilespmem:v1+s11+$0x0] =	vst.idx.add.f32.msk $0xffff, v0  }
0xf8: {  	v1 =	vld [tilespmem:$0x1200];
	_ =	sdelay $0x7  }
0xf9: {  	[tilespmem:v1+s11+$0x0] =	vst.idx.add.f32.msk $0xffff, v0  }
0xfa: {  	v1 =	vld [tilespmem:$0x1210];
	_ =	sdelay $0x7  }
0xfb: {  	[tilespmem:v1+s11+$0x0] =	vst.idx.add.f32.msk $0xffff, v0  }
0xfc: {  	v1 =	vld [tilespmem:$0x1220];
	_ =	sdelay $0x7  }
0xfd: {  	[tilespmem:v1+s11+$0x0] =	vst.idx.add.f32.msk $0xffff, v0  }
0xfe: {  	_ =	swait.ge [sflag:s22], $0x2800  }
0xff: {  	[sflag:s22] =	ssyncset.done $0x0  }
0x100: {  	s25 =	rddreg [dreg:$0x13];
	[sflag:s22] =	ssyncadd.s32 $0xFFFFD800  }
0x101: {  	[tilespmem:s19], [sflag:$0x1] =	stream.indirect.gather [hbm4b:s5+s18], $0x80, s25, s18, $0xb8;
	[tilespmem:$0x1F480] =	vst v63  }
0x102: {  	_ =	swait.ge [sflag:s23], $0x2800  }
0x103: {  	[sflag:s23] =	ssyncset.done $0x0  }
0x104: {  	s14 =	rddreg [dreg:$0x14];
	[sflag:s23] =	ssyncadd.s32 $0xFFFFD800  }
0x105: {  	[spmem:s2] =	stream.indirect.scatter.add.f32 [tilespmem:s20], [sflag:$0x4], $0x80, s14, s18, $0xb8;
	[tilespmem:$0x1F480] =	vst v63  }
0x106: {  	v1 =	vld [tilespmem:$0x1230];
	_ =	sdelay $0x7  }
0x107: {  	[tilespmem:v1+s11+$0x0] =	vst.idx.add.f32.msk $0xffff, v0  }
0x108: {  	v1 =	vld [tilespmem:$0x1240];
	_ =	sdelay $0x7  }
0x109: {  	[tilespmem:v1+s11+$0x0] =	vst.idx.add.f32.msk $0xffff, v0  }
0x10a: {  	v1 =	vld [tilespmem:$0x1250];
	_ =	sdelay $0x7  }
0x10b: {  	[tilespmem:v1+s11+$0x0] =	vst.idx.add.f32.msk $0xffff, v0  }
0x10c: {  	v1 =	vld [tilespmem:$0x1260];
	_ =	sdelay $0x7  }
0x10d: {  	[tilespmem:v1+s11+$0x0] =	vst.idx.add.f32.msk $0xffff, v0  }
0x10e: {  	v1 =	vld [tilespmem:$0x1270];
	_ =	sdelay $0x7  }
0x10f: {  	[tilespmem:v1+s11+$0x0] =	vst.idx.add.f32.msk $0xffff, v0  }
0x110: {  	_ =	swait.ge [sflag:s24], $0x2800  }
0x111: {  	[sflag:s24] =	ssyncset.done $0x0  }
0x112: {  	s25 =	rddreg [dreg:$0x15];
	[sflag:s24] =	ssyncadd.s32 $0xFFFFD800  }
0x113: {  	[tilespmem:s20], [sflag:$0x2] =	stream.indirect.gather [hbm4b:s5+s18], $0x80, s25, s18, $0xb8;
	[tilespmem:$0x1F480] =	vst v63  }
0x114: {  	_ =	swait.ge [sflag:s21], $0x2800  }
0x115: {  	[sflag:s21] =	ssyncset.done $0x0  }
0x116: {  	s14 =	rddreg [dreg:$0x16];
	[sflag:s21] =	ssyncadd.s32 $0xFFFFD800  }
0x117: {  	[spmem:s2] =	stream.indirect.scatter.add.f32 [tilespmem:s19], [sflag:$0x3], $0x80, s14, s18, $0xb8;
	[tilespmem:$0x1F480] =	vst v63  }
0x118: {  	v1 =	vld [tilespmem:$0x1280];
	_ =	sdelay $0x7  }
0x119: {  	[tilespmem:v1+s11+$0x0] =	vst.idx.add.f32.msk $0xffff, v0  }
0x11a: {  	v1 =	vld [tilespmem:$0x1290];
	_ =	sdelay $0x7  }
0x11b: {  	[tilespmem:v1+s11+$0x0] =	vst.idx.add.f32.msk $0xffff, v0  }
0x11c: {  	v1 =	vld [tilespmem:$0x12A0];
	_ =	sdelay $0x7  }
0x11d: {  	[tilespmem:v1+s11+$0x0] =	vst.idx.add.f32.msk $0xffff, v0  }
0x11e: {  	v1 =	vld [tilespmem:$0x12B0];
	_ =	sdelay $0x7  }
0x11f: {  	[tilespmem:v1+s11+$0x0] =	vst.idx.add.f32.msk $0xffff, v0  }
0x120: {  	v1 =	vld [tilespmem:$0x12C0];
	_ =	sdelay $0x7  }
0x121: {  	[tilespmem:v1+s11+$0x0] =	vst.idx.add.f32.msk $0xffff, v0  }
0x122: {  	_ =	swait.ge [sflag:s22], $0x2800  }
0x123: {  	[sflag:s22] =	ssyncset.done $0x0  }
0x124: {  	s25 =	rddreg [dreg:$0x17];
	[sflag:s22] =	ssyncadd.s32 $0xFFFFD800  }
0x125: {  	[tilespmem:s19], [sflag:$0x1] =	stream.indirect.gather [hbm4b:s5+s18], $0x80, s25, s18, $0xb8;
	[tilespmem:$0x1F480] =	vst v63  }
0x126: {  	_ =	swait.ge [sflag:s23], $0x2800  }
0x127: {  	[sflag:s23] =	ssyncset.done $0x0  }
0x128: {  	s14 =	rddreg [dreg:$0x18];
	[sflag:s23] =	ssyncadd.s32 $0xFFFFD800  }
0x129: {  	[spmem:s2] =	stream.indirect.scatter.add.f32 [tilespmem:s20], [sflag:$0x4], $0x80, s14, s18, $0xb8;
	[tilespmem:$0x1F480] =	vst v63  }
0x12a: {  	v1 =	vld [tilespmem:$0x12D0];
	_ =	sdelay $0x7  }
0x12b: {  	[tilespmem:v1+s11+$0x0] =	vst.idx.add.f32.msk $0xffff, v0  }
0x12c: {  	v1 =	vld [tilespmem:$0x12E0];
	_ =	sdelay $0x7  }
0x12d: {  	[tilespmem:v1+s11+$0x0] =	vst.idx.add.f32.msk $0xffff, v0  }
0x12e: {  	v1 =	vld [tilespmem:$0x12F0];
	_ =	sdelay $0x7  }
0x12f: {  	[tilespmem:v1+s11+$0x0] =	vst.idx.add.f32.msk $0xffff, v0  }
0x130: {  	v1 =	vld [tilespmem:$0x1300];
	_ =	sdelay $0x7  }
0x131: {  	[tilespmem:v1+s11+$0x0] =	vst.idx.add.f32.msk $0xffff, v0  }
0x132: {  	v1 =	vld [tilespmem:$0x1310];
	_ =	sdelay $0x7  }
0x133: {  	[tilespmem:v1+s11+$0x0] =	vst.idx.add.f32.msk $0xffff, v0  }
0x134: {  	_ =	swait.ge [sflag:s24], $0x2800  }
0x135: {  	[sflag:s24] =	ssyncset.done $0x0  }
0x136: {  	s25 =	rddreg [dreg:$0x19];
	[sflag:s24] =	ssyncadd.s32 $0xFFFFD800  }
0x137: {  	[tilespmem:s20], [sflag:$0x2] =	stream.indirect.gather [hbm4b:s5+s18], $0x80, s25, s18, $0xb8;
	[tilespmem:$0x1F480] =	vst v63  }
0x138: {  	_ =	swait.ge [sflag:s21], $0x2800  }
0x139: {  	[sflag:s21] =	ssyncset.done $0x0  }
0x13a: {  	s14 =	rddreg [dreg:$0x1a];
	[sflag:s21] =	ssyncadd.s32 $0xFFFFD800  }
0x13b: {  	[spmem:s2] =	stream.indirect.scatter.add.f32 [tilespmem:s19], [sflag:$0x3], $0x80, s14, s18, $0xb8;
	[tilespmem:$0x1F480] =	vst v63  }
0x13c: {  	v1 =	vld [tilespmem:$0x1320];
	_ =	sdelay $0x7  }
0x13d: {  	[tilespmem:v1+s11+$0x0] =	vst.idx.add.f32.msk $0xffff, v0  }
0x13e: {  	v1 =	vld [tilespmem:$0x1330];
	_ =	sdelay $0x7  }
0x13f: {  	[tilespmem:v1+s11+$0x0] =	vst.idx.add.f32.msk $0xffff, v0  }
0x140: {  	v1 =	vld [tilespmem:$0x1340];
	_ =	sdelay $0x7  }
0x141: {  	[tilespmem:v1+s11+$0x0] =	vst.idx.add.f32.msk $0xffff, v0  }
0x142: {  	v1 =	vld [tilespmem:$0x1350];
	_ =	sdelay $0x7  }
0x143: {  	[tilespmem:v1+s11+$0x0] =	vst.idx.add.f32.msk $0xffff, v0  }
0x144: {  	v1 =	vld [tilespmem:$0x1360];
	_ =	sdelay $0x7  }
0x145: {  	[tilespmem:v1+s11+$0x0] =	vst.idx.add.f32.msk $0xffff, v0  }
0x146: {  	_ =	swait.ge [sflag:s22], $0x2800  }
0x147: {  	[sflag:s22] =	ssyncset.done $0x0  }
0x148: {  	s25 =	rddreg [dreg:$0x1b];
	[sflag:s22] =	ssyncadd.s32 $0xFFFFD800  }
0x149: {  	[tilespmem:s19], [sflag:$0x1] =	stream.indirect.gather [hbm4b:s5+s18], $0x80, s25, s18, $0xb8;
	[tilespmem:$0x1F480] =	vst v63  }
0x14a: {  	_ =	swait.ge [sflag:s23], $0x2800  }
0x14b: {  	[sflag:s23] =	ssyncset.done $0x0  }
0x14c: {  	s14 =	rddreg [dreg:$0x1c];
	[sflag:s23] =	ssyncadd.s32 $0xFFFFD800  }
0x14d: {  	[spmem:s2] =	stream.indirect.scatter.add.f32 [tilespmem:s20], [sflag:$0x4], $0x80, s14, s18, $0xb8;
	[tilespmem:$0x1F480] =	vst v63  }
0x14e: {  	v1 =	vld [tilespmem:$0x1370];
	_ =	sdelay $0x7  }
0x14f: {  	[tilespmem:v1+s11+$0x0] =	vst.idx.add.f32.msk $0xffff, v0  }
0x150: {  	v1 =	vld [tilespmem:$0x1380];
	_ =	sdelay $0x7  }
0x151: {  	[tilespmem:v1+s11+$0x0] =	vst.idx.add.f32.msk $0xffff, v0  }
0x152: {  	v1 =	vld [tilespmem:$0x1390];
	_ =	sdelay $0x7  }
0x153: {  	[tilespmem:v1+s11+$0x0] =	vst.idx.add.f32.msk $0xffff, v0  }
0x154: {  	v1 =	vld [tilespmem:$0x13A0];
	_ =	sdelay $0x7  }
0x155: {  	[tilespmem:v1+s11+$0x0] =	vst.idx.add.f32.msk $0xffff, v0  }
0x156: {  	v1 =	vld [tilespmem:$0x13B0];
	_ =	sdelay $0x7  }
0x157: {  	[tilespmem:v1+s11+$0x0] =	vst.idx.add.f32.msk $0xffff, v0  }
0x158: {  	_ =	swait.ge [sflag:s24], $0x2800  }
0x159: {  	[sflag:s24] =	ssyncset.done $0x0  }
0x15a: {  	s25 =	rddreg [dreg:$0x1d];
	[sflag:s24] =	ssyncadd.s32 $0xFFFFD800  }
0x15b: {  	[tilespmem:s20], [sflag:$0x2] =	stream.indirect.gather [hbm4b:s5+s18], $0x80, s25, s18, $0xb8;
	[tilespmem:$0x1F480] =	vst v63  }
0x15c: {  	_ =	swait.ge [sflag:s21], $0x2800  }
0x15d: {  	[sflag:s21] =	ssyncset.done $0x0  }
0x15e: {  	s14 =	rddreg [dreg:$0x1e];
	[sflag:s21] =	ssyncadd.s32 $0xFFFFD800  }
0x15f: {  	[spmem:s2] =	stream.indirect.scatter.add.f32 [tilespmem:s19], [sflag:$0x3], $0x80, s14, s18, $0xb8;
	[tilespmem:$0x1F480] =	vst v63  }
0x160: {  	v1 =	vld [tilespmem:$0x13C0];
	_ =	sdelay $0x7  }
0x161: {  	[tilespmem:v1+s11+$0x0] =	vst.idx.add.f32.msk $0xffff, v0  }
0x162: {  	v1 =	vld [tilespmem:$0x13D0];
	_ =	sdelay $0x7  }
0x163: {  	[tilespmem:v1+s11+$0x0] =	vst.idx.add.f32.msk $0xffff, v0  }
0x164: {  	v1 =	vld [tilespmem:$0x13E0];
	_ =	sdelay $0x7  }
0x165: {  	[tilespmem:v1+s11+$0x0] =	vst.idx.add.f32.msk $0xffff, v0  }
0x166: {  	v1 =	vld [tilespmem:$0x13F0];
	_ =	sdelay $0x7  }
0x167: {  	[tilespmem:v1+s11+$0x0] =	vst.idx.add.f32.msk $0xffff, v0  }
0x168: {  	v1 =	vld [tilespmem:$0x1400];
	_ =	sdelay $0x7  }
0x169: {  	[tilespmem:v1+s11+$0x0] =	vst.idx.add.f32.msk $0xffff, v0  }
0x16a: {  	_ =	swait.ge [sflag:s22], $0x2800  }
0x16b: {  	[sflag:s22] =	ssyncset.done $0x0  }
0x16c: {  	s25 =	rddreg [dreg:$0x1f];
	[sflag:s22] =	ssyncadd.s32 $0xFFFFD800  }
0x16d: {  	[tilespmem:s19], [sflag:$0x1] =	stream.indirect.gather [hbm4b:s5+s18], $0x80, s25, s18, $0xb8;
	[tilespmem:$0x1F480] =	vst v63  }
0x16e: {  	_ =	swait.ge [sflag:s23], $0x2800  }
0x16f: {  	s14 =	sld [smem:$0x7BB]  }
0x170: {  	[sflag:s23] =	ssyncset.done $0x0  }
0x171: {  	[sflag:s23] =	ssyncadd.s32 $0xFFFFD800  }
0x172: {  	[spmem:s2] =	stream.indirect.scatter.add.f32 [tilespmem:s20], [sflag:$0x4], $0x80, s14, s18, $0xb8;
	[tilespmem:$0x1F480] =	vst v63  }
0x173: {  	v1 =	vld [tilespmem:$0x1410];
	_ =	sdelay $0x7  }
0x174: {  	[tilespmem:v1+s11+$0x0] =	vst.idx.add.f32.msk $0xffff, v0  }
0x175: {  	v1 =	vld [tilespmem:$0x1420];
	_ =	sdelay $0x7  }
0x176: {  	[tilespmem:v1+s11+$0x0] =	vst.idx.add.f32.msk $0xffff, v0  }
0x177: {  	v1 =	vld [tilespmem:$0x1430];
	_ =	sdelay $0x7  }
0x178: {  	[tilespmem:v1+s11+$0x0] =	vst.idx.add.f32.msk $0xffff, v0  }
0x179: {  	v1 =	vld [tilespmem:$0x1440];
	_ =	sdelay $0x7  }
0x17a: {  	[tilespmem:v1+s11+$0x0] =	vst.idx.add.f32.msk $0xffff, v0  }
0x17b: {  	v1 =	vld [tilespmem:$0x1450];
	_ =	sdelay $0x7  }
0x17c: {  	[tilespmem:v1+s11+$0x0] =	vst.idx.add.f32.msk $0xffff, v0  }
0x17d: {  	_ =	swait.ge [sflag:s24], $0x2800  }
0x17e: {  	s25 =	sld [smem:$0x7BC]  }
0x17f: {  	[sflag:s24] =	ssyncset.done $0x0  }
0x180: {  	[sflag:s24] =	ssyncadd.s32 $0xFFFFD800  }
0x181: {  	[tilespmem:s20], [sflag:$0x2] =	stream.indirect.gather [hbm4b:s5+s18], $0x80, s25, s18, $0xb8;
	[tilespmem:$0x1F480] =	vst v63  }
0x182: {  	_ =	swait.ge [sflag:s21], $0x2800  }
0x183: {  	s14 =	sld [smem:$0x7BD]  }
0x184: {  	[sflag:s21] =	ssyncset.done $0x0  }
0x185: {  	[sflag:s21] =	ssyncadd.s32 $0xFFFFD800  }
0x186: {  	[spmem:s2] =	stream.indirect.scatter.add.f32 [tilespmem:s19], [sflag:$0x3], $0x80, s14, s18, $0xb8;
	[tilespmem:$0x1F480] =	vst v63  }
0x187: {  	v1 =	vld [tilespmem:$0x1460];
	_ =	sdelay $0x7  }
0x188: {  	[tilespmem:v1+s11+$0x0] =	vst.idx.add.f32.msk $0xffff, v0  }
0x189: {  	v1 =	vld [tilespmem:$0x1470];
	_ =	sdelay $0x7  }
0x18a: {  	[tilespmem:v1+s11+$0x0] =	vst.idx.add.f32.msk $0xffff, v0  }
0x18b: {  	v1 =	vld [tilespmem:$0x1480];
	_ =	sdelay $0x7  }
0x18c: {  	[tilespmem:v1+s11+$0x0] =	vst.idx.add.f32.msk $0xffff, v0  }
0x18d: {  	v1 =	vld [tilespmem:$0x1490];
	_ =	sdelay $0x7  }
0x18e: {  	[tilespmem:v1+s11+$0x0] =	vst.idx.add.f32.msk $0xffff, v0  }
0x18f: {  	v1 =	vld [tilespmem:$0x14A0];
	_ =	sdelay $0x7  }
0x190: {  	[tilespmem:v1+s11+$0x0] =	vst.idx.add.f32.msk $0xffff, v0  }
0x191: {  	_ =	swait.ge [sflag:s22], $0x2800  }
0x192: {  	s25 =	sld [smem:$0x7BE]  }
0x193: {  	[sflag:s22] =	ssyncset.done $0x0  }
0x194: {  	[sflag:s22] =	ssyncadd.s32 $0xFFFFD800  }
0x195: {  	[tilespmem:s19], [sflag:$0x1] =	stream.indirect.gather [hbm4b:s5+s18], $0x80, s25, s18, $0xb8;
	[tilespmem:$0x1F480] =	vst v63  }
0x196: {  	_ =	swait.ge [sflag:s23], $0x2800  }
0x197: {  	s14 =	sld [smem:$0x7BF]  }
0x198: {  	[sflag:s23] =	ssyncset.done $0x0  }
0x199: {  	[sflag:s23] =	ssyncadd.s32 $0xFFFFD800  }
0x19a: {  	[spmem:s2] =	stream.indirect.scatter.add.f32 [tilespmem:s20], [sflag:$0x4], $0x80, s14, s18, $0xb8;
	[tilespmem:$0x1F480] =	vst v63  }
0x19b: {  	v1 =	vld [tilespmem:$0x14B0];
	_ =	sdelay $0x7  }
0x19c: {  	[tilespmem:v1+s11+$0x0] =	vst.idx.add.f32.msk $0xffff, v0  }
0x19d: {  	v1 =	vld [tilespmem:$0x14C0];
	_ =	sdelay $0x7  }
0x19e: {  	[tilespmem:v1+s11+$0x0] =	vst.idx.add.f32.msk $0xffff, v0  }
0x19f: {  	v1 =	vld [tilespmem:$0x14D0];
	_ =	sdelay $0x7  }
0x1a0: {  	[tilespmem:v1+s11+$0x0] =	vst.idx.add.f32.msk $0xffff, v0  }
0x1a1: {  	v1 =	vld [tilespmem:$0x14E0];
	_ =	sdelay $0x7  }
0x1a2: {  	[tilespmem:v1+s11+$0x0] =	vst.idx.add.f32.msk $0xffff, v0  }
0x1a3: {  	v1 =	vld [tilespmem:$0x14F0];
	_ =	sdelay $0x7  }
0x1a4: {  	[tilespmem:v1+s11+$0x0] =	vst.idx.add.f32.msk $0xffff, v0  }
0x1a5: {  	_ =	swait.ge [sflag:s24], $0x2800  }
0x1a6: {  	s25 =	sld [smem:$0x7C0]  }
0x1a7: {  	[sflag:s24] =	ssyncset.done $0x0  }
0x1a8: {  	[sflag:s24] =	ssyncadd.s32 $0xFFFFD800  }
0x1a9: {  	[tilespmem:s20], [sflag:$0x2] =	stream.indirect.gather [hbm4b:s5+s18], $0x80, s25, s18, $0xb8;
	[tilespmem:$0x1F480] =	vst v63  }
0x1aa: {  	_ =	swait.ge [sflag:s21], $0x2800  }
0x1ab: {  	s14 =	sld [smem:$0x7C1]  }
0x1ac: {  	[sflag:s21] =	ssyncset.done $0x0  }
0x1ad: {  	[sflag:s21] =	ssyncadd.s32 $0xFFFFD800  }
0x1ae: {  	[spmem:s2] =	stream.indirect.scatter.add.f32 [tilespmem:s19], [sflag:$0x3], $0x80, s14, s18, $0xb8;
	[tilespmem:$0x1F480] =	vst v63  }
0x1af: {  	v1 =	vld [tilespmem:$0x1500];
	_ =	sdelay $0x7  }
0x1b0: {  	[tilespmem:v1+s11+$0x0] =	vst.idx.add.f32.msk $0xffff, v0  }
0x1b1: {  	v1 =	vld [tilespmem:$0x1510];
	_ =	sdelay $0x7  }
0x1b2: {  	[tilespmem:v1+s11+$0x0] =	vst.idx.add.f32.msk $0xffff, v0  }
0x1b3: {  	v1 =	vld [tilespmem:$0x1520];
	_ =	sdelay $0x7  }
0x1b4: {  	[tilespmem:v1+s11+$0x0] =	vst.idx.add.f32.msk $0xffff, v0  }
0x1b5: {  	v1 =	vld [tilespmem:$0x1530];
	_ =	sdelay $0x7  }
0x1b6: {  	[tilespmem:v1+s11+$0x0] =	vst.idx.add.f32.msk $0xffff, v0  }
0x1b7: {  	v1 =	vld [tilespmem:$0x1540];
	_ =	sdelay $0x7  }
0x1b8: {  	[tilespmem:v1+s11+$0x0] =	vst.idx.add.f32.msk $0xffff, v0  }
0x1b9: {  	_ =	swait.ge [sflag:s22], $0x2800  }
0x1ba: {  	s25 =	sld [smem:$0x7C2]  }
0x1bb: {  	[sflag:s22] =	ssyncset.done $0x0  }
0x1bc: {  	[sflag:s22] =	ssyncadd.s32 $0xFFFFD800  }
0x1bd: {  	[tilespmem:s19], [sflag:$0x1] =	stream.indirect.gather [hbm4b:s5+s18], $0x80, s25, s18, $0xb8;
	[tilespmem:$0x1F480] =	vst v63  }
0x1be: {  	_ =	swait.ge [sflag:s23], $0x2800  }
0x1bf: {  	s14 =	sld [smem:$0x7C3]  }
0x1c0: {  	[sflag:s23] =	ssyncset.done $0x0  }
0x1c1: {  	[sflag:s23] =	ssyncadd.s32 $0xFFFFD800  }
0x1c2: {  	[spmem:s2] =	stream.indirect.scatter.add.f32 [tilespmem:s20], [sflag:$0x4], $0x80, s14, s18, $0xb8;
	[tilespmem:$0x1F480] =	vst v63  }
0x1c3: {  	v1 =	vld [tilespmem:$0x1550];
	_ =	sdelay $0x7  }
0x1c4: {  	[tilespmem:v1+s11+$0x0] =	vst.idx.add.f32.msk $0xffff, v0  }
0x1c5: {  	v1 =	vld [tilespmem:$0x1560];
	_ =	sdelay $0x7  }
0x1c6: {  	[tilespmem:v1+s11+$0x0] =	vst.idx.add.f32.msk $0xffff, v0  }
0x1c7: {  	v1 =	vld [tilespmem:$0x1570];
	_ =	sdelay $0x7  }
0x1c8: {  	[tilespmem:v1+s11+$0x0] =	vst.idx.add.f32.msk $0xffff, v0  }
0x1c9: {  	v1 =	vld [tilespmem:$0x1580];
	_ =	sdelay $0x7  }
0x1ca: {  	[tilespmem:v1+s11+$0x0] =	vst.idx.add.f32.msk $0xffff, v0  }
0x1cb: {  	v1 =	vld [tilespmem:$0x1590];
	_ =	sdelay $0x7  }
0x1cc: {  	[tilespmem:v1+s11+$0x0] =	vst.idx.add.f32.msk $0xffff, v0  }
0x1cd: {  	_ =	swait.ge [sflag:s24], $0x2800  }
0x1ce: {  	s25 =	sld [smem:$0x7C4]  }
0x1cf: {  	[sflag:s24] =	ssyncset.done $0x0  }
0x1d0: {  	[sflag:s24] =	ssyncadd.s32 $0xFFFFD800  }
0x1d1: {  	[tilespmem:s20], [sflag:$0x2] =	stream.indirect.gather [hbm4b:s5+s18], $0x80, s25, s18, $0xb8;
	[tilespmem:$0x1F480] =	vst v63  }
0x1d2: {  	_ =	swait.ge [sflag:s21], $0x2800  }
0x1d3: {  	s14 =	sld [smem:$0x7C5]  }
0x1d4: {  	[sflag:s21] =	ssyncset.done $0x0  }
0x1d5: {  	[sflag:s21] =	ssyncadd.s32 $0xFFFFD800  }
0x1d6: {  	[spmem:s2] =	stream.indirect.scatter.add.f32 [tilespmem:s19], [sflag:$0x3], $0x80, s14, s18, $0xb8;
	[tilespmem:$0x1F480] =	vst v63  }
0x1d7: {  	v1 =	vld [tilespmem:$0x15A0];
	_ =	sdelay $0x7  }
0x1d8: {  	[tilespmem:v1+s11+$0x0] =	vst.idx.add.f32.msk $0xffff, v0  }
0x1d9: {  	v1 =	vld [tilespmem:$0x15B0];
	_ =	sdelay $0x7  }
0x1da: {  	[tilespmem:v1+s11+$0x0] =	vst.idx.add.f32.msk $0xffff, v0  }
0x1db: {  	v1 =	vld [tilespmem:$0x15C0];
	_ =	sdelay $0x7  }
0x1dc: {  	[tilespmem:v1+s11+$0x0] =	vst.idx.add.f32.msk $0xffff, v0  }
0x1dd: {  	v1 =	vld [tilespmem:$0x15D0];
	_ =	sdelay $0x7  }
0x1de: {  	[tilespmem:v1+s11+$0x0] =	vst.idx.add.f32.msk $0xffff, v0  }
0x1df: {  	v1 =	vld [tilespmem:$0x15E0];
	_ =	sdelay $0x7  }
0x1e0: {  	[tilespmem:v1+s11+$0x0] =	vst.idx.add.f32.msk $0xffff, v0  }
0x1e1: {  	_ =	swait.ge [sflag:s22], $0x2800  }
0x1e2: {  	s25 =	sld [smem:$0x7C6]  }
0x1e3: {  	[sflag:s22] =	ssyncset.done $0x0  }
0x1e4: {  	[sflag:s22] =	ssyncadd.s32 $0xFFFFD800  }
0x1e5: {  	[tilespmem:s19], [sflag:$0x1] =	stream.indirect.gather [hbm4b:s5+s18], $0x80, s25, s18, $0xb8;
	[tilespmem:$0x1F480] =	vst v63  }
0x1e6: {  	_ =	swait.ge [sflag:s23], $0x2800  }
0x1e7: {  	s14 =	sld [smem:$0x7C7]  }
0x1e8: {  	[sflag:s23] =	ssyncset.done $0x0  }
0x1e9: {  	[sflag:s23] =	ssyncadd.s32 $0xFFFFD800  }
0x1ea: {  	[spmem:s2] =	stream.indirect.scatter.add.f32 [tilespmem:s20], [sflag:$0x4], $0x80, s14, s18, $0xb8;
	[tilespmem:$0x1F480] =	vst v63  }
0x1eb: {  	v1 =	vld [tilespmem:$0x15F0];
	_ =	sdelay $0x7  }
0x1ec: {  	[tilespmem:v1+s11+$0x0] =	vst.idx.add.f32.msk $0xffff, v0  }
0x1ed: {  	v1 =	vld [tilespmem:$0x1600];
	_ =	sdelay $0x7  }
0x1ee: {  	[tilespmem:v1+s11+$0x0] =	vst.idx.add.f32.msk $0xffff, v0  }
0x1ef: {  	v1 =	vld [tilespmem:$0x1610];
	_ =	sdelay $0x7  }
0x1f0: {  	[tilespmem:v1+s11+$0x0] =	vst.idx.add.f32.msk $0xffff, v0  }
0x1f1: {  	v1 =	vld [tilespmem:$0x1620];
	_ =	sdelay $0x7  }
0x1f2: {  	[tilespmem:v1+s11+$0x0] =	vst.idx.add.f32.msk $0xffff, v0  }
0x1f3: {  	v1 =	vld [tilespmem:$0x1630];
	_ =	sdelay $0x7  }
0x1f4: {  	[tilespmem:v1+s11+$0x0] =	vst.idx.add.f32.msk $0xffff, v0  }
0x1f5: {  	_ =	swait.ge [sflag:s24], $0x2800  }
0x1f6: {  	s25 =	sld [smem:$0x7C8]  }
0x1f7: {  	[sflag:s24] =	ssyncset.done $0x0  }
0x1f8: {  	[sflag:s24] =	ssyncadd.s32 $0xFFFFD800  }
0x1f9: {  	[tilespmem:s20], [sflag:$0x2] =	stream.indirect.gather [hbm4b:s5+s18], $0x80, s25, s18, $0xb8;
	[tilespmem:$0x1F480] =	vst v63  }
0x1fa: {  	_ =	swait.ge [sflag:s21], $0x2800  }
0x1fb: {  	s14 =	sld [smem:$0x7C9]  }
0x1fc: {  	[sflag:s21] =	ssyncset.done $0x0  }
0x1fd: {  	[sflag:s21] =	ssyncadd.s32 $0xFFFFD800  }
0x1fe: {  	[spmem:s2] =	stream.indirect.scatter.add.f32 [tilespmem:s19], [sflag:$0x3], $0x80, s14, s18, $0xb8;
	[tilespmem:$0x1F480] =	vst v63  }
0x1ff: {  	v1 =	vld [tilespmem:$0x1640];
	_ =	sdelay $0x7  }
0x200: {  	[tilespmem:v1+s11+$0x0] =	vst.idx.add.f32.msk $0xffff, v0  }
0x201: {  	v1 =	vld [tilespmem:$0x1650];
	_ =	sdelay $0x7  }
0x202: {  	[tilespmem:v1+s11+$0x0] =	vst.idx.add.f32.msk $0xffff, v0  }
0x203: {  	v1 =	vld [tilespmem:$0x1660];
	_ =	sdelay $0x7  }
0x204: {  	[tilespmem:v1+s11+$0x0] =	vst.idx.add.f32.msk $0xffff, v0  }
0x205: {  	v1 =	vld [tilespmem:$0x1670];
	_ =	sdelay $0x7  }
0x206: {  	[tilespmem:v1+s11+$0x0] =	vst.idx.add.f32.msk $0xffff, v0  }
0x207: {  	v1 =	vld [tilespmem:$0x1680];
	_ =	sdelay $0x7  }
0x208: {  	[tilespmem:v1+s11+$0x0] =	vst.idx.add.f32.msk $0xffff, v0  }
0x209: {  	_ =	swait.ge [sflag:s22], $0x2800  }
0x20a: {  	s25 =	sld [smem:$0x7CA]  }
0x20b: {  	[sflag:s22] =	ssyncset.done $0x0  }
0x20c: {  	[sflag:s22] =	ssyncadd.s32 $0xFFFFD800  }
0x20d: {  	[tilespmem:s19], [sflag:$0x1] =	stream.indirect.gather [hbm4b:s5+s18], $0x80, s25, s18, $0xb8;
	[tilespmem:$0x1F480] =	vst v63  }
0x20e: {  	_ =	swait.ge [sflag:s23], $0x2800  }
0x20f: {  	s14 =	sld [smem:$0x7CB]  }
0x210: {  	[sflag:s23] =	ssyncset.done $0x0  }
0x211: {  	[sflag:s23] =	ssyncadd.s32 $0xFFFFD800  }
0x212: {  	[spmem:s2] =	stream.indirect.scatter.add.f32 [tilespmem:s20], [sflag:$0x4], $0x80, s14, s18, $0xb8;
	[tilespmem:$0x1F480] =	vst v63  }
0x213: {  	v1 =	vld [tilespmem:$0x1690];
	_ =	sdelay $0x7  }
0x214: {  	[tilespmem:v1+s11+$0x0] =	vst.idx.add.f32.msk $0xffff, v0  }
0x215: {  	v1 =	vld [tilespmem:$0x16A0];
	_ =	sdelay $0x7  }
0x216: {  	[tilespmem:v1+s11+$0x0] =	vst.idx.add.f32.msk $0xffff, v0  }
0x217: {  	v1 =	vld [tilespmem:$0x16B0];
	_ =	sdelay $0x7  }
0x218: {  	[tilespmem:v1+s11+$0x0] =	vst.idx.add.f32.msk $0xffff, v0  }
0x219: {  	v1 =	vld [tilespmem:$0x16C0];
	_ =	sdelay $0x7  }
0x21a: {  	[tilespmem:v1+s11+$0x0] =	vst.idx.add.f32.msk $0xffff, v0  }
0x21b: {  	v1 =	vld [tilespmem:$0x16D0];
	_ =	sdelay $0x7  }
0x21c: {  	[tilespmem:v1+s11+$0x0] =	vst.idx.add.f32.msk $0xffff, v0  }
0x21d: {  	_ =	swait.ge [sflag:s24], $0x2800  }
0x21e: {  	s25 =	sld [smem:$0x7CC]  }
0x21f: {  	[sflag:s24] =	ssyncset.done $0x0  }
0x220: {  	[sflag:s24] =	ssyncadd.s32 $0xFFFFD800  }
0x221: {  	[tilespmem:s20], [sflag:$0x2] =	stream.indirect.gather [hbm4b:s5+s18], $0x80, s25, s18, $0xb8;
	[tilespmem:$0x1F480] =	vst v63  }
0x222: {  	_ =	swait.ge [sflag:s21], $0x2800  }
0x223: {  	s14 =	sld [smem:$0x7CD]  }
0x224: {  	[sflag:s21] =	ssyncset.done $0x0  }
0x225: {  	[sflag:s21] =	ssyncadd.s32 $0xFFFFD800  }
0x226: {  	[spmem:s2] =	stream.indirect.scatter.add.f32 [tilespmem:s19], [sflag:$0x3], $0x80, s14, s18, $0xb8;
	[tilespmem:$0x1F480] =	vst v63  }
0x227: {  	v1 =	vld [tilespmem:$0x16E0];
	_ =	sdelay $0x7  }
0x228: {  	[tilespmem:v1+s11+$0x0] =	vst.idx.add.f32.msk $0xffff, v0  }
0x229: {  	v1 =	vld [tilespmem:$0x16F0];
	_ =	sdelay $0x7  }
0x22a: {  	[tilespmem:v1+s11+$0x0] =	vst.idx.add.f32.msk $0xffff, v0  }
0x22b: {  	v1 =	vld [tilespmem:$0x1700];
	_ =	sdelay $0x7  }
0x22c: {  	[tilespmem:v1+s11+$0x0] =	vst.idx.add.f32.msk $0xffff, v0  }
0x22d: {  	v1 =	vld [tilespmem:$0x1710];
	_ =	sdelay $0x7  }
0x22e: {  	[tilespmem:v1+s11+$0x0] =	vst.idx.add.f32.msk $0xffff, v0  }
0x22f: {  	v1 =	vld [tilespmem:$0x1720];
	_ =	sdelay $0x7  }
0x230: {  	[tilespmem:v1+s11+$0x0] =	vst.idx.add.f32.msk $0xffff, v0  }
0x231: {  	_ =	swait.ge [sflag:s22], $0x2800  }
0x232: {  	s25 =	sld [smem:$0x7CE]  }
0x233: {  	[sflag:s22] =	ssyncset.done $0x0  }
0x234: {  	[sflag:s22] =	ssyncadd.s32 $0xFFFFD800  }
0x235: {  	[tilespmem:s19], [sflag:$0x1] =	stream.indirect.gather [hbm4b:s5+s18], $0x80, s25, s18, $0xb8;
	[tilespmem:$0x1F480] =	vst v63  }
0x236: {  	_ =	swait.ge [sflag:s23], $0x2800  }
0x237: {  	s14 =	sld [smem:$0x7CF]  }
0x238: {  	[sflag:s23] =	ssyncset.done $0x0  }
0x239: {  	[sflag:s23] =	ssyncadd.s32 $0xFFFFD800  }
0x23a: {  	[spmem:s2] =	stream.indirect.scatter.add.f32 [tilespmem:s20], [sflag:$0x4], $0x80, s14, s18, $0xb8;
	[tilespmem:$0x1F480] =	vst v63  }
0x23b: {  	v1 =	vld [tilespmem:$0x1730];
	_ =	sdelay $0x7  }
0x23c: {  	[tilespmem:v1+s11+$0x0] =	vst.idx.add.f32.msk $0xffff, v0  }
0x23d: {  	v1 =	vld [tilespmem:$0x1740];
	_ =	sdelay $0x7  }
0x23e: {  	[tilespmem:v1+s11+$0x0] =	vst.idx.add.f32.msk $0xffff, v0  }
0x23f: {  	v1 =	vld [tilespmem:$0x1750];
	_ =	sdelay $0x7  }
0x240: {  	[tilespmem:v1+s11+$0x0] =	vst.idx.add.f32.msk $0xffff, v0  }
0x241: {  	v1 =	vld [tilespmem:$0x1760];
	_ =	sdelay $0x7  }
0x242: {  	[tilespmem:v1+s11+$0x0] =	vst.idx.add.f32.msk $0xffff, v0  }
0x243: {  	v1 =	vld [tilespmem:$0x1770];
	_ =	sdelay $0x7  }
0x244: {  	[tilespmem:v1+s11+$0x0] =	vst.idx.add.f32.msk $0xffff, v0  }
0x245: {  	_ =	swait.ge [sflag:s24], $0x2800  }
0x246: {  	s25 =	sld [smem:$0x7D1]  }
0x247: {  	[sflag:s24] =	ssyncset.done $0x0  }
0x248: {  	[sflag:s24] =	ssyncadd.s32 $0xFFFFD800  }
0x249: {  	[tilespmem:s20], [sflag:$0x2] =	stream.indirect.gather [hbm4b:s5+s18], $0x80, s25, s18, $0xb8;
	[tilespmem:$0x1F480] =	vst v63  }
0x24a: {  	_ =	swait.ge [sflag:s21], $0x2800  }
0x24b: {  	s14 =	sld [smem:$0x7D2]  }
0x24c: {  	[sflag:s21] =	ssyncset.done $0x0  }
0x24d: {  	[sflag:s21] =	ssyncadd.s32 $0xFFFFD800  }
0x24e: {  	[spmem:s2] =	stream.indirect.scatter.add.f32 [tilespmem:s19], [sflag:$0x3], $0x80, s14, s18, $0xb8;
	[tilespmem:$0x1F480] =	vst v63  }
0x24f: {  	v1 =	vld [tilespmem:$0x1780];
	_ =	sdelay $0x7  }
0x250: {  	[tilespmem:v1+s11+$0x0] =	vst.idx.add.f32.msk $0xffff, v0  }
0x251: {  	v1 =	vld [tilespmem:$0x1790];
	_ =	sdelay $0x7  }
0x252: {  	[tilespmem:v1+s11+$0x0] =	vst.idx.add.f32.msk $0xffff, v0  }
0x253: {  	v1 =	vld [tilespmem:$0x17A0];
	_ =	sdelay $0x7  }
0x254: {  	[tilespmem:v1+s11+$0x0] =	vst.idx.add.f32.msk $0xffff, v0  }
0x255: {  	v1 =	vld [tilespmem:$0x17B0];
	_ =	sdelay $0x7  }
0x256: {  	[tilespmem:v1+s11+$0x0] =	vst.idx.add.f32.msk $0xffff, v0  }
0x257: {  	v1 =	vld [tilespmem:$0x17C0];
	_ =	sdelay $0x7  }
0x258: {  	[tilespmem:v1+s11+$0x0] =	vst.idx.add.f32.msk $0xffff, v0  }
0x259: {  	_ =	swait.ge [sflag:s22], $0x2800  }
0x25a: {  	s25 =	sld [smem:$0x7D3]  }
0x25b: {  	[sflag:s22] =	ssyncset.done $0x0  }
0x25c: {  	[sflag:s22] =	ssyncadd.s32 $0xFFFFD800  }
0x25d: {  	[tilespmem:s19], [sflag:$0x1] =	stream.indirect.gather [hbm4b:s5+s18], $0x80, s25, s18, $0xb8;
	[tilespmem:$0x1F480] =	vst v63  }
0x25e: {  	_ =	swait.ge [sflag:s23], $0x2800  }
0x25f: {  	s14 =	sld [smem:$0x7D5]  }
0x260: {  	[sflag:s23] =	ssyncset.done $0x0  }
0x261: {  	[sflag:s23] =	ssyncadd.s32 $0xFFFFD800  }
0x262: {  	[spmem:s2] =	stream.indirect.scatter.add.f32 [tilespmem:s20], [sflag:$0x4], $0x80, s14, s18, $0xb8;
	[tilespmem:$0x1F480] =	vst v63  }
0x263: {  	v1 =	vld [tilespmem:$0x17D0];
	_ =	sdelay $0x7  }
0x264: {  	[tilespmem:v1+s11+$0x0] =	vst.idx.add.f32.msk $0xffff, v0  }
0x265: {  	v1 =	vld [tilespmem:$0x17E0];
	_ =	sdelay $0x7  }
0x266: {  	[tilespmem:v1+s11+$0x0] =	vst.idx.add.f32.msk $0xffff, v0  }
0x267: {  	v1 =	vld [tilespmem:$0x17F0];
	_ =	sdelay $0x7  }
0x268: {  	[tilespmem:v1+s11+$0x0] =	vst.idx.add.f32.msk $0xffff, v0  }
0x269: {  	v1 =	vld [tilespmem:$0x1800];
	_ =	sdelay $0x7  }
0x26a: {  	[tilespmem:v1+s11+$0x0] =	vst.idx.add.f32.msk $0xffff, v0  }
0x26b: {  	v1 =	vld [tilespmem:$0x1810];
	_ =	sdelay $0x7  }
0x26c: {  	[tilespmem:v1+s11+$0x0] =	vst.idx.add.f32.msk $0xffff, v0  }
0x26d: {  	_ =	swait.ge [sflag:s24], $0x2800  }
0x26e: {  	s25 =	sld [smem:$0x7D6]  }
0x26f: {  	[sflag:s24] =	ssyncset.done $0x0  }
0x270: {  	[sflag:s24] =	ssyncadd.s32 $0xFFFFD800  }
0x271: {  	[tilespmem:s20], [sflag:$0x2] =	stream.indirect.gather [hbm4b:s5+s18], $0x80, s25, s18, $0xb8;
	[tilespmem:$0x1F480] =	vst v63  }
0x272: {  	_ =	swait.ge [sflag:s21], $0x2800  }
0x273: {  	s14 =	sld [smem:$0x7D7]  }
0x274: {  	[sflag:s21] =	ssyncset.done $0x0  }
0x275: {  	[sflag:s21] =	ssyncadd.s32 $0xFFFFD800  }
0x276: {  	[spmem:s2] =	stream.indirect.scatter.add.f32 [tilespmem:s19], [sflag:$0x3], $0x80, s14, s18, $0xb8;
	[tilespmem:$0x1F480] =	vst v63  }
0x277: {  	v1 =	vld [tilespmem:$0x1820];
	_ =	sdelay $0x7  }
0x278: {  	[tilespmem:v1+s11+$0x0] =	vst.idx.add.f32.msk $0xffff, v0  }
0x279: {  	v1 =	vld [tilespmem:$0x1830];
	_ =	sdelay $0x7  }
0x27a: {  	[tilespmem:v1+s11+$0x0] =	vst.idx.add.f32.msk $0xffff, v0  }
0x27b: {  	v1 =	vld [tilespmem:$0x1840];
	_ =	sdelay $0x7  }
0x27c: {  	[tilespmem:v1+s11+$0x0] =	vst.idx.add.f32.msk $0xffff, v0  }
0x27d: {  	v1 =	vld [tilespmem:$0x1850];
	_ =	sdelay $0x7  }
0x27e: {  	[tilespmem:v1+s11+$0x0] =	vst.idx.add.f32.msk $0xffff, v0  }
0x27f: {  	v1 =	vld [tilespmem:$0x1860];
	_ =	sdelay $0x7  }
0x280: {  	[tilespmem:v1+s11+$0x0] =	vst.idx.add.f32.msk $0xffff, v0  }
0x281: {  	_ =	swait.ge [sflag:s22], $0x2800  }
0x282: {  	s25 =	sld [smem:$0x7D8]  }
0x283: {  	[sflag:s22] =	ssyncset.done $0x0  }
0x284: {  	[sflag:s22] =	ssyncadd.s32 $0xFFFFD800  }
0x285: {  	[tilespmem:s19], [sflag:$0x1] =	stream.indirect.gather [hbm4b:s5+s18], $0x80, s25, s18, $0xb8;
	[tilespmem:$0x1F480] =	vst v63  }
0x286: {  	_ =	swait.ge [sflag:s23], $0x2800  }
0x287: {  	s14 =	sld [smem:$0x7D9]  }
0x288: {  	[sflag:s23] =	ssyncset.done $0x0  }
0x289: {  	[sflag:s23] =	ssyncadd.s32 $0xFFFFD800  }
0x28a: {  	[spmem:s2] =	stream.indirect.scatter.add.f32 [tilespmem:s20], [sflag:$0x4], $0x80, s14, s18, $0xb8;
	[tilespmem:$0x1F480] =	vst v63  }
0x28b: {  	v1 =	vld [tilespmem:$0x1870];
	_ =	sdelay $0x7  }
0x28c: {  	[tilespmem:v1+s11+$0x0] =	vst.idx.add.f32.msk $0xffff, v0  }
0x28d: {  	v1 =	vld [tilespmem:$0x1880];
	_ =	sdelay $0x7  }
0x28e: {  	[tilespmem:v1+s11+$0x0] =	vst.idx.add.f32.msk $0xffff, v0  }
0x28f: {  	v1 =	vld [tilespmem:$0x1890];
	_ =	sdelay $0x7  }
0x290: {  	[tilespmem:v1+s11+$0x0] =	vst.idx.add.f32.msk $0xffff, v0  }
0x291: {  	v1 =	vld [tilespmem:$0x18A0];
	_ =	sdelay $0x7  }
0x292: {  	[tilespmem:v1+s11+$0x0] =	vst.idx.add.f32.msk $0xffff, v0  }
0x293: {  	v1 =	vld [tilespmem:$0x18B0];
	_ =	sdelay $0x7  }
0x294: {  	[tilespmem:v1+s11+$0x0] =	vst.idx.add.f32.msk $0xffff, v0  }
0x295: {  	_ =	swait.ge [sflag:s24], $0x2800  }
0x296: {  	s25 =	sld [smem:$0x7DA]  }
0x297: {  	[sflag:s24] =	ssyncset.done $0x0  }
0x298: {  	[sflag:s24] =	ssyncadd.s32 $0xFFFFD800  }
0x299: {  	[tilespmem:s20], [sflag:$0x2] =	stream.indirect.gather [hbm4b:s5+s18], $0x80, s25, s18, $0xb8;
	[tilespmem:$0x1F480] =	vst v63  }
0x29a: {  	_ =	swait.ge [sflag:s21], $0x2800  }
0x29b: {  	s14 =	sld [smem:$0x7DB]  }
0x29c: {  	[sflag:s21] =	ssyncset.done $0x0  }
0x29d: {  	[sflag:s21] =	ssyncadd.s32 $0xFFFFD800  }
0x29e: {  	[spmem:s2] =	stream.indirect.scatter.add.f32 [tilespmem:s19], [sflag:$0x3], $0x80, s14, s18, $0xb8;
	[tilespmem:$0x1F480] =	vst v63  }
0x29f: {  	v1 =	vld [tilespmem:$0x18C0];
	_ =	sdelay $0x7  }
0x2a0: {  	[tilespmem:v1+s11+$0x0] =	vst.idx.add.f32.msk $0xffff, v0  }
0x2a1: {  	v1 =	vld [tilespmem:$0x18D0];
	_ =	sdelay $0x7  }
0x2a2: {  	[tilespmem:v1+s11+$0x0] =	vst.idx.add.f32.msk $0xffff, v0  }
0x2a3: {  	v1 =	vld [tilespmem:$0x18E0];
	_ =	sdelay $0x7  }
0x2a4: {  	[tilespmem:v1+s11+$0x0] =	vst.idx.add.f32.msk $0xffff, v0  }
0x2a5: {  	v1 =	vld [tilespmem:$0x18F0];
	_ =	sdelay $0x7  }
0x2a6: {  	[tilespmem:v1+s11+$0x0] =	vst.idx.add.f32.msk $0xffff, v0  }
0x2a7: {  	v1 =	vld [tilespmem:$0x1900];
	_ =	sdelay $0x7  }
0x2a8: {  	[tilespmem:v1+s11+$0x0] =	vst.idx.add.f32.msk $0xffff, v0  }
0x2a9: {  	_ =	swait.ge [sflag:s22], $0x2800  }
0x2aa: {  	s25 =	sld [smem:$0x7DC]  }
0x2ab: {  	[sflag:s22] =	ssyncset.done $0x0  }
0x2ac: {  	[sflag:s22] =	ssyncadd.s32 $0xFFFFD800  }
0x2ad: {  	[tilespmem:s19], [sflag:$0x1] =	stream.indirect.gather [hbm4b:s5+s18], $0x80, s25, s18, $0xb8;
	[tilespmem:$0x1F480] =	vst v63  }
0x2ae: {  	_ =	swait.ge [sflag:s23], $0x2800  }
0x2af: {  	s14 =	sld [smem:$0x7DD]  }
0x2b0: {  	[sflag:s23] =	ssyncset.done $0x0  }
0x2b1: {  	[sflag:s23] =	ssyncadd.s32 $0xFFFFD800  }
0x2b2: {  	[spmem:s2] =	stream.indirect.scatter.add.f32 [tilespmem:s20], [sflag:$0x4], $0x80, s14, s18, $0xb8;
	[tilespmem:$0x1F480] =	vst v63  }
0x2b3: {  	v1 =	vld [tilespmem:$0x1910];
	_ =	sdelay $0x7  }
0x2b4: {  	[tilespmem:v1+s11+$0x0] =	vst.idx.add.f32.msk $0xffff, v0  }
0x2b5: {  	v1 =	vld [tilespmem:$0x1920];
	_ =	sdelay $0x7  }
0x2b6: {  	[tilespmem:v1+s11+$0x0] =	vst.idx.add.f32.msk $0xffff, v0  }
0x2b7: {  	v1 =	vld [tilespmem:$0x1930];
	_ =	sdelay $0x7  }
0x2b8: {  	[tilespmem:v1+s11+$0x0] =	vst.idx.add.f32.msk $0xffff, v0  }
0x2b9: {  	v1 =	vld [tilespmem:$0x1940];
	_ =	sdelay $0x7  }
0x2ba: {  	[tilespmem:v1+s11+$0x0] =	vst.idx.add.f32.msk $0xffff, v0  }
0x2bb: {  	v1 =	vld [tilespmem:$0x1950];
	_ =	sdelay $0x7  }
0x2bc: {  	[tilespmem:v1+s11+$0x0] =	vst.idx.add.f32.msk $0xffff, v0  }
0x2bd: {  	_ =	swait.ge [sflag:s24], $0x2800  }
0x2be: {  	s25 =	sld [smem:$0x7DE]  }
0x2bf: {  	[sflag:s24] =	ssyncset.done $0x0  }
0x2c0: {  	[sflag:s24] =	ssyncadd.s32 $0xFFFFD800  }
0x2c1: {  	[tilespmem:s20], [sflag:$0x2] =	stream.indirect.gather [hbm4b:s5+s18], $0x80, s25, s18, $0xb8;
	[tilespmem:$0x1F480] =	vst v63  }
0x2c2: {  	_ =	swait.ge [sflag:s21], $0x2800  }
0x2c3: {  	s14 =	sld [smem:$0x7DF]  }
0x2c4: {  	[sflag:s21] =	ssyncset.done $0x0  }
0x2c5: {  	[sflag:s21] =	ssyncadd.s32 $0xFFFFD800  }
0x2c6: {  	[spmem:s2] =	stream.indirect.scatter.add.f32 [tilespmem:s19], [sflag:$0x3], $0x80, s14, s18, $0xb8;
	[tilespmem:$0x1F480] =	vst v63  }
0x2c7: {  	v1 =	vld [tilespmem:$0x1960];
	_ =	sdelay $0x7  }
0x2c8: {  	[tilespmem:v1+s11+$0x0] =	vst.idx.add.f32.msk $0xffff, v0  }
0x2c9: {  	v1 =	vld [tilespmem:$0x1970];
	_ =	sdelay $0x7  }
0x2ca: {  	[tilespmem:v1+s11+$0x0] =	vst.idx.add.f32.msk $0xffff, v0  }
0x2cb: {  	v1 =	vld [tilespmem:$0x1980];
	_ =	sdelay $0x7  }
0x2cc: {  	[tilespmem:v1+s11+$0x0] =	vst.idx.add.f32.msk $0xffff, v0  }
0x2cd: {  	v1 =	vld [tilespmem:$0x1990];
	_ =	sdelay $0x7  }
0x2ce: {  	[tilespmem:v1+s11+$0x0] =	vst.idx.add.f32.msk $0xffff, v0  }
0x2cf: {  	v1 =	vld [tilespmem:$0x19A0];
	_ =	sdelay $0x7  }
0x2d0: {  	[tilespmem:v1+s11+$0x0] =	vst.idx.add.f32.msk $0xffff, v0  }
0x2d1: {  	_ =	swait.ge [sflag:s22], $0x2800  }
0x2d2: {  	s25 =	sld [smem:$0x7E0]  }
0x2d3: {  	[sflag:s22] =	ssyncset.done $0x0  }
0x2d4: {  	[sflag:s22] =	ssyncadd.s32 $0xFFFFD800  }
0x2d5: {  	[tilespmem:s19], [sflag:$0x1] =	stream.indirect.gather [hbm4b:s5+s18], $0x80, s25, s18, $0xb8;
	[tilespmem:$0x1F480] =	vst v63  }
0x2d6: {  	_ =	swait.ge [sflag:s23], $0x2800  }
0x2d7: {  	s14 =	sld [smem:$0x7E1]  }
0x2d8: {  	[sflag:s23] =	ssyncset.done $0x0  }
0x2d9: {  	[sflag:s23] =	ssyncadd.s32 $0xFFFFD800  }
0x2da: {  	[spmem:s2] =	stream.indirect.scatter.add.f32 [tilespmem:s20], [sflag:$0x4], $0x80, s14, s18, $0xb8;
	[tilespmem:$0x1F480] =	vst v63  }
0x2db: {  	v1 =	vld [tilespmem:$0x19B0];
	_ =	sdelay $0x7  }
0x2dc: {  	[tilespmem:v1+s11+$0x0] =	vst.idx.add.f32.msk $0xffff, v0  }
0x2dd: {  	v1 =	vld [tilespmem:$0x19C0];
	_ =	sdelay $0x7  }
0x2de: {  	[tilespmem:v1+s11+$0x0] =	vst.idx.add.f32.msk $0xffff, v0  }
0x2df: {  	v1 =	vld [tilespmem:$0x19D0];
	_ =	sdelay $0x7  }
0x2e0: {  	[tilespmem:v1+s11+$0x0] =	vst.idx.add.f32.msk $0xffff, v0  }
0x2e1: {  	v1 =	vld [tilespmem:$0x19E0];
	_ =	sdelay $0x7  }
0x2e2: {  	[tilespmem:v1+s11+$0x0] =	vst.idx.add.f32.msk $0xffff, v0  }
0x2e3: {  	v1 =	vld [tilespmem:$0x19F0];
	_ =	sdelay $0x7  }
0x2e4: {  	[tilespmem:v1+s11+$0x0] =	vst.idx.add.f32.msk $0xffff, v0  }
0x2e5: {  	_ =	swait.ge [sflag:s24], $0x2800  }
0x2e6: {  	s25 =	sld [smem:$0x7E2]  }
0x2e7: {  	[sflag:s24] =	ssyncset.done $0x0  }
0x2e8: {  	[sflag:s24] =	ssyncadd.s32 $0xFFFFD800  }
0x2e9: {  	[tilespmem:s20], [sflag:$0x2] =	stream.indirect.gather [hbm4b:s5+s18], $0x80, s25, s18, $0xb8;
	[tilespmem:$0x1F480] =	vst v63  }
0x2ea: {  	_ =	swait.ge [sflag:s21], $0x2800  }
0x2eb: {  	s14 =	sld [smem:$0x7E4]  }
0x2ec: {  	[sflag:s21] =	ssyncset.done $0x0  }
0x2ed: {  	[sflag:s21] =	ssyncadd.s32 $0xFFFFD800  }
0x2ee: {  	[spmem:s2] =	stream.indirect.scatter.add.f32 [tilespmem:s19], [sflag:$0x3], $0x80, s14, s18, $0xb8;
	[tilespmem:$0x1F480] =	vst v63  }
0x2ef: {  	v1 =	vld [tilespmem:$0x1A00];
	_ =	sdelay $0x7  }
0x2f0: {  	[tilespmem:v1+s11+$0x0] =	vst.idx.add.f32.msk $0xffff, v0  }
0x2f1: {  	v1 =	vld [tilespmem:$0x1A10];
	_ =	sdelay $0x7  }
0x2f2: {  	[tilespmem:v1+s11+$0x0] =	vst.idx.add.f32.msk $0xffff, v0  }
0x2f3: {  	v1 =	vld [tilespmem:$0x1A20];
	_ =	sdelay $0x7  }
0x2f4: {  	[tilespmem:v1+s11+$0x0] =	vst.idx.add.f32.msk $0xffff, v0  }
0x2f5: {  	v1 =	vld [tilespmem:$0x1A30];
	_ =	sdelay $0x7  }
0x2f6: {  	[tilespmem:v1+s11+$0x0] =	vst.idx.add.f32.msk $0xffff, v0  }
0x2f7: {  	v1 =	vld [tilespmem:$0x1A40];
	_ =	sdelay $0x7  }
0x2f8: {  	[tilespmem:v1+s11+$0x0] =	vst.idx.add.f32.msk $0xffff, v0  }
0x2f9: {  	_ =	swait.ge [sflag:s22], $0x2800  }
0x2fa: {  	s25 =	sld [smem:$0x7E5]  }
0x2fb: {  	[sflag:s22] =	ssyncset.done $0x0  }
0x2fc: {  	[sflag:s22] =	ssyncadd.s32 $0xFFFFD800  }
0x2fd: {  	[tilespmem:s19], [sflag:$0x1] =	stream.indirect.gather [hbm4b:s5+s18], $0x80, s25, s18, $0xb8;
	[tilespmem:$0x1F480] =	vst v63  }
0x2fe: {  	_ =	swait.ge [sflag:s23], $0x2800  }
0x2ff: {  	s14 =	sld [smem:$0x7E6]  }
0x300: {  	[sflag:s23] =	ssyncset.done $0x0  }
0x301: {  	[sflag:s23] =	ssyncadd.s32 $0xFFFFD800  }
0x302: {  	[spmem:s2] =	stream.indirect.scatter.add.f32 [tilespmem:s20], [sflag:$0x4], $0x80, s14, s18, $0xb8;
	[tilespmem:$0x1F480] =	vst v63  }
0x303: {  	v1 =	vld [tilespmem:$0x1A50];
	_ =	sdelay $0x7  }
0x304: {  	[tilespmem:v1+s11+$0x0] =	vst.idx.add.f32.msk $0xffff, v0  }
0x305: {  	v1 =	vld [tilespmem:$0x1A60];
	_ =	sdelay $0x7  }
0x306: {  	[tilespmem:v1+s11+$0x0] =	vst.idx.add.f32.msk $0xffff, v0  }
0x307: {  	v1 =	vld [tilespmem:$0x1A70];
	_ =	sdelay $0x7  }
0x308: {  	[tilespmem:v1+s11+$0x0] =	vst.idx.add.f32.msk $0xffff, v0  }
0x309: {  	v1 =	vld [tilespmem:$0x1A80];
	_ =	sdelay $0x7  }
0x30a: {  	[tilespmem:v1+s11+$0x0] =	vst.idx.add.f32.msk $0xffff, v0  }
0x30b: {  	v1 =	vld [tilespmem:$0x1A90];
	_ =	sdelay $0x7  }
0x30c: {  	[tilespmem:v1+s11+$0x0] =	vst.idx.add.f32.msk $0xffff, v0  }
0x30d: {  	_ =	swait.ge [sflag:s24], $0x2800  }
0x30e: {  	s25 =	sld [smem:$0x7E8]  }
0x30f: {  	[sflag:s24] =	ssyncset.done $0x0  }
0x310: {  	[sflag:s24] =	ssyncadd.s32 $0xFFFFD800  }
0x311: {  	[tilespmem:s20], [sflag:$0x2] =	stream.indirect.gather [hbm4b:s5+s18], $0x80, s25, s18, $0xb8;
	[tilespmem:$0x1F480] =	vst v63  }
0x312: {  	_ =	swait.ge [sflag:s21], $0x2800  }
0x313: {  	s14 =	sld [smem:$0x7EA]  }
0x314: {  	[sflag:s21] =	ssyncset.done $0x0  }
0x315: {  	[sflag:s21] =	ssyncadd.s32 $0xFFFFD800  }
0x316: {  	[spmem:s2] =	stream.indirect.scatter.add.f32 [tilespmem:s19], [sflag:$0x3], $0x80, s14, s18, $0xb8;
	[tilespmem:$0x1F480] =	vst v63  }
0x317: {  	v1 =	vld [tilespmem:$0x1AA0];
	_ =	sdelay $0x7  }
0x318: {  	[tilespmem:v1+s11+$0x0] =	vst.idx.add.f32.msk $0xffff, v0  }
0x319: {  	v1 =	vld [tilespmem:$0x1AB0];
	_ =	sdelay $0x7  }
0x31a: {  	[tilespmem:v1+s11+$0x0] =	vst.idx.add.f32.msk $0xffff, v0  }
0x31b: {  	v1 =	vld [tilespmem:$0x1AC0];
	_ =	sdelay $0x7  }
0x31c: {  	[tilespmem:v1+s11+$0x0] =	vst.idx.add.f32.msk $0xffff, v0  }
0x31d: {  	v1 =	vld [tilespmem:$0x1AD0];
	_ =	sdelay $0x7  }
0x31e: {  	[tilespmem:v1+s11+$0x0] =	vst.idx.add.f32.msk $0xffff, v0  }
0x31f: {  	v1 =	vld [tilespmem:$0x1AE0];
	_ =	sdelay $0x7  }
0x320: {  	[tilespmem:v1+s11+$0x0] =	vst.idx.add.f32.msk $0xffff, v0  }
0x321: {  	_ =	swait.ge [sflag:s22], $0x2800  }
0x322: {  	s25 =	sld [smem:$0x7EB]  }
0x323: {  	[sflag:s22] =	ssyncset.done $0x0  }
0x324: {  	[sflag:s22] =	ssyncadd.s32 $0xFFFFD800  }
0x325: {  	[tilespmem:s19], [sflag:$0x1] =	stream.indirect.gather [hbm4b:s5+s18], $0x80, s25, s18, $0xb8;
	[tilespmem:$0x1F480] =	vst v63  }
0x326: {  	_ =	swait.ge [sflag:s23], $0x2800  }
0x327: {  	s14 =	sld [smem:$0x7EC]  }
0x328: {  	[sflag:s23] =	ssyncset.done $0x0  }
0x329: {  	[sflag:s23] =	ssyncadd.s32 $0xFFFFD800  }
0x32a: {  	[spmem:s2] =	stream.indirect.scatter.add.f32 [tilespmem:s20], [sflag:$0x4], $0x80, s14, s18, $0xb8;
	[tilespmem:$0x1F480] =	vst v63  }
0x32b: {  	v1 =	vld [tilespmem:$0x1AF0];
	_ =	sdelay $0x7  }
0x32c: {  	[tilespmem:v1+s11+$0x0] =	vst.idx.add.f32.msk $0xffff, v0  }
0x32d: {  	v1 =	vld [tilespmem:$0x1B00];
	_ =	sdelay $0x7  }
0x32e: {  	[tilespmem:v1+s11+$0x0] =	vst.idx.add.f32.msk $0xffff, v0  }
0x32f: {  	v1 =	vld [tilespmem:$0x1B10];
	_ =	sdelay $0x7  }
0x330: {  	[tilespmem:v1+s11+$0x0] =	vst.idx.add.f32.msk $0xffff, v0  }
0x331: {  	v1 =	vld [tilespmem:$0x1B20];
	_ =	sdelay $0x7  }
0x332: {  	[tilespmem:v1+s11+$0x0] =	vst.idx.add.f32.msk $0xffff, v0  }
0x333: {  	v1 =	vld [tilespmem:$0x1B30];
	_ =	sdelay $0x7  }
0x334: {  	[tilespmem:v1+s11+$0x0] =	vst.idx.add.f32.msk $0xffff, v0  }
0x335: {  	_ =	swait.ge [sflag:s24], $0x2800  }
0x336: {  	s25 =	sld [smem:$0x7ED]  }
0x337: {  	[sflag:s24] =	ssyncset.done $0x0  }
0x338: {  	[sflag:s24] =	ssyncadd.s32 $0xFFFFD800  }
0x339: {  	[tilespmem:s20], [sflag:$0x2] =	stream.indirect.gather [hbm4b:s5+s18], $0x80, s25, s18, $0xb8;
	[tilespmem:$0x1F480] =	vst v63  }
0x33a: {  	_ =	swait.ge [sflag:s21], $0x2800  }
0x33b: {  	s14 =	sld [smem:$0x7EE]  }
0x33c: {  	[sflag:s21] =	ssyncset.done $0x0  }
0x33d: {  	[sflag:s21] =	ssyncadd.s32 $0xFFFFD800  }
0x33e: {  	[spmem:s2] =	stream.indirect.scatter.add.f32 [tilespmem:s19], [sflag:$0x3], $0x80, s14, s18, $0xb8;
	[tilespmem:$0x1F480] =	vst v63  }
0x33f: {  	v1 =	vld [tilespmem:$0x1B40];
	_ =	sdelay $0x7  }
0x340: {  	[tilespmem:v1+s11+$0x0] =	vst.idx.add.f32.msk $0xffff, v0  }
0x341: {  	v1 =	vld [tilespmem:$0x1B50];
	_ =	sdelay $0x7  }
0x342: {  	[tilespmem:v1+s11+$0x0] =	vst.idx.add.f32.msk $0xffff, v0  }
0x343: {  	v1 =	vld [tilespmem:$0x1B60];
	_ =	sdelay $0x7  }
0x344: {  	[tilespmem:v1+s11+$0x0] =	vst.idx.add.f32.msk $0xffff, v0  }
0x345: {  	v1 =	vld [tilespmem:$0x1B70];
	_ =	sdelay $0x7  }
0x346: {  	[tilespmem:v1+s11+$0x0] =	vst.idx.add.f32.msk $0xffff, v0  }
0x347: {  	v1 =	vld [tilespmem:$0x1B80];
	_ =	sdelay $0x7  }
0x348: {  	[tilespmem:v1+s11+$0x0] =	vst.idx.add.f32.msk $0xffff, v0  }
0x349: {  	_ =	swait.ge [sflag:s22], $0x2800  }
0x34a: {  	s25 =	sld [smem:$0x7EF]  }
0x34b: {  	[sflag:s22] =	ssyncset.done $0x0  }
0x34c: {  	[sflag:s22] =	ssyncadd.s32 $0xFFFFD800  }
0x34d: {  	[tilespmem:s19], [sflag:$0x1] =	stream.indirect.gather [hbm4b:s5+s18], $0x80, s25, s18, $0xb8;
	[tilespmem:$0x1F480] =	vst v63  }
0x34e: {  	_ =	swait.ge [sflag:s23], $0x2800  }
0x34f: {  	s14 =	sld [smem:$0x7F0]  }
0x350: {  	[sflag:s23] =	ssyncset.done $0x0  }
0x351: {  	[sflag:s23] =	ssyncadd.s32 $0xFFFFD800  }
0x352: {  	[spmem:s2] =	stream.indirect.scatter.add.f32 [tilespmem:s20], [sflag:$0x4], $0x80, s14, s18, $0xb8;
	[tilespmem:$0x1F480] =	vst v63  }
0x353: {  	v1 =	vld [tilespmem:$0x1B90];
	_ =	sdelay $0x7  }
0x354: {  	[tilespmem:v1+s11+$0x0] =	vst.idx.add.f32.msk $0xffff, v0  }
0x355: {  	v1 =	vld [tilespmem:$0x1BA0];
	_ =	sdelay $0x7  }
0x356: {  	[tilespmem:v1+s11+$0x0] =	vst.idx.add.f32.msk $0xffff, v0  }
0x357: {  	v1 =	vld [tilespmem:$0x1BB0];
	_ =	sdelay $0x7  }
0x358: {  	[tilespmem:v1+s11+$0x0] =	vst.idx.add.f32.msk $0xffff, v0  }
0x359: {  	v1 =	vld [tilespmem:$0x1BC0];
	_ =	sdelay $0x7  }
0x35a: {  	[tilespmem:v1+s11+$0x0] =	vst.idx.add.f32.msk $0xffff, v0  }
0x35b: {  	v1 =	vld [tilespmem:$0x1BD0];
	_ =	sdelay $0x7  }
0x35c: {  	[tilespmem:v1+s11+$0x0] =	vst.idx.add.f32.msk $0xffff, v0  }
0x35d: {  	_ =	swait.ge [sflag:s24], $0x2800  }
0x35e: {  	s25 =	sld [smem:$0x7F1]  }
0x35f: {  	[sflag:s24] =	ssyncset.done $0x0  }
0x360: {  	[sflag:s24] =	ssyncadd.s32 $0xFFFFD800  }
0x361: {  	[tilespmem:s20], [sflag:$0x2] =	stream.indirect.gather [hbm4b:s5+s18], $0x80, s25, s18, $0xb8;
	[tilespmem:$0x1F480] =	vst v63  }
0x362: {  	_ =	swait.ge [sflag:s21], $0x2800  }
0x363: {  	s14 =	sld [smem:$0x7F2]  }
0x364: {  	[sflag:s21] =	ssyncset.done $0x0  }
0x365: {  	[sflag:s21] =	ssyncadd.s32 $0xFFFFD800  }
0x366: {  	[spmem:s2] =	stream.indirect.scatter.add.f32 [tilespmem:s19], [sflag:$0x3], $0x80, s14, s18, $0xb8;
	[tilespmem:$0x1F480] =	vst v63  }
0x367: {  	v1 =	vld [tilespmem:$0x1BE0];
	_ =	sdelay $0x7  }
0x368: {  	[tilespmem:v1+s11+$0x0] =	vst.idx.add.f32.msk $0xffff, v0  }
0x369: {  	v1 =	vld [tilespmem:$0x1BF0];
	_ =	sdelay $0x7  }
0x36a: {  	[tilespmem:v1+s11+$0x0] =	vst.idx.add.f32.msk $0xffff, v0  }
0x36b: {  	v1 =	vld [tilespmem:$0x1C00];
	_ =	sdelay $0x7  }
0x36c: {  	[tilespmem:v1+s11+$0x0] =	vst.idx.add.f32.msk $0xffff, v0  }
0x36d: {  	v1 =	vld [tilespmem:$0x1C10];
	_ =	sdelay $0x7  }
0x36e: {  	[tilespmem:v1+s11+$0x0] =	vst.idx.add.f32.msk $0xffff, v0  }
0x36f: {  	v1 =	vld [tilespmem:$0x1C20];
	_ =	sdelay $0x7  }
0x370: {  	[tilespmem:v1+s11+$0x0] =	vst.idx.add.f32.msk $0xffff, v0  }
0x371: {  	_ =	swait.ge [sflag:s22], $0x2800  }
0x372: {  	s25 =	sld [smem:$0x7F3]  }
0x373: {  	[sflag:s22] =	ssyncset.done $0x0  }
0x374: {  	[sflag:s22] =	ssyncadd.s32 $0xFFFFD800  }
0x375: {  	[tilespmem:s19], [sflag:$0x1] =	stream.indirect.gather [hbm4b:s5+s18], $0x80, s25, s18, $0xb8;
	[tilespmem:$0x1F480] =	vst v63  }
0x376: {  	_ =	swait.ge [sflag:s23], $0x2800  }
0x377: {  	s14 =	sld [smem:$0x7F4]  }
0x378: {  	[sflag:s23] =	ssyncset.done $0x0  }
0x379: {  	[sflag:s23] =	ssyncadd.s32 $0xFFFFD800  }
0x37a: {  	[spmem:s2] =	stream.indirect.scatter.add.f32 [tilespmem:s20], [sflag:$0x4], $0x80, s14, s18, $0xb8;
	[tilespmem:$0x1F480] =	vst v63  }
0x37b: {  	v1 =	vld [tilespmem:$0x1C30];
	_ =	sdelay $0x7  }
0x37c: {  	[tilespmem:v1+s11+$0x0] =	vst.idx.add.f32.msk $0xffff, v0  }
0x37d: {  	v1 =	vld [tilespmem:$0x1C40];
	_ =	sdelay $0x7  }
0x37e: {  	[tilespmem:v1+s11+$0x0] =	vst.idx.add.f32.msk $0xffff, v0  }
0x37f: {  	v1 =	vld [tilespmem:$0x1C50];
	_ =	sdelay $0x7  }
0x380: {  	[tilespmem:v1+s11+$0x0] =	vst.idx.add.f32.msk $0xffff, v0  }
0x381: {  	v1 =	vld [tilespmem:$0x1C60];
	_ =	sdelay $0x7  }
0x382: {  	[tilespmem:v1+s11+$0x0] =	vst.idx.add.f32.msk $0xffff, v0  }
0x383: {  	v1 =	vld [tilespmem:$0x1C70];
	_ =	sdelay $0x7  }
0x384: {  	[tilespmem:v1+s11+$0x0] =	vst.idx.add.f32.msk $0xffff, v0  }
0x385: {  	_ =	swait.ge [sflag:s24], $0x2800  }
0x386: {  	s25 =	sld [smem:$0x7F5]  }
0x387: {  	[sflag:s24] =	ssyncset.done $0x0  }
0x388: {  	[sflag:s24] =	ssyncadd.s32 $0xFFFFD800  }
0x389: {  	[tilespmem:s20], [sflag:$0x2] =	stream.indirect.gather [hbm4b:s5+s18], $0x80, s25, s18, $0xb8;
	[tilespmem:$0x1F480] =	vst v63  }
0x38a: {  	_ =	swait.ge [sflag:s21], $0x2800  }
0x38b: {  	s14 =	sld [smem:$0x7F6]  }
0x38c: {  	[sflag:s21] =	ssyncset.done $0x0  }
0x38d: {  	[sflag:s21] =	ssyncadd.s32 $0xFFFFD800  }
0x38e: {  	[spmem:s2] =	stream.indirect.scatter.add.f32 [tilespmem:s19], [sflag:$0x3], $0x80, s14, s18, $0xb8;
	[tilespmem:$0x1F480] =	vst v63  }
0x38f: {  	v1 =	vld [tilespmem:$0x1C80];
	_ =	sdelay $0x7  }
0x390: {  	[tilespmem:v1+s11+$0x0] =	vst.idx.add.f32.msk $0xffff, v0  }
0x391: {  	v1 =	vld [tilespmem:$0x1C90];
	_ =	sdelay $0x7  }
0x392: {  	[tilespmem:v1+s11+$0x0] =	vst.idx.add.f32.msk $0xffff, v0  }
0x393: {  	v1 =	vld [tilespmem:$0x1CA0];
	_ =	sdelay $0x7  }
0x394: {  	[tilespmem:v1+s11+$0x0] =	vst.idx.add.f32.msk $0xffff, v0  }
0x395: {  	v1 =	vld [tilespmem:$0x1CB0];
	_ =	sdelay $0x7  }
0x396: {  	[tilespmem:v1+s11+$0x0] =	vst.idx.add.f32.msk $0xffff, v0  }
0x397: {  	v1 =	vld [tilespmem:$0x1CC0];
	_ =	sdelay $0x7  }
0x398: {  	[tilespmem:v1+s11+$0x0] =	vst.idx.add.f32.msk $0xffff, v0  }
0x399: {  	_ =	swait.ge [sflag:s22], $0x2800  }
0x39a: {  	s25 =	sld [smem:$0x7F7]  }
0x39b: {  	[sflag:s22] =	ssyncset.done $0x0  }
0x39c: {  	[sflag:s22] =	ssyncadd.s32 $0xFFFFD800  }
0x39d: {  	[tilespmem:s19], [sflag:$0x1] =	stream.indirect.gather [hbm4b:s5+s18], $0x80, s25, s18, $0xb8;
	[tilespmem:$0x1F480] =	vst v63  }
0x39e: {  	_ =	swait.ge [sflag:s23], $0x2800  }
0x39f: {  	s14 =	sld [smem:$0x7F8]  }
0x3a0: {  	[sflag:s23] =	ssyncset.done $0x0  }
0x3a1: {  	[sflag:s23] =	ssyncadd.s32 $0xFFFFD800  }
0x3a2: {  	[spmem:s2] =	stream.indirect.scatter.add.f32 [tilespmem:s20], [sflag:$0x4], $0x80, s14, s18, $0xb8;
	[tilespmem:$0x1F480] =	vst v63  }
0x3a3: {  	v1 =	vld [tilespmem:$0x1CD0];
	_ =	sdelay $0x7  }
0x3a4: {  	[tilespmem:v1+s11+$0x0] =	vst.idx.add.f32.msk $0xffff, v0  }
0x3a5: {  	v1 =	vld [tilespmem:$0x1CE0];
	_ =	sdelay $0x7  }
0x3a6: {  	[tilespmem:v1+s11+$0x0] =	vst.idx.add.f32.msk $0xffff, v0  }
0x3a7: {  	v1 =	vld [tilespmem:$0x1CF0];
	_ =	sdelay $0x7  }
0x3a8: {  	[tilespmem:v1+s11+$0x0] =	vst.idx.add.f32.msk $0xffff, v0  }
0x3a9: {  	v1 =	vld [tilespmem:$0x1D00];
	_ =	sdelay $0x7  }
0x3aa: {  	[tilespmem:v1+s11+$0x0] =	vst.idx.add.f32.msk $0xffff, v0  }
0x3ab: {  	v1 =	vld [tilespmem:$0x1D10];
	_ =	sdelay $0x7  }
0x3ac: {  	[tilespmem:v1+s11+$0x0] =	vst.idx.add.f32.msk $0xffff, v0  }
0x3ad: {  	_ =	swait.ge [sflag:s24], $0x2800  }
0x3ae: {  	s25 =	sld [smem:$0x7F9]  }
0x3af: {  	[sflag:s24] =	ssyncset.done $0x0  }
0x3b0: {  	[sflag:s24] =	ssyncadd.s32 $0xFFFFD800  }
0x3b1: {  	[tilespmem:s20], [sflag:$0x2] =	stream.indirect.gather [hbm4b:s5+s18], $0x80, s25, s18, $0xb8;
	[tilespmem:$0x1F480] =	vst v63  }
0x3b2: {  	_ =	swait.ge [sflag:s21], $0x2800  }
0x3b3: {  	[sflag:s21] =	ssyncset.done $0x0  }
0x3b4: {  	[sflag:s21] =	ssyncadd.s32 $0xFFFFD800  }
0x3b5: {  	[spmem:s2] =	stream.indirect.scatter.add.f32 [tilespmem:s19], [sflag:$0x3], $0x80, s13, s18, $0xb8;
	[tilespmem:$0x1F480] =	vst v63  }
0x3b6: {  	v1 =	vld [tilespmem:$0x1D20];
	_ =	sdelay $0x7  }
0x3b7: {  	[tilespmem:v1+s11+$0x0] =	vst.idx.add.f32.msk $0xffff, v0  }
0x3b8: {  	v1 =	vld [tilespmem:$0x1D30];
	_ =	sdelay $0x7  }
0x3b9: {  	[tilespmem:v1+s11+$0x0] =	vst.idx.add.f32.msk $0xffff, v0  }
0x3ba: {  	v1 =	vld [tilespmem:$0x1D40];
	_ =	sdelay $0x7  }
0x3bb: {  	[tilespmem:v1+s11+$0x0] =	vst.idx.add.f32.msk $0xffff, v0  }
0x3bc: {  	v1 =	vld [tilespmem:$0x1D50];
	_ =	sdelay $0x7  }
0x3bd: {  	[tilespmem:v1+s11+$0x0] =	vst.idx.add.f32.msk $0xffff, v0  }
0x3be: {  	v1 =	vld [tilespmem:$0x1D60];
	_ =	sdelay $0x7  }
0x3bf: {  	[tilespmem:v1+s11+$0x0] =	vst.idx.add.f32.msk $0xffff, v0  }
0x3c0: {  	_ =	swait.ge [sflag:s22], $0x2800  }
0x3c1: {  	[sflag:s22] =	ssyncset.done $0x0  }
0x3c2: {  	[sflag:s22] =	ssyncadd.s32 $0xFFFFD800  }
0x3c3: {  	[tilespmem:s19], [sflag:$0x1] =	stream.indirect.gather [hbm4b:s5+s18], $0x80, s26, s18, $0xb8;
	[tilespmem:$0x1F480] =	vst v63  }
0x3c4: {  	_ =	swait.ge [sflag:s23], $0x2800  }
0x3c5: {  	[sflag:s23] =	ssyncset.done $0x0  }
0x3c6: {  	[sflag:s23] =	ssyncadd.s32 $0xFFFFD800  }
0x3c7: {  	[spmem:s2] =	stream.indirect.scatter.add.f32 [tilespmem:s20], [sflag:$0x4], $0x80, s28, s18, $0xb8;
	[tilespmem:$0x1F480] =	vst v63  }
0x3c8: {  	v1 =	vld [tilespmem:$0x1D70];
	_ =	sdelay $0x7  }
0x3c9: {  	[tilespmem:v1+s11+$0x0] =	vst.idx.add.f32.msk $0xffff, v0  }
0x3ca: {  	v1 =	vld [tilespmem:$0x1D80];
	_ =	sdelay $0x7  }
0x3cb: {  	[tilespmem:v1+s11+$0x0] =	vst.idx.add.f32.msk $0xffff, v0  }
0x3cc: {  	v1 =	vld [tilespmem:$0x1D90];
	_ =	sdelay $0x7  }
0x3cd: {  	[tilespmem:v1+s11+$0x0] =	vst.idx.add.f32.msk $0xffff, v0  }
0x3ce: {  	v1 =	vld [tilespmem:$0x1DA0];
	_ =	sdelay $0x7  }
0x3cf: {  	[tilespmem:v1+s11+$0x0] =	vst.idx.add.f32.msk $0xffff, v0  }
0x3d0: {  	v1 =	vld [tilespmem:$0x1DB0];
	_ =	sdelay $0x7  }
0x3d1: {  	[tilespmem:v1+s11+$0x0] =	vst.idx.add.f32.msk $0xffff, v0  }
0x3d2: {  	_ =	swait.ge [sflag:s24], $0x2800  }
0x3d3: {  	[sflag:s24] =	ssyncset.done $0x0  }
0x3d4: {  	[sflag:s24] =	ssyncadd.s32 $0xFFFFD800  }
0x3d5: {  	[tilespmem:s20], [sflag:$0x2] =	stream.indirect.gather [hbm4b:s5+s18], $0x80, s29, s18, $0xb8;
	[tilespmem:$0x1F480] =	vst v63  }
0x3d6: {  	_ =	swait.ge [sflag:s21], $0x2800  }
0x3d7: {  	[sflag:s21] =	ssyncset.done $0x0  }
0x3d8: {  	[sflag:s21] =	ssyncadd.s32 $0xFFFFD800  }
0x3d9: {  	[spmem:s2] =	stream.indirect.scatter.add.f32 [tilespmem:s19], [sflag:$0x3], $0x80, s30, s18, $0xb8;
	[tilespmem:$0x1F480] =	vst v63  }
0x3da: {  	v1 =	vld [tilespmem:$0x1DC0];
	_ =	sdelay $0x7  }
0x3db: {  	[tilespmem:v1+s11+$0x0] =	vst.idx.add.f32.msk $0xffff, v0  }
0x3dc: {  	v1 =	vld [tilespmem:$0x1DD0];
	_ =	sdelay $0x7  }
0x3dd: {  	[tilespmem:v1+s11+$0x0] =	vst.idx.add.f32.msk $0xffff, v0  }
0x3de: {  	v1 =	vld [tilespmem:$0x1DE0];
	_ =	sdelay $0x7  }
0x3df: {  	[tilespmem:v1+s11+$0x0] =	vst.idx.add.f32.msk $0xffff, v0  }
0x3e0: {  	v1 =	vld [tilespmem:$0x1DF0];
	_ =	sdelay $0x7  }
0x3e1: {  	[tilespmem:v1+s11+$0x0] =	vst.idx.add.f32.msk $0xffff, v0  }
0x3e2: {  	v1 =	vld [tilespmem:$0x1E00];
	_ =	sdelay $0x7  }
0x3e3: {  	[tilespmem:v1+s11+$0x0] =	vst.idx.add.f32.msk $0xffff, v0  }
0x3e4: {  	_ =	swait.ge [sflag:s22], $0x2800  }
0x3e5: {  	[sflag:s22] =	ssyncset.done $0x0  }
0x3e6: {  	[sflag:s22] =	ssyncadd.s32 $0xFFFFD800  }
0x3e7: {  	[tilespmem:s19], [sflag:$0x1] =	stream.indirect.gather [hbm4b:s5+s18], $0x80, s31, s18, $0xb8;
	[tilespmem:$0x1F480] =	vst v63  }
0x3e8: {  	_ =	swait.ge [sflag:s23], $0x2800  }
0x3e9: {  	[sflag:s23] =	ssyncset.done $0x0  }
0x3ea: {  	[sflag:s23] =	ssyncadd.s32 $0xFFFFD800  }
0x3eb: {  	[spmem:s2] =	stream.indirect.scatter.add.f32 [tilespmem:s20], [sflag:$0x4], $0x80, s1, s18, $0xb8;
	[tilespmem:$0x1F480] =	vst v63  }
0x3ec: {  	v1 =	vld [tilespmem:$0x1E10];
	_ =	sdelay $0x7  }
0x3ed: {  	[tilespmem:v1+s11+$0x0] =	vst.idx.add.f32.msk $0xffff, v0  }
0x3ee: {  	v1 =	vld [tilespmem:$0x1E20];
	_ =	sdelay $0x7  }
0x3ef: {  	[tilespmem:v1+s11+$0x0] =	vst.idx.add.f32.msk $0xffff, v0  }
0x3f0: {  	v1 =	vld [tilespmem:$0x1E30];
	_ =	sdelay $0x7  }
0x3f1: {  	[tilespmem:v1+s11+$0x0] =	vst.idx.add.f32.msk $0xffff, v0  }
0x3f2: {  	v1 =	vld [tilespmem:$0x1E40];
	_ =	sdelay $0x7  }
0x3f3: {  	[tilespmem:v1+s11+$0x0] =	vst.idx.add.f32.msk $0xffff, v0  }
0x3f4: {  	v1 =	vld [tilespmem:$0x1E50];
	_ =	sdelay $0x7  }
0x3f5: {  	[tilespmem:v1+s11+$0x0] =	vst.idx.add.f32.msk $0xffff, v0  }
0x3f6: {  	_ =	swait.ge [sflag:s24], $0x2800  }
0x3f7: {  	[sflag:s24] =	ssyncset.done $0x0  }
0x3f8: {  	[sflag:s24] =	ssyncadd.s32 $0xFFFFD800  }
0x3f9: {  	[tilespmem:s20], [sflag:$0x2] =	stream.indirect.gather [hbm4b:s5+s18], $0x80, s0, s18, $0xb8;
	[tilespmem:$0x1F480] =	vst v63  }
0x3fa: {  	_ =	swait.ge [sflag:s21], $0x2800  }
0x3fb: {  	[sflag:s21] =	ssyncset.done $0x0  }
0x3fc: {  	[sflag:s21] =	ssyncadd.s32 $0xFFFFD800  }
0x3fd: {  	[spmem:s2] =	stream.indirect.scatter.add.f32 [tilespmem:s19], [sflag:$0x3], $0x80, s3, s18, $0xb8;
	[tilespmem:$0x1F480] =	vst v63  }
0x3fe: {  	v1 =	vld [tilespmem:$0x1E60];
	_ =	sdelay $0x7  }
0x3ff: {  	[tilespmem:v1+s11+$0x0] =	vst.idx.add.f32.msk $0xffff, v0  }
0x400: {  	v1 =	vld [tilespmem:$0x1E70];
	_ =	sdelay $0x7  }
0x401: {  	[tilespmem:v1+s11+$0x0] =	vst.idx.add.f32.msk $0xffff, v0  }
0x402: {  	v1 =	vld [tilespmem:$0x1E80];
	_ =	sdelay $0x7  }
0x403: {  	[tilespmem:v1+s11+$0x0] =	vst.idx.add.f32.msk $0xffff, v0  }
0x404: {  	v1 =	vld [tilespmem:$0x1E90];
	_ =	sdelay $0x7  }
0x405: {  	[tilespmem:v1+s11+$0x0] =	vst.idx.add.f32.msk $0xffff, v0  }
0x406: {  	v1 =	vld [tilespmem:$0x1EA0];
	_ =	sdelay $0x7  }
0x407: {  	[tilespmem:v1+s11+$0x0] =	vst.idx.add.f32.msk $0xffff, v0  }
0x408: {  	_ =	swait.ge [sflag:s22], $0x2800  }
0x409: {  	[sflag:s22] =	ssyncset.done $0x0  }
0x40a: {  	[sflag:s22] =	ssyncadd.s32 $0xFFFFD800  }
0x40b: {  	[tilespmem:s19], [sflag:$0x1] =	stream.indirect.gather [hbm4b:s5+s18], $0x80, s7, s18, $0xb8;
	[tilespmem:$0x1F480] =	vst v63  }
0x40c: {  	_ =	swait.ge [sflag:s23], $0x2800  }
0x40d: {  	[sflag:s23] =	ssyncset.done $0x0  }
0x40e: {  	[sflag:s23] =	ssyncadd.s32 $0xFFFFD800  }
0x40f: {  	[spmem:s2] =	stream.indirect.scatter.add.f32 [tilespmem:s20], [sflag:$0x4], $0x80, s8, s18, $0xb8;
	[tilespmem:$0x1F480] =	vst v63  }
0x410: {  	v1 =	vld [tilespmem:$0x1EB0];
	_ =	sdelay $0x7  }
0x411: {  	[tilespmem:v1+s11+$0x0] =	vst.idx.add.f32.msk $0xffff, v0  }
0x412: {  	v1 =	vld [tilespmem:$0x1EC0];
	_ =	sdelay $0x7  }
0x413: {  	[tilespmem:v1+s11+$0x0] =	vst.idx.add.f32.msk $0xffff, v0  }
0x414: {  	v1 =	vld [tilespmem:$0x1ED0];
	_ =	sdelay $0x7  }
0x415: {  	[tilespmem:v1+s11+$0x0] =	vst.idx.add.f32.msk $0xffff, v0  }
0x416: {  	v1 =	vld [tilespmem:$0x1EE0];
	_ =	sdelay $0x7  }
0x417: {  	[tilespmem:v1+s11+$0x0] =	vst.idx.add.f32.msk $0xffff, v0  }
0x418: {  	v1 =	vld [tilespmem:$0x1EF0];
	_ =	sdelay $0x7  }
0x419: {  	[tilespmem:v1+s11+$0x0] =	vst.idx.add.f32.msk $0xffff, v0  }
0x41a: {  	_ =	swait.ge [sflag:s24], $0x2800  }
0x41b: {  	[sflag:s24] =	ssyncset.done $0x0  }
0x41c: {  	[sflag:s24] =	ssyncadd.s32 $0xFFFFD800  }
0x41d: {  	[tilespmem:s20], [sflag:$0x2] =	stream.indirect.gather [hbm4b:s5+s18], $0x80, s9, s18, $0xb8;
	[tilespmem:$0x1F480] =	vst v63  }
0x41e: {  	_ =	swait.ge [sflag:s21], $0x2800  }
0x41f: {  	[sflag:s21] =	ssyncset.done $0x0  }
0x420: {  	[sflag:s21] =	ssyncadd.s32 $0xFFFFD800  }
0x421: {  	[spmem:s2] =	stream.indirect.scatter.add.f32 [tilespmem:s19], [sflag:$0x3], $0x80, s10, s18, $0xb8;
	[tilespmem:$0x1F480] =	vst v63  }
0x422: {  	v1 =	vld [tilespmem:$0x1F00];
	_ =	sdelay $0x7  }
0x423: {  	[tilespmem:v1+s11+$0x0] =	vst.idx.add.f32.msk $0xffff, v0  }
0x424: {  	v1 =	vld [tilespmem:$0x1F10];
	_ =	sdelay $0x7  }
0x425: {  	[tilespmem:v1+s11+$0x0] =	vst.idx.add.f32.msk $0xffff, v0  }
0x426: {  	v1 =	vld [tilespmem:$0x1F20];
	_ =	sdelay $0x7  }
0x427: {  	[tilespmem:v1+s11+$0x0] =	vst.idx.add.f32.msk $0xffff, v0  }
0x428: {  	v1 =	vld [tilespmem:$0x1F30];
	_ =	sdelay $0x7  }
0x429: {  	[tilespmem:v1+s11+$0x0] =	vst.idx.add.f32.msk $0xffff, v0  }
0x42a: {  	v1 =	vld [tilespmem:$0x1F40];
	_ =	sdelay $0x7  }
0x42b: {  	[tilespmem:v1+s11+$0x0] =	vst.idx.add.f32.msk $0xffff, v0  }
0x42c: {  	_ =	swait.ge [sflag:s23], $0x2800  }
0x42d: {  	[sflag:s23] =	ssyncset.done $0x0  }
0x42e: {  	[sflag:s23] =	ssyncadd.s32 $0xFFFFD800  }
0x42f: {  	[spmem:s2] =	stream.indirect.scatter.add.f32 [tilespmem:s20], [sflag:$0x4], $0x80, s15, s18, $0xb8;
	[tilespmem:$0x1F480] =	vst v63  }
0x430: {  	v1 =	vld [tilespmem:$0x1F50];
	_ =	sdelay $0x7  }
0x431: {  	[tilespmem:v1+s11+$0x0] =	vst.idx.add.f32.msk $0xffff, v0  }
0x432: {  	v1 =	vld [tilespmem:$0x1F60];
	_ =	sdelay $0x7  }
0x433: {  	[tilespmem:v1+s11+$0x0] =	vst.idx.add.f32.msk $0xffff, v0  }
0x434: {  	v1 =	vld [tilespmem:$0x1F70];
	_ =	sdelay $0x7  }
0x435: {  	[tilespmem:v1+s11+$0x0] =	vst.idx.add.f32.msk $0xffff, v0  }
0x436: {  	v1 =	vld [tilespmem:$0x1F80];
	_ =	sdelay $0x7  }
0x437: {  	[tilespmem:v1+s11+$0x0] =	vst.idx.add.f32.msk $0xffff, v0  }
0x438: {  	v1 =	vld [tilespmem:$0x1F90];
	_ =	sdelay $0x7  }
0x439: {  	[tilespmem:v1+s11+$0x0] =	vst.idx.add.f32.msk $0xffff, v0  }
0x43a: {  	p0 =	sne.s32 s16, $0x7D0;
	_ =	swait.ge [sflag:s22], $0x2800  }
.Ltmp0:
0x43b: {  	[sflag:s22] =	ssyncset.done $0x0;
	(pc) =	sbr.rel @p0 .LBB2_2-.Ltmp0, $4  }
0x43c: {  	[sflag:s22] =	ssyncadd.s32 $0xFFFFD800  }
0x43d: {  	_ =	swait.ge [sflag:s24], $0x2800  }
0x43e: {  	[sflag:s24] =	ssyncset.done $0x0  }
0x43f: {  	s16 =	sadd.s32 $0x1F4, s16;
	[sflag:s24] =	ssyncadd.s32 $0xFFFFD800  }
0x440: {  	s6 =	rddreg [dreg:$0x3];
	s13 =	simm.s32 $0xB000;
	s14 =	simm.s32 $0x80  }
0x441: {  	[spmem:s6] =	stream.indirect.scatter.add.f32 [tilespmem:s11], [sflag:$0x5], $0x80, s13, s14, $0xb8;
	[tilespmem:$0x1F480] =	vst v63  }
0x442: {  	_ =	swait.ge [sflag:s12], $0x4000  }
0x443: {  	[sflag:s12] =	ssyncset.done $0x0  }
0x444: {  	[sflag:s12] =	ssyncadd.s32 $0xFFFFC000  }
0x445: {  	[bflag:$0x0] =	sbarrier.arrive $0xFFFF  }
0x446: {  	s16 =	sld [smem:$0x7E3]  }
0x447: {  	s14 =	sld [smem:$0x7FC]  }
0x448: {  	s25 =	sld [smem:$0x7FD];
	_ =	sdelay $0x2  }
0x449: {  	[hbm:s16], [sflag:s14] =	dma.local [spmem:s25], $0x2800  }
0x44a: {  	_ =	swait.ge [sflag:s12], $0x2800  }
0x44b: {  	s26 =	sld [smem:$0x7E7]  }
0x44c: {  	s16 =	sld [smem:$0x7FB]  }
0x44d: {  	[sflag:s12] =	ssyncset.done $0x0  }
0x44e: {  	[sflag:s12] =	ssyncadd.s32 $0xFFFFD800  }
0x44f: {  	[hbm:s26], [sflag:s14] =	dma.local [spmem:s16], $0x80  }
0x450: {  	_ =	swait.ge [sflag:s12], $0x80  }
0x451: {  	s26 =	sld [smem:$0x7FA]  }
0x452: {  	s6 =	sld [smem:$0x7E9];
	_ =	sdelay $0x1  }
0x453: {  	s26 =	sadd.s32 $0x1, s26  }
0x454: {  	p0 =	sne.s32 s26, s6  }
.Ltmp1:
0x455: {  	_ = 	snop;
	(pc) =	sbr.rel @p0 .LBB2_1-.Ltmp1, $3  }
0x456: {  	_ =	sdelay $0x1  }
0x457: {  	[sflag:s12] =	ssyncset.done $0x0  }
0x458: {  	[sflag:s12] =	ssyncadd.s32 $0xFFFFFF80;
	[smem:$0x7FA] =	sst s26;
	s26 =	simm.s32 $0xDC0  }
0x459: {  	_ =	sfence.sel $0x180000  }
0x45a: {  	[bflag:$0x0] =	sbarrier.arrive $0xFFFF  }
0x45b: {  	_ =	strace $0x90000047  }
0x45c: {  	s0 =	stileid.u32;
	[bflag:$0x2] =	sbarrier.arrive $0xFFFF  }
0x45d: {  	p0 =	sne.s32 s0, $0x0;
	s0 =	rddreg [dreg:$0x4]  }
0x45e: {  	s0 =	sadd.s32 @!p0 $0x100000, s0  }
0x45f: {  	[sflag:s0] =	ssyncadd.tile.s32 @!p0 $0x1;
	_ =	shalt  }
.Lfunc_end2:
_tile_overlayer_lowered:
.L_overlay_start_2:
0x460: {  	(tag) =	ssettag $0x2  }
0x461: {  	s0 =	rddreg [dreg:$0x0];
	s2 =	stileid.u32  }
0x462: {  	s1 =	rddreg [dreg:$0x1];
	p0 =	sne.s32 s2, $0x0  }
0x463: {  	s3 =	rddreg [dreg:$0x2];
	[bflag:$0x3] =	sbarrier.arrive $0xFFFF;
	s2 =	simm.s32 @!p0 $0x1C05  }
0x464: {  	[timem:s3], [sflag:s2] =	dma.local @!p0 [hbm:s0], s1  }
0x465: {  	s0 =	simm.s32 @!p0 $0x5  }
0x466: {  	_ =	swait.ge @!p0 [sflag:s0], s1  }
0x467: {  	s1 =	ssub.s32 @!p0 $0x0, s1;
	[sflag:s0] =	ssyncset.done @!p0 $0x0  }
0x468: {  	[sflag:s0] =	ssyncadd.s32 @!p0 s1  }
0x469: {  	[bflag:$0x3] =	sbarrier.arrive $0xFFFF  }
0x46a: {  	_ =	shalt  }

</sc_bundles>
